<compile_context>
chip_gen: v7x
topology: tpu7x:2x2x1
jax: 0.10.2.dev20260603
libtpu: 0.0.44.dev20260713+nightly
codegen_flags: <defaults>
</compile_context>

<pallas_src>
import functools

import jax
import jax.numpy as jnp
from jax import lax
from jax.experimental import pallas as pl
from jax.experimental.pallas import tpu as pltpu
from jax.experimental.pallas import tpu_sc as plsc

N = 10000
NPAD = 10240
H = 16
C = 40
E = 320000
NC, NS = 2, 16
NW = NC * NS
CHUNK = 128
NCHUNK = 80
EPT = NCHUNK * CHUNK
NBUF = 8
DEPTH = 4
RPT = NPAD // NS

_MESH = plsc.VectorSubcoreMesh(
    core_axis_name="c", subcore_axis_name="s", num_cores=NC, num_subcores=NS
)

_SC_PARAMS = pltpu.CompilerParams(
    use_tc_tiling_on_sc=False, needs_layout_passes=False
)

_IN_BOUNDS = lax.GatherScatterMode.PROMISE_IN_BOUNDS


def _rsqrt16(x):
    xh = x * 0.5
    i = plsc.bitcast(x, jnp.int32)
    i = jnp.int32(0x5F3759DF) - (i >> 1)
    y = plsc.bitcast(i, jnp.float32)
    for _ in range(3):
        y = y * (1.5 - xh * y * y)
    return y


def _lane_bcast(v, i):
    return jnp.take_along_axis(
        v, jnp.full((16,), i, jnp.int32), axis=0, mode=_IN_BOUNDS
    )


def _dis_group(d0, d1, g):
    r0 = pl.multiple_of(g * 16, 16)
    deg = d0[pl.ds(r0, 16)] + d1[pl.ds(r0, 16)] + 1.0
    return _rsqrt16(deg)


def _edge_ring(tab_sh, acc, sidx, didx, rows, gsem, ssem):

    def gather(c, b):
        pltpu.async_copy(tab_sh.at[sidx.at[c]], rows[b], gsem[b])

    def wait_gather(c, b):
        pltpu.make_async_copy(tab_sh.at[sidx.at[c]], rows[b], gsem[b]).wait()

    def scatter(c, b):
        pltpu.async_copy(rows[b], acc.at[didx.at[c]], ssem[b], add=True)

    def wait_scatter(c, b):
        pltpu.make_async_copy(rows[b], acc.at[didx.at[c]], ssem[b]).wait()

    for c in range(DEPTH):
        gather(c, c)
    for c in range(DEPTH):
        wait_gather(c, c)
        scatter(c, c)
        gather(c + DEPTH, c + DEPTH)

    @pl.loop(0, (NCHUNK - 2 * DEPTH) // NBUF)
    def _main(p):
        c0 = DEPTH + p * NBUF
        for j in range(NBUF):
            c = c0 + j
            b = (DEPTH + j) % NBUF
            b2 = (b + DEPTH) % NBUF
            wait_gather(c, b)
            scatter(c, b)
            wait_scatter(c + DEPTH - NBUF, b2)
            gather(c + DEPTH, b2)

    for j in range(DEPTH):
        c = NCHUNK - DEPTH + j
        wait_gather(c, c % NBUF)
        scatter(c, c % NBUF)
    for j in range(NBUF):
        c = NCHUNK - NBUF + j
        wait_scatter(c, c % NBUF)


@functools.partial(
    pl.kernel,
    out_type=jax.ShapeDtypeStruct((NC, NPAD), jnp.float32),
    mesh=_MESH,
    scratch_types=[
        pltpu.VMEM((NCHUNK, CHUNK), jnp.int32),
        pltpu.VMEM((CHUNK,), jnp.float32),
        pltpu.VMEM((RPT,), jnp.float32),
        pltpu.VMEM_SHARED((NPAD,), jnp.float32),
    ]
    + [pltpu.SemaphoreType.DMA] * NBUF,
    compiler_params=_SC_PARAMS,
)
def _deg_kernel(dst_hbm, out_hbm, didx, ones_v, z_v, acc, *ssem):
    cid = lax.axis_index("c")
    sid = lax.axis_index("s")
    wid = sid * NC + cid
    for g in range(CHUNK // 16):
        ones_v[pl.ds(g * 16, 16)] = jnp.ones((16,), jnp.float32)

    @pl.loop(0, RPT // 16, unroll=8)
    def _zero(i):
        z_v[pl.ds(pl.multiple_of(i * 16, 16), 16)] = jnp.zeros((16,), jnp.float32)

    pltpu.sync_copy(z_v, acc.at[pl.ds(sid * RPT, RPT)])
    pltpu.sync_copy(dst_hbm.at[wid], didx)
    plsc.subcore_barrier()

    def scat(c, b):
        pltpu.async_copy(ones_v, acc.at[didx.at[c]], ssem[b], add=True)

    def wait_scat(c, b):
        pltpu.make_async_copy(ones_v, acc.at[didx.at[c]], ssem[b]).wait()

    for c in range(NBUF):
        scat(c, c)

    @pl.loop(0, (NCHUNK - NBUF) // NBUF)
    def _scat(p):
        c0 = NBUF + p * NBUF
        for j in range(NBUF):
            wait_scat(c0 + j - NBUF, j)
            scat(c0 + j, j)

    for j in range(NBUF):
        wait_scat(NCHUNK - NBUF + j, j)

    plsc.subcore_barrier()
    pltpu.sync_copy(
        acc.at[pl.ds(sid * RPT, RPT)], out_hbm.at[cid, pl.ds(sid * RPT, RPT)]
    )


@functools.partial(
    pl.kernel,
    out_type=jax.ShapeDtypeStruct((NC, NPAD, H), jnp.float32),
    mesh=_MESH,
    scratch_types=(
        [
            pltpu.VMEM((NCHUNK, CHUNK), jnp.int32),
            pltpu.VMEM((NCHUNK, CHUNK), jnp.int32),
            pltpu.VMEM((RPT, H), jnp.float32),
            pltpu.VMEM((RPT, H), jnp.float32),
            pltpu.VMEM((RPT,), jnp.float32),
            pltpu.VMEM((RPT,), jnp.float32),
            pltpu.VMEM_SHARED((NPAD, H), jnp.float32),
            pltpu.VMEM_SHARED((NPAD, H), jnp.float32),
        ]
        + [pltpu.VMEM((CHUNK, H), jnp.float32)] * NBUF
        + [pltpu.SemaphoreType.DMA] * (2 * NBUF)
    ),
    compiler_params=_SC_PARAMS,
)
def _agg1_kernel(src_hbm, dst_hbm, h1_hbm, degp_hbm, out_hbm,
                 sidx, didx, hrows, z_v, d0, d1, acc, tab_sh, *rs):
    rows = rs[:NBUF]
    gsem = rs[NBUF:2 * NBUF]
    ssem = rs[2 * NBUF:]
    cid = lax.axis_index("c")
    sid = lax.axis_index("s")
    wid = sid * NC + cid
    my = pl.ds(sid * RPT, RPT)

    loads = [
        (h1_hbm.at[my], hrows),
        (degp_hbm.at[0, my], d0),
        (degp_hbm.at[1, my], d1),
        (src_hbm.at[wid], sidx),
        (dst_hbm.at[wid], didx),
    ]
    for k, (s, d) in enumerate(loads):
        pltpu.async_copy(s, d, gsem[k])
    for k in range(3):
        pltpu.make_async_copy(loads[k][0], loads[k][1], gsem[k]).wait()

    @pl.loop(0, RPT // 16)
    def _scale(g):
        dis = _dis_group(d0, d1, g)
        r0 = pl.multiple_of(g * 16, 16)
        for i in range(16):
            hrows[r0 + i, :] = hrows[r0 + i, :] * _lane_bcast(dis, i)

    pltpu.sync_copy(hrows, tab_sh.at[my])

    @pl.loop(0, RPT, unroll=8)
    def _zero(i):
        z_v[i, :] = jnp.zeros((16,), jnp.float32)

    pltpu.sync_copy(z_v, acc.at[my])
    for k in range(3, 5):
        pltpu.make_async_copy(loads[k][0], loads[k][1], gsem[k]).wait()
    plsc.subcore_barrier()

    _edge_ring(tab_sh, acc, sidx, didx, rows, gsem, ssem)

    plsc.subcore_barrier()
    pltpu.sync_copy(acc.at[my], out_hbm.at[cid, my])


@functools.partial(
    pl.kernel,
    out_type=[
        jax.ShapeDtypeStruct((NC, NPAD, H), jnp.float32),
        jax.ShapeDtypeStruct((NPAD, H), jnp.float32),
    ],
    mesh=_MESH,
    scratch_types=(
        [
            pltpu.VMEM((NCHUNK, CHUNK), jnp.int32),
            pltpu.VMEM((NCHUNK, CHUNK), jnp.int32),
            pltpu.VMEM((RPT, H), jnp.float32),
            pltpu.VMEM((RPT, H), jnp.float32),
            pltpu.VMEM((RPT, H), jnp.float32),
            pltpu.VMEM((RPT, H), jnp.float32),
            pltpu.VMEM((RPT,), jnp.float32),
            pltpu.VMEM((RPT,), jnp.float32),
            pltpu.VMEM((H,), jnp.float32),
            pltpu.VMEM_SHARED((NPAD, H), jnp.float32),
            pltpu.VMEM_SHARED((NPAD, H), jnp.float32),
        ]
        + [pltpu.VMEM((CHUNK, H), jnp.float32)] * NBUF
        + [pltpu.SemaphoreType.DMA] * (2 * NBUF)
    ),
    compiler_params=_SC_PARAMS,
)
def _agg2_kernel(src_hbm, dst_hbm, aggp1_hbm, h1_hbm, degp_hbm, b1_hbm,
                 out_hbm, z1_hbm,
                 sidx, didx, hrows, zrows, p0, p1, d0, d1, b1v, acc, tab_sh,
                 *rs):
    rows = rs[:NBUF]
    gsem = rs[NBUF:2 * NBUF]
    ssem = rs[2 * NBUF:]
    cid = lax.axis_index("c")
    sid = lax.axis_index("s")
    wid = sid * NC + cid
    my = pl.ds(sid * RPT, RPT)

    loads = [
        (h1_hbm.at[my], hrows),
        (aggp1_hbm.at[0, my], p0),
        (aggp1_hbm.at[1, my], p1),
        (degp_hbm.at[0, my], d0),
        (degp_hbm.at[1, my], d1),
        (b1_hbm, b1v),
        (src_hbm.at[wid], sidx),
        (dst_hbm.at[wid], didx),
    ]
    for k, (s, d) in enumerate(loads):
        pltpu.async_copy(s, d, gsem[k])
    for k in range(6):
        pltpu.make_async_copy(loads[k][0], loads[k][1], gsem[k]).wait()
    b1vec = b1v[...]

    @pl.loop(0, RPT // 16)
    def _epilogue(g):
        dis = _dis_group(d0, d1, g)
        r0 = pl.multiple_of(g * 16, 16)
        for i in range(16):
            disb = _lane_bcast(dis, i)
            pre = (
                disb * (p0[r0 + i, :] + p1[r0 + i, :])
                + (disb * disb) * hrows[r0 + i, :]
                + b1vec
            )
            z = jnp.maximum(pre, 0.0)
            zrows[r0 + i, :] = z
            hrows[r0 + i, :] = z * disb

    pltpu.sync_copy(hrows, tab_sh.at[my])

    @pl.when(cid == 0)
    def _():
        pltpu.sync_copy(zrows, z1_hbm.at[my])

    @pl.loop(0, RPT, unroll=8)
    def _zero(i):
        zrows[i, :] = jnp.zeros((16,), jnp.float32)

    pltpu.sync_copy(zrows, acc.at[my])
    for k in range(6, 8):
        pltpu.make_async_copy(loads[k][0], loads[k][1], gsem[k]).wait()
    plsc.subcore_barrier()

    _edge_ring(tab_sh, acc, sidx, didx, rows, gsem, ssem)

    plsc.subcore_barrier()
    pltpu.sync_copy(acc.at[my], out_hbm.at[cid, my])


def _tc_mm_body(x_ref, w1_ref, h_ref):
    h_ref[...] = jnp.dot(
        x_ref[...], w1_ref[...], preferred_element_type=jnp.float32
    )


def _tc_fin_body(aggp_ref, z_ref, degp_ref, w2_ref, b2_ref, out_ref):
    deg = degp_ref[0, :] + degp_ref[1, :] + 1.0
    dis = lax.rsqrt(deg)[:, None]
    pre = dis * (aggp_ref[0] + aggp_ref[1]) + (dis * dis) * z_ref[...]
    logits = (
        jnp.dot(pre, w2_ref[...], preferred_element_type=jnp.float32)
        + b2_ref[...][None, :]
    )
    m = jnp.max(logits, axis=1, keepdims=True)
    lse = jnp.log(jnp.sum(jnp.exp(logits - m), axis=1, keepdims=True)) + m
    out_ref[...] = logits - lse


_tc_mm = pl.pallas_call(
    _tc_mm_body,
    out_shape=jax.ShapeDtypeStruct((NPAD, H), jnp.float32),
)

_tc_fin = pl.pallas_call(
    _tc_fin_body,
    out_shape=jax.ShapeDtypeStruct((NPAD, C), jnp.float32),
)


@jax.jit
def kernel(x, edge_index, W1, b1, W2, b2):
    src = edge_index[0].astype(jnp.int32)
    dst = edge_index[1].astype(jnp.int32)
    pad = NW * EPT - E
    srcp = jnp.concatenate([src, jnp.full((pad,), N, jnp.int32)])
    dstp = jnp.concatenate([dst, jnp.full((pad,), N, jnp.int32)])
    srcp = srcp.reshape(NW, NCHUNK, CHUNK)
    dstp = dstp.reshape(NW, NCHUNK, CHUNK)
    xp = jnp.pad(x, ((0, NPAD - N), (0, 0)))

    degp = _deg_kernel(dstp)
    h1 = _tc_mm(xp, W1)
    aggp1 = _agg1_kernel(srcp, dstp, h1, degp)
    aggp2, z1 = _agg2_kernel(srcp, dstp, aggp1, h1, degp, b1)
    return _tc_fin(aggp2, z1, degp, W2, b2)[:N]

# --- scband reference (transcript-rebuilt; emitter-appended) ---
"""Pipeline reference for scband-gcn-29540785062187 (READ-ONLY COPY).

The authoritative reference and input builder live on the scoring server;
editing this copy changes nothing except your own understanding.
"""

import jax, jax.numpy as jnp
import numpy as np

NUM_NODES = 10000
NUM_FEATURES = 128
HIDDEN = 16
NUM_CLASSES = 40
NUM_EDGES = 320000


def gcn_conv(x, edge_index, W, b):
    num_nodes = x.shape[0]
    src = edge_index[0]
    dst = edge_index[1]
    # add self loops (PyG GCNConv default)
    loop = jnp.arange(num_nodes, dtype=edge_index.dtype)
    src = jnp.concatenate([src, loop])
    dst = jnp.concatenate([dst, loop])
    # symmetric normalization D^{-1/2} A_hat D^{-1/2}
    deg = jnp.zeros((num_nodes,), dtype=x.dtype).at[dst].add(1.0)
    deg_inv_sqrt = jnp.where(deg > 0, 1.0 / jnp.sqrt(deg), 0.0)
    norm = deg_inv_sqrt[src] * deg_inv_sqrt[dst]
    # linear transform then gather + weighted scatter-add
    h = x @ W
    msg = h[src] * norm[:, None]
    out = jnp.zeros((num_nodes, W.shape[1]), dtype=x.dtype).at[dst].add(msg)
    return out + b


def setup_inputs(seed: int = 0) -> dict:
    key = jax.random.key(seed)
    k_x, k_e, k_w1, k_b1, k_w2, k_b2 = jax.random.split(key, 6)
    x = jax.random.normal(k_x, (NUM_NODES, NUM_FEATURES), dtype=jnp.float32)
    edge_index = jax.random.randint(k_e, (2, NUM_EDGES), 0, NUM_NODES, dtype=jnp.int64)
    # glorot-style init for GCNConv weights
    W1 = jax.random.normal(k_w1, (NUM_FEATURES, HIDDEN), dtype=jnp.float32) * (1.0 / np.sqrt(NUM_FEATURES))
    b1 = jnp.zeros((HIDDEN,), dtype=jnp.float32)
    W2 = jax.random.normal(k_w2, (HIDDEN, NUM_CLASSES), dtype=jnp.float32) * (1.0 / np.sqrt(HIDDEN))
    b2 = jnp.zeros((NUM_CLASSES,), dtype=jnp.float32)
    return {"x": x, "edge_index": edge_index, "W1": W1, "b1": b1, "W2": W2, "b2": b2}


def reference(x, edge_index, W1, b1, W2, b2):
    h = gcn_conv(x, edge_index, W1, b1)
    h = jax.nn.relu(h)
    # dropout is identity in eval / deterministic reference
    h = gcn_conv(h, edge_index, W2, b2)
    return jax.nn.log_softmax(h, axis=1)

if __name__ == "__main__":
    import jax
    _d = setup_inputs()
    print(jax.jit(kernel)(*tuple(_d.values())))

</pallas_src>

<mosaic_0001>
#map = affine_map<(d0, d1) -> (0, 0, 0)>
#map1 = affine_map<(d0, d1) -> (0, 0)>
module attributes {stable_mosaic.version = 14 : i64} {
  func.func @_deg_kernel(%arg0: i32, %arg1: i32, %arg2: memref<32x80x128xi32, #tpu.memory_space<hbm>>, %arg3: memref<2x10240xf32, #tpu.memory_space<hbm>>, %arg4: memref<80x128xi32, #tpu.memory_space<vmem>>, %arg5: memref<128xf32, #tpu.memory_space<vmem>>, %arg6: memref<640xf32, #tpu.memory_space<vmem>>, %arg7: memref<10240xf32, #tpu.memory_space<vmem_shared>>, %arg8: memref<!tpu.dma_semaphore, #tpu.memory_space<semaphore_mem>>, %arg9: memref<!tpu.dma_semaphore, #tpu.memory_space<semaphore_mem>>, %arg10: memref<!tpu.dma_semaphore, #tpu.memory_space<semaphore_mem>>, %arg11: memref<!tpu.dma_semaphore, #tpu.memory_space<semaphore_mem>>, %arg12: memref<!tpu.dma_semaphore, #tpu.memory_space<semaphore_mem>>, %arg13: memref<!tpu.dma_semaphore, #tpu.memory_space<semaphore_mem>>, %arg14: memref<!tpu.dma_semaphore, #tpu.memory_space<semaphore_mem>>, %arg15: memref<!tpu.dma_semaphore, #tpu.memory_space<semaphore_mem>>) attributes {dimension_semantics = [#tpu.dimension_semantics<core_parallel>, #tpu.dimension_semantics<subcore_parallel>], iteration_bounds = array<i64: 2, 16>, scalar_prefetch = 0 : i64, scratch_operands = 12 : i64, tpu.core_type = #tpu.core_type<sc_vector_subcore>, window_params = [{transform_indices = #map}, {transform_indices = #map1}]} {
    %mul3A = arith.constant 2 : i32
    %mul3A_0 = arith.muli %arg1, %mul3A : i32
    %add3A = arith.addi %mul3A_0, %arg0 : i32
    %broadcast_in_dim3A = arith.constant 1.000000e+00 : f32
    %broadcast_in_dim3A_1 = vector.broadcast %broadcast_in_dim3A : f32 to vector<16xf32>
    %swap3A = arith.constant 0 : index
    %swap3A_2 = tpu.vector_load %arg5[%swap3A] {strides = array<i32>} : memref<128xf32, #tpu.memory_space<vmem>>, vector<16xf32>,
    tpu.vector_store %arg5[%swap3A], %broadcast_in_dim3A_1 {strides = array<i32>} : memref<128xf32, #tpu.memory_space<vmem>>, vector<16xf32>,
    %broadcast_in_dim3A_3 = arith.constant 1.000000e+00 : f32
    %broadcast_in_dim3A_4 = vector.broadcast %broadcast_in_dim3A_3 : f32 to vector<16xf32>
    %swap3A_5 = arith.constant 16 : index
    %swap3A_6 = tpu.vector_load %arg5[%swap3A_5] {strides = array<i32>} : memref<128xf32, #tpu.memory_space<vmem>>, vector<16xf32>,
    tpu.vector_store %arg5[%swap3A_5], %broadcast_in_dim3A_4 {strides = array<i32>} : memref<128xf32, #tpu.memory_space<vmem>>, vector<16xf32>,
    %broadcast_in_dim3A_7 = arith.constant 1.000000e+00 : f32
    %broadcast_in_dim3A_8 = vector.broadcast %broadcast_in_dim3A_7 : f32 to vector<16xf32>
    %swap3A_9 = arith.constant 32 : index
    %swap3A_10 = tpu.vector_load %arg5[%swap3A_9] {strides = array<i32>} : memref<128xf32, #tpu.memory_space<vmem>>, vector<16xf32>,
    tpu.vector_store %arg5[%swap3A_9], %broadcast_in_dim3A_8 {strides = array<i32>} : memref<128xf32, #tpu.memory_space<vmem>>, vector<16xf32>,
    %broadcast_in_dim3A_11 = arith.constant 1.000000e+00 : f32
    %broadcast_in_dim3A_12 = vector.broadcast %broadcast_in_dim3A_11 : f32 to vector<16xf32>
    %swap3A_13 = arith.constant 48 : index
    %swap3A_14 = tpu.vector_load %arg5[%swap3A_13] {strides = array<i32>} : memref<128xf32, #tpu.memory_space<vmem>>, vector<16xf32>,
    tpu.vector_store %arg5[%swap3A_13], %broadcast_in_dim3A_12 {strides = array<i32>} : memref<128xf32, #tpu.memory_space<vmem>>, vector<16xf32>,
    %broadcast_in_dim3A_15 = arith.constant 1.000000e+00 : f32
    %broadcast_in_dim3A_16 = vector.broadcast %broadcast_in_dim3A_15 : f32 to vector<16xf32>
    %swap3A_17 = arith.constant 64 : index
    %swap3A_18 = tpu.vector_load %arg5[%swap3A_17] {strides = array<i32>} : memref<128xf32, #tpu.memory_space<vmem>>, vector<16xf32>,
    tpu.vector_store %arg5[%swap3A_17], %broadcast_in_dim3A_16 {strides = array<i32>} : memref<128xf32, #tpu.memory_space<vmem>>, vector<16xf32>,
    %broadcast_in_dim3A_19 = arith.constant 1.000000e+00 : f32
    %broadcast_in_dim3A_20 = vector.broadcast %broadcast_in_dim3A_19 : f32 to vector<16xf32>
    %swap3A_21 = arith.constant 80 : index
    %swap3A_22 = tpu.vector_load %arg5[%swap3A_21] {strides = array<i32>} : memref<128xf32, #tpu.memory_space<vmem>>, vector<16xf32>,
    tpu.vector_store %arg5[%swap3A_21], %broadcast_in_dim3A_20 {strides = array<i32>} : memref<128xf32, #tpu.memory_space<vmem>>, vector<16xf32>,
    %broadcast_in_dim3A_23 = arith.constant 1.000000e+00 : f32
    %broadcast_in_dim3A_24 = vector.broadcast %broadcast_in_dim3A_23 : f32 to vector<16xf32>
    %swap3A_25 = arith.constant 96 : index
    %swap3A_26 = tpu.vector_load %arg5[%swap3A_25] {strides = array<i32>} : memref<128xf32, #tpu.memory_space<vmem>>, vector<16xf32>,
    tpu.vector_store %arg5[%swap3A_25], %broadcast_in_dim3A_24 {strides = array<i32>} : memref<128xf32, #tpu.memory_space<vmem>>, vector<16xf32>,
    %broadcast_in_dim3A_27 = arith.constant 1.000000e+00 : f32
    %broadcast_in_dim3A_28 = vector.broadcast %broadcast_in_dim3A_27 : f32 to vector<16xf32>
    %swap3A_29 = arith.constant 112 : index
    %swap3A_30 = tpu.vector_load %arg5[%swap3A_29] {strides = array<i32>} : memref<128xf32, #tpu.memory_space<vmem>>, vector<16xf32>,
    tpu.vector_store %arg5[%swap3A_29], %broadcast_in_dim3A_28 {strides = array<i32>} : memref<128xf32, #tpu.memory_space<vmem>>, vector<16xf32>,
    %scan3A = arith.constant 0 : i32
    %scan3A_31 = arith.constant 40 : i32
    %scan3A_32 = arith.addi %scan3A, %scan3A_31 : i32
    %scan3A_33 = arith.constant 8 : i32
    scf.for %scan3A_141 = %scan3A to %scan3A_32 step %scan3A_33  : i32 {
      %mul3A_142 = arith.constant 1 : i32
      %mul3A_143 = arith.muli %scan3A_141, %mul3A_142 : i32
      %add3A_144 = arith.constant 0 : i32
      %add3A_145 = arith.addi %add3A_144, %mul3A_143 : i32
      %broadcast_in_dim3A_146 = arith.constant 0.000000e+00 : f32
      %broadcast_in_dim3A_147 = vector.broadcast %broadcast_in_dim3A_146 : f32 to vector<16xf32>
      %mul3A_148 = arith.constant 16 : i32
      %mul3A_149 = arith.muli %add3A_145, %mul3A_148 : i32
      %multiple_of3A = tpu.assume_multiple %mul3A_149, 16 : i32
      %swap3A_150 = arith.index_cast %multiple_of3A : i32 to index
      %swap3A_151 = tpu.vector_load %arg6[%swap3A_150] {strides = array<i32>} : memref<640xf32, #tpu.memory_space<vmem>>, vector<16xf32>,
      tpu.vector_store %arg6[%swap3A_150], %broadcast_in_dim3A_147 {strides = array<i32>} : memref<640xf32, #tpu.memory_space<vmem>>, vector<16xf32>,
      %scan3A_152 = arith.constant 1 : i32
      %scan3A_153 = arith.addi %scan3A_141, %scan3A_152 : i32
      %mul3A_154 = arith.constant 1 : i32
      %mul3A_155 = arith.muli %scan3A_153, %mul3A_154 : i32
      %add3A_156 = arith.constant 0 : i32
      %add3A_157 = arith.addi %add3A_156, %mul3A_155 : i32
      %broadcast_in_dim3A_158 = arith.constant 0.000000e+00 : f32
      %broadcast_in_dim3A_159 = vector.broadcast %broadcast_in_dim3A_158 : f32 to vector<16xf32>
      %mul3A_160 = arith.constant 16 : i32
      %mul3A_161 = arith.muli %add3A_157, %mul3A_160 : i32
      %multiple_of3A_162 = tpu.assume_multiple %mul3A_161, 16 : i32
      %swap3A_163 = arith.index_cast %multiple_of3A_162 : i32 to index
      %swap3A_164 = tpu.vector_load %arg6[%swap3A_163] {strides = array<i32>} : memref<640xf32, #tpu.memory_space<vmem>>, vector<16xf32>,
      tpu.vector_store %arg6[%swap3A_163], %broadcast_in_dim3A_159 {strides = array<i32>} : memref<640xf32, #tpu.memory_space<vmem>>, vector<16xf32>,
      %scan3A_165 = arith.constant 2 : i32
      %scan3A_166 = arith.addi %scan3A_141, %scan3A_165 : i32
      %mul3A_167 = arith.constant 1 : i32
      %mul3A_168 = arith.muli %scan3A_166, %mul3A_167 : i32
      %add3A_169 = arith.constant 0 : i32
      %add3A_170 = arith.addi %add3A_169, %mul3A_168 : i32
      %broadcast_in_dim3A_171 = arith.constant 0.000000e+00 : f32
      %broadcast_in_dim3A_172 = vector.broadcast %broadcast_in_dim3A_171 : f32 to vector<16xf32>
      %mul3A_173 = arith.constant 16 : i32
      %mul3A_174 = arith.muli %add3A_170, %mul3A_173 : i32
      %multiple_of3A_175 = tpu.assume_multiple %mul3A_174, 16 : i32
      %swap3A_176 = arith.index_cast %multiple_of3A_175 : i32 to index
      %swap3A_177 = tpu.vector_load %arg6[%swap3A_176] {strides = array<i32>} : memref<640xf32, #tpu.memory_space<vmem>>, vector<16xf32>,
      tpu.vector_store %arg6[%swap3A_176], %broadcast_in_dim3A_172 {strides = array<i32>} : memref<640xf32, #tpu.memory_space<vmem>>, vector<16xf32>,
      %scan3A_178 = arith.constant 3 : i32
      %scan3A_179 = arith.addi %scan3A_141, %scan3A_178 : i32
      %mul3A_180 = arith.constant 1 : i32
      %mul3A_181 = arith.muli %scan3A_179, %mul3A_180 : i32
      %add3A_182 = arith.constant 0 : i32
      %add3A_183 = arith.addi %add3A_182, %mul3A_181 : i32
      %broadcast_in_dim3A_184 = arith.constant 0.000000e+00 : f32
      %broadcast_in_dim3A_185 = vector.broadcast %broadcast_in_dim3A_184 : f32 to vector<16xf32>
      %mul3A_186 = arith.constant 16 : i32
      %mul3A_187 = arith.muli %add3A_183, %mul3A_186 : i32
      %multiple_of3A_188 = tpu.assume_multiple %mul3A_187, 16 : i32
      %swap3A_189 = arith.index_cast %multiple_of3A_188 : i32 to index
      %swap3A_190 = tpu.vector_load %arg6[%swap3A_189] {strides = array<i32>} : memref<640xf32, #tpu.memory_space<vmem>>, vector<16xf32>,
      tpu.vector_store %arg6[%swap3A_189], %broadcast_in_dim3A_185 {strides = array<i32>} : memref<640xf32, #tpu.memory_space<vmem>>, vector<16xf32>,
      %scan3A_191 = arith.constant 4 : i32
      %scan3A_192 = arith.addi %scan3A_141, %scan3A_191 : i32
      %mul3A_193 = arith.constant 1 : i32
      %mul3A_194 = arith.muli %scan3A_192, %mul3A_193 : i32
      %add3A_195 = arith.constant 0 : i32
      %add3A_196 = arith.addi %add3A_195, %mul3A_194 : i32
      %broadcast_in_dim3A_197 = arith.constant 0.000000e+00 : f32
      %broadcast_in_dim3A_198 = vector.broadcast %broadcast_in_dim3A_197 : f32 to vector<16xf32>
      %mul3A_199 = arith.constant 16 : i32
      %mul3A_200 = arith.muli %add3A_196, %mul3A_199 : i32
      %multiple_of3A_201 = tpu.assume_multiple %mul3A_200, 16 : i32
      %swap3A_202 = arith.index_cast %multiple_of3A_201 : i32 to index
      %swap3A_203 = tpu.vector_load %arg6[%swap3A_202] {strides = array<i32>} : memref<640xf32, #tpu.memory_space<vmem>>, vector<16xf32>,
      tpu.vector_store %arg6[%swap3A_202], %broadcast_in_dim3A_198 {strides = array<i32>} : memref<640xf32, #tpu.memory_space<vmem>>, vector<16xf32>,
      %scan3A_204 = arith.constant 5 : i32
      %scan3A_205 = arith.addi %scan3A_141, %scan3A_204 : i32
      %mul3A_206 = arith.constant 1 : i32
      %mul3A_207 = arith.muli %scan3A_205, %mul3A_206 : i32
      %add3A_208 = arith.constant 0 : i32
      %add3A_209 = arith.addi %add3A_208, %mul3A_207 : i32
      %broadcast_in_dim3A_210 = arith.constant 0.000000e+00 : f32
      %broadcast_in_dim3A_211 = vector.broadcast %broadcast_in_dim3A_210 : f32 to vector<16xf32>
      %mul3A_212 = arith.constant 16 : i32
      %mul3A_213 = arith.muli %add3A_209, %mul3A_212 : i32
      %multiple_of3A_214 = tpu.assume_multiple %mul3A_213, 16 : i32
      %swap3A_215 = arith.index_cast %multiple_of3A_214 : i32 to index
      %swap3A_216 = tpu.vector_load %arg6[%swap3A_215] {strides = array<i32>} : memref<640xf32, #tpu.memory_space<vmem>>, vector<16xf32>,
      tpu.vector_store %arg6[%swap3A_215], %broadcast_in_dim3A_211 {strides = array<i32>} : memref<640xf32, #tpu.memory_space<vmem>>, vector<16xf32>,
      %scan3A_217 = arith.constant 6 : i32
      %scan3A_218 = arith.addi %scan3A_141, %scan3A_217 : i32
      %mul3A_219 = arith.constant 1 : i32
      %mul3A_220 = arith.muli %scan3A_218, %mul3A_219 : i32
      %add3A_221 = arith.constant 0 : i32
      %add3A_222 = arith.addi %add3A_221, %mul3A_220 : i32
      %broadcast_in_dim3A_223 = arith.constant 0.000000e+00 : f32
      %broadcast_in_dim3A_224 = vector.broadcast %broadcast_in_dim3A_223 : f32 to vector<16xf32>
      %mul3A_225 = arith.constant 16 : i32
      %mul3A_226 = arith.muli %add3A_222, %mul3A_225 : i32
      %multiple_of3A_227 = tpu.assume_multiple %mul3A_226, 16 : i32
      %swap3A_228 = arith.index_cast %multiple_of3A_227 : i32 to index
      %swap3A_229 = tpu.vector_load %arg6[%swap3A_228] {strides = array<i32>} : memref<640xf32, #tpu.memory_space<vmem>>, vector<16xf32>,
      tpu.vector_store %arg6[%swap3A_228], %broadcast_in_dim3A_224 {strides = array<i32>} : memref<640xf32, #tpu.memory_space<vmem>>, vector<16xf32>,
      %scan3A_230 = arith.constant 7 : i32
      %scan3A_231 = arith.addi %scan3A_141, %scan3A_230 : i32
      %mul3A_232 = arith.constant 1 : i32
      %mul3A_233 = arith.muli %scan3A_231, %mul3A_232 : i32
      %add3A_234 = arith.constant 0 : i32
      %add3A_235 = arith.addi %add3A_234, %mul3A_233 : i32
      %broadcast_in_dim3A_236 = arith.constant 0.000000e+00 : f32
      %broadcast_in_dim3A_237 = vector.broadcast %broadcast_in_dim3A_236 : f32 to vector<16xf32>
      %mul3A_238 = arith.constant 16 : i32
      %mul3A_239 = arith.muli %add3A_235, %mul3A_238 : i32
      %multiple_of3A_240 = tpu.assume_multiple %mul3A_239, 16 : i32
      %swap3A_241 = arith.index_cast %multiple_of3A_240 : i32 to index
      %swap3A_242 = tpu.vector_load %arg6[%swap3A_241] {strides = array<i32>} : memref<640xf32, #tpu.memory_space<vmem>>, vector<16xf32>,
      tpu.vector_store %arg6[%swap3A_241], %broadcast_in_dim3A_237 {strides = array<i32>} : memref<640xf32, #tpu.memory_space<vmem>>, vector<16xf32>,
    }
    %scan3A_34 = arith.constant 40 : i32
    %mul3A_35 = arith.constant 640 : i32
    %mul3A_36 = arith.muli %arg1, %mul3A_35 : i32
    "tpu.region"() ({
      %run_scoped3A = tpu.sem_alloc : memref<!tpu.dma_semaphore, #tpu.memory_space<semaphore_mem>>
      %dma_start3A_141 = tpu.memref_slice %arg7[%mul3A_36] : memref<10240xf32, #tpu.memory_space<vmem_shared>> -> memref<640xf32, #tpu.memory_space<vmem_shared>>
      %dma_start3A_142 = tpu.memref_slice %arg7[%mul3A_36] : memref<10240xf32, #tpu.memory_space<vmem_shared>> -> memref<640xf32, #tpu.memory_space<vmem_shared>>
      tpu.enqueue_dma source(%arg6 : memref<640xf32, #tpu.memory_space<vmem>>) target(%dma_start3A_142 : memref<640xf32, #tpu.memory_space<vmem_shared>>) target_semaphore(%run_scoped3A : memref<!tpu.dma_semaphore, #tpu.memory_space<semaphore_mem>>)
      %dma_wait3A_143 = tpu.memref_slice %arg7[%mul3A_36] : memref<10240xf32, #tpu.memory_space<vmem_shared>> -> memref<640xf32, #tpu.memory_space<vmem_shared>>
      %dma_wait3A_144 = tpu.memref_slice %arg7[%mul3A_36] : memref<10240xf32, #tpu.memory_space<vmem_shared>> -> memref<640xf32, #tpu.memory_space<vmem_shared>>
      tpu.wait_dma2 semaphore(%run_scoped3A : memref<!tpu.dma_semaphore, #tpu.memory_space<semaphore_mem>>) src(%arg6 : memref<640xf32, #tpu.memory_space<vmem>>) dst(%dma_wait3A_144 : memref<640xf32, #tpu.memory_space<vmem_shared>>)
      tpu.yield
    }) : () -> ()
    "tpu.region"() ({
      %run_scoped3A = tpu.sem_alloc : memref<!tpu.dma_semaphore, #tpu.memory_space<semaphore_mem>>
      %dma_start3A_141 = arith.constant 0 : i32
      %dma_start3A_142 = arith.constant 0 : i32
      %dma_start3A_143 = tpu.memref_slice %arg2[%add3A, %dma_start3A_141, %dma_start3A_142] : memref<32x80x128xi32, #tpu.memory_space<hbm>> -> memref<1x80x128xi32, #tpu.memory_space<hbm>>
      %dma_start3A_144 = tpu.memref_squeeze %dma_start3A_143 : memref<1x80x128xi32, #tpu.memory_space<hbm>> -> memref<80x128xi32, #tpu.memory_space<hbm>>
      %dma_start3A_145 = arith.constant 0 : i32
      %dma_start3A_146 = arith.constant 0 : i32
      %dma_start3A_147 = tpu.memref_slice %arg2[%add3A, %dma_start3A_145, %dma_start3A_146] : memref<32x80x128xi32, #tpu.memory_space<hbm>> -> memref<1x80x128xi32, #tpu.memory_space<hbm>>
      %dma_start3A_148 = tpu.memref_squeeze %dma_start3A_147 : memref<1x80x128xi32, #tpu.memory_space<hbm>> -> memref<80x128xi32, #tpu.memory_space<hbm>>
      tpu.enqueue_dma source(%dma_start3A_148 : memref<80x128xi32, #tpu.memory_space<hbm>>) target(%arg4 : memref<80x128xi32, #tpu.memory_space<vmem>>) target_semaphore(%run_scoped3A : memref<!tpu.dma_semaphore, #tpu.memory_space<semaphore_mem>>)
      %dma_wait3A_149 = arith.constant 0 : i32
      %dma_wait3A_150 = arith.constant 0 : i32
      %dma_wait3A_151 = tpu.memref_slice %arg2[%add3A, %dma_wait3A_149, %dma_wait3A_150] : memref<32x80x128xi32, #tpu.memory_space<hbm>> -> memref<1x80x128xi32, #tpu.memory_space<hbm>>
      %dma_wait3A_152 = tpu.memref_squeeze %dma_wait3A_151 : memref<1x80x128xi32, #tpu.memory_space<hbm>> -> memref<80x128xi32, #tpu.memory_space<hbm>>
      %dma_wait3A_153 = arith.constant 0 : i32
      %dma_wait3A_154 = arith.constant 0 : i32
      %dma_wait3A_155 = tpu.memref_slice %arg2[%add3A, %dma_wait3A_153, %dma_wait3A_154] : memref<32x80x128xi32, #tpu.memory_space<hbm>> -> memref<1x80x128xi32, #tpu.memory_space<hbm>>
      %dma_wait3A_156 = tpu.memref_squeeze %dma_wait3A_155 : memref<1x80x128xi32, #tpu.memory_space<hbm>> -> memref<80x128xi32, #tpu.memory_space<hbm>>
      tpu.wait_dma2 semaphore(%run_scoped3A : memref<!tpu.dma_semaphore, #tpu.memory_space<semaphore_mem>>) src(%dma_wait3A_156 : memref<80x128xi32, #tpu.memory_space<hbm>>) dst(%arg4 : memref<80x128xi32, #tpu.memory_space<vmem>>)
      tpu.yield
    }) : () -> ()
    %barrier3A = arith.constant 0 : index
    tpu.barrier barrier_id(%barrier3A)
    %dma_start3A = arith.constant 0 : i32
    %dma_start3A_37 = arith.constant 0 : i32
    %dma_start3A_38 = tpu.memref_slice %arg4[%dma_start3A, %dma_start3A_37] : memref<80x128xi32, #tpu.memory_space<vmem>> -> memref<1x128xi32, #tpu.memory_space<vmem>>
    %dma_start3A_39 = tpu.memref_squeeze %dma_start3A_38 : memref<1x128xi32, #tpu.memory_space<vmem>> -> memref<128xi32, #tpu.memory_space<vmem>>
    %dma_start3A_40 = arith.constant 0 : i32
    %dma_start3A_41 = tpu.memref_slice %arg7[%dma_start3A_40] : memref<10240xf32, #tpu.memory_space<vmem_shared>> -> memref<10240xf32, #tpu.memory_space<vmem_shared>>
    tpu.enqueue_indirect_dma source(%arg5 : memref<128xf32, #tpu.memory_space<vmem>>) target(%dma_start3A_41 : memref<10240xf32, #tpu.memory_space<vmem_shared>>) offsets(%dma_start3A_39 : memref<128xi32, #tpu.memory_space<vmem>>) semaphore(%arg8 : memref<!tpu.dma_semaphore, #tpu.memory_space<semaphore_mem>>) {add = true}
    %dma_start3A_42 = arith.constant 1 : i32
    %dma_start3A_43 = arith.constant 0 : i32
    %dma_start3A_44 = tpu.memref_slice %arg4[%dma_start3A_42, %dma_start3A_43] : memref<80x128xi32, #tpu.memory_space<vmem>> -> memref<1x128xi32, #tpu.memory_space<vmem>>
    %dma_start3A_45 = tpu.memref_squeeze %dma_start3A_44 : memref<1x128xi32, #tpu.memory_space<vmem>> -> memref<128xi32, #tpu.memory_space<vmem>>
    %dma_start3A_46 = arith.constant 0 : i32
    %dma_start3A_47 = tpu.memref_slice %arg7[%dma_start3A_46] : memref<10240xf32, #tpu.memory_space<vmem_shared>> -> memref<10240xf32, #tpu.memory_space<vmem_shared>>
    tpu.enqueue_indirect_dma source(%arg5 : memref<128xf32, #tpu.memory_space<vmem>>) target(%dma_start3A_47 : memref<10240xf32, #tpu.memory_space<vmem_shared>>) offsets(%dma_start3A_45 : memref<128xi32, #tpu.memory_space<vmem>>) semaphore(%arg9 : memref<!tpu.dma_semaphore, #tpu.memory_space<semaphore_mem>>) {add = true}
    %dma_start3A_48 = arith.constant 2 : i32
    %dma_start3A_49 = arith.constant 0 : i32
    %dma_start3A_50 = tpu.memref_slice %arg4[%dma_start3A_48, %dma_start3A_49] : memref<80x128xi32, #tpu.memory_space<vmem>> -> memref<1x128xi32, #tpu.memory_space<vmem>>
    %dma_start3A_51 = tpu.memref_squeeze %dma_start3A_50 : memref<1x128xi32, #tpu.memory_space<vmem>> -> memref<128xi32, #tpu.memory_space<vmem>>
    %dma_start3A_52 = arith.constant 0 : i32
    %dma_start3A_53 = tpu.memref_slice %arg7[%dma_start3A_52] : memref<10240xf32, #tpu.memory_space<vmem_shared>> -> memref<10240xf32, #tpu.memory_space<vmem_shared>>
    tpu.enqueue_indirect_dma source(%arg5 : memref<128xf32, #tpu.memory_space<vmem>>) target(%dma_start3A_53 : memref<10240xf32, #tpu.memory_space<vmem_shared>>) offsets(%dma_start3A_51 : memref<128xi32, #tpu.memory_space<vmem>>) semaphore(%arg10 : memref<!tpu.dma_semaphore, #tpu.memory_space<semaphore_mem>>) {add = true}
    %dma_start3A_54 = arith.constant 3 : i32
    %dma_start3A_55 = arith.constant 0 : i32
    %dma_start3A_56 = tpu.memref_slice %arg4[%dma_start3A_54, %dma_start3A_55] : memref<80x128xi32, #tpu.memory_space<vmem>> -> memref<1x128xi32, #tpu.memory_space<vmem>>
    %dma_start3A_57 = tpu.memref_squeeze %dma_start3A_56 : memref<1x128xi32, #tpu.memory_space<vmem>> -> memref<128xi32, #tpu.memory_space<vmem>>
    %dma_start3A_58 = arith.constant 0 : i32
    %dma_start3A_59 = tpu.memref_slice %arg7[%dma_start3A_58] : memref<10240xf32, #tpu.memory_space<vmem_shared>> -> memref<10240xf32, #tpu.memory_space<vmem_shared>>
    tpu.enqueue_indirect_dma source(%arg5 : memref<128xf32, #tpu.memory_space<vmem>>) target(%dma_start3A_59 : memref<10240xf32, #tpu.memory_space<vmem_shared>>) offsets(%dma_start3A_57 : memref<128xi32, #tpu.memory_space<vmem>>) semaphore(%arg11 : memref<!tpu.dma_semaphore, #tpu.memory_space<semaphore_mem>>) {add = true}
    %dma_start3A_60 = arith.constant 4 : i32
    %dma_start3A_61 = arith.constant 0 : i32
    %dma_start3A_62 = tpu.memref_slice %arg4[%dma_start3A_60, %dma_start3A_61] : memref<80x128xi32, #tpu.memory_space<vmem>> -> memref<1x128xi32, #tpu.memory_space<vmem>>
    %dma_start3A_63 = tpu.memref_squeeze %dma_start3A_62 : memref<1x128xi32, #tpu.memory_space<vmem>> -> memref<128xi32, #tpu.memory_space<vmem>>
    %dma_start3A_64 = arith.constant 0 : i32
    %dma_start3A_65 = tpu.memref_slice %arg7[%dma_start3A_64] : memref<10240xf32, #tpu.memory_space<vmem_shared>> -> memref<10240xf32, #tpu.memory_space<vmem_shared>>
    tpu.enqueue_indirect_dma source(%arg5 : memref<128xf32, #tpu.memory_space<vmem>>) target(%dma_start3A_65 : memref<10240xf32, #tpu.memory_space<vmem_shared>>) offsets(%dma_start3A_63 : memref<128xi32, #tpu.memory_space<vmem>>) semaphore(%arg12 : memref<!tpu.dma_semaphore, #tpu.memory_space<semaphore_mem>>) {add = true}
    %dma_start3A_66 = arith.constant 5 : i32
    %dma_start3A_67 = arith.constant 0 : i32
    %dma_start3A_68 = tpu.memref_slice %arg4[%dma_start3A_66, %dma_start3A_67] : memref<80x128xi32, #tpu.memory_space<vmem>> -> memref<1x128xi32, #tpu.memory_space<vmem>>
    %dma_start3A_69 = tpu.memref_squeeze %dma_start3A_68 : memref<1x128xi32, #tpu.memory_space<vmem>> -> memref<128xi32, #tpu.memory_space<vmem>>
    %dma_start3A_70 = arith.constant 0 : i32
    %dma_start3A_71 = tpu.memref_slice %arg7[%dma_start3A_70] : memref<10240xf32, #tpu.memory_space<vmem_shared>> -> memref<10240xf32, #tpu.memory_space<vmem_shared>>
    tpu.enqueue_indirect_dma source(%arg5 : memref<128xf32, #tpu.memory_space<vmem>>) target(%dma_start3A_71 : memref<10240xf32, #tpu.memory_space<vmem_shared>>) offsets(%dma_start3A_69 : memref<128xi32, #tpu.memory_space<vmem>>) semaphore(%arg13 : memref<!tpu.dma_semaphore, #tpu.memory_space<semaphore_mem>>) {add = true}
    %dma_start3A_72 = arith.constant 6 : i32
    %dma_start3A_73 = arith.constant 0 : i32
    %dma_start3A_74 = tpu.memref_slice %arg4[%dma_start3A_72, %dma_start3A_73] : memref<80x128xi32, #tpu.memory_space<vmem>> -> memref<1x128xi32, #tpu.memory_space<vmem>>
    %dma_start3A_75 = tpu.memref_squeeze %dma_start3A_74 : memref<1x128xi32, #tpu.memory_space<vmem>> -> memref<128xi32, #tpu.memory_space<vmem>>
    %dma_start3A_76 = arith.constant 0 : i32
    %dma_start3A_77 = tpu.memref_slice %arg7[%dma_start3A_76] : memref<10240xf32, #tpu.memory_space<vmem_shared>> -> memref<10240xf32, #tpu.memory_space<vmem_shared>>
    tpu.enqueue_indirect_dma source(%arg5 : memref<128xf32, #tpu.memory_space<vmem>>) target(%dma_start3A_77 : memref<10240xf32, #tpu.memory_space<vmem_shared>>) offsets(%dma_start3A_75 : memref<128xi32, #tpu.memory_space<vmem>>) semaphore(%arg14 : memref<!tpu.dma_semaphore, #tpu.memory_space<semaphore_mem>>) {add = true}
    %dma_start3A_78 = arith.constant 7 : i32
    %dma_start3A_79 = arith.constant 0 : i32
    %dma_start3A_80 = tpu.memref_slice %arg4[%dma_start3A_78, %dma_start3A_79] : memref<80x128xi32, #tpu.memory_space<vmem>> -> memref<1x128xi32, #tpu.memory_space<vmem>>
    %dma_start3A_81 = tpu.memref_squeeze %dma_start3A_80 : memref<1x128xi32, #tpu.memory_space<vmem>> -> memref<128xi32, #tpu.memory_space<vmem>>
    %dma_start3A_82 = arith.constant 0 : i32
    %dma_start3A_83 = tpu.memref_slice %arg7[%dma_start3A_82] : memref<10240xf32, #tpu.memory_space<vmem_shared>> -> memref<10240xf32, #tpu.memory_space<vmem_shared>>
    tpu.enqueue_indirect_dma source(%arg5 : memref<128xf32, #tpu.memory_space<vmem>>) target(%dma_start3A_83 : memref<10240xf32, #tpu.memory_space<vmem_shared>>) offsets(%dma_start3A_81 : memref<128xi32, #tpu.memory_space<vmem>>) semaphore(%arg15 : memref<!tpu.dma_semaphore, #tpu.memory_space<semaphore_mem>>) {add = true}
    %scan3A_84 = arith.constant 0 : i32
    %scan3A_85 = arith.constant 9 : i32
    %scan3A_86 = arith.addi %scan3A_84, %scan3A_85 : i32
    %scan3A_87 = arith.constant 1 : i32
    scf.for %scan3A_141 = %scan3A_84 to %scan3A_86 step %scan3A_87  : i32 {
      %mul3A_142 = arith.constant 1 : i32
      %mul3A_143 = arith.muli %scan3A_141, %mul3A_142 : i32
      %add3A_144 = arith.constant 0 : i32
      %add3A_145 = arith.addi %add3A_144, %mul3A_143 : i32
      %mul3A_146 = arith.constant 8 : i32
      %mul3A_147 = arith.muli %add3A_145, %mul3A_146 : i32
      %add3A_148 = arith.constant 8 : i32
      %add3A_149 = arith.addi %add3A_148, %mul3A_147 : i32
      %add3A_150 = arith.constant 0 : i32
      %add3A_151 = arith.addi %add3A_149, %add3A_150 : i32
      %sub3A = arith.constant 8 : i32
      %sub3A_152 = arith.subi %add3A_151, %sub3A : i32
      %dma_wait3A_153 = arith.constant 0 : i32
      %dma_wait3A_154 = tpu.memref_slice %arg4[%sub3A_152, %dma_wait3A_153] : memref<80x128xi32, #tpu.memory_space<vmem>> -> memref<1x128xi32, #tpu.memory_space<vmem>>
      %dma_wait3A_155 = tpu.memref_squeeze %dma_wait3A_154 : memref<1x128xi32, #tpu.memory_space<vmem>> -> memref<128xi32, #tpu.memory_space<vmem>>
      %dma_wait3A_156 = arith.constant 0 : i32
      %dma_wait3A_157 = tpu.memref_slice %arg7[%dma_wait3A_156] : memref<10240xf32, #tpu.memory_space<vmem_shared>> -> memref<10240xf32, #tpu.memory_space<vmem_shared>>
      tpu.wait_indirect_dma semaphore(%arg8 : memref<!tpu.dma_semaphore, #tpu.memory_space<semaphore_mem>>) src(%arg5 : memref<128xf32, #tpu.memory_space<vmem>>) dst(%dma_wait3A_157 : memref<10240xf32, #tpu.memory_space<vmem_shared>>)
      %add3A_158 = arith.constant 0 : i32
      %add3A_159 = arith.addi %add3A_149, %add3A_158 : i32
      %dma_start3A_160 = arith.constant 0 : i32
      %dma_start3A_161 = tpu.memref_slice %arg4[%add3A_159, %dma_start3A_160] : memref<80x128xi32, #tpu.memory_space<vmem>> -> memref<1x128xi32, #tpu.memory_space<vmem>>
      %dma_start3A_162 = tpu.memref_squeeze %dma_start3A_161 : memref<1x128xi32, #tpu.memory_space<vmem>> -> memref<128xi32, #tpu.memory_space<vmem>>
      %dma_start3A_163 = arith.constant 0 : i32
      %dma_start3A_164 = tpu.memref_slice %arg7[%dma_start3A_163] : memref<10240xf32, #tpu.memory_space<vmem_shared>> -> memref<10240xf32, #tpu.memory_space<vmem_shared>>
      tpu.enqueue_indirect_dma source(%arg5 : memref<128xf32, #tpu.memory_space<vmem>>) target(%dma_start3A_164 : memref<10240xf32, #tpu.memory_space<vmem_shared>>) offsets(%dma_start3A_162 : memref<128xi32, #tpu.memory_space<vmem>>) semaphore(%arg8 : memref<!tpu.dma_semaphore, #tpu.memory_space<semaphore_mem>>) {add = true}
      %add3A_165 = arith.constant 1 : i32
      %add3A_166 = arith.addi %add3A_149, %add3A_165 : i32
      %sub3A_167 = arith.constant 8 : i32
      %sub3A_168 = arith.subi %add3A_166, %sub3A_167 : i32
      %dma_wait3A_169 = arith.constant 0 : i32
      %dma_wait3A_170 = tpu.memref_slice %arg4[%sub3A_168, %dma_wait3A_169] : memref<80x128xi32, #tpu.memory_space<vmem>> -> memref<1x128xi32, #tpu.memory_space<vmem>>
      %dma_wait3A_171 = tpu.memref_squeeze %dma_wait3A_170 : memref<1x128xi32, #tpu.memory_space<vmem>> -> memref<128xi32, #tpu.memory_space<vmem>>
      %dma_wait3A_172 = arith.constant 0 : i32
      %dma_wait3A_173 = tpu.memref_slice %arg7[%dma_wait3A_172] : memref<10240xf32, #tpu.memory_space<vmem_shared>> -> memref<10240xf32, #tpu.memory_space<vmem_shared>>
      tpu.wait_indirect_dma semaphore(%arg9 : memref<!tpu.dma_semaphore, #tpu.memory_space<semaphore_mem>>) src(%arg5 : memref<128xf32, #tpu.memory_space<vmem>>) dst(%dma_wait3A_173 : memref<10240xf32, #tpu.memory_space<vmem_shared>>)
      %add3A_174 = arith.constant 1 : i32
      %add3A_175 = arith.addi %add3A_149, %add3A_174 : i32
      %dma_start3A_176 = arith.constant 0 : i32
      %dma_start3A_177 = tpu.memref_slice %arg4[%add3A_175, %dma_start3A_176] : memref<80x128xi32, #tpu.memory_space<vmem>> -> memref<1x128xi32, #tpu.memory_space<vmem>>
      %dma_start3A_178 = tpu.memref_squeeze %dma_start3A_177 : memref<1x128xi32, #tpu.memory_space<vmem>> -> memref<128xi32, #tpu.memory_space<vmem>>
      %dma_start3A_179 = arith.constant 0 : i32
      %dma_start3A_180 = tpu.memref_slice %arg7[%dma_start3A_179] : memref<10240xf32, #tpu.memory_space<vmem_shared>> -> memref<10240xf32, #tpu.memory_space<vmem_shared>>
      tpu.enqueue_indirect_dma source(%arg5 : memref<128xf32, #tpu.memory_space<vmem>>) target(%dma_start3A_180 : memref<10240xf32, #tpu.memory_space<vmem_shared>>) offsets(%dma_start3A_178 : memref<128xi32, #tpu.memory_space<vmem>>) semaphore(%arg9 : memref<!tpu.dma_semaphore, #tpu.memory_space<semaphore_mem>>) {add = true}
      %add3A_181 = arith.constant 2 : i32
      %add3A_182 = arith.addi %add3A_149, %add3A_181 : i32
      %sub3A_183 = arith.constant 8 : i32
      %sub3A_184 = arith.subi %add3A_182, %sub3A_183 : i32
      %dma_wait3A_185 = arith.constant 0 : i32
      %dma_wait3A_186 = tpu.memref_slice %arg4[%sub3A_184, %dma_wait3A_185] : memref<80x128xi32, #tpu.memory_space<vmem>> -> memref<1x128xi32, #tpu.memory_space<vmem>>
      %dma_wait3A_187 = tpu.memref_squeeze %dma_wait3A_186 : memref<1x128xi32, #tpu.memory_space<vmem>> -> memref<128xi32, #tpu.memory_space<vmem>>
      %dma_wait3A_188 = arith.constant 0 : i32
      %dma_wait3A_189 = tpu.memref_slice %arg7[%dma_wait3A_188] : memref<10240xf32, #tpu.memory_space<vmem_shared>> -> memref<10240xf32, #tpu.memory_space<vmem_shared>>
      tpu.wait_indirect_dma semaphore(%arg10 : memref<!tpu.dma_semaphore, #tpu.memory_space<semaphore_mem>>) src(%arg5 : memref<128xf32, #tpu.memory_space<vmem>>) dst(%dma_wait3A_189 : memref<10240xf32, #tpu.memory_space<vmem_shared>>)
      %add3A_190 = arith.constant 2 : i32
      %add3A_191 = arith.addi %add3A_149, %add3A_190 : i32
      %dma_start3A_192 = arith.constant 0 : i32
      %dma_start3A_193 = tpu.memref_slice %arg4[%add3A_191, %dma_start3A_192] : memref<80x128xi32, #tpu.memory_space<vmem>> -> memref<1x128xi32, #tpu.memory_space<vmem>>
      %dma_start3A_194 = tpu.memref_squeeze %dma_start3A_193 : memref<1x128xi32, #tpu.memory_space<vmem>> -> memref<128xi32, #tpu.memory_space<vmem>>
      %dma_start3A_195 = arith.constant 0 : i32
      %dma_start3A_196 = tpu.memref_slice %arg7[%dma_start3A_195] : memref<10240xf32, #tpu.memory_space<vmem_shared>> -> memref<10240xf32, #tpu.memory_space<vmem_shared>>
      tpu.enqueue_indirect_dma source(%arg5 : memref<128xf32, #tpu.memory_space<vmem>>) target(%dma_start3A_196 : memref<10240xf32, #tpu.memory_space<vmem_shared>>) offsets(%dma_start3A_194 : memref<128xi32, #tpu.memory_space<vmem>>) semaphore(%arg10 : memref<!tpu.dma_semaphore, #tpu.memory_space<semaphore_mem>>) {add = true}
      %add3A_197 = arith.constant 3 : i32
      %add3A_198 = arith.addi %add3A_149, %add3A_197 : i32
      %sub3A_199 = arith.constant 8 : i32
      %sub3A_200 = arith.subi %add3A_198, %sub3A_199 : i32
      %dma_wait3A_201 = arith.constant 0 : i32
      %dma_wait3A_202 = tpu.memref_slice %arg4[%sub3A_200, %dma_wait3A_201] : memref<80x128xi32, #tpu.memory_space<vmem>> -> memref<1x128xi32, #tpu.memory_space<vmem>>
      %dma_wait3A_203 = tpu.memref_squeeze %dma_wait3A_202 : memref<1x128xi32, #tpu.memory_space<vmem>> -> memref<128xi32, #tpu.memory_space<vmem>>
      %dma_wait3A_204 = arith.constant 0 : i32
      %dma_wait3A_205 = tpu.memref_slice %arg7[%dma_wait3A_204] : memref<10240xf32, #tpu.memory_space<vmem_shared>> -> memref<10240xf32, #tpu.memory_space<vmem_shared>>
      tpu.wait_indirect_dma semaphore(%arg11 : memref<!tpu.dma_semaphore, #tpu.memory_space<semaphore_mem>>) src(%arg5 : memref<128xf32, #tpu.memory_space<vmem>>) dst(%dma_wait3A_205 : memref<10240xf32, #tpu.memory_space<vmem_shared>>)
      %add3A_206 = arith.constant 3 : i32
      %add3A_207 = arith.addi %add3A_149, %add3A_206 : i32
      %dma_start3A_208 = arith.constant 0 : i32
      %dma_start3A_209 = tpu.memref_slice %arg4[%add3A_207, %dma_start3A_208] : memref<80x128xi32, #tpu.memory_space<vmem>> -> memref<1x128xi32, #tpu.memory_space<vmem>>
      %dma_start3A_210 = tpu.memref_squeeze %dma_start3A_209 : memref<1x128xi32, #tpu.memory_space<vmem>> -> memref<128xi32, #tpu.memory_space<vmem>>
      %dma_start3A_211 = arith.constant 0 : i32
      %dma_start3A_212 = tpu.memref_slice %arg7[%dma_start3A_211] : memref<10240xf32, #tpu.memory_space<vmem_shared>> -> memref<10240xf32, #tpu.memory_space<vmem_shared>>
      tpu.enqueue_indirect_dma source(%arg5 : memref<128xf32, #tpu.memory_space<vmem>>) target(%dma_start3A_212 : memref<10240xf32, #tpu.memory_space<vmem_shared>>) offsets(%dma_start3A_210 : memref<128xi32, #tpu.memory_space<vmem>>) semaphore(%arg11 : memref<!tpu.dma_semaphore, #tpu.memory_space<semaphore_mem>>) {add = true}
      %add3A_213 = arith.constant 4 : i32
      %add3A_214 = arith.addi %add3A_149, %add3A_213 : i32
      %sub3A_215 = arith.constant 8 : i32
      %sub3A_216 = arith.subi %add3A_214, %sub3A_215 : i32
      %dma_wait3A_217 = arith.constant 0 : i32
      %dma_wait3A_218 = tpu.memref_slice %arg4[%sub3A_216, %dma_wait3A_217] : memref<80x128xi32, #tpu.memory_space<vmem>> -> memref<1x128xi32, #tpu.memory_space<vmem>>
      %dma_wait3A_219 = tpu.memref_squeeze %dma_wait3A_218 : memref<1x128xi32, #tpu.memory_space<vmem>> -> memref<128xi32, #tpu.memory_space<vmem>>
      %dma_wait3A_220 = arith.constant 0 : i32
      %dma_wait3A_221 = tpu.memref_slice %arg7[%dma_wait3A_220] : memref<10240xf32, #tpu.memory_space<vmem_shared>> -> memref<10240xf32, #tpu.memory_space<vmem_shared>>
      tpu.wait_indirect_dma semaphore(%arg12 : memref<!tpu.dma_semaphore, #tpu.memory_space<semaphore_mem>>) src(%arg5 : memref<128xf32, #tpu.memory_space<vmem>>) dst(%dma_wait3A_221 : memref<10240xf32, #tpu.memory_space<vmem_shared>>)
      %add3A_222 = arith.constant 4 : i32
      %add3A_223 = arith.addi %add3A_149, %add3A_222 : i32
      %dma_start3A_224 = arith.constant 0 : i32
      %dma_start3A_225 = tpu.memref_slice %arg4[%add3A_223, %dma_start3A_224] : memref<80x128xi32, #tpu.memory_space<vmem>> -> memref<1x128xi32, #tpu.memory_space<vmem>>
      %dma_start3A_226 = tpu.memref_squeeze %dma_start3A_225 : memref<1x128xi32, #tpu.memory_space<vmem>> -> memref<128xi32, #tpu.memory_space<vmem>>
      %dma_start3A_227 = arith.constant 0 : i32
      %dma_start3A_228 = tpu.memref_slice %arg7[%dma_start3A_227] : memref<10240xf32, #tpu.memory_space<vmem_shared>> -> memref<10240xf32, #tpu.memory_space<vmem_shared>>
      tpu.enqueue_indirect_dma source(%arg5 : memref<128xf32, #tpu.memory_space<vmem>>) target(%dma_start3A_228 : memref<10240xf32, #tpu.memory_space<vmem_shared>>) offsets(%dma_start3A_226 : memref<128xi32, #tpu.memory_space<vmem>>) semaphore(%arg12 : memref<!tpu.dma_semaphore, #tpu.memory_space<semaphore_mem>>) {add = true}
      %add3A_229 = arith.constant 5 : i32
      %add3A_230 = arith.addi %add3A_149, %add3A_229 : i32
      %sub3A_231 = arith.constant 8 : i32
      %sub3A_232 = arith.subi %add3A_230, %sub3A_231 : i32
      %dma_wait3A_233 = arith.constant 0 : i32
      %dma_wait3A_234 = tpu.memref_slice %arg4[%sub3A_232, %dma_wait3A_233] : memref<80x128xi32, #tpu.memory_space<vmem>> -> memref<1x128xi32, #tpu.memory_space<vmem>>
      %dma_wait3A_235 = tpu.memref_squeeze %dma_wait3A_234 : memref<1x128xi32, #tpu.memory_space<vmem>> -> memref<128xi32, #tpu.memory_space<vmem>>
      %dma_wait3A_236 = arith.constant 0 : i32
      %dma_wait3A_237 = tpu.memref_slice %arg7[%dma_wait3A_236] : memref<10240xf32, #tpu.memory_space<vmem_shared>> -> memref<10240xf32, #tpu.memory_space<vmem_shared>>
      tpu.wait_indirect_dma semaphore(%arg13 : memref<!tpu.dma_semaphore, #tpu.memory_space<semaphore_mem>>) src(%arg5 : memref<128xf32, #tpu.memory_space<vmem>>) dst(%dma_wait3A_237 : memref<10240xf32, #tpu.memory_space<vmem_shared>>)
      %add3A_238 = arith.constant 5 : i32
      %add3A_239 = arith.addi %add3A_149, %add3A_238 : i32
      %dma_start3A_240 = arith.constant 0 : i32
      %dma_start3A_241 = tpu.memref_slice %arg4[%add3A_239, %dma_start3A_240] : memref<80x128xi32, #tpu.memory_space<vmem>> -> memref<1x128xi32, #tpu.memory_space<vmem>>
      %dma_start3A_242 = tpu.memref_squeeze %dma_start3A_241 : memref<1x128xi32, #tpu.memory_space<vmem>> -> memref<128xi32, #tpu.memory_space<vmem>>
      %dma_start3A_243 = arith.constant 0 : i32
      %dma_start3A_244 = tpu.memref_slice %arg7[%dma_start3A_243] : memref<10240xf32, #tpu.memory_space<vmem_shared>> -> memref<10240xf32, #tpu.memory_space<vmem_shared>>
      tpu.enqueue_indirect_dma source(%arg5 : memref<128xf32, #tpu.memory_space<vmem>>) target(%dma_start3A_244 : memref<10240xf32, #tpu.memory_space<vmem_shared>>) offsets(%dma_start3A_242 : memref<128xi32, #tpu.memory_space<vmem>>) semaphore(%arg13 : memref<!tpu.dma_semaphore, #tpu.memory_space<semaphore_mem>>) {add = true}
      %add3A_245 = arith.constant 6 : i32
      %add3A_246 = arith.addi %add3A_149, %add3A_245 : i32
      %sub3A_247 = arith.constant 8 : i32
      %sub3A_248 = arith.subi %add3A_246, %sub3A_247 : i32
      %dma_wait3A_249 = arith.constant 0 : i32
      %dma_wait3A_250 = tpu.memref_slice %arg4[%sub3A_248, %dma_wait3A_249] : memref<80x128xi32, #tpu.memory_space<vmem>> -> memref<1x128xi32, #tpu.memory_space<vmem>>
      %dma_wait3A_251 = tpu.memref_squeeze %dma_wait3A_250 : memref<1x128xi32, #tpu.memory_space<vmem>> -> memref<128xi32, #tpu.memory_space<vmem>>
      %dma_wait3A_252 = arith.constant 0 : i32
      %dma_wait3A_253 = tpu.memref_slice %arg7[%dma_wait3A_252] : memref<10240xf32, #tpu.memory_space<vmem_shared>> -> memref<10240xf32, #tpu.memory_space<vmem_shared>>
      tpu.wait_indirect_dma semaphore(%arg14 : memref<!tpu.dma_semaphore, #tpu.memory_space<semaphore_mem>>) src(%arg5 : memref<128xf32, #tpu.memory_space<vmem>>) dst(%dma_wait3A_253 : memref<10240xf32, #tpu.memory_space<vmem_shared>>)
      %add3A_254 = arith.constant 6 : i32
      %add3A_255 = arith.addi %add3A_149, %add3A_254 : i32
      %dma_start3A_256 = arith.constant 0 : i32
      %dma_start3A_257 = tpu.memref_slice %arg4[%add3A_255, %dma_start3A_256] : memref<80x128xi32, #tpu.memory_space<vmem>> -> memref<1x128xi32, #tpu.memory_space<vmem>>
      %dma_start3A_258 = tpu.memref_squeeze %dma_start3A_257 : memref<1x128xi32, #tpu.memory_space<vmem>> -> memref<128xi32, #tpu.memory_space<vmem>>
      %dma_start3A_259 = arith.constant 0 : i32
      %dma_start3A_260 = tpu.memref_slice %arg7[%dma_start3A_259] : memref<10240xf32, #tpu.memory_space<vmem_shared>> -> memref<10240xf32, #tpu.memory_space<vmem_shared>>
      tpu.enqueue_indirect_dma source(%arg5 : memref<128xf32, #tpu.memory_space<vmem>>) target(%dma_start3A_260 : memref<10240xf32, #tpu.memory_space<vmem_shared>>) offsets(%dma_start3A_258 : memref<128xi32, #tpu.memory_space<vmem>>) semaphore(%arg14 : memref<!tpu.dma_semaphore, #tpu.memory_space<semaphore_mem>>) {add = true}
      %add3A_261 = arith.constant 7 : i32
      %add3A_262 = arith.addi %add3A_149, %add3A_261 : i32
      %sub3A_263 = arith.constant 8 : i32
      %sub3A_264 = arith.subi %add3A_262, %sub3A_263 : i32
      %dma_wait3A_265 = arith.constant 0 : i32
      %dma_wait3A_266 = tpu.memref_slice %arg4[%sub3A_264, %dma_wait3A_265] : memref<80x128xi32, #tpu.memory_space<vmem>> -> memref<1x128xi32, #tpu.memory_space<vmem>>
      %dma_wait3A_267 = tpu.memref_squeeze %dma_wait3A_266 : memref<1x128xi32, #tpu.memory_space<vmem>> -> memref<128xi32, #tpu.memory_space<vmem>>
      %dma_wait3A_268 = arith.constant 0 : i32
      %dma_wait3A_269 = tpu.memref_slice %arg7[%dma_wait3A_268] : memref<10240xf32, #tpu.memory_space<vmem_shared>> -> memref<10240xf32, #tpu.memory_space<vmem_shared>>
      tpu.wait_indirect_dma semaphore(%arg15 : memref<!tpu.dma_semaphore, #tpu.memory_space<semaphore_mem>>) src(%arg5 : memref<128xf32, #tpu.memory_space<vmem>>) dst(%dma_wait3A_269 : memref<10240xf32, #tpu.memory_space<vmem_shared>>)
      %add3A_270 = arith.constant 7 : i32
      %add3A_271 = arith.addi %add3A_149, %add3A_270 : i32
      %dma_start3A_272 = arith.constant 0 : i32
      %dma_start3A_273 = tpu.memref_slice %arg4[%add3A_271, %dma_start3A_272] : memref<80x128xi32, #tpu.memory_space<vmem>> -> memref<1x128xi32, #tpu.memory_space<vmem>>
      %dma_start3A_274 = tpu.memref_squeeze %dma_start3A_273 : memref<1x128xi32, #tpu.memory_space<vmem>> -> memref<128xi32, #tpu.memory_space<vmem>>
      %dma_start3A_275 = arith.constant 0 : i32
      %dma_start3A_276 = tpu.memref_slice %arg7[%dma_start3A_275] : memref<10240xf32, #tpu.memory_space<vmem_shared>> -> memref<10240xf32, #tpu.memory_space<vmem_shared>>
      tpu.enqueue_indirect_dma source(%arg5 : memref<128xf32, #tpu.memory_space<vmem>>) target(%dma_start3A_276 : memref<10240xf32, #tpu.memory_space<vmem_shared>>) offsets(%dma_start3A_274 : memref<128xi32, #tpu.memory_space<vmem>>) semaphore(%arg15 : memref<!tpu.dma_semaphore, #tpu.memory_space<semaphore_mem>>) {add = true}
    }
    %scan3A_88 = arith.constant 9 : i32
    %dma_wait3A = arith.constant 72 : i32
    %dma_wait3A_89 = arith.constant 0 : i32
    %dma_wait3A_90 = tpu.memref_slice %arg4[%dma_wait3A, %dma_wait3A_89] : memref<80x128xi32, #tpu.memory_space<vmem>> -> memref<1x128xi32, #tpu.memory_space<vmem>>
    %dma_wait3A_91 = tpu.memref_squeeze %dma_wait3A_90 : memref<1x128xi32, #tpu.memory_space<vmem>> -> memref<128xi32, #tpu.memory_space<vmem>>
    %dma_wait3A_92 = arith.constant 0 : i32
    %dma_wait3A_93 = tpu.memref_slice %arg7[%dma_wait3A_92] : memref<10240xf32, #tpu.memory_space<vmem_shared>> -> memref<10240xf32, #tpu.memory_space<vmem_shared>>
    tpu.wait_indirect_dma semaphore(%arg8 : memref<!tpu.dma_semaphore, #tpu.memory_space<semaphore_mem>>) src(%arg5 : memref<128xf32, #tpu.memory_space<vmem>>) dst(%dma_wait3A_93 : memref<10240xf32, #tpu.memory_space<vmem_shared>>)
    %dma_wait3A_94 = arith.constant 73 : i32
    %dma_wait3A_95 = arith.constant 0 : i32
    %dma_wait3A_96 = tpu.memref_slice %arg4[%dma_wait3A_94, %dma_wait3A_95] : memref<80x128xi32, #tpu.memory_space<vmem>> -> memref<1x128xi32, #tpu.memory_space<vmem>>
    %dma_wait3A_97 = tpu.memref_squeeze %dma_wait3A_96 : memref<1x128xi32, #tpu.memory_space<vmem>> -> memref<128xi32, #tpu.memory_space<vmem>>
    %dma_wait3A_98 = arith.constant 0 : i32
    %dma_wait3A_99 = tpu.memref_slice %arg7[%dma_wait3A_98] : memref<10240xf32, #tpu.memory_space<vmem_shared>> -> memref<10240xf32, #tpu.memory_space<vmem_shared>>
    tpu.wait_indirect_dma semaphore(%arg9 : memref<!tpu.dma_semaphore, #tpu.memory_space<semaphore_mem>>) src(%arg5 : memref<128xf32, #tpu.memory_space<vmem>>) dst(%dma_wait3A_99 : memref<10240xf32, #tpu.memory_space<vmem_shared>>)
    %dma_wait3A_100 = arith.constant 74 : i32
    %dma_wait3A_101 = arith.constant 0 : i32
    %dma_wait3A_102 = tpu.memref_slice %arg4[%dma_wait3A_100, %dma_wait3A_101] : memref<80x128xi32, #tpu.memory_space<vmem>> -> memref<1x128xi32, #tpu.memory_space<vmem>>
    %dma_wait3A_103 = tpu.memref_squeeze %dma_wait3A_102 : memref<1x128xi32, #tpu.memory_space<vmem>> -> memref<128xi32, #tpu.memory_space<vmem>>
    %dma_wait3A_104 = arith.constant 0 : i32
    %dma_wait3A_105 = tpu.memref_slice %arg7[%dma_wait3A_104] : memref<10240xf32, #tpu.memory_space<vmem_shared>> -> memref<10240xf32, #tpu.memory_space<vmem_shared>>
    tpu.wait_indirect_dma semaphore(%arg10 : memref<!tpu.dma_semaphore, #tpu.memory_space<semaphore_mem>>) src(%arg5 : memref<128xf32, #tpu.memory_space<vmem>>) dst(%dma_wait3A_105 : memref<10240xf32, #tpu.memory_space<vmem_shared>>)
    %dma_wait3A_106 = arith.constant 75 : i32
    %dma_wait3A_107 = arith.constant 0 : i32
    %dma_wait3A_108 = tpu.memref_slice %arg4[%dma_wait3A_106, %dma_wait3A_107] : memref<80x128xi32, #tpu.memory_space<vmem>> -> memref<1x128xi32, #tpu.memory_space<vmem>>
    %dma_wait3A_109 = tpu.memref_squeeze %dma_wait3A_108 : memref<1x128xi32, #tpu.memory_space<vmem>> -> memref<128xi32, #tpu.memory_space<vmem>>
    %dma_wait3A_110 = arith.constant 0 : i32
    %dma_wait3A_111 = tpu.memref_slice %arg7[%dma_wait3A_110] : memref<10240xf32, #tpu.memory_space<vmem_shared>> -> memref<10240xf32, #tpu.memory_space<vmem_shared>>
    tpu.wait_indirect_dma semaphore(%arg11 : memref<!tpu.dma_semaphore, #tpu.memory_space<semaphore_mem>>) src(%arg5 : memref<128xf32, #tpu.memory_space<vmem>>) dst(%dma_wait3A_111 : memref<10240xf32, #tpu.memory_space<vmem_shared>>)
    %dma_wait3A_112 = arith.constant 76 : i32
    %dma_wait3A_113 = arith.constant 0 : i32
    %dma_wait3A_114 = tpu.memref_slice %arg4[%dma_wait3A_112, %dma_wait3A_113] : memref<80x128xi32, #tpu.memory_space<vmem>> -> memref<1x128xi32, #tpu.memory_space<vmem>>
    %dma_wait3A_115 = tpu.memref_squeeze %dma_wait3A_114 : memref<1x128xi32, #tpu.memory_space<vmem>> -> memref<128xi32, #tpu.memory_space<vmem>>
    %dma_wait3A_116 = arith.constant 0 : i32
    %dma_wait3A_117 = tpu.memref_slice %arg7[%dma_wait3A_116] : memref<10240xf32, #tpu.memory_space<vmem_shared>> -> memref<10240xf32, #tpu.memory_space<vmem_shared>>
    tpu.wait_indirect_dma semaphore(%arg12 : memref<!tpu.dma_semaphore, #tpu.memory_space<semaphore_mem>>) src(%arg5 : memref<128xf32, #tpu.memory_space<vmem>>) dst(%dma_wait3A_117 : memref<10240xf32, #tpu.memory_space<vmem_shared>>)
    %dma_wait3A_118 = arith.constant 77 : i32
    %dma_wait3A_119 = arith.constant 0 : i32
    %dma_wait3A_120 = tpu.memref_slice %arg4[%dma_wait3A_118, %dma_wait3A_119] : memref<80x128xi32, #tpu.memory_space<vmem>> -> memref<1x128xi32, #tpu.memory_space<vmem>>
    %dma_wait3A_121 = tpu.memref_squeeze %dma_wait3A_120 : memref<1x128xi32, #tpu.memory_space<vmem>> -> memref<128xi32, #tpu.memory_space<vmem>>
    %dma_wait3A_122 = arith.constant 0 : i32
    %dma_wait3A_123 = tpu.memref_slice %arg7[%dma_wait3A_122] : memref<10240xf32, #tpu.memory_space<vmem_shared>> -> memref<10240xf32, #tpu.memory_space<vmem_shared>>
    tpu.wait_indirect_dma semaphore(%arg13 : memref<!tpu.dma_semaphore, #tpu.memory_space<semaphore_mem>>) src(%arg5 : memref<128xf32, #tpu.memory_space<vmem>>) dst(%dma_wait3A_123 : memref<10240xf32, #tpu.memory_space<vmem_shared>>)
    %dma_wait3A_124 = arith.constant 78 : i32
    %dma_wait3A_125 = arith.constant 0 : i32
    %dma_wait3A_126 = tpu.memref_slice %arg4[%dma_wait3A_124, %dma_wait3A_125] : memref<80x128xi32, #tpu.memory_space<vmem>> -> memref<1x128xi32, #tpu.memory_space<vmem>>
    %dma_wait3A_127 = tpu.memref_squeeze %dma_wait3A_126 : memref<1x128xi32, #tpu.memory_space<vmem>> -> memref<128xi32, #tpu.memory_space<vmem>>
    %dma_wait3A_128 = arith.constant 0 : i32
    %dma_wait3A_129 = tpu.memref_slice %arg7[%dma_wait3A_128] : memref<10240xf32, #tpu.memory_space<vmem_shared>> -> memref<10240xf32, #tpu.memory_space<vmem_shared>>
    tpu.wait_indirect_dma semaphore(%arg14 : memref<!tpu.dma_semaphore, #tpu.memory_space<semaphore_mem>>) src(%arg5 : memref<128xf32, #tpu.memory_space<vmem>>) dst(%dma_wait3A_129 : memref<10240xf32, #tpu.memory_space<vmem_shared>>)
    %dma_wait3A_130 = arith.constant 79 : i32
    %dma_wait3A_131 = arith.constant 0 : i32
    %dma_wait3A_132 = tpu.memref_slice %arg4[%dma_wait3A_130, %dma_wait3A_131] : memref<80x128xi32, #tpu.memory_space<vmem>> -> memref<1x128xi32, #tpu.memory_space<vmem>>
    %dma_wait3A_133 = tpu.memref_squeeze %dma_wait3A_132 : memref<1x128xi32, #tpu.memory_space<vmem>> -> memref<128xi32, #tpu.memory_space<vmem>>
    %dma_wait3A_134 = arith.constant 0 : i32
    %dma_wait3A_135 = tpu.memref_slice %arg7[%dma_wait3A_134] : memref<10240xf32, #tpu.memory_space<vmem_shared>> -> memref<10240xf32, #tpu.memory_space<vmem_shared>>
    tpu.wait_indirect_dma semaphore(%arg15 : memref<!tpu.dma_semaphore, #tpu.memory_space<semaphore_mem>>) src(%arg5 : memref<128xf32, #tpu.memory_space<vmem>>) dst(%dma_wait3A_135 : memref<10240xf32, #tpu.memory_space<vmem_shared>>)
    %barrier3A_136 = arith.constant 0 : index
    tpu.barrier barrier_id(%barrier3A_136)
    %mul3A_137 = arith.constant 640 : i32
    %mul3A_138 = arith.muli %arg1, %mul3A_137 : i32
    %mul3A_139 = arith.constant 640 : i32
    %mul3A_140 = arith.muli %arg1, %mul3A_139 : i32
    "tpu.region"() ({
      %run_scoped3A = tpu.sem_alloc : memref<!tpu.dma_semaphore, #tpu.memory_space<semaphore_mem>>
      %dma_start3A_141 = tpu.memref_slice %arg3[%arg0, %mul3A_140] : memref<2x10240xf32, #tpu.memory_space<hbm>> -> memref<1x640xf32, #tpu.memory_space<hbm>>
      %dma_start3A_142 = tpu.memref_squeeze %dma_start3A_141 : memref<1x640xf32, #tpu.memory_space<hbm>> -> memref<640xf32, #tpu.memory_space<hbm>>
      %dma_start3A_143 = tpu.memref_slice %arg7[%mul3A_138] : memref<10240xf32, #tpu.memory_space<vmem_shared>> -> memref<640xf32, #tpu.memory_space<vmem_shared>>
      tpu.enqueue_dma source(%dma_start3A_143 : memref<640xf32, #tpu.memory_space<vmem_shared>>) target(%dma_start3A_142 : memref<640xf32, #tpu.memory_space<hbm>>) target_semaphore(%run_scoped3A : memref<!tpu.dma_semaphore, #tpu.memory_space<semaphore_mem>>)
      %dma_wait3A_144 = tpu.memref_slice %arg3[%arg0, %mul3A_140] : memref<2x10240xf32, #tpu.memory_space<hbm>> -> memref<1x640xf32, #tpu.memory_space<hbm>>
      %dma_wait3A_145 = tpu.memref_squeeze %dma_wait3A_144 : memref<1x640xf32, #tpu.memory_space<hbm>> -> memref<640xf32, #tpu.memory_space<hbm>>
      %dma_wait3A_146 = tpu.memref_slice %arg7[%mul3A_138] : memref<10240xf32, #tpu.memory_space<vmem_shared>> -> memref<640xf32, #tpu.memory_space<vmem_shared>>
      tpu.wait_dma2 semaphore(%run_scoped3A : memref<!tpu.dma_semaphore, #tpu.memory_space<semaphore_mem>>) src(%dma_wait3A_146 : memref<640xf32, #tpu.memory_space<vmem_shared>>) dst(%dma_wait3A_145 : memref<640xf32, #tpu.memory_space<hbm>>)
      tpu.yield
    }) : () -> ()
    return
  }
}

#map = affine_map<(d0, d1) -> (0, 0, 0)>
#map1 = affine_map<(d0, d1) -> (0, 0)>
#map2 = affine_map<(d0, d1) -> (0)>
module attributes {stable_mosaic.version = 14 : i64} {
  func.func @_agg2_kernel(%arg0: i32, %arg1: i32, %arg2: memref<32x80x128xi32, #tpu.memory_space<hbm>>, %arg3: memref<32x80x128xi32, #tpu.memory_space<hbm>>, %arg4: memref<2x10240x16xf32, #tpu.memory_space<hbm>>, %arg5: memref<10240x16xf32, #tpu.memory_space<hbm>>, %arg6: memref<2x10240xf32, #tpu.memory_space<hbm>>, %arg7: memref<16xf32, #tpu.memory_space<hbm>>, %arg8: memref<2x10240x16xf32, #tpu.memory_space<hbm>>, %arg9: memref<10240x16xf32, #tpu.memory_space<hbm>>, %arg10: memref<80x128xi32, #tpu.memory_space<vmem>>, %arg11: memref<80x128xi32, #tpu.memory_space<vmem>>, %arg12: memref<640x16xf32, #tpu.memory_space<vmem>>, %arg13: memref<640x16xf32, #tpu.memory_space<vmem>>, %arg14: memref<640x16xf32, #tpu.memory_space<vmem>>, %arg15: memref<640x16xf32, #tpu.memory_space<vmem>>, %arg16: memref<640xf32, #tpu.memory_space<vmem>>, %arg17: memref<640xf32, #tpu.memory_space<vmem>>, %arg18: memref<16xf32, #tpu.memory_space<vmem>>, %arg19: memref<10240x16xf32, #tpu.memory_space<vmem_shared>>, %arg20: memref<10240x16xf32, #tpu.memory_space<vmem_shared>>, %arg21: memref<128x16xf32, #tpu.memory_space<vmem>>, %arg22: memref<128x16xf32, #tpu.memory_space<vmem>>, %arg23: memref<128x16xf32, #tpu.memory_space<vmem>>, %arg24: memref<128x16xf32, #tpu.memory_space<vmem>>, %arg25: memref<128x16xf32, #tpu.memory_space<vmem>>, %arg26: memref<128x16xf32, #tpu.memory_space<vmem>>, %arg27: memref<128x16xf32, #tpu.memory_space<vmem>>, %arg28: memref<128x16xf32, #tpu.memory_space<vmem>>, %arg29: memref<!tpu.dma_semaphore, #tpu.memory_space<semaphore_mem>>, %arg30: memref<!tpu.dma_semaphore, #tpu.memory_space<semaphore_mem>>, %arg31: memref<!tpu.dma_semaphore, #tpu.memory_space<semaphore_mem>>, %arg32: memref<!tpu.dma_semaphore, #tpu.memory_space<semaphore_mem>>, %arg33: memref<!tpu.dma_semaphore, #tpu.memory_space<semaphore_mem>>, %arg34: memref<!tpu.dma_semaphore, #tpu.memory_space<semaphore_mem>>, %arg35: memref<!tpu.dma_semaphore, #tpu.memory_space<semaphore_mem>>, %arg36: memref<!tpu.dma_semaphore, #tpu.memory_space<semaphore_mem>>, %arg37: memref<!tpu.dma_semaphore, #tpu.memory_space<semaphore_mem>>, %arg38: memref<!tpu.dma_semaphore, #tpu.memory_space<semaphore_mem>>, %arg39: memref<!tpu.dma_semaphore, #tpu.memory_space<semaphore_mem>>, %arg40: memref<!tpu.dma_semaphore, #tpu.memory_space<semaphore_mem>>, %arg41: memref<!tpu.dma_semaphore, #tpu.memory_space<semaphore_mem>>, %arg42: memref<!tpu.dma_semaphore, #tpu.memory_space<semaphore_mem>>, %arg43: memref<!tpu.dma_semaphore, #tpu.memory_space<semaphore_mem>>, %arg44: memref<!tpu.dma_semaphore, #tpu.memory_space<semaphore_mem>>) attributes {dimension_semantics = [#tpu.dimension_semantics<core_parallel>, #tpu.dimension_semantics<subcore_parallel>], iteration_bounds = array<i64: 2, 16>, scalar_prefetch = 0 : i64, scratch_operands = 35 : i64, tpu.core_type = #tpu.core_type<sc_vector_subcore>, window_params = [{transform_indices = #map}, {transform_indices = #map}, {transform_indices = #map}, {transform_indices = #map1}, {transform_indices = #map1}, {transform_indices = #map2}, {transform_indices = #map}, {transform_indices = #map1}]} {
    %mul3A = arith.constant 2 : i32
    %mul3A_0 = arith.muli %arg1, %mul3A : i32
    %add3A = arith.addi %mul3A_0, %arg0 : i32
    %mul3A_1 = arith.constant 640 : i32
    %mul3A_2 = arith.muli %arg1, %mul3A_1 : i32
    %dma_start3A = arith.constant 0 : i32
    %dma_start3A_3 = tpu.memref_slice %arg5[%mul3A_2, %dma_start3A] : memref<10240x16xf32, #tpu.memory_space<hbm>> -> memref<640x16xf32, #tpu.memory_space<hbm>>
    %dma_start3A_4 = arith.constant 0 : i32
    %dma_start3A_5 = tpu.memref_slice %arg5[%mul3A_2, %dma_start3A_4] : memref<10240x16xf32, #tpu.memory_space<hbm>> -> memref<640x16xf32, #tpu.memory_space<hbm>>
    tpu.enqueue_dma source(%dma_start3A_5 : memref<640x16xf32, #tpu.memory_space<hbm>>) target(%arg12 : memref<640x16xf32, #tpu.memory_space<vmem>>) target_semaphore(%arg29 : memref<!tpu.dma_semaphore, #tpu.memory_space<semaphore_mem>>)
    %dma_start3A_6 = arith.constant 0 : i32
    %dma_start3A_7 = arith.constant 0 : i32
    %dma_start3A_8 = tpu.memref_slice %arg4[%dma_start3A_6, %mul3A_2, %dma_start3A_7] : memref<2x10240x16xf32, #tpu.memory_space<hbm>> -> memref<1x640x16xf32, #tpu.memory_space<hbm>>
    %dma_start3A_9 = tpu.memref_squeeze %dma_start3A_8 : memref<1x640x16xf32, #tpu.memory_space<hbm>> -> memref<640x16xf32, #tpu.memory_space<hbm>>
    %dma_start3A_10 = arith.constant 0 : i32
    %dma_start3A_11 = tpu.memref_slice %arg4[%dma_start3A_6, %mul3A_2, %dma_start3A_10] : memref<2x10240x16xf32, #tpu.memory_space<hbm>> -> memref<1x640x16xf32, #tpu.memory_space<hbm>>
    %dma_start3A_12 = tpu.memref_squeeze %dma_start3A_11 : memref<1x640x16xf32, #tpu.memory_space<hbm>> -> memref<640x16xf32, #tpu.memory_space<hbm>>
    tpu.enqueue_dma source(%dma_start3A_12 : memref<640x16xf32, #tpu.memory_space<hbm>>) target(%arg14 : memref<640x16xf32, #tpu.memory_space<vmem>>) target_semaphore(%arg30 : memref<!tpu.dma_semaphore, #tpu.memory_space<semaphore_mem>>)
    %dma_start3A_13 = arith.constant 1 : i32
    %dma_start3A_14 = arith.constant 0 : i32
    %dma_start3A_15 = tpu.memref_slice %arg4[%dma_start3A_13, %mul3A_2, %dma_start3A_14] : memref<2x10240x16xf32, #tpu.memory_space<hbm>> -> memref<1x640x16xf32, #tpu.memory_space<hbm>>
    %dma_start3A_16 = tpu.memref_squeeze %dma_start3A_15 : memref<1x640x16xf32, #tpu.memory_space<hbm>> -> memref<640x16xf32, #tpu.memory_space<hbm>>
    %dma_start3A_17 = arith.constant 0 : i32
    %dma_start3A_18 = tpu.memref_slice %arg4[%dma_start3A_13, %mul3A_2, %dma_start3A_17] : memref<2x10240x16xf32, #tpu.memory_space<hbm>> -> memref<1x640x16xf32, #tpu.memory_space<hbm>>
    %dma_start3A_19 = tpu.memref_squeeze %dma_start3A_18 : memref<1x640x16xf32, #tpu.memory_space<hbm>> -> memref<640x16xf32, #tpu.memory_space<hbm>>
    tpu.enqueue_dma source(%dma_start3A_19 : memref<640x16xf32, #tpu.memory_space<hbm>>) target(%arg15 : memref<640x16xf32, #tpu.memory_space<vmem>>) target_semaphore(%arg31 : memref<!tpu.dma_semaphore, #tpu.memory_space<semaphore_mem>>)
    %dma_start3A_20 = arith.constant 0 : i32
    %dma_start3A_21 = tpu.memref_slice %arg6[%dma_start3A_20, %mul3A_2] : memref<2x10240xf32, #tpu.memory_space<hbm>> -> memref<1x640xf32, #tpu.memory_space<hbm>>
    %dma_start3A_22 = tpu.memref_squeeze %dma_start3A_21 : memref<1x640xf32, #tpu.memory_space<hbm>> -> memref<640xf32, #tpu.memory_space<hbm>>
    %dma_start3A_23 = tpu.memref_slice %arg6[%dma_start3A_20, %mul3A_2] : memref<2x10240xf32, #tpu.memory_space<hbm>> -> memref<1x640xf32, #tpu.memory_space<hbm>>
    %dma_start3A_24 = tpu.memref_squeeze %dma_start3A_23 : memref<1x640xf32, #tpu.memory_space<hbm>> -> memref<640xf32, #tpu.memory_space<hbm>>
    tpu.enqueue_dma source(%dma_start3A_24 : memref<640xf32, #tpu.memory_space<hbm>>) target(%arg16 : memref<640xf32, #tpu.memory_space<vmem>>) target_semaphore(%arg32 : memref<!tpu.dma_semaphore, #tpu.memory_space<semaphore_mem>>)
    %dma_start3A_25 = arith.constant 1 : i32
    %dma_start3A_26 = tpu.memref_slice %arg6[%dma_start3A_25, %mul3A_2] : memref<2x10240xf32, #tpu.memory_space<hbm>> -> memref<1x640xf32, #tpu.memory_space<hbm>>
    %dma_start3A_27 = tpu.memref_squeeze %dma_start3A_26 : memref<1x640xf32, #tpu.memory_space<hbm>> -> memref<640xf32, #tpu.memory_space<hbm>>
    %dma_start3A_28 = tpu.memref_slice %arg6[%dma_start3A_25, %mul3A_2] : memref<2x10240xf32, #tpu.memory_space<hbm>> -> memref<1x640xf32, #tpu.memory_space<hbm>>
    %dma_start3A_29 = tpu.memref_squeeze %dma_start3A_28 : memref<1x640xf32, #tpu.memory_space<hbm>> -> memref<640xf32, #tpu.memory_space<hbm>>
    tpu.enqueue_dma source(%dma_start3A_29 : memref<640xf32, #tpu.memory_space<hbm>>) target(%arg17 : memref<640xf32, #tpu.memory_space<vmem>>) target_semaphore(%arg33 : memref<!tpu.dma_semaphore, #tpu.memory_space<semaphore_mem>>)
    tpu.enqueue_dma source(%arg7 : memref<16xf32, #tpu.memory_space<hbm>>) target(%arg18 : memref<16xf32, #tpu.memory_space<vmem>>) target_semaphore(%arg34 : memref<!tpu.dma_semaphore, #tpu.memory_space<semaphore_mem>>)
    %dma_start3A_30 = arith.constant 0 : i32
    %dma_start3A_31 = arith.constant 0 : i32
    %dma_start3A_32 = tpu.memref_slice %arg2[%add3A, %dma_start3A_30, %dma_start3A_31] : memref<32x80x128xi32, #tpu.memory_space<hbm>> -> memref<1x80x128xi32, #tpu.memory_space<hbm>>
    %dma_start3A_33 = tpu.memref_squeeze %dma_start3A_32 : memref<1x80x128xi32, #tpu.memory_space<hbm>> -> memref<80x128xi32, #tpu.memory_space<hbm>>
    %dma_start3A_34 = arith.constant 0 : i32
    %dma_start3A_35 = arith.constant 0 : i32
    %dma_start3A_36 = tpu.memref_slice %arg2[%add3A, %dma_start3A_34, %dma_start3A_35] : memref<32x80x128xi32, #tpu.memory_space<hbm>> -> memref<1x80x128xi32, #tpu.memory_space<hbm>>
    %dma_start3A_37 = tpu.memref_squeeze %dma_start3A_36 : memref<1x80x128xi32, #tpu.memory_space<hbm>> -> memref<80x128xi32, #tpu.memory_space<hbm>>
    tpu.enqueue_dma source(%dma_start3A_37 : memref<80x128xi32, #tpu.memory_space<hbm>>) target(%arg10 : memref<80x128xi32, #tpu.memory_space<vmem>>) target_semaphore(%arg35 : memref<!tpu.dma_semaphore, #tpu.memory_space<semaphore_mem>>)
    %dma_start3A_38 = arith.constant 0 : i32
    %dma_start3A_39 = arith.constant 0 : i32
    %dma_start3A_40 = tpu.memref_slice %arg3[%add3A, %dma_start3A_38, %dma_start3A_39] : memref<32x80x128xi32, #tpu.memory_space<hbm>> -> memref<1x80x128xi32, #tpu.memory_space<hbm>>
    %dma_start3A_41 = tpu.memref_squeeze %dma_start3A_40 : memref<1x80x128xi32, #tpu.memory_space<hbm>> -> memref<80x128xi32, #tpu.memory_space<hbm>>
    %dma_start3A_42 = arith.constant 0 : i32
    %dma_start3A_43 = arith.constant 0 : i32
    %dma_start3A_44 = tpu.memref_slice %arg3[%add3A, %dma_start3A_42, %dma_start3A_43] : memref<32x80x128xi32, #tpu.memory_space<hbm>> -> memref<1x80x128xi32, #tpu.memory_space<hbm>>
    %dma_start3A_45 = tpu.memref_squeeze %dma_start3A_44 : memref<1x80x128xi32, #tpu.memory_space<hbm>> -> memref<80x128xi32, #tpu.memory_space<hbm>>
    tpu.enqueue_dma source(%dma_start3A_45 : memref<80x128xi32, #tpu.memory_space<hbm>>) target(%arg11 : memref<80x128xi32, #tpu.memory_space<vmem>>) target_semaphore(%arg36 : memref<!tpu.dma_semaphore, #tpu.memory_space<semaphore_mem>>)
    %dma_wait3A = arith.constant 0 : i32
    %dma_wait3A_46 = tpu.memref_slice %arg5[%mul3A_2, %dma_wait3A] : memref<10240x16xf32, #tpu.memory_space<hbm>> -> memref<640x16xf32, #tpu.memory_space<hbm>>
    %dma_wait3A_47 = arith.constant 0 : i32
    %dma_wait3A_48 = tpu.memref_slice %arg5[%mul3A_2, %dma_wait3A_47] : memref<10240x16xf32, #tpu.memory_space<hbm>> -> memref<640x16xf32, #tpu.memory_space<hbm>>
    tpu.wait_dma2 semaphore(%arg29 : memref<!tpu.dma_semaphore, #tpu.memory_space<semaphore_mem>>) src(%dma_wait3A_48 : memref<640x16xf32, #tpu.memory_space<hbm>>) dst(%arg12 : memref<640x16xf32, #tpu.memory_space<vmem>>)
    %dma_wait3A_49 = arith.constant 0 : i32
    %dma_wait3A_50 = arith.constant 0 : i32
    %dma_wait3A_51 = tpu.memref_slice %arg4[%dma_wait3A_49, %mul3A_2, %dma_wait3A_50] : memref<2x10240x16xf32, #tpu.memory_space<hbm>> -> memref<1x640x16xf32, #tpu.memory_space<hbm>>
    %dma_wait3A_52 = tpu.memref_squeeze %dma_wait3A_51 : memref<1x640x16xf32, #tpu.memory_space<hbm>> -> memref<640x16xf32, #tpu.memory_space<hbm>>
    %dma_wait3A_53 = arith.constant 0 : i32
    %dma_wait3A_54 = tpu.memref_slice %arg4[%dma_wait3A_49, %mul3A_2, %dma_wait3A_53] : memref<2x10240x16xf32, #tpu.memory_space<hbm>> -> memref<1x640x16xf32, #tpu.memory_space<hbm>>
    %dma_wait3A_55 = tpu.memref_squeeze %dma_wait3A_54 : memref<1x640x16xf32, #tpu.memory_space<hbm>> -> memref<640x16xf32, #tpu.memory_space<hbm>>
    tpu.wait_dma2 semaphore(%arg30 : memref<!tpu.dma_semaphore, #tpu.memory_space<semaphore_mem>>) src(%dma_wait3A_55 : memref<640x16xf32, #tpu.memory_space<hbm>>) dst(%arg14 : memref<640x16xf32, #tpu.memory_space<vmem>>)
    %dma_wait3A_56 = arith.constant 1 : i32
    %dma_wait3A_57 = arith.constant 0 : i32
    %dma_wait3A_58 = tpu.memref_slice %arg4[%dma_wait3A_56, %mul3A_2, %dma_wait3A_57] : memref<2x10240x16xf32, #tpu.memory_space<hbm>> -> memref<1x640x16xf32, #tpu.memory_space<hbm>>
    %dma_wait3A_59 = tpu.memref_squeeze %dma_wait3A_58 : memref<1x640x16xf32, #tpu.memory_space<hbm>> -> memref<640x16xf32, #tpu.memory_space<hbm>>
    %dma_wait3A_60 = arith.constant 0 : i32
    %dma_wait3A_61 = tpu.memref_slice %arg4[%dma_wait3A_56, %mul3A_2, %dma_wait3A_60] : memref<2x10240x16xf32, #tpu.memory_space<hbm>> -> memref<1x640x16xf32, #tpu.memory_space<hbm>>
    %dma_wait3A_62 = tpu.memref_squeeze %dma_wait3A_61 : memref<1x640x16xf32, #tpu.memory_space<hbm>> -> memref<640x16xf32, #tpu.memory_space<hbm>>
    tpu.wait_dma2 semaphore(%arg31 : memref<!tpu.dma_semaphore, #tpu.memory_space<semaphore_mem>>) src(%dma_wait3A_62 : memref<640x16xf32, #tpu.memory_space<hbm>>) dst(%arg15 : memref<640x16xf32, #tpu.memory_space<vmem>>)
    %dma_wait3A_63 = arith.constant 0 : i32
    %dma_wait3A_64 = tpu.memref_slice %arg6[%dma_wait3A_63, %mul3A_2] : memref<2x10240xf32, #tpu.memory_space<hbm>> -> memref<1x640xf32, #tpu.memory_space<hbm>>
    %dma_wait3A_65 = tpu.memref_squeeze %dma_wait3A_64 : memref<1x640xf32, #tpu.memory_space<hbm>> -> memref<640xf32, #tpu.memory_space<hbm>>
    %dma_wait3A_66 = tpu.memref_slice %arg6[%dma_wait3A_63, %mul3A_2] : memref<2x10240xf32, #tpu.memory_space<hbm>> -> memref<1x640xf32, #tpu.memory_space<hbm>>
    %dma_wait3A_67 = tpu.memref_squeeze %dma_wait3A_66 : memref<1x640xf32, #tpu.memory_space<hbm>> -> memref<640xf32, #tpu.memory_space<hbm>>
    tpu.wait_dma2 semaphore(%arg32 : memref<!tpu.dma_semaphore, #tpu.memory_space<semaphore_mem>>) src(%dma_wait3A_67 : memref<640xf32, #tpu.memory_space<hbm>>) dst(%arg16 : memref<640xf32, #tpu.memory_space<vmem>>)
    %dma_wait3A_68 = arith.constant 1 : i32
    %dma_wait3A_69 = tpu.memref_slice %arg6[%dma_wait3A_68, %mul3A_2] : memref<2x10240xf32, #tpu.memory_space<hbm>> -> memref<1x640xf32, #tpu.memory_space<hbm>>
    %dma_wait3A_70 = tpu.memref_squeeze %dma_wait3A_69 : memref<1x640xf32, #tpu.memory_space<hbm>> -> memref<640xf32, #tpu.memory_space<hbm>>
    %dma_wait3A_71 = tpu.memref_slice %arg6[%dma_wait3A_68, %mul3A_2] : memref<2x10240xf32, #tpu.memory_space<hbm>> -> memref<1x640xf32, #tpu.memory_space<hbm>>
    %dma_wait3A_72 = tpu.memref_squeeze %dma_wait3A_71 : memref<1x640xf32, #tpu.memory_space<hbm>> -> memref<640xf32, #tpu.memory_space<hbm>>
    tpu.wait_dma2 semaphore(%arg33 : memref<!tpu.dma_semaphore, #tpu.memory_space<semaphore_mem>>) src(%dma_wait3A_72 : memref<640xf32, #tpu.memory_space<hbm>>) dst(%arg17 : memref<640xf32, #tpu.memory_space<vmem>>)
    tpu.wait_dma2 semaphore(%arg34 : memref<!tpu.dma_semaphore, #tpu.memory_space<semaphore_mem>>) src(%arg7 : memref<16xf32, #tpu.memory_space<hbm>>) dst(%arg18 : memref<16xf32, #tpu.memory_space<vmem>>)
    %get3A = arith.constant 0 : index
    %get3A_73 = tpu.vector_load %arg18[%get3A] {strides = array<i32>} : memref<16xf32, #tpu.memory_space<vmem>>, vector<16xf32>,
    %scan3A = arith.constant 0 : i32
    %scan3A_74 = arith.constant 40 : i32
    %scan3A_75 = arith.addi %scan3A, %scan3A_74 : i32
    %scan3A_76 = arith.constant 1 : i32
    scf.for %scan3A_331 = %scan3A to %scan3A_75 step %scan3A_76  : i32 {
      %mul3A_332 = arith.constant 1 : i32
      %mul3A_333 = arith.muli %scan3A_331, %mul3A_332 : i32
      %add3A_334 = arith.constant 0 : i32
      %add3A_335 = arith.addi %add3A_334, %mul3A_333 : i32
      %mul3A_336 = arith.constant 16 : i32
      %mul3A_337 = arith.muli %add3A_335, %mul3A_336 : i32
      %multiple_of3A = tpu.assume_multiple %mul3A_337, 16 : i32
      %get3A_338 = arith.index_cast %multiple_of3A : i32 to index
      %get3A_339 = tpu.vector_load %arg16[%get3A_338] {strides = array<i32>} : memref<640xf32, #tpu.memory_space<vmem>>, vector<16xf32>,
      %get3A_340 = arith.index_cast %multiple_of3A : i32 to index
      %get3A_341 = tpu.vector_load %arg17[%get3A_340] {strides = array<i32>} : memref<640xf32, #tpu.memory_space<vmem>>, vector<16xf32>,
      %add3A_342 = arith.addf %get3A_339, %get3A_341 : vector<16xf32>
      %add3A_343 = arith.constant 1.000000e+00 : f32
      %add3A_344 = vector.broadcast %add3A_343 : f32 to vector<16xf32>
      %add3A_345 = arith.addf %add3A_342, %add3A_344 : vector<16xf32>
      %mul3A_346 = arith.constant 5.000000e-01 : f32
      %mul3A_347 = vector.broadcast %mul3A_346 : f32 to vector<16xf32>
      %mul3A_348 = arith.mulf %add3A_345, %mul3A_347 : vector<16xf32>
      %bitcast3A = vector.bitcast %add3A_345 : vector<16xf32> to vector<16xi32>
      %shift_right_arithmetic3A = arith.constant 1 : i32
      %shift_right_arithmetic3A_349 = vector.broadcast %shift_right_arithmetic3A : i32 to vector<16xi32>
      %shift_right_arithmetic3A_350 = arith.shrsi %bitcast3A, %shift_right_arithmetic3A_349 : vector<16xi32>
      %sub3A = arith.constant 1597463007 : i32
      %sub3A_351 = vector.broadcast %sub3A : i32 to vector<16xi32>
      %sub3A_352 = arith.subi %sub3A_351, %shift_right_arithmetic3A_350 : vector<16xi32>
      %bitcast3A_353 = vector.bitcast %sub3A_352 : vector<16xi32> to vector<16xf32>
      %mul3A_354 = arith.mulf %mul3A_348, %bitcast3A_353 : vector<16xf32>
      %mul3A_355 = arith.mulf %mul3A_354, %bitcast3A_353 : vector<16xf32>
      %sub3A_356 = arith.constant 1.500000e+00 : f32
      %sub3A_357 = vector.broadcast %sub3A_356 : f32 to vector<16xf32>
      %sub3A_358 = arith.subf %sub3A_357, %mul3A_355 : vector<16xf32>
      %mul3A_359 = arith.mulf %bitcast3A_353, %sub3A_358 : vector<16xf32>
      %mul3A_360 = arith.mulf %mul3A_348, %mul3A_359 : vector<16xf32>
      %mul3A_361 = arith.mulf %mul3A_360, %mul3A_359 : vector<16xf32>
      %sub3A_362 = arith.constant 1.500000e+00 : f32
      %sub3A_363 = vector.broadcast %sub3A_362 : f32 to vector<16xf32>
      %sub3A_364 = arith.subf %sub3A_363, %mul3A_361 : vector<16xf32>
      %mul3A_365 = arith.mulf %mul3A_359, %sub3A_364 : vector<16xf32>
      %mul3A_366 = arith.mulf %mul3A_348, %mul3A_365 : vector<16xf32>
      %mul3A_367 = arith.mulf %mul3A_366, %mul3A_365 : vector<16xf32>
      %sub3A_368 = arith.constant 1.500000e+00 : f32
      %sub3A_369 = vector.broadcast %sub3A_368 : f32 to vector<16xf32>
      %sub3A_370 = arith.subf %sub3A_369, %mul3A_367 : vector<16xf32>
      %mul3A_371 = arith.mulf %mul3A_365, %sub3A_370 : vector<16xf32>
      %mul3A_372 = arith.constant 16 : i32
      %mul3A_373 = arith.muli %add3A_335, %mul3A_372 : i32
      %multiple_of3A_374 = tpu.assume_multiple %mul3A_373, 16 : i32
      %broadcast_in_dim3A = arith.constant 0 : i32
      %broadcast_in_dim3A_375 = vector.broadcast %broadcast_in_dim3A : i32 to vector<16xi32>
      %lt3A = arith.constant 0 : i32
      %lt3A_376 = vector.broadcast %lt3A : i32 to vector<16xi32>
      %lt3A_377 = arith.cmpi slt, %broadcast_in_dim3A_375, %lt3A_376 : vector<16xi32>
      %add3A_378 = arith.constant 16 : i32
      %add3A_379 = vector.broadcast %add3A_378 : i32 to vector<16xi32>
      %add3A_380 = arith.addi %broadcast_in_dim3A_375, %add3A_379 : vector<16xi32>
      %select_n3A = arith.select %lt3A_377, %add3A_380, %broadcast_in_dim3A_375 : vector<16xi1>, vector<16xi32>
      %reshape3A = vector.shape_cast %select_n3A : vector<16xi32> to vector<16x1xi32>
      %gather3A = vector.shape_cast %reshape3A : vector<16x1xi32> to vector<16xi32>
      %gather3A_381 = tpu.dynamic_gather %mul3A_371[%gather3A] in [0] : vector<16xf32>, vector<16xi32> -> vector<16xf32>
      %add3A_382 = arith.constant 0 : i32
      %add3A_383 = arith.addi %multiple_of3A_374, %add3A_382 : i32
      %get3A_384 = arith.index_cast %add3A_383 : i32 to index
      %get3A_385 = arith.constant 0 : index
      %get3A_386 = tpu.vector_load %arg14[%get3A_384, %get3A_385] {strides = array<i32>} : memref<640x16xf32, #tpu.memory_space<vmem>>, vector<16xf32>,
      %add3A_387 = arith.constant 0 : i32
      %add3A_388 = arith.addi %multiple_of3A_374, %add3A_387 : i32
      %get3A_389 = arith.index_cast %add3A_388 : i32 to index
      %get3A_390 = arith.constant 0 : index
      %get3A_391 = tpu.vector_load %arg15[%get3A_389, %get3A_390] {strides = array<i32>} : memref<640x16xf32, #tpu.memory_space<vmem>>, vector<16xf32>,
      %add3A_392 = arith.addf %get3A_386, %get3A_391 : vector<16xf32>
      %mul3A_393 = arith.mulf %gather3A_381, %add3A_392 : vector<16xf32>
      %mul3A_394 = arith.mulf %gather3A_381, %gather3A_381 : vector<16xf32>
      %add3A_395 = arith.constant 0 : i32
      %add3A_396 = arith.addi %multiple_of3A_374, %add3A_395 : i32
      %get3A_397 = arith.index_cast %add3A_396 : i32 to index
      %get3A_398 = arith.constant 0 : index
      %get3A_399 = tpu.vector_load %arg12[%get3A_397, %get3A_398] {strides = array<i32>} : memref<640x16xf32, #tpu.memory_space<vmem>>, vector<16xf32>,
      %mul3A_400 = arith.mulf %mul3A_394, %get3A_399 : vector<16xf32>
      %add3A_401 = arith.addf %mul3A_393, %mul3A_400 : vector<16xf32>
      %add3A_402 = arith.addf %add3A_401, %get3A_73 : vector<16xf32>
      %max3A = arith.constant 0.000000e+00 : f32
      %max3A_403 = vector.broadcast %max3A : f32 to vector<16xf32>
      %max3A_404 = arith.maximumf %add3A_402, %max3A_403 : vector<16xf32>
      %add3A_405 = arith.constant 0 : i32
      %add3A_406 = arith.addi %multiple_of3A_374, %add3A_405 : i32
      %swap3A = arith.index_cast %add3A_406 : i32 to index
      %swap3A_407 = arith.constant 0 : index
      %swap3A_408 = tpu.vector_load %arg13[%swap3A, %swap3A_407] {strides = array<i32>} : memref<640x16xf32, #tpu.memory_space<vmem>>, vector<16xf32>,
      tpu.vector_store %arg13[%swap3A, %swap3A_407], %max3A_404 {strides = array<i32>} : memref<640x16xf32, #tpu.memory_space<vmem>>, vector<16xf32>,
      %mul3A_409 = arith.mulf %max3A_404, %gather3A_381 : vector<16xf32>
      %add3A_410 = arith.constant 0 : i32
      %add3A_411 = arith.addi %multiple_of3A_374, %add3A_410 : i32
      %swap3A_412 = arith.index_cast %add3A_411 : i32 to index
      %swap3A_413 = arith.constant 0 : index
      %swap3A_414 = tpu.vector_load %arg12[%swap3A_412, %swap3A_413] {strides = array<i32>} : memref<640x16xf32, #tpu.memory_space<vmem>>, vector<16xf32>,
      tpu.vector_store %arg12[%swap3A_412, %swap3A_413], %mul3A_409 {strides = array<i32>} : memref<640x16xf32, #tpu.memory_space<vmem>>, vector<16xf32>,
      %broadcast_in_dim3A_415 = arith.constant 1 : i32
      %broadcast_in_dim3A_416 = vector.broadcast %broadcast_in_dim3A_415 : i32 to vector<16xi32>
      %lt3A_417 = arith.constant 0 : i32
      %lt3A_418 = vector.broadcast %lt3A_417 : i32 to vector<16xi32>
      %lt3A_419 = arith.cmpi slt, %broadcast_in_dim3A_416, %lt3A_418 : vector<16xi32>
      %add3A_420 = arith.constant 16 : i32
      %add3A_421 = vector.broadcast %add3A_420 : i32 to vector<16xi32>
      %add3A_422 = arith.addi %broadcast_in_dim3A_416, %add3A_421 : vector<16xi32>
      %select_n3A_423 = arith.select %lt3A_419, %add3A_422, %broadcast_in_dim3A_416 : vector<16xi1>, vector<16xi32>
      %reshape3A_424 = vector.shape_cast %select_n3A_423 : vector<16xi32> to vector<16x1xi32>
      %gather3A_425 = vector.shape_cast %reshape3A_424 : vector<16x1xi32> to vector<16xi32>
      %gather3A_426 = tpu.dynamic_gather %mul3A_371[%gather3A_425] in [0] : vector<16xf32>, vector<16xi32> -> vector<16xf32>
      %add3A_427 = arith.constant 1 : i32
      %add3A_428 = arith.addi %multiple_of3A_374, %add3A_427 : i32
      %get3A_429 = arith.index_cast %add3A_428 : i32 to index
      %get3A_430 = arith.constant 0 : index
      %get3A_431 = tpu.vector_load %arg14[%get3A_429, %get3A_430] {strides = array<i32>} : memref<640x16xf32, #tpu.memory_space<vmem>>, vector<16xf32>,
      %add3A_432 = arith.constant 1 : i32
      %add3A_433 = arith.addi %multiple_of3A_374, %add3A_432 : i32
      %get3A_434 = arith.index_cast %add3A_433 : i32 to index
      %get3A_435 = arith.constant 0 : index
      %get3A_436 = tpu.vector_load %arg15[%get3A_434, %get3A_435] {strides = array<i32>} : memref<640x16xf32, #tpu.memory_space<vmem>>, vector<16xf32>,
      %add3A_437 = arith.addf %get3A_431, %get3A_436 : vector<16xf32>
      %mul3A_438 = arith.mulf %gather3A_426, %add3A_437 : vector<16xf32>
      %mul3A_439 = arith.mulf %gather3A_426, %gather3A_426 : vector<16xf32>
      %add3A_440 = arith.constant 1 : i32
      %add3A_441 = arith.addi %multiple_of3A_374, %add3A_440 : i32
      %get3A_442 = arith.index_cast %add3A_441 : i32 to index
      %get3A_443 = arith.constant 0 : index
      %get3A_444 = tpu.vector_load %arg12[%get3A_442, %get3A_443] {strides = array<i32>} : memref<640x16xf32, #tpu.memory_space<vmem>>, vector<16xf32>,
      %mul3A_445 = arith.mulf %mul3A_439, %get3A_444 : vector<16xf32>
      %add3A_446 = arith.addf %mul3A_438, %mul3A_445 : vector<16xf32>
      %add3A_447 = arith.addf %add3A_446, %get3A_73 : vector<16xf32>
      %max3A_448 = arith.constant 0.000000e+00 : f32
      %max3A_449 = vector.broadcast %max3A_448 : f32 to vector<16xf32>
      %max3A_450 = arith.maximumf %add3A_447, %max3A_449 : vector<16xf32>
      %add3A_451 = arith.constant 1 : i32
      %add3A_452 = arith.addi %multiple_of3A_374, %add3A_451 : i32
      %swap3A_453 = arith.index_cast %add3A_452 : i32 to index
      %swap3A_454 = arith.constant 0 : index
      %swap3A_455 = tpu.vector_load %arg13[%swap3A_453, %swap3A_454] {strides = array<i32>} : memref<640x16xf32, #tpu.memory_space<vmem>>, vector<16xf32>,
      tpu.vector_store %arg13[%swap3A_453, %swap3A_454], %max3A_450 {strides = array<i32>} : memref<640x16xf32, #tpu.memory_space<vmem>>, vector<16xf32>,
      %mul3A_456 = arith.mulf %max3A_450, %gather3A_426 : vector<16xf32>
      %add3A_457 = arith.constant 1 : i32
      %add3A_458 = arith.addi %multiple_of3A_374, %add3A_457 : i32
      %swap3A_459 = arith.index_cast %add3A_458 : i32 to index
      %swap3A_460 = arith.constant 0 : index
      %swap3A_461 = tpu.vector_load %arg12[%swap3A_459, %swap3A_460] {strides = array<i32>} : memref<640x16xf32, #tpu.memory_space<vmem>>, vector<16xf32>,
      tpu.vector_store %arg12[%swap3A_459, %swap3A_460], %mul3A_456 {strides = array<i32>} : memref<640x16xf32, #tpu.memory_space<vmem>>, vector<16xf32>,
      %broadcast_in_dim3A_462 = arith.constant 2 : i32
      %broadcast_in_dim3A_463 = vector.broadcast %broadcast_in_dim3A_462 : i32 to vector<16xi32>
      %lt3A_464 = arith.constant 0 : i32
      %lt3A_465 = vector.broadcast %lt3A_464 : i32 to vector<16xi32>
      %lt3A_466 = arith.cmpi slt, %broadcast_in_dim3A_463, %lt3A_465 : vector<16xi32>
      %add3A_467 = arith.constant 16 : i32
      %add3A_468 = vector.broadcast %add3A_467 : i32 to vector<16xi32>
      %add3A_469 = arith.addi %broadcast_in_dim3A_463, %add3A_468 : vector<16xi32>
      %select_n3A_470 = arith.select %lt3A_466, %add3A_469, %broadcast_in_dim3A_463 : vector<16xi1>, vector<16xi32>
      %reshape3A_471 = vector.shape_cast %select_n3A_470 : vector<16xi32> to vector<16x1xi32>
      %gather3A_472 = vector.shape_cast %reshape3A_471 : vector<16x1xi32> to vector<16xi32>
      %gather3A_473 = tpu.dynamic_gather %mul3A_371[%gather3A_472] in [0] : vector<16xf32>, vector<16xi32> -> vector<16xf32>
      %add3A_474 = arith.constant 2 : i32
      %add3A_475 = arith.addi %multiple_of3A_374, %add3A_474 : i32
      %get3A_476 = arith.index_cast %add3A_475 : i32 to index
      %get3A_477 = arith.constant 0 : index
      %get3A_478 = tpu.vector_load %arg14[%get3A_476, %get3A_477] {strides = array<i32>} : memref<640x16xf32, #tpu.memory_space<vmem>>, vector<16xf32>,
      %add3A_479 = arith.constant 2 : i32
      %add3A_480 = arith.addi %multiple_of3A_374, %add3A_479 : i32
      %get3A_481 = arith.index_cast %add3A_480 : i32 to index
      %get3A_482 = arith.constant 0 : index
      %get3A_483 = tpu.vector_load %arg15[%get3A_481, %get3A_482] {strides = array<i32>} : memref<640x16xf32, #tpu.memory_space<vmem>>, vector<16xf32>,
      %add3A_484 = arith.addf %get3A_478, %get3A_483 : vector<16xf32>
      %mul3A_485 = arith.mulf %gather3A_473, %add3A_484 : vector<16xf32>
      %mul3A_486 = arith.mulf %gather3A_473, %gather3A_473 : vector<16xf32>
      %add3A_487 = arith.constant 2 : i32
      %add3A_488 = arith.addi %multiple_of3A_374, %add3A_487 : i32
      %get3A_489 = arith.index_cast %add3A_488 : i32 to index
      %get3A_490 = arith.constant 0 : index
      %get3A_491 = tpu.vector_load %arg12[%get3A_489, %get3A_490] {strides = array<i32>} : memref<640x16xf32, #tpu.memory_space<vmem>>, vector<16xf32>,
      %mul3A_492 = arith.mulf %mul3A_486, %get3A_491 : vector<16xf32>
      %add3A_493 = arith.addf %mul3A_485, %mul3A_492 : vector<16xf32>
      %add3A_494 = arith.addf %add3A_493, %get3A_73 : vector<16xf32>
      %max3A_495 = arith.constant 0.000000e+00 : f32
      %max3A_496 = vector.broadcast %max3A_495 : f32 to vector<16xf32>
      %max3A_497 = arith.maximumf %add3A_494, %max3A_496 : vector<16xf32>
      %add3A_498 = arith.constant 2 : i32
      %add3A_499 = arith.addi %multiple_of3A_374, %add3A_498 : i32
      %swap3A_500 = arith.index_cast %add3A_499 : i32 to index
      %swap3A_501 = arith.constant 0 : index
      %swap3A_502 = tpu.vector_load %arg13[%swap3A_500, %swap3A_501] {strides = array<i32>} : memref<640x16xf32, #tpu.memory_space<vmem>>, vector<16xf32>,
      tpu.vector_store %arg13[%swap3A_500, %swap3A_501], %max3A_497 {strides = array<i32>} : memref<640x16xf32, #tpu.memory_space<vmem>>, vector<16xf32>,
      %mul3A_503 = arith.mulf %max3A_497, %gather3A_473 : vector<16xf32>
      %add3A_504 = arith.constant 2 : i32
      %add3A_505 = arith.addi %multiple_of3A_374, %add3A_504 : i32
      %swap3A_506 = arith.index_cast %add3A_505 : i32 to index
      %swap3A_507 = arith.constant 0 : index
      %swap3A_508 = tpu.vector_load %arg12[%swap3A_506, %swap3A_507] {strides = array<i32>} : memref<640x16xf32, #tpu.memory_space<vmem>>, vector<16xf32>,
      tpu.vector_store %arg12[%swap3A_506, %swap3A_507], %mul3A_503 {strides = array<i32>} : memref<640x16xf32, #tpu.memory_space<vmem>>, vector<16xf32>,
      %broadcast_in_dim3A_509 = arith.constant 3 : i32
      %broadcast_in_dim3A_510 = vector.broadcast %broadcast_in_dim3A_509 : i32 to vector<16xi32>
      %lt3A_511 = arith.constant 0 : i32
      %lt3A_512 = vector.broadcast %lt3A_511 : i32 to vector<16xi32>
      %lt3A_513 = arith.cmpi slt, %broadcast_in_dim3A_510, %lt3A_512 : vector<16xi32>
      %add3A_514 = arith.constant 16 : i32
      %add3A_515 = vector.broadcast %add3A_514 : i32 to vector<16xi32>
      %add3A_516 = arith.addi %broadcast_in_dim3A_510, %add3A_515 : vector<16xi32>
      %select_n3A_517 = arith.select %lt3A_513, %add3A_516, %broadcast_in_dim3A_510 : vector<16xi1>, vector<16xi32>
      %reshape3A_518 = vector.shape_cast %select_n3A_517 : vector<16xi32> to vector<16x1xi32>
      %gather3A_519 = vector.shape_cast %reshape3A_518 : vector<16x1xi32> to vector<16xi32>
      %gather3A_520 = tpu.dynamic_gather %mul3A_371[%gather3A_519] in [0] : vector<16xf32>, vector<16xi32> -> vector<16xf32>
      %add3A_521 = arith.constant 3 : i32
      %add3A_522 = arith.addi %multiple_of3A_374, %add3A_521 : i32
      %get3A_523 = arith.index_cast %add3A_522 : i32 to index
      %get3A_524 = arith.constant 0 : index
      %get3A_525 = tpu.vector_load %arg14[%get3A_523, %get3A_524] {strides = array<i32>} : memref<640x16xf32, #tpu.memory_space<vmem>>, vector<16xf32>,
      %add3A_526 = arith.constant 3 : i32
      %add3A_527 = arith.addi %multiple_of3A_374, %add3A_526 : i32
      %get3A_528 = arith.index_cast %add3A_527 : i32 to index
      %get3A_529 = arith.constant 0 : index
      %get3A_530 = tpu.vector_load %arg15[%get3A_528, %get3A_529] {strides = array<i32>} : memref<640x16xf32, #tpu.memory_space<vmem>>, vector<16xf32>,
      %add3A_531 = arith.addf %get3A_525, %get3A_530 : vector<16xf32>
      %mul3A_532 = arith.mulf %gather3A_520, %add3A_531 : vector<16xf32>
      %mul3A_533 = arith.mulf %gather3A_520, %gather3A_520 : vector<16xf32>
      %add3A_534 = arith.constant 3 : i32
      %add3A_535 = arith.addi %multiple_of3A_374, %add3A_534 : i32
      %get3A_536 = arith.index_cast %add3A_535 : i32 to index
      %get3A_537 = arith.constant 0 : index
      %get3A_538 = tpu.vector_load %arg12[%get3A_536, %get3A_537] {strides = array<i32>} : memref<640x16xf32, #tpu.memory_space<vmem>>, vector<16xf32>,
      %mul3A_539 = arith.mulf %mul3A_533, %get3A_538 : vector<16xf32>
      %add3A_540 = arith.addf %mul3A_532, %mul3A_539 : vector<16xf32>
      %add3A_541 = arith.addf %add3A_540, %get3A_73 : vector<16xf32>
      %max3A_542 = arith.constant 0.000000e+00 : f32
      %max3A_543 = vector.broadcast %max3A_542 : f32 to vector<16xf32>
      %max3A_544 = arith.maximumf %add3A_541, %max3A_543 : vector<16xf32>
      %add3A_545 = arith.constant 3 : i32
      %add3A_546 = arith.addi %multiple_of3A_374, %add3A_545 : i32
      %swap3A_547 = arith.index_cast %add3A_546 : i32 to index
      %swap3A_548 = arith.constant 0 : index
      %swap3A_549 = tpu.vector_load %arg13[%swap3A_547, %swap3A_548] {strides = array<i32>} : memref<640x16xf32, #tpu.memory_space<vmem>>, vector<16xf32>,
      tpu.vector_store %arg13[%swap3A_547, %swap3A_548], %max3A_544 {strides = array<i32>} : memref<640x16xf32, #tpu.memory_space<vmem>>, vector<16xf32>,
      %mul3A_550 = arith.mulf %max3A_544, %gather3A_520 : vector<16xf32>
      %add3A_551 = arith.constant 3 : i32
      %add3A_552 = arith.addi %multiple_of3A_374, %add3A_551 : i32
      %swap3A_553 = arith.index_cast %add3A_552 : i32 to index
      %swap3A_554 = arith.constant 0 : index
      %swap3A_555 = tpu.vector_load %arg12[%swap3A_553, %swap3A_554] {strides = array<i32>} : memref<640x16xf32, #tpu.memory_space<vmem>>, vector<16xf32>,
      tpu.vector_store %arg12[%swap3A_553, %swap3A_554], %mul3A_550 {strides = array<i32>} : memref<640x16xf32, #tpu.memory_space<vmem>>, vector<16xf32>,
      %broadcast_in_dim3A_556 = arith.constant 4 : i32
      %broadcast_in_dim3A_557 = vector.broadcast %broadcast_in_dim3A_556 : i32 to vector<16xi32>
      %lt3A_558 = arith.constant 0 : i32
      %lt3A_559 = vector.broadcast %lt3A_558 : i32 to vector<16xi32>
      %lt3A_560 = arith.cmpi slt, %broadcast_in_dim3A_557, %lt3A_559 : vector<16xi32>
      %add3A_561 = arith.constant 16 : i32
      %add3A_562 = vector.broadcast %add3A_561 : i32 to vector<16xi32>
      %add3A_563 = arith.addi %broadcast_in_dim3A_557, %add3A_562 : vector<16xi32>
      %select_n3A_564 = arith.select %lt3A_560, %add3A_563, %broadcast_in_dim3A_557 : vector<16xi1>, vector<16xi32>
      %reshape3A_565 = vector.shape_cast %select_n3A_564 : vector<16xi32> to vector<16x1xi32>
      %gather3A_566 = vector.shape_cast %reshape3A_565 : vector<16x1xi32> to vector<16xi32>
      %gather3A_567 = tpu.dynamic_gather %mul3A_371[%gather3A_566] in [0] : vector<16xf32>, vector<16xi32> -> vector<16xf32>
      %add3A_568 = arith.constant 4 : i32
      %add3A_569 = arith.addi %multiple_of3A_374, %add3A_568 : i32
      %get3A_570 = arith.index_cast %add3A_569 : i32 to index
      %get3A_571 = arith.constant 0 : index
      %get3A_572 = tpu.vector_load %arg14[%get3A_570, %get3A_571] {strides = array<i32>} : memref<640x16xf32, #tpu.memory_space<vmem>>, vector<16xf32>,
      %add3A_573 = arith.constant 4 : i32
      %add3A_574 = arith.addi %multiple_of3A_374, %add3A_573 : i32
      %get3A_575 = arith.index_cast %add3A_574 : i32 to index
      %get3A_576 = arith.constant 0 : index
      %get3A_577 = tpu.vector_load %arg15[%get3A_575, %get3A_576] {strides = array<i32>} : memref<640x16xf32, #tpu.memory_space<vmem>>, vector<16xf32>,
      %add3A_578 = arith.addf %get3A_572, %get3A_577 : vector<16xf32>
      %mul3A_579 = arith.mulf %gather3A_567, %add3A_578 : vector<16xf32>
      %mul3A_580 = arith.mulf %gather3A_567, %gather3A_567 : vector<16xf32>
      %add3A_581 = arith.constant 4 : i32
      %add3A_582 = arith.addi %multiple_of3A_374, %add3A_581 : i32
      %get3A_583 = arith.index_cast %add3A_582 : i32 to index
      %get3A_584 = arith.constant 0 : index
      %get3A_585 = tpu.vector_load %arg12[%get3A_583, %get3A_584] {strides = array<i32>} : memref<640x16xf32, #tpu.memory_space<vmem>>, vector<16xf32>,
      %mul3A_586 = arith.mulf %mul3A_580, %get3A_585 : vector<16xf32>
      %add3A_587 = arith.addf %mul3A_579, %mul3A_586 : vector<16xf32>
      %add3A_588 = arith.addf %add3A_587, %get3A_73 : vector<16xf32>
      %max3A_589 = arith.constant 0.000000e+00 : f32
      %max3A_590 = vector.broadcast %max3A_589 : f32 to vector<16xf32>
      %max3A_591 = arith.maximumf %add3A_588, %max3A_590 : vector<16xf32>
      %add3A_592 = arith.constant 4 : i32
      %add3A_593 = arith.addi %multiple_of3A_374, %add3A_592 : i32
      %swap3A_594 = arith.index_cast %add3A_593 : i32 to index
      %swap3A_595 = arith.constant 0 : index
      %swap3A_596 = tpu.vector_load %arg13[%swap3A_594, %swap3A_595] {strides = array<i32>} : memref<640x16xf32, #tpu.memory_space<vmem>>, vector<16xf32>,
      tpu.vector_store %arg13[%swap3A_594, %swap3A_595], %max3A_591 {strides = array<i32>} : memref<640x16xf32, #tpu.memory_space<vmem>>, vector<16xf32>,
      %mul3A_597 = arith.mulf %max3A_591, %gather3A_567 : vector<16xf32>
      %add3A_598 = arith.constant 4 : i32
      %add3A_599 = arith.addi %multiple_of3A_374, %add3A_598 : i32
      %swap3A_600 = arith.index_cast %add3A_599 : i32 to index
      %swap3A_601 = arith.constant 0 : index
      %swap3A_602 = tpu.vector_load %arg12[%swap3A_600, %swap3A_601] {strides = array<i32>} : memref<640x16xf32, #tpu.memory_space<vmem>>, vector<16xf32>,
      tpu.vector_store %arg12[%swap3A_600, %swap3A_601], %mul3A_597 {strides = array<i32>} : memref<640x16xf32, #tpu.memory_space<vmem>>, vector<16xf32>,
      %broadcast_in_dim3A_603 = arith.constant 5 : i32
      %broadcast_in_dim3A_604 = vector.broadcast %broadcast_in_dim3A_603 : i32 to vector<16xi32>
      %lt3A_605 = arith.constant 0 : i32
      %lt3A_606 = vector.broadcast %lt3A_605 : i32 to vector<16xi32>
      %lt3A_607 = arith.cmpi slt, %broadcast_in_dim3A_604, %lt3A_606 : vector<16xi32>
      %add3A_608 = arith.constant 16 : i32
      %add3A_609 = vector.broadcast %add3A_608 : i32 to vector<16xi32>
      %add3A_610 = arith.addi %broadcast_in_dim3A_604, %add3A_609 : vector<16xi32>
      %select_n3A_611 = arith.select %lt3A_607, %add3A_610, %broadcast_in_dim3A_604 : vector<16xi1>, vector<16xi32>
      %reshape3A_612 = vector.shape_cast %select_n3A_611 : vector<16xi32> to vector<16x1xi32>
      %gather3A_613 = vector.shape_cast %reshape3A_612 : vector<16x1xi32> to vector<16xi32>
      %gather3A_614 = tpu.dynamic_gather %mul3A_371[%gather3A_613] in [0] : vector<16xf32>, vector<16xi32> -> vector<16xf32>
      %add3A_615 = arith.constant 5 : i32
      %add3A_616 = arith.addi %multiple_of3A_374, %add3A_615 : i32
      %get3A_617 = arith.index_cast %add3A_616 : i32 to index
      %get3A_618 = arith.constant 0 : index
      %get3A_619 = tpu.vector_load %arg14[%get3A_617, %get3A_618] {strides = array<i32>} : memref<640x16xf32, #tpu.memory_space<vmem>>, vector<16xf32>,
      %add3A_620 = arith.constant 5 : i32
      %add3A_621 = arith.addi %multiple_of3A_374, %add3A_620 : i32
      %get3A_622 = arith.index_cast %add3A_621 : i32 to index
      %get3A_623 = arith.constant 0 : index
      %get3A_624 = tpu.vector_load %arg15[%get3A_622, %get3A_623] {strides = array<i32>} : memref<640x16xf32, #tpu.memory_space<vmem>>, vector<16xf32>,
      %add3A_625 = arith.addf %get3A_619, %get3A_624 : vector<16xf32>
      %mul3A_626 = arith.mulf %gather3A_614, %add3A_625 : vector<16xf32>
      %mul3A_627 = arith.mulf %gather3A_614, %gather3A_614 : vector<16xf32>
      %add3A_628 = arith.constant 5 : i32
      %add3A_629 = arith.addi %multiple_of3A_374, %add3A_628 : i32
      %get3A_630 = arith.index_cast %add3A_629 : i32 to index
      %get3A_631 = arith.constant 0 : index
      %get3A_632 = tpu.vector_load %arg12[%get3A_630, %get3A_631] {strides = array<i32>} : memref<640x16xf32, #tpu.memory_space<vmem>>, vector<16xf32>,
      %mul3A_633 = arith.mulf %mul3A_627, %get3A_632 : vector<16xf32>
      %add3A_634 = arith.addf %mul3A_626, %mul3A_633 : vector<16xf32>
      %add3A_635 = arith.addf %add3A_634, %get3A_73 : vector<16xf32>
      %max3A_636 = arith.constant 0.000000e+00 : f32
      %max3A_637 = vector.broadcast %max3A_636 : f32 to vector<16xf32>
      %max3A_638 = arith.maximumf %add3A_635, %max3A_637 : vector<16xf32>
      %add3A_639 = arith.constant 5 : i32
      %add3A_640 = arith.addi %multiple_of3A_374, %add3A_639 : i32
      %swap3A_641 = arith.index_cast %add3A_640 : i32 to index
      %swap3A_642 = arith.constant 0 : index
      %swap3A_643 = tpu.vector_load %arg13[%swap3A_641, %swap3A_642] {strides = array<i32>} : memref<640x16xf32, #tpu.memory_space<vmem>>, vector<16xf32>,
      tpu.vector_store %arg13[%swap3A_641, %swap3A_642], %max3A_638 {strides = array<i32>} : memref<640x16xf32, #tpu.memory_space<vmem>>, vector<16xf32>,
      %mul3A_644 = arith.mulf %max3A_638, %gather3A_614 : vector<16xf32>
      %add3A_645 = arith.constant 5 : i32
      %add3A_646 = arith.addi %multiple_of3A_374, %add3A_645 : i32
      %swap3A_647 = arith.index_cast %add3A_646 : i32 to index
      %swap3A_648 = arith.constant 0 : index
      %swap3A_649 = tpu.vector_load %arg12[%swap3A_647, %swap3A_648] {strides = array<i32>} : memref<640x16xf32, #tpu.memory_space<vmem>>, vector<16xf32>,
      tpu.vector_store %arg12[%swap3A_647, %swap3A_648], %mul3A_644 {strides = array<i32>} : memref<640x16xf32, #tpu.memory_space<vmem>>, vector<16xf32>,
      %broadcast_in_dim3A_650 = arith.constant 6 : i32
      %broadcast_in_dim3A_651 = vector.broadcast %broadcast_in_dim3A_650 : i32 to vector<16xi32>
      %lt3A_652 = arith.constant 0 : i32
      %lt3A_653 = vector.broadcast %lt3A_652 : i32 to vector<16xi32>
      %lt3A_654 = arith.cmpi slt, %broadcast_in_dim3A_651, %lt3A_653 : vector<16xi32>
      %add3A_655 = arith.constant 16 : i32
      %add3A_656 = vector.broadcast %add3A_655 : i32 to vector<16xi32>
      %add3A_657 = arith.addi %broadcast_in_dim3A_651, %add3A_656 : vector<16xi32>
      %select_n3A_658 = arith.select %lt3A_654, %add3A_657, %broadcast_in_dim3A_651 : vector<16xi1>, vector<16xi32>
      %reshape3A_659 = vector.shape_cast %select_n3A_658 : vector<16xi32> to vector<16x1xi32>
      %gather3A_660 = vector.shape_cast %reshape3A_659 : vector<16x1xi32> to vector<16xi32>
      %gather3A_661 = tpu.dynamic_gather %mul3A_371[%gather3A_660] in [0] : vector<16xf32>, vector<16xi32> -> vector<16xf32>
      %add3A_662 = arith.constant 6 : i32
      %add3A_663 = arith.addi %multiple_of3A_374, %add3A_662 : i32
      %get3A_664 = arith.index_cast %add3A_663 : i32 to index
      %get3A_665 = arith.constant 0 : index
      %get3A_666 = tpu.vector_load %arg14[%get3A_664, %get3A_665] {strides = array<i32>} : memref<640x16xf32, #tpu.memory_space<vmem>>, vector<16xf32>,
      %add3A_667 = arith.constant 6 : i32
      %add3A_668 = arith.addi %multiple_of3A_374, %add3A_667 : i32
      %get3A_669 = arith.index_cast %add3A_668 : i32 to index
      %get3A_670 = arith.constant 0 : index
      %get3A_671 = tpu.vector_load %arg15[%get3A_669, %get3A_670] {strides = array<i32>} : memref<640x16xf32, #tpu.memory_space<vmem>>, vector<16xf32>,
      %add3A_672 = arith.addf %get3A_666, %get3A_671 : vector<16xf32>
      %mul3A_673 = arith.mulf %gather3A_661, %add3A_672 : vector<16xf32>
      %mul3A_674 = arith.mulf %gather3A_661, %gather3A_661 : vector<16xf32>
      %add3A_675 = arith.constant 6 : i32
      %add3A_676 = arith.addi %multiple_of3A_374, %add3A_675 : i32
      %get3A_677 = arith.index_cast %add3A_676 : i32 to index
      %get3A_678 = arith.constant 0 : index
      %get3A_679 = tpu.vector_load %arg12[%get3A_677, %get3A_678] {strides = array<i32>} : memref<640x16xf32, #tpu.memory_space<vmem>>, vector<16xf32>,
      %mul3A_680 = arith.mulf %mul3A_674, %get3A_679 : vector<16xf32>
      %add3A_681 = arith.addf %mul3A_673, %mul3A_680 : vector<16xf32>
      %add3A_682 = arith.addf %add3A_681, %get3A_73 : vector<16xf32>
      %max3A_683 = arith.constant 0.000000e+00 : f32
      %max3A_684 = vector.broadcast %max3A_683 : f32 to vector<16xf32>
      %max3A_685 = arith.maximumf %add3A_682, %max3A_684 : vector<16xf32>
      %add3A_686 = arith.constant 6 : i32
      %add3A_687 = arith.addi %multiple_of3A_374, %add3A_686 : i32
      %swap3A_688 = arith.index_cast %add3A_687 : i32 to index
      %swap3A_689 = arith.constant 0 : index
      %swap3A_690 = tpu.vector_load %arg13[%swap3A_688, %swap3A_689] {strides = array<i32>} : memref<640x16xf32, #tpu.memory_space<vmem>>, vector<16xf32>,
      tpu.vector_store %arg13[%swap3A_688, %swap3A_689], %max3A_685 {strides = array<i32>} : memref<640x16xf32, #tpu.memory_space<vmem>>, vector<16xf32>,
      %mul3A_691 = arith.mulf %max3A_685, %gather3A_661 : vector<16xf32>
      %add3A_692 = arith.constant 6 : i32
      %add3A_693 = arith.addi %multiple_of3A_374, %add3A_692 : i32
      %swap3A_694 = arith.index_cast %add3A_693 : i32 to index
      %swap3A_695 = arith.constant 0 : index
      %swap3A_696 = tpu.vector_load %arg12[%swap3A_694, %swap3A_695] {strides = array<i32>} : memref<640x16xf32, #tpu.memory_space<vmem>>, vector<16xf32>,
      tpu.vector_store %arg12[%swap3A_694, %swap3A_695], %mul3A_691 {strides = array<i32>} : memref<640x16xf32, #tpu.memory_space<vmem>>, vector<16xf32>,
      %broadcast_in_dim3A_697 = arith.constant 7 : i32
      %broadcast_in_dim3A_698 = vector.broadcast %broadcast_in_dim3A_697 : i32 to vector<16xi32>
      %lt3A_699 = arith.constant 0 : i32
      %lt3A_700 = vector.broadcast %lt3A_699 : i32 to vector<16xi32>
      %lt3A_701 = arith.cmpi slt, %broadcast_in_dim3A_698, %lt3A_700 : vector<16xi32>
      %add3A_702 = arith.constant 16 : i32
      %add3A_703 = vector.broadcast %add3A_702 : i32 to vector<16xi32>
      %add3A_704 = arith.addi %broadcast_in_dim3A_698, %add3A_703 : vector<16xi32>
      %select_n3A_705 = arith.select %lt3A_701, %add3A_704, %broadcast_in_dim3A_698 : vector<16xi1>, vector<16xi32>
      %reshape3A_706 = vector.shape_cast %select_n3A_705 : vector<16xi32> to vector<16x1xi32>
      %gather3A_707 = vector.shape_cast %reshape3A_706 : vector<16x1xi32> to vector<16xi32>
      %gather3A_708 = tpu.dynamic_gather %mul3A_371[%gather3A_707] in [0] : vector<16xf32>, vector<16xi32> -> vector<16xf32>
      %add3A_709 = arith.constant 7 : i32
      %add3A_710 = arith.addi %multiple_of3A_374, %add3A_709 : i32
      %get3A_711 = arith.index_cast %add3A_710 : i32 to index
      %get3A_712 = arith.constant 0 : index
      %get3A_713 = tpu.vector_load %arg14[%get3A_711, %get3A_712] {strides = array<i32>} : memref<640x16xf32, #tpu.memory_space<vmem>>, vector<16xf32>,
      %add3A_714 = arith.constant 7 : i32
      %add3A_715 = arith.addi %multiple_of3A_374, %add3A_714 : i32
      %get3A_716 = arith.index_cast %add3A_715 : i32 to index
      %get3A_717 = arith.constant 0 : index
      %get3A_718 = tpu.vector_load %arg15[%get3A_716, %get3A_717] {strides = array<i32>} : memref<640x16xf32, #tpu.memory_space<vmem>>, vector<16xf32>,
      %add3A_719 = arith.addf %get3A_713, %get3A_718 : vector<16xf32>
      %mul3A_720 = arith.mulf %gather3A_708, %add3A_719 : vector<16xf32>
      %mul3A_721 = arith.mulf %gather3A_708, %gather3A_708 : vector<16xf32>
      %add3A_722 = arith.constant 7 : i32
      %add3A_723 = arith.addi %multiple_of3A_374, %add3A_722 : i32
      %get3A_724 = arith.index_cast %add3A_723 : i32 to index
      %get3A_725 = arith.constant 0 : index
      %get3A_726 = tpu.vector_load %arg12[%get3A_724, %get3A_725] {strides = array<i32>} : memref<640x16xf32, #tpu.memory_space<vmem>>, vector<16xf32>,
      %mul3A_727 = arith.mulf %mul3A_721, %get3A_726 : vector<16xf32>
      %add3A_728 = arith.addf %mul3A_720, %mul3A_727 : vector<16xf32>
      %add3A_729 = arith.addf %add3A_728, %get3A_73 : vector<16xf32>
      %max3A_730 = arith.constant 0.000000e+00 : f32
      %max3A_731 = vector.broadcast %max3A_730 : f32 to vector<16xf32>
      %max3A_732 = arith.maximumf %add3A_729, %max3A_731 : vector<16xf32>
      %add3A_733 = arith.constant 7 : i32
      %add3A_734 = arith.addi %multiple_of3A_374, %add3A_733 : i32
      %swap3A_735 = arith.index_cast %add3A_734 : i32 to index
      %swap3A_736 = arith.constant 0 : index
      %swap3A_737 = tpu.vector_load %arg13[%swap3A_735, %swap3A_736] {strides = array<i32>} : memref<640x16xf32, #tpu.memory_space<vmem>>, vector<16xf32>,
      tpu.vector_store %arg13[%swap3A_735, %swap3A_736], %max3A_732 {strides = array<i32>} : memref<640x16xf32, #tpu.memory_space<vmem>>, vector<16xf32>,
      %mul3A_738 = arith.mulf %max3A_732, %gather3A_708 : vector<16xf32>
      %add3A_739 = arith.constant 7 : i32
      %add3A_740 = arith.addi %multiple_of3A_374, %add3A_739 : i32
      %swap3A_741 = arith.index_cast %add3A_740 : i32 to index
      %swap3A_742 = arith.constant 0 : index
      %swap3A_743 = tpu.vector_load %arg12[%swap3A_741, %swap3A_742] {strides = array<i32>} : memref<640x16xf32, #tpu.memory_space<vmem>>, vector<16xf32>,
      tpu.vector_store %arg12[%swap3A_741, %swap3A_742], %mul3A_738 {strides = array<i32>} : memref<640x16xf32, #tpu.memory_space<vmem>>, vector<16xf32>,
      %broadcast_in_dim3A_744 = arith.constant 8 : i32
      %broadcast_in_dim3A_745 = vector.broadcast %broadcast_in_dim3A_744 : i32 to vector<16xi32>
      %lt3A_746 = arith.constant 0 : i32
      %lt3A_747 = vector.broadcast %lt3A_746 : i32 to vector<16xi32>
      %lt3A_748 = arith.cmpi slt, %broadcast_in_dim3A_745, %lt3A_747 : vector<16xi32>
      %add3A_749 = arith.constant 16 : i32
      %add3A_750 = vector.broadcast %add3A_749 : i32 to vector<16xi32>
      %add3A_751 = arith.addi %broadcast_in_dim3A_745, %add3A_750 : vector<16xi32>
      %select_n3A_752 = arith.select %lt3A_748, %add3A_751, %broadcast_in_dim3A_745 : vector<16xi1>, vector<16xi32>
      %reshape3A_753 = vector.shape_cast %select_n3A_752 : vector<16xi32> to vector<16x1xi32>
      %gather3A_754 = vector.shape_cast %reshape3A_753 : vector<16x1xi32> to vector<16xi32>
      %gather3A_755 = tpu.dynamic_gather %mul3A_371[%gather3A_754] in [0] : vector<16xf32>, vector<16xi32> -> vector<16xf32>
      %add3A_756 = arith.constant 8 : i32
      %add3A_757 = arith.addi %multiple_of3A_374, %add3A_756 : i32
      %get3A_758 = arith.index_cast %add3A_757 : i32 to index
      %get3A_759 = arith.constant 0 : index
      %get3A_760 = tpu.vector_load %arg14[%get3A_758, %get3A_759] {strides = array<i32>} : memref<640x16xf32, #tpu.memory_space<vmem>>, vector<16xf32>,
      %add3A_761 = arith.constant 8 : i32
      %add3A_762 = arith.addi %multiple_of3A_374, %add3A_761 : i32
      %get3A_763 = arith.index_cast %add3A_762 : i32 to index
      %get3A_764 = arith.constant 0 : index
      %get3A_765 = tpu.vector_load %arg15[%get3A_763, %get3A_764] {strides = array<i32>} : memref<640x16xf32, #tpu.memory_space<vmem>>, vector<16xf32>,
      %add3A_766 = arith.addf %get3A_760, %get3A_765 : vector<16xf32>
      %mul3A_767 = arith.mulf %gather3A_755, %add3A_766 : vector<16xf32>
      %mul3A_768 = arith.mulf %gather3A_755, %gather3A_755 : vector<16xf32>
      %add3A_769 = arith.constant 8 : i32
      %add3A_770 = arith.addi %multiple_of3A_374, %add3A_769 : i32
      %get3A_771 = arith.index_cast %add3A_770 : i32 to index
      %get3A_772 = arith.constant 0 : index
      %get3A_773 = tpu.vector_load %arg12[%get3A_771, %get3A_772] {strides = array<i32>} : memref<640x16xf32, #tpu.memory_space<vmem>>, vector<16xf32>,
      %mul3A_774 = arith.mulf %mul3A_768, %get3A_773 : vector<16xf32>
      %add3A_775 = arith.addf %mul3A_767, %mul3A_774 : vector<16xf32>
      %add3A_776 = arith.addf %add3A_775, %get3A_73 : vector<16xf32>
      %max3A_777 = arith.constant 0.000000e+00 : f32
      %max3A_778 = vector.broadcast %max3A_777 : f32 to vector<16xf32>
      %max3A_779 = arith.maximumf %add3A_776, %max3A_778 : vector<16xf32>
      %add3A_780 = arith.constant 8 : i32
      %add3A_781 = arith.addi %multiple_of3A_374, %add3A_780 : i32
      %swap3A_782 = arith.index_cast %add3A_781 : i32 to index
      %swap3A_783 = arith.constant 0 : index
      %swap3A_784 = tpu.vector_load %arg13[%swap3A_782, %swap3A_783] {strides = array<i32>} : memref<640x16xf32, #tpu.memory_space<vmem>>, vector<16xf32>,
      tpu.vector_store %arg13[%swap3A_782, %swap3A_783], %max3A_779 {strides = array<i32>} : memref<640x16xf32, #tpu.memory_space<vmem>>, vector<16xf32>,
      %mul3A_785 = arith.mulf %max3A_779, %gather3A_755 : vector<16xf32>
      %add3A_786 = arith.constant 8 : i32
      %add3A_787 = arith.addi %multiple_of3A_374, %add3A_786 : i32
      %swap3A_788 = arith.index_cast %add3A_787 : i32 to index
      %swap3A_789 = arith.constant 0 : index
      %swap3A_790 = tpu.vector_load %arg12[%swap3A_788, %swap3A_789] {strides = array<i32>} : memref<640x16xf32, #tpu.memory_space<vmem>>, vector<16xf32>,
      tpu.vector_store %arg12[%swap3A_788, %swap3A_789], %mul3A_785 {strides = array<i32>} : memref<640x16xf32, #tpu.memory_space<vmem>>, vector<16xf32>,
      %broadcast_in_dim3A_791 = arith.constant 9 : i32
      %broadcast_in_dim3A_792 = vector.broadcast %broadcast_in_dim3A_791 : i32 to vector<16xi32>
      %lt3A_793 = arith.constant 0 : i32
      %lt3A_794 = vector.broadcast %lt3A_793 : i32 to vector<16xi32>
      %lt3A_795 = arith.cmpi slt, %broadcast_in_dim3A_792, %lt3A_794 : vector<16xi32>
      %add3A_796 = arith.constant 16 : i32
      %add3A_797 = vector.broadcast %add3A_796 : i32 to vector<16xi32>
      %add3A_798 = arith.addi %broadcast_in_dim3A_792, %add3A_797 : vector<16xi32>
      %select_n3A_799 = arith.select %lt3A_795, %add3A_798, %broadcast_in_dim3A_792 : vector<16xi1>, vector<16xi32>
      %reshape3A_800 = vector.shape_cast %select_n3A_799 : vector<16xi32> to vector<16x1xi32>
      %gather3A_801 = vector.shape_cast %reshape3A_800 : vector<16x1xi32> to vector<16xi32>
      %gather3A_802 = tpu.dynamic_gather %mul3A_371[%gather3A_801] in [0] : vector<16xf32>, vector<16xi32> -> vector<16xf32>
      %add3A_803 = arith.constant 9 : i32
      %add3A_804 = arith.addi %multiple_of3A_374, %add3A_803 : i32
      %get3A_805 = arith.index_cast %add3A_804 : i32 to index
      %get3A_806 = arith.constant 0 : index
      %get3A_807 = tpu.vector_load %arg14[%get3A_805, %get3A_806] {strides = array<i32>} : memref<640x16xf32, #tpu.memory_space<vmem>>, vector<16xf32>,
      %add3A_808 = arith.constant 9 : i32
      %add3A_809 = arith.addi %multiple_of3A_374, %add3A_808 : i32
      %get3A_810 = arith.index_cast %add3A_809 : i32 to index
      %get3A_811 = arith.constant 0 : index
      %get3A_812 = tpu.vector_load %arg15[%get3A_810, %get3A_811] {strides = array<i32>} : memref<640x16xf32, #tpu.memory_space<vmem>>, vector<16xf32>,
      %add3A_813 = arith.addf %get3A_807, %get3A_812 : vector<16xf32>
      %mul3A_814 = arith.mulf %gather3A_802, %add3A_813 : vector<16xf32>
      %mul3A_815 = arith.mulf %gather3A_802, %gather3A_802 : vector<16xf32>
      %add3A_816 = arith.constant 9 : i32
      %add3A_817 = arith.addi %multiple_of3A_374, %add3A_816 : i32
      %get3A_818 = arith.index_cast %add3A_817 : i32 to index
      %get3A_819 = arith.constant 0 : index
      %get3A_820 = tpu.vector_load %arg12[%get3A_818, %get3A_819] {strides = array<i32>} : memref<640x16xf32, #tpu.memory_space<vmem>>, vector<16xf32>,
      %mul3A_821 = arith.mulf %mul3A_815, %get3A_820 : vector<16xf32>
      %add3A_822 = arith.addf %mul3A_814, %mul3A_821 : vector<16xf32>
      %add3A_823 = arith.addf %add3A_822, %get3A_73 : vector<16xf32>
      %max3A_824 = arith.constant 0.000000e+00 : f32
      %max3A_825 = vector.broadcast %max3A_824 : f32 to vector<16xf32>
      %max3A_826 = arith.maximumf %add3A_823, %max3A_825 : vector<16xf32>
      %add3A_827 = arith.constant 9 : i32
      %add3A_828 = arith.addi %multiple_of3A_374, %add3A_827 : i32
      %swap3A_829 = arith.index_cast %add3A_828 : i32 to index
      %swap3A_830 = arith.constant 0 : index
      %swap3A_831 = tpu.vector_load %arg13[%swap3A_829, %swap3A_830] {strides = array<i32>} : memref<640x16xf32, #tpu.memory_space<vmem>>, vector<16xf32>,
      tpu.vector_store %arg13[%swap3A_829, %swap3A_830], %max3A_826 {strides = array<i32>} : memref<640x16xf32, #tpu.memory_space<vmem>>, vector<16xf32>,
      %mul3A_832 = arith.mulf %max3A_826, %gather3A_802 : vector<16xf32>
      %add3A_833 = arith.constant 9 : i32
      %add3A_834 = arith.addi %multiple_of3A_374, %add3A_833 : i32
      %swap3A_835 = arith.index_cast %add3A_834 : i32 to index
      %swap3A_836 = arith.constant 0 : index
      %swap3A_837 = tpu.vector_load %arg12[%swap3A_835, %swap3A_836] {strides = array<i32>} : memref<640x16xf32, #tpu.memory_space<vmem>>, vector<16xf32>,
      tpu.vector_store %arg12[%swap3A_835, %swap3A_836], %mul3A_832 {strides = array<i32>} : memref<640x16xf32, #tpu.memory_space<vmem>>, vector<16xf32>,
      %broadcast_in_dim3A_838 = arith.constant 10 : i32
      %broadcast_in_dim3A_839 = vector.broadcast %broadcast_in_dim3A_838 : i32 to vector<16xi32>
      %lt3A_840 = arith.constant 0 : i32
      %lt3A_841 = vector.broadcast %lt3A_840 : i32 to vector<16xi32>
      %lt3A_842 = arith.cmpi slt, %broadcast_in_dim3A_839, %lt3A_841 : vector<16xi32>
      %add3A_843 = arith.constant 16 : i32
      %add3A_844 = vector.broadcast %add3A_843 : i32 to vector<16xi32>
      %add3A_845 = arith.addi %broadcast_in_dim3A_839, %add3A_844 : vector<16xi32>
      %select_n3A_846 = arith.select %lt3A_842, %add3A_845, %broadcast_in_dim3A_839 : vector<16xi1>, vector<16xi32>
      %reshape3A_847 = vector.shape_cast %select_n3A_846 : vector<16xi32> to vector<16x1xi32>
      %gather3A_848 = vector.shape_cast %reshape3A_847 : vector<16x1xi32> to vector<16xi32>
      %gather3A_849 = tpu.dynamic_gather %mul3A_371[%gather3A_848] in [0] : vector<16xf32>, vector<16xi32> -> vector<16xf32>
      %add3A_850 = arith.constant 10 : i32
      %add3A_851 = arith.addi %multiple_of3A_374, %add3A_850 : i32
      %get3A_852 = arith.index_cast %add3A_851 : i32 to index
      %get3A_853 = arith.constant 0 : index
      %get3A_854 = tpu.vector_load %arg14[%get3A_852, %get3A_853] {strides = array<i32>} : memref<640x16xf32, #tpu.memory_space<vmem>>, vector<16xf32>,
      %add3A_855 = arith.constant 10 : i32
      %add3A_856 = arith.addi %multiple_of3A_374, %add3A_855 : i32
      %get3A_857 = arith.index_cast %add3A_856 : i32 to index
      %get3A_858 = arith.constant 0 : index
      %get3A_859 = tpu.vector_load %arg15[%get3A_857, %get3A_858] {strides = array<i32>} : memref<640x16xf32, #tpu.memory_space<vmem>>, vector<16xf32>,
      %add3A_860 = arith.addf %get3A_854, %get3A_859 : vector<16xf32>
      %mul3A_861 = arith.mulf %gather3A_849, %add3A_860 : vector<16xf32>
      %mul3A_862 = arith.mulf %gather3A_849, %gather3A_849 : vector<16xf32>
      %add3A_863 = arith.constant 10 : i32
      %add3A_864 = arith.addi %multiple_of3A_374, %add3A_863 : i32
      %get3A_865 = arith.index_cast %add3A_864 : i32 to index
      %get3A_866 = arith.constant 0 : index
      %get3A_867 = tpu.vector_load %arg12[%get3A_865, %get3A_866] {strides = array<i32>} : memref<640x16xf32, #tpu.memory_space<vmem>>, vector<16xf32>,
      %mul3A_868 = arith.mulf %mul3A_862, %get3A_867 : vector<16xf32>
      %add3A_869 = arith.addf %mul3A_861, %mul3A_868 : vector<16xf32>
      %add3A_870 = arith.addf %add3A_869, %get3A_73 : vector<16xf32>
      %max3A_871 = arith.constant 0.000000e+00 : f32
      %max3A_872 = vector.broadcast %max3A_871 : f32 to vector<16xf32>
      %max3A_873 = arith.maximumf %add3A_870, %max3A_872 : vector<16xf32>
      %add3A_874 = arith.constant 10 : i32
      %add3A_875 = arith.addi %multiple_of3A_374, %add3A_874 : i32
      %swap3A_876 = arith.index_cast %add3A_875 : i32 to index
      %swap3A_877 = arith.constant 0 : index
      %swap3A_878 = tpu.vector_load %arg13[%swap3A_876, %swap3A_877] {strides = array<i32>} : memref<640x16xf32, #tpu.memory_space<vmem>>, vector<16xf32>,
      tpu.vector_store %arg13[%swap3A_876, %swap3A_877], %max3A_873 {strides = array<i32>} : memref<640x16xf32, #tpu.memory_space<vmem>>, vector<16xf32>,
      %mul3A_879 = arith.mulf %max3A_873, %gather3A_849 : vector<16xf32>
      %add3A_880 = arith.constant 10 : i32
      %add3A_881 = arith.addi %multiple_of3A_374, %add3A_880 : i32
      %swap3A_882 = arith.index_cast %add3A_881 : i32 to index
      %swap3A_883 = arith.constant 0 : index
      %swap3A_884 = tpu.vector_load %arg12[%swap3A_882, %swap3A_883] {strides = array<i32>} : memref<640x16xf32, #tpu.memory_space<vmem>>, vector<16xf32>,
      tpu.vector_store %arg12[%swap3A_882, %swap3A_883], %mul3A_879 {strides = array<i32>} : memref<640x16xf32, #tpu.memory_space<vmem>>, vector<16xf32>,
      %broadcast_in_dim3A_885 = arith.constant 11 : i32
      %broadcast_in_dim3A_886 = vector.broadcast %broadcast_in_dim3A_885 : i32 to vector<16xi32>
      %lt3A_887 = arith.constant 0 : i32
      %lt3A_888 = vector.broadcast %lt3A_887 : i32 to vector<16xi32>
      %lt3A_889 = arith.cmpi slt, %broadcast_in_dim3A_886, %lt3A_888 : vector<16xi32>
      %add3A_890 = arith.constant 16 : i32
      %add3A_891 = vector.broadcast %add3A_890 : i32 to vector<16xi32>
      %add3A_892 = arith.addi %broadcast_in_dim3A_886, %add3A_891 : vector<16xi32>
      %select_n3A_893 = arith.select %lt3A_889, %add3A_892, %broadcast_in_dim3A_886 : vector<16xi1>, vector<16xi32>
      %reshape3A_894 = vector.shape_cast %select_n3A_893 : vector<16xi32> to vector<16x1xi32>
      %gather3A_895 = vector.shape_cast %reshape3A_894 : vector<16x1xi32> to vector<16xi32>
      %gather3A_896 = tpu.dynamic_gather %mul3A_371[%gather3A_895] in [0] : vector<16xf32>, vector<16xi32> -> vector<16xf32>
      %add3A_897 = arith.constant 11 : i32
      %add3A_898 = arith.addi %multiple_of3A_374, %add3A_897 : i32
      %get3A_899 = arith.index_cast %add3A_898 : i32 to index
      %get3A_900 = arith.constant 0 : index
      %get3A_901 = tpu.vector_load %arg14[%get3A_899, %get3A_900] {strides = array<i32>} : memref<640x16xf32, #tpu.memory_space<vmem>>, vector<16xf32>,
      %add3A_902 = arith.constant 11 : i32
      %add3A_903 = arith.addi %multiple_of3A_374, %add3A_902 : i32
      %get3A_904 = arith.index_cast %add3A_903 : i32 to index
      %get3A_905 = arith.constant 0 : index
      %get3A_906 = tpu.vector_load %arg15[%get3A_904, %get3A_905] {strides = array<i32>} : memref<640x16xf32, #tpu.memory_space<vmem>>, vector<16xf32>,
      %add3A_907 = arith.addf %get3A_901, %get3A_906 : vector<16xf32>
      %mul3A_908 = arith.mulf %gather3A_896, %add3A_907 : vector<16xf32>
      %mul3A_909 = arith.mulf %gather3A_896, %gather3A_896 : vector<16xf32>
      %add3A_910 = arith.constant 11 : i32
      %add3A_911 = arith.addi %multiple_of3A_374, %add3A_910 : i32
      %get3A_912 = arith.index_cast %add3A_911 : i32 to index
      %get3A_913 = arith.constant 0 : index
      %get3A_914 = tpu.vector_load %arg12[%get3A_912, %get3A_913] {strides = array<i32>} : memref<640x16xf32, #tpu.memory_space<vmem>>, vector<16xf32>,
      %mul3A_915 = arith.mulf %mul3A_909, %get3A_914 : vector<16xf32>
      %add3A_916 = arith.addf %mul3A_908, %mul3A_915 : vector<16xf32>
      %add3A_917 = arith.addf %add3A_916, %get3A_73 : vector<16xf32>
      %max3A_918 = arith.constant 0.000000e+00 : f32
      %max3A_919 = vector.broadcast %max3A_918 : f32 to vector<16xf32>
      %max3A_920 = arith.maximumf %add3A_917, %max3A_919 : vector<16xf32>
      %add3A_921 = arith.constant 11 : i32
      %add3A_922 = arith.addi %multiple_of3A_374, %add3A_921 : i32
      %swap3A_923 = arith.index_cast %add3A_922 : i32 to index
      %swap3A_924 = arith.constant 0 : index
      %swap3A_925 = tpu.vector_load %arg13[%swap3A_923, %swap3A_924] {strides = array<i32>} : memref<640x16xf32, #tpu.memory_space<vmem>>, vector<16xf32>,
      tpu.vector_store %arg13[%swap3A_923, %swap3A_924], %max3A_920 {strides = array<i32>} : memref<640x16xf32, #tpu.memory_space<vmem>>, vector<16xf32>,
      %mul3A_926 = arith.mulf %max3A_920, %gather3A_896 : vector<16xf32>
      %add3A_927 = arith.constant 11 : i32
      %add3A_928 = arith.addi %multiple_of3A_374, %add3A_927 : i32
      %swap3A_929 = arith.index_cast %add3A_928 : i32 to index
      %swap3A_930 = arith.constant 0 : index
      %swap3A_931 = tpu.vector_load %arg12[%swap3A_929, %swap3A_930] {strides = array<i32>} : memref<640x16xf32, #tpu.memory_space<vmem>>, vector<16xf32>,
      tpu.vector_store %arg12[%swap3A_929, %swap3A_930], %mul3A_926 {strides = array<i32>} : memref<640x16xf32, #tpu.memory_space<vmem>>, vector<16xf32>,
      %broadcast_in_dim3A_932 = arith.constant 12 : i32
      %broadcast_in_dim3A_933 = vector.broadcast %broadcast_in_dim3A_932 : i32 to vector<16xi32>
      %lt3A_934 = arith.constant 0 : i32
      %lt3A_935 = vector.broadcast %lt3A_934 : i32 to vector<16xi32>
      %lt3A_936 = arith.cmpi slt, %broadcast_in_dim3A_933, %lt3A_935 : vector<16xi32>
      %add3A_937 = arith.constant 16 : i32
      %add3A_938 = vector.broadcast %add3A_937 : i32 to vector<16xi32>
      %add3A_939 = arith.addi %broadcast_in_dim3A_933, %add3A_938 : vector<16xi32>
      %select_n3A_940 = arith.select %lt3A_936, %add3A_939, %broadcast_in_dim3A_933 : vector<16xi1>, vector<16xi32>
      %reshape3A_941 = vector.shape_cast %select_n3A_940 : vector<16xi32> to vector<16x1xi32>
      %gather3A_942 = vector.shape_cast %reshape3A_941 : vector<16x1xi32> to vector<16xi32>
      %gather3A_943 = tpu.dynamic_gather %mul3A_371[%gather3A_942] in [0] : vector<16xf32>, vector<16xi32> -> vector<16xf32>
      %add3A_944 = arith.constant 12 : i32
      %add3A_945 = arith.addi %multiple_of3A_374, %add3A_944 : i32
      %get3A_946 = arith.index_cast %add3A_945 : i32 to index
      %get3A_947 = arith.constant 0 : index
      %get3A_948 = tpu.vector_load %arg14[%get3A_946, %get3A_947] {strides = array<i32>} : memref<640x16xf32, #tpu.memory_space<vmem>>, vector<16xf32>,
      %add3A_949 = arith.constant 12 : i32
      %add3A_950 = arith.addi %multiple_of3A_374, %add3A_949 : i32
      %get3A_951 = arith.index_cast %add3A_950 : i32 to index
      %get3A_952 = arith.constant 0 : index
      %get3A_953 = tpu.vector_load %arg15[%get3A_951, %get3A_952] {strides = array<i32>} : memref<640x16xf32, #tpu.memory_space<vmem>>, vector<16xf32>,
      %add3A_954 = arith.addf %get3A_948, %get3A_953 : vector<16xf32>
      %mul3A_955 = arith.mulf %gather3A_943, %add3A_954 : vector<16xf32>
      %mul3A_956 = arith.mulf %gather3A_943, %gather3A_943 : vector<16xf32>
      %add3A_957 = arith.constant 12 : i32
      %add3A_958 = arith.addi %multiple_of3A_374, %add3A_957 : i32
      %get3A_959 = arith.index_cast %add3A_958 : i32 to index
      %get3A_960 = arith.constant 0 : index
      %get3A_961 = tpu.vector_load %arg12[%get3A_959, %get3A_960] {strides = array<i32>} : memref<640x16xf32, #tpu.memory_space<vmem>>, vector<16xf32>,
      %mul3A_962 = arith.mulf %mul3A_956, %get3A_961 : vector<16xf32>
      %add3A_963 = arith.addf %mul3A_955, %mul3A_962 : vector<16xf32>
      %add3A_964 = arith.addf %add3A_963, %get3A_73 : vector<16xf32>
      %max3A_965 = arith.constant 0.000000e+00 : f32
      %max3A_966 = vector.broadcast %max3A_965 : f32 to vector<16xf32>
      %max3A_967 = arith.maximumf %add3A_964, %max3A_966 : vector<16xf32>
      %add3A_968 = arith.constant 12 : i32
      %add3A_969 = arith.addi %multiple_of3A_374, %add3A_968 : i32
      %swap3A_970 = arith.index_cast %add3A_969 : i32 to index
      %swap3A_971 = arith.constant 0 : index
      %swap3A_972 = tpu.vector_load %arg13[%swap3A_970, %swap3A_971] {strides = array<i32>} : memref<640x16xf32, #tpu.memory_space<vmem>>, vector<16xf32>,
      tpu.vector_store %arg13[%swap3A_970, %swap3A_971], %max3A_967 {strides = array<i32>} : memref<640x16xf32, #tpu.memory_space<vmem>>, vector<16xf32>,
      %mul3A_973 = arith.mulf %max3A_967, %gather3A_943 : vector<16xf32>
      %add3A_974 = arith.constant 12 : i32
      %add3A_975 = arith.addi %multiple_of3A_374, %add3A_974 : i32
      %swap3A_976 = arith.index_cast %add3A_975 : i32 to index
      %swap3A_977 = arith.constant 0 : index
      %swap3A_978 = tpu.vector_load %arg12[%swap3A_976, %swap3A_977] {strides = array<i32>} : memref<640x16xf32, #tpu.memory_space<vmem>>, vector<16xf32>,
      tpu.vector_store %arg12[%swap3A_976, %swap3A_977], %mul3A_973 {strides = array<i32>} : memref<640x16xf32, #tpu.memory_space<vmem>>, vector<16xf32>,
      %broadcast_in_dim3A_979 = arith.constant 13 : i32
      %broadcast_in_dim3A_980 = vector.broadcast %broadcast_in_dim3A_979 : i32 to vector<16xi32>
      %lt3A_981 = arith.constant 0 : i32
      %lt3A_982 = vector.broadcast %lt3A_981 : i32 to vector<16xi32>
      %lt3A_983 = arith.cmpi slt, %broadcast_in_dim3A_980, %lt3A_982 : vector<16xi32>
      %add3A_984 = arith.constant 16 : i32
      %add3A_985 = vector.broadcast %add3A_984 : i32 to vector<16xi32>
      %add3A_986 = arith.addi %broadcast_in_dim3A_980, %add3A_985 : vector<16xi32>
      %select_n3A_987 = arith.select %lt3A_983, %add3A_986, %broadcast_in_dim3A_980 : vector<16xi1>, vector<16xi32>
      %reshape3A_988 = vector.shape_cast %select_n3A_987 : vector<16xi32> to vector<16x1xi32>
      %gather3A_989 = vector.shape_cast %reshape3A_988 : vector<16x1xi32> to vector<16xi32>
      %gather3A_990 = tpu.dynamic_gather %mul3A_371[%gather3A_989] in [0] : vector<16xf32>, vector<16xi32> -> vector<16xf32>
      %add3A_991 = arith.constant 13 : i32
      %add3A_992 = arith.addi %multiple_of3A_374, %add3A_991 : i32
      %get3A_993 = arith.index_cast %add3A_992 : i32 to index
      %get3A_994 = arith.constant 0 : index
      %get3A_995 = tpu.vector_load %arg14[%get3A_993, %get3A_994] {strides = array<i32>} : memref<640x16xf32, #tpu.memory_space<vmem>>, vector<16xf32>,
      %add3A_996 = arith.constant 13 : i32
      %add3A_997 = arith.addi %multiple_of3A_374, %add3A_996 : i32
      %get3A_998 = arith.index_cast %add3A_997 : i32 to index
      %get3A_999 = arith.constant 0 : index
      %get3A_1000 = tpu.vector_load %arg15[%get3A_998, %get3A_999] {strides = array<i32>} : memref<640x16xf32, #tpu.memory_space<vmem>>, vector<16xf32>,
      %add3A_1001 = arith.addf %get3A_995, %get3A_1000 : vector<16xf32>
      %mul3A_1002 = arith.mulf %gather3A_990, %add3A_1001 : vector<16xf32>
      %mul3A_1003 = arith.mulf %gather3A_990, %gather3A_990 : vector<16xf32>
      %add3A_1004 = arith.constant 13 : i32
      %add3A_1005 = arith.addi %multiple_of3A_374, %add3A_1004 : i32
      %get3A_1006 = arith.index_cast %add3A_1005 : i32 to index
      %get3A_1007 = arith.constant 0 : index
      %get3A_1008 = tpu.vector_load %arg12[%get3A_1006, %get3A_1007] {strides = array<i32>} : memref<640x16xf32, #tpu.memory_space<vmem>>, vector<16xf32>,
      %mul3A_1009 = arith.mulf %mul3A_1003, %get3A_1008 : vector<16xf32>
      %add3A_1010 = arith.addf %mul3A_1002, %mul3A_1009 : vector<16xf32>
      %add3A_1011 = arith.addf %add3A_1010, %get3A_73 : vector<16xf32>
      %max3A_1012 = arith.constant 0.000000e+00 : f32
      %max3A_1013 = vector.broadcast %max3A_1012 : f32 to vector<16xf32>
      %max3A_1014 = arith.maximumf %add3A_1011, %max3A_1013 : vector<16xf32>
      %add3A_1015 = arith.constant 13 : i32
      %add3A_1016 = arith.addi %multiple_of3A_374, %add3A_1015 : i32
      %swap3A_1017 = arith.index_cast %add3A_1016 : i32 to index
      %swap3A_1018 = arith.constant 0 : index
      %swap3A_1019 = tpu.vector_load %arg13[%swap3A_1017, %swap3A_1018] {strides = array<i32>} : memref<640x16xf32, #tpu.memory_space<vmem>>, vector<16xf32>,
      tpu.vector_store %arg13[%swap3A_1017, %swap3A_1018], %max3A_1014 {strides = array<i32>} : memref<640x16xf32, #tpu.memory_space<vmem>>, vector<16xf32>,
      %mul3A_1020 = arith.mulf %max3A_1014, %gather3A_990 : vector<16xf32>
      %add3A_1021 = arith.constant 13 : i32
      %add3A_1022 = arith.addi %multiple_of3A_374, %add3A_1021 : i32
      %swap3A_1023 = arith.index_cast %add3A_1022 : i32 to index
      %swap3A_1024 = arith.constant 0 : index
      %swap3A_1025 = tpu.vector_load %arg12[%swap3A_1023, %swap3A_1024] {strides = array<i32>} : memref<640x16xf32, #tpu.memory_space<vmem>>, vector<16xf32>,
      tpu.vector_store %arg12[%swap3A_1023, %swap3A_1024], %mul3A_1020 {strides = array<i32>} : memref<640x16xf32, #tpu.memory_space<vmem>>, vector<16xf32>,
      %broadcast_in_dim3A_1026 = arith.constant 14 : i32
      %broadcast_in_dim3A_1027 = vector.broadcast %broadcast_in_dim3A_1026 : i32 to vector<16xi32>
      %lt3A_1028 = arith.constant 0 : i32
      %lt3A_1029 = vector.broadcast %lt3A_1028 : i32 to vector<16xi32>
      %lt3A_1030 = arith.cmpi slt, %broadcast_in_dim3A_1027, %lt3A_1029 : vector<16xi32>
      %add3A_1031 = arith.constant 16 : i32
      %add3A_1032 = vector.broadcast %add3A_1031 : i32 to vector<16xi32>
      %add3A_1033 = arith.addi %broadcast_in_dim3A_1027, %add3A_1032 : vector<16xi32>
      %select_n3A_1034 = arith.select %lt3A_1030, %add3A_1033, %broadcast_in_dim3A_1027 : vector<16xi1>, vector<16xi32>
      %reshape3A_1035 = vector.shape_cast %select_n3A_1034 : vector<16xi32> to vector<16x1xi32>
      %gather3A_1036 = vector.shape_cast %reshape3A_1035 : vector<16x1xi32> to vector<16xi32>
      %gather3A_1037 = tpu.dynamic_gather %mul3A_371[%gather3A_1036] in [0] : vector<16xf32>, vector<16xi32> -> vector<16xf32>
      %add3A_1038 = arith.constant 14 : i32
      %add3A_1039 = arith.addi %multiple_of3A_374, %add3A_1038 : i32
      %get3A_1040 = arith.index_cast %add3A_1039 : i32 to index
      %get3A_1041 = arith.constant 0 : index
      %get3A_1042 = tpu.vector_load %arg14[%get3A_1040, %get3A_1041] {strides = array<i32>} : memref<640x16xf32, #tpu.memory_space<vmem>>, vector<16xf32>,
      %add3A_1043 = arith.constant 14 : i32
      %add3A_1044 = arith.addi %multiple_of3A_374, %add3A_1043 : i32
      %get3A_1045 = arith.index_cast %add3A_1044 : i32 to index
      %get3A_1046 = arith.constant 0 : index
      %get3A_1047 = tpu.vector_load %arg15[%get3A_1045, %get3A_1046] {strides = array<i32>} : memref<640x16xf32, #tpu.memory_space<vmem>>, vector<16xf32>,
      %add3A_1048 = arith.addf %get3A_1042, %get3A_1047 : vector<16xf32>
      %mul3A_1049 = arith.mulf %gather3A_1037, %add3A_1048 : vector<16xf32>
      %mul3A_1050 = arith.mulf %gather3A_1037, %gather3A_1037 : vector<16xf32>
      %add3A_1051 = arith.constant 14 : i32
      %add3A_1052 = arith.addi %multiple_of3A_374, %add3A_1051 : i32
      %get3A_1053 = arith.index_cast %add3A_1052 : i32 to index
      %get3A_1054 = arith.constant 0 : index
      %get3A_1055 = tpu.vector_load %arg12[%get3A_1053, %get3A_1054] {strides = array<i32>} : memref<640x16xf32, #tpu.memory_space<vmem>>, vector<16xf32>,
      %mul3A_1056 = arith.mulf %mul3A_1050, %get3A_1055 : vector<16xf32>
      %add3A_1057 = arith.addf %mul3A_1049, %mul3A_1056 : vector<16xf32>
      %add3A_1058 = arith.addf %add3A_1057, %get3A_73 : vector<16xf32>
      %max3A_1059 = arith.constant 0.000000e+00 : f32
      %max3A_1060 = vector.broadcast %max3A_1059 : f32 to vector<16xf32>
      %max3A_1061 = arith.maximumf %add3A_1058, %max3A_1060 : vector<16xf32>
      %add3A_1062 = arith.constant 14 : i32
      %add3A_1063 = arith.addi %multiple_of3A_374, %add3A_1062 : i32
      %swap3A_1064 = arith.index_cast %add3A_1063 : i32 to index
      %swap3A_1065 = arith.constant 0 : index
      %swap3A_1066 = tpu.vector_load %arg13[%swap3A_1064, %swap3A_1065] {strides = array<i32>} : memref<640x16xf32, #tpu.memory_space<vmem>>, vector<16xf32>,
      tpu.vector_store %arg13[%swap3A_1064, %swap3A_1065], %max3A_1061 {strides = array<i32>} : memref<640x16xf32, #tpu.memory_space<vmem>>, vector<16xf32>,
      %mul3A_1067 = arith.mulf %max3A_1061, %gather3A_1037 : vector<16xf32>
      %add3A_1068 = arith.constant 14 : i32
      %add3A_1069 = arith.addi %multiple_of3A_374, %add3A_1068 : i32
      %swap3A_1070 = arith.index_cast %add3A_1069 : i32 to index
      %swap3A_1071 = arith.constant 0 : index
      %swap3A_1072 = tpu.vector_load %arg12[%swap3A_1070, %swap3A_1071] {strides = array<i32>} : memref<640x16xf32, #tpu.memory_space<vmem>>, vector<16xf32>,
      tpu.vector_store %arg12[%swap3A_1070, %swap3A_1071], %mul3A_1067 {strides = array<i32>} : memref<640x16xf32, #tpu.memory_space<vmem>>, vector<16xf32>,
      %broadcast_in_dim3A_1073 = arith.constant 15 : i32
      %broadcast_in_dim3A_1074 = vector.broadcast %broadcast_in_dim3A_1073 : i32 to vector<16xi32>
      %lt3A_1075 = arith.constant 0 : i32
      %lt3A_1076 = vector.broadcast %lt3A_1075 : i32 to vector<16xi32>
      %lt3A_1077 = arith.cmpi slt, %broadcast_in_dim3A_1074, %lt3A_1076 : vector<16xi32>
      %add3A_1078 = arith.constant 16 : i32
      %add3A_1079 = vector.broadcast %add3A_1078 : i32 to vector<16xi32>
      %add3A_1080 = arith.addi %broadcast_in_dim3A_1074, %add3A_1079 : vector<16xi32>
      %select_n3A_1081 = arith.select %lt3A_1077, %add3A_1080, %broadcast_in_dim3A_1074 : vector<16xi1>, vector<16xi32>
      %reshape3A_1082 = vector.shape_cast %select_n3A_1081 : vector<16xi32> to vector<16x1xi32>
      %gather3A_1083 = vector.shape_cast %reshape3A_1082 : vector<16x1xi32> to vector<16xi32>
      %gather3A_1084 = tpu.dynamic_gather %mul3A_371[%gather3A_1083] in [0] : vector<16xf32>, vector<16xi32> -> vector<16xf32>
      %add3A_1085 = arith.constant 15 : i32
      %add3A_1086 = arith.addi %multiple_of3A_374, %add3A_1085 : i32
      %get3A_1087 = arith.index_cast %add3A_1086 : i32 to index
      %get3A_1088 = arith.constant 0 : index
      %get3A_1089 = tpu.vector_load %arg14[%get3A_1087, %get3A_1088] {strides = array<i32>} : memref<640x16xf32, #tpu.memory_space<vmem>>, vector<16xf32>,
      %add3A_1090 = arith.constant 15 : i32
      %add3A_1091 = arith.addi %multiple_of3A_374, %add3A_1090 : i32
      %get3A_1092 = arith.index_cast %add3A_1091 : i32 to index
      %get3A_1093 = arith.constant 0 : index
      %get3A_1094 = tpu.vector_load %arg15[%get3A_1092, %get3A_1093] {strides = array<i32>} : memref<640x16xf32, #tpu.memory_space<vmem>>, vector<16xf32>,
      %add3A_1095 = arith.addf %get3A_1089, %get3A_1094 : vector<16xf32>
      %mul3A_1096 = arith.mulf %gather3A_1084, %add3A_1095 : vector<16xf32>
      %mul3A_1097 = arith.mulf %gather3A_1084, %gather3A_1084 : vector<16xf32>
      %add3A_1098 = arith.constant 15 : i32
      %add3A_1099 = arith.addi %multiple_of3A_374, %add3A_1098 : i32
      %get3A_1100 = arith.index_cast %add3A_1099 : i32 to index
      %get3A_1101 = arith.constant 0 : index
      %get3A_1102 = tpu.vector_load %arg12[%get3A_1100, %get3A_1101] {strides = array<i32>} : memref<640x16xf32, #tpu.memory_space<vmem>>, vector<16xf32>,
      %mul3A_1103 = arith.mulf %mul3A_1097, %get3A_1102 : vector<16xf32>
      %add3A_1104 = arith.addf %mul3A_1096, %mul3A_1103 : vector<16xf32>
      %add3A_1105 = arith.addf %add3A_1104, %get3A_73 : vector<16xf32>
      %max3A_1106 = arith.constant 0.000000e+00 : f32
      %max3A_1107 = vector.broadcast %max3A_1106 : f32 to vector<16xf32>
      %max3A_1108 = arith.maximumf %add3A_1105, %max3A_1107 : vector<16xf32>
      %add3A_1109 = arith.constant 15 : i32
      %add3A_1110 = arith.addi %multiple_of3A_374, %add3A_1109 : i32
      %swap3A_1111 = arith.index_cast %add3A_1110 : i32 to index
      %swap3A_1112 = arith.constant 0 : index
      %swap3A_1113 = tpu.vector_load %arg13[%swap3A_1111, %swap3A_1112] {strides = array<i32>} : memref<640x16xf32, #tpu.memory_space<vmem>>, vector<16xf32>,
      tpu.vector_store %arg13[%swap3A_1111, %swap3A_1112], %max3A_1108 {strides = array<i32>} : memref<640x16xf32, #tpu.memory_space<vmem>>, vector<16xf32>,
      %mul3A_1114 = arith.mulf %max3A_1108, %gather3A_1084 : vector<16xf32>
      %add3A_1115 = arith.constant 15 : i32
      %add3A_1116 = arith.addi %multiple_of3A_374, %add3A_1115 : i32
      %swap3A_1117 = arith.index_cast %add3A_1116 : i32 to index
      %swap3A_1118 = arith.constant 0 : index
      %swap3A_1119 = tpu.vector_load %arg12[%swap3A_1117, %swap3A_1118] {strides = array<i32>} : memref<640x16xf32, #tpu.memory_space<vmem>>, vector<16xf32>,
      tpu.vector_store %arg12[%swap3A_1117, %swap3A_1118], %mul3A_1114 {strides = array<i32>} : memref<640x16xf32, #tpu.memory_space<vmem>>, vector<16xf32>,
    }
    %scan3A_77 = arith.constant 40 : i32
    "tpu.region"() ({
      %run_scoped3A = tpu.sem_alloc : memref<!tpu.dma_semaphore, #tpu.memory_space<semaphore_mem>>
      %dma_start3A_331 = arith.constant 0 : i32
      %dma_start3A_332 = tpu.memref_slice %arg20[%mul3A_2, %dma_start3A_331] : memref<10240x16xf32, #tpu.memory_space<vmem_shared>> -> memref<640x16xf32, #tpu.memory_space<vmem_shared>>
      %dma_start3A_333 = arith.constant 0 : i32
      %dma_start3A_334 = tpu.memref_slice %arg20[%mul3A_2, %dma_start3A_333] : memref<10240x16xf32, #tpu.memory_space<vmem_shared>> -> memref<640x16xf32, #tpu.memory_space<vmem_shared>>
      tpu.enqueue_dma source(%arg12 : memref<640x16xf32, #tpu.memory_space<vmem>>) target(%dma_start3A_334 : memref<640x16xf32, #tpu.memory_space<vmem_shared>>) target_semaphore(%run_scoped3A : memref<!tpu.dma_semaphore, #tpu.memory_space<semaphore_mem>>)
      %dma_wait3A_335 = arith.constant 0 : i32
      %dma_wait3A_336 = tpu.memref_slice %arg20[%mul3A_2, %dma_wait3A_335] : memref<10240x16xf32, #tpu.memory_space<vmem_shared>> -> memref<640x16xf32, #tpu.memory_space<vmem_shared>>
      %dma_wait3A_337 = arith.constant 0 : i32
      %dma_wait3A_338 = tpu.memref_slice %arg20[%mul3A_2, %dma_wait3A_337] : memref<10240x16xf32, #tpu.memory_space<vmem_shared>> -> memref<640x16xf32, #tpu.memory_space<vmem_shared>>
      tpu.wait_dma2 semaphore(%run_scoped3A : memref<!tpu.dma_semaphore, #tpu.memory_space<semaphore_mem>>) src(%arg12 : memref<640x16xf32, #tpu.memory_space<vmem>>) dst(%dma_wait3A_338 : memref<640x16xf32, #tpu.memory_space<vmem_shared>>)
      tpu.yield
    }) : () -> ()
    %eq3A = arith.constant 0 : i32
    %eq3A_78 = arith.cmpi eq, %arg0, %eq3A : i32
    %convert_element_type3A = arith.extui %eq3A_78 : i1 to i32
    %cond3A = arith.constant 0 : i32
    %cond3A_79 = arith.cmpi ne, %convert_element_type3A, %cond3A : i32
    scf.if %cond3A_79 {
      "tpu.region"() ({
        %run_scoped3A = tpu.sem_alloc : memref<!tpu.dma_semaphore, #tpu.memory_space<semaphore_mem>>
        %dma_start3A_331 = arith.constant 0 : i32
        %dma_start3A_332 = tpu.memref_slice %arg9[%mul3A_2, %dma_start3A_331] : memref<10240x16xf32, #tpu.memory_space<hbm>> -> memref<640x16xf32, #tpu.memory_space<hbm>>
        %dma_start3A_333 = arith.constant 0 : i32
        %dma_start3A_334 = tpu.memref_slice %arg9[%mul3A_2, %dma_start3A_333] : memref<10240x16xf32, #tpu.memory_space<hbm>> -> memref<640x16xf32, #tpu.memory_space<hbm>>
        tpu.enqueue_dma source(%arg13 : memref<640x16xf32, #tpu.memory_space<vmem>>) target(%dma_start3A_334 : memref<640x16xf32, #tpu.memory_space<hbm>>) target_semaphore(%run_scoped3A : memref<!tpu.dma_semaphore, #tpu.memory_space<semaphore_mem>>)
        %dma_wait3A_335 = arith.constant 0 : i32
        %dma_wait3A_336 = tpu.memref_slice %arg9[%mul3A_2, %dma_wait3A_335] : memref<10240x16xf32, #tpu.memory_space<hbm>> -> memref<640x16xf32, #tpu.memory_space<hbm>>
        %dma_wait3A_337 = arith.constant 0 : i32
        %dma_wait3A_338 = tpu.memref_slice %arg9[%mul3A_2, %dma_wait3A_337] : memref<10240x16xf32, #tpu.memory_space<hbm>> -> memref<640x16xf32, #tpu.memory_space<hbm>>
        tpu.wait_dma2 semaphore(%run_scoped3A : memref<!tpu.dma_semaphore, #tpu.memory_space<semaphore_mem>>) src(%arg13 : memref<640x16xf32, #tpu.memory_space<vmem>>) dst(%dma_wait3A_338 : memref<640x16xf32, #tpu.memory_space<hbm>>)
        tpu.yield
      }) : () -> ()
    } else {
    }
    %scan3A_80 = arith.constant 0 : i32
    %scan3A_81 = arith.constant 640 : i32
    %scan3A_82 = arith.addi %scan3A_80, %scan3A_81 : i32
    %scan3A_83 = arith.constant 8 : i32
    scf.for %scan3A_331 = %scan3A_80 to %scan3A_82 step %scan3A_83  : i32 {
      %mul3A_332 = arith.constant 1 : i32
      %mul3A_333 = arith.muli %scan3A_331, %mul3A_332 : i32
      %add3A_334 = arith.constant 0 : i32
      %add3A_335 = arith.addi %add3A_334, %mul3A_333 : i32
      %broadcast_in_dim3A = arith.constant 0.000000e+00 : f32
      %broadcast_in_dim3A_336 = vector.broadcast %broadcast_in_dim3A : f32 to vector<16xf32>
      %swap3A = arith.index_cast %add3A_335 : i32 to index
      %swap3A_337 = arith.constant 0 : index
      %swap3A_338 = tpu.vector_load %arg13[%swap3A, %swap3A_337] {strides = array<i32>} : memref<640x16xf32, #tpu.memory_space<vmem>>, vector<16xf32>,
      tpu.vector_store %arg13[%swap3A, %swap3A_337], %broadcast_in_dim3A_336 {strides = array<i32>} : memref<640x16xf32, #tpu.memory_space<vmem>>, vector<16xf32>,
      %scan3A_339 = arith.constant 1 : i32
      %scan3A_340 = arith.addi %scan3A_331, %scan3A_339 : i32
      %mul3A_341 = arith.constant 1 : i32
      %mul3A_342 = arith.muli %scan3A_340, %mul3A_341 : i32
      %add3A_343 = arith.constant 0 : i32
      %add3A_344 = arith.addi %add3A_343, %mul3A_342 : i32
      %broadcast_in_dim3A_345 = arith.constant 0.000000e+00 : f32
      %broadcast_in_dim3A_346 = vector.broadcast %broadcast_in_dim3A_345 : f32 to vector<16xf32>
      %swap3A_347 = arith.index_cast %add3A_344 : i32 to index
      %swap3A_348 = arith.constant 0 : index
      %swap3A_349 = tpu.vector_load %arg13[%swap3A_347, %swap3A_348] {strides = array<i32>} : memref<640x16xf32, #tpu.memory_space<vmem>>, vector<16xf32>,
      tpu.vector_store %arg13[%swap3A_347, %swap3A_348], %broadcast_in_dim3A_346 {strides = array<i32>} : memref<640x16xf32, #tpu.memory_space<vmem>>, vector<16xf32>,
      %scan3A_350 = arith.constant 2 : i32
      %scan3A_351 = arith.addi %scan3A_331, %scan3A_350 : i32
      %mul3A_352 = arith.constant 1 : i32
      %mul3A_353 = arith.muli %scan3A_351, %mul3A_352 : i32
      %add3A_354 = arith.constant 0 : i32
      %add3A_355 = arith.addi %add3A_354, %mul3A_353 : i32
      %broadcast_in_dim3A_356 = arith.constant 0.000000e+00 : f32
      %broadcast_in_dim3A_357 = vector.broadcast %broadcast_in_dim3A_356 : f32 to vector<16xf32>
      %swap3A_358 = arith.index_cast %add3A_355 : i32 to index
      %swap3A_359 = arith.constant 0 : index
      %swap3A_360 = tpu.vector_load %arg13[%swap3A_358, %swap3A_359] {strides = array<i32>} : memref<640x16xf32, #tpu.memory_space<vmem>>, vector<16xf32>,
      tpu.vector_store %arg13[%swap3A_358, %swap3A_359], %broadcast_in_dim3A_357 {strides = array<i32>} : memref<640x16xf32, #tpu.memory_space<vmem>>, vector<16xf32>,
      %scan3A_361 = arith.constant 3 : i32
      %scan3A_362 = arith.addi %scan3A_331, %scan3A_361 : i32
      %mul3A_363 = arith.constant 1 : i32
      %mul3A_364 = arith.muli %scan3A_362, %mul3A_363 : i32
      %add3A_365 = arith.constant 0 : i32
      %add3A_366 = arith.addi %add3A_365, %mul3A_364 : i32
      %broadcast_in_dim3A_367 = arith.constant 0.000000e+00 : f32
      %broadcast_in_dim3A_368 = vector.broadcast %broadcast_in_dim3A_367 : f32 to vector<16xf32>
      %swap3A_369 = arith.index_cast %add3A_366 : i32 to index
      %swap3A_370 = arith.constant 0 : index
      %swap3A_371 = tpu.vector_load %arg13[%swap3A_369, %swap3A_370] {strides = array<i32>} : memref<640x16xf32, #tpu.memory_space<vmem>>, vector<16xf32>,
      tpu.vector_store %arg13[%swap3A_369, %swap3A_370], %broadcast_in_dim3A_368 {strides = array<i32>} : memref<640x16xf32, #tpu.memory_space<vmem>>, vector<16xf32>,
      %scan3A_372 = arith.constant 4 : i32
      %scan3A_373 = arith.addi %scan3A_331, %scan3A_372 : i32
      %mul3A_374 = arith.constant 1 : i32
      %mul3A_375 = arith.muli %scan3A_373, %mul3A_374 : i32
      %add3A_376 = arith.constant 0 : i32
      %add3A_377 = arith.addi %add3A_376, %mul3A_375 : i32
      %broadcast_in_dim3A_378 = arith.constant 0.000000e+00 : f32
      %broadcast_in_dim3A_379 = vector.broadcast %broadcast_in_dim3A_378 : f32 to vector<16xf32>
      %swap3A_380 = arith.index_cast %add3A_377 : i32 to index
      %swap3A_381 = arith.constant 0 : index
      %swap3A_382 = tpu.vector_load %arg13[%swap3A_380, %swap3A_381] {strides = array<i32>} : memref<640x16xf32, #tpu.memory_space<vmem>>, vector<16xf32>,
      tpu.vector_store %arg13[%swap3A_380, %swap3A_381], %broadcast_in_dim3A_379 {strides = array<i32>} : memref<640x16xf32, #tpu.memory_space<vmem>>, vector<16xf32>,
      %scan3A_383 = arith.constant 5 : i32
      %scan3A_384 = arith.addi %scan3A_331, %scan3A_383 : i32
      %mul3A_385 = arith.constant 1 : i32
      %mul3A_386 = arith.muli %scan3A_384, %mul3A_385 : i32
      %add3A_387 = arith.constant 0 : i32
      %add3A_388 = arith.addi %add3A_387, %mul3A_386 : i32
      %broadcast_in_dim3A_389 = arith.constant 0.000000e+00 : f32
      %broadcast_in_dim3A_390 = vector.broadcast %broadcast_in_dim3A_389 : f32 to vector<16xf32>
      %swap3A_391 = arith.index_cast %add3A_388 : i32 to index
      %swap3A_392 = arith.constant 0 : index
      %swap3A_393 = tpu.vector_load %arg13[%swap3A_391, %swap3A_392] {strides = array<i32>} : memref<640x16xf32, #tpu.memory_space<vmem>>, vector<16xf32>,
      tpu.vector_store %arg13[%swap3A_391, %swap3A_392], %broadcast_in_dim3A_390 {strides = array<i32>} : memref<640x16xf32, #tpu.memory_space<vmem>>, vector<16xf32>,
      %scan3A_394 = arith.constant 6 : i32
      %scan3A_395 = arith.addi %scan3A_331, %scan3A_394 : i32
      %mul3A_396 = arith.constant 1 : i32
      %mul3A_397 = arith.muli %scan3A_395, %mul3A_396 : i32
      %add3A_398 = arith.constant 0 : i32
      %add3A_399 = arith.addi %add3A_398, %mul3A_397 : i32
      %broadcast_in_dim3A_400 = arith.constant 0.000000e+00 : f32
      %broadcast_in_dim3A_401 = vector.broadcast %broadcast_in_dim3A_400 : f32 to vector<16xf32>
      %swap3A_402 = arith.index_cast %add3A_399 : i32 to index
      %swap3A_403 = arith.constant 0 : index
      %swap3A_404 = tpu.vector_load %arg13[%swap3A_402, %swap3A_403] {strides = array<i32>} : memref<640x16xf32, #tpu.memory_space<vmem>>, vector<16xf32>,
      tpu.vector_store %arg13[%swap3A_402, %swap3A_403], %broadcast_in_dim3A_401 {strides = array<i32>} : memref<640x16xf32, #tpu.memory_space<vmem>>, vector<16xf32>,
      %scan3A_405 = arith.constant 7 : i32
      %scan3A_406 = arith.addi %scan3A_331, %scan3A_405 : i32
      %mul3A_407 = arith.constant 1 : i32
      %mul3A_408 = arith.muli %scan3A_406, %mul3A_407 : i32
      %add3A_409 = arith.constant 0 : i32
      %add3A_410 = arith.addi %add3A_409, %mul3A_408 : i32
      %broadcast_in_dim3A_411 = arith.constant 0.000000e+00 : f32
      %broadcast_in_dim3A_412 = vector.broadcast %broadcast_in_dim3A_411 : f32 to vector<16xf32>
      %swap3A_413 = arith.index_cast %add3A_410 : i32 to index
      %swap3A_414 = arith.constant 0 : index
      %swap3A_415 = tpu.vector_load %arg13[%swap3A_413, %swap3A_414] {strides = array<i32>} : memref<640x16xf32, #tpu.memory_space<vmem>>, vector<16xf32>,
      tpu.vector_store %arg13[%swap3A_413, %swap3A_414], %broadcast_in_dim3A_412 {strides = array<i32>} : memref<640x16xf32, #tpu.memory_space<vmem>>, vector<16xf32>,
    }
    %scan3A_84 = arith.constant 640 : i32
    "tpu.region"() ({
      %run_scoped3A = tpu.sem_alloc : memref<!tpu.dma_semaphore, #tpu.memory_space<semaphore_mem>>
      %dma_start3A_331 = arith.constant 0 : i32
      %dma_start3A_332 = tpu.memref_slice %arg19[%mul3A_2, %dma_start3A_331] : memref<10240x16xf32, #tpu.memory_space<vmem_shared>> -> memref<640x16xf32, #tpu.memory_space<vmem_shared>>
      %dma_start3A_333 = arith.constant 0 : i32
      %dma_start3A_334 = tpu.memref_slice %arg19[%mul3A_2, %dma_start3A_333] : memref<10240x16xf32, #tpu.memory_space<vmem_shared>> -> memref<640x16xf32, #tpu.memory_space<vmem_shared>>
      tpu.enqueue_dma source(%arg13 : memref<640x16xf32, #tpu.memory_space<vmem>>) target(%dma_start3A_334 : memref<640x16xf32, #tpu.memory_space<vmem_shared>>) target_semaphore(%run_scoped3A : memref<!tpu.dma_semaphore, #tpu.memory_space<semaphore_mem>>)
      %dma_wait3A_335 = arith.constant 0 : i32
      %dma_wait3A_336 = tpu.memref_slice %arg19[%mul3A_2, %dma_wait3A_335] : memref<10240x16xf32, #tpu.memory_space<vmem_shared>> -> memref<640x16xf32, #tpu.memory_space<vmem_shared>>
      %dma_wait3A_337 = arith.constant 0 : i32
      %dma_wait3A_338 = tpu.memref_slice %arg19[%mul3A_2, %dma_wait3A_337] : memref<10240x16xf32, #tpu.memory_space<vmem_shared>> -> memref<640x16xf32, #tpu.memory_space<vmem_shared>>
      tpu.wait_dma2 semaphore(%run_scoped3A : memref<!tpu.dma_semaphore, #tpu.memory_space<semaphore_mem>>) src(%arg13 : memref<640x16xf32, #tpu.memory_space<vmem>>) dst(%dma_wait3A_338 : memref<640x16xf32, #tpu.memory_space<vmem_shared>>)
      tpu.yield
    }) : () -> ()
    %dma_wait3A_85 = arith.constant 0 : i32
    %dma_wait3A_86 = arith.constant 0 : i32
    %dma_wait3A_87 = tpu.memref_slice %arg2[%add3A, %dma_wait3A_85, %dma_wait3A_86] : memref<32x80x128xi32, #tpu.memory_space<hbm>> -> memref<1x80x128xi32, #tpu.memory_space<hbm>>
    %dma_wait3A_88 = tpu.memref_squeeze %dma_wait3A_87 : memref<1x80x128xi32, #tpu.memory_space<hbm>> -> memref<80x128xi32, #tpu.memory_space<hbm>>
    %dma_wait3A_89 = arith.constant 0 : i32
    %dma_wait3A_90 = arith.constant 0 : i32
    %dma_wait3A_91 = tpu.memref_slice %arg2[%add3A, %dma_wait3A_89, %dma_wait3A_90] : memref<32x80x128xi32, #tpu.memory_space<hbm>> -> memref<1x80x128xi32, #tpu.memory_space<hbm>>
    %dma_wait3A_92 = tpu.memref_squeeze %dma_wait3A_91 : memref<1x80x128xi32, #tpu.memory_space<hbm>> -> memref<80x128xi32, #tpu.memory_space<hbm>>
    tpu.wait_dma2 semaphore(%arg35 : memref<!tpu.dma_semaphore, #tpu.memory_space<semaphore_mem>>) src(%dma_wait3A_92 : memref<80x128xi32, #tpu.memory_space<hbm>>) dst(%arg10 : memref<80x128xi32, #tpu.memory_space<vmem>>)
    %dma_wait3A_93 = arith.constant 0 : i32
    %dma_wait3A_94 = arith.constant 0 : i32
    %dma_wait3A_95 = tpu.memref_slice %arg3[%add3A, %dma_wait3A_93, %dma_wait3A_94] : memref<32x80x128xi32, #tpu.memory_space<hbm>> -> memref<1x80x128xi32, #tpu.memory_space<hbm>>
    %dma_wait3A_96 = tpu.memref_squeeze %dma_wait3A_95 : memref<1x80x128xi32, #tpu.memory_space<hbm>> -> memref<80x128xi32, #tpu.memory_space<hbm>>
    %dma_wait3A_97 = arith.constant 0 : i32
    %dma_wait3A_98 = arith.constant 0 : i32
    %dma_wait3A_99 = tpu.memref_slice %arg3[%add3A, %dma_wait3A_97, %dma_wait3A_98] : memref<32x80x128xi32, #tpu.memory_space<hbm>> -> memref<1x80x128xi32, #tpu.memory_space<hbm>>
    %dma_wait3A_100 = tpu.memref_squeeze %dma_wait3A_99 : memref<1x80x128xi32, #tpu.memory_space<hbm>> -> memref<80x128xi32, #tpu.memory_space<hbm>>
    tpu.wait_dma2 semaphore(%arg36 : memref<!tpu.dma_semaphore, #tpu.memory_space<semaphore_mem>>) src(%dma_wait3A_100 : memref<80x128xi32, #tpu.memory_space<hbm>>) dst(%arg11 : memref<80x128xi32, #tpu.memory_space<vmem>>)
    %barrier3A = arith.constant 0 : index
    tpu.barrier barrier_id(%barrier3A)
    %dma_start3A_101 = arith.constant 0 : i32
    %dma_start3A_102 = arith.constant 0 : i32
    %dma_start3A_103 = tpu.memref_slice %arg10[%dma_start3A_101, %dma_start3A_102] : memref<80x128xi32, #tpu.memory_space<vmem>> -> memref<1x128xi32, #tpu.memory_space<vmem>>
    %dma_start3A_104 = tpu.memref_squeeze %dma_start3A_103 : memref<1x128xi32, #tpu.memory_space<vmem>> -> memref<128xi32, #tpu.memory_space<vmem>>
    %dma_start3A_105 = arith.constant 0 : i32
    %dma_start3A_106 = arith.constant 0 : i32
    %dma_start3A_107 = tpu.memref_slice %arg20[%dma_start3A_105, %dma_start3A_106] : memref<10240x16xf32, #tpu.memory_space<vmem_shared>> -> memref<10240x16xf32, #tpu.memory_space<vmem_shared>>
    tpu.enqueue_indirect_dma source(%dma_start3A_107 : memref<10240x16xf32, #tpu.memory_space<vmem_shared>>) target(%arg21 : memref<128x16xf32, #tpu.memory_space<vmem>>) offsets(%dma_start3A_104 : memref<128xi32, #tpu.memory_space<vmem>>) semaphore(%arg29 : memref<!tpu.dma_semaphore, #tpu.memory_space<semaphore_mem>>)
    %dma_start3A_108 = arith.constant 1 : i32
    %dma_start3A_109 = arith.constant 0 : i32
    %dma_start3A_110 = tpu.memref_slice %arg10[%dma_start3A_108, %dma_start3A_109] : memref<80x128xi32, #tpu.memory_space<vmem>> -> memref<1x128xi32, #tpu.memory_space<vmem>>
    %dma_start3A_111 = tpu.memref_squeeze %dma_start3A_110 : memref<1x128xi32, #tpu.memory_space<vmem>> -> memref<128xi32, #tpu.memory_space<vmem>>
    %dma_start3A_112 = arith.constant 0 : i32
    %dma_start3A_113 = arith.constant 0 : i32
    %dma_start3A_114 = tpu.memref_slice %arg20[%dma_start3A_112, %dma_start3A_113] : memref<10240x16xf32, #tpu.memory_space<vmem_shared>> -> memref<10240x16xf32, #tpu.memory_space<vmem_shared>>
    tpu.enqueue_indirect_dma source(%dma_start3A_114 : memref<10240x16xf32, #tpu.memory_space<vmem_shared>>) target(%arg22 : memref<128x16xf32, #tpu.memory_space<vmem>>) offsets(%dma_start3A_111 : memref<128xi32, #tpu.memory_space<vmem>>) semaphore(%arg30 : memref<!tpu.dma_semaphore, #tpu.memory_space<semaphore_mem>>)
    %dma_start3A_115 = arith.constant 2 : i32
    %dma_start3A_116 = arith.constant 0 : i32
    %dma_start3A_117 = tpu.memref_slice %arg10[%dma_start3A_115, %dma_start3A_116] : memref<80x128xi32, #tpu.memory_space<vmem>> -> memref<1x128xi32, #tpu.memory_space<vmem>>
    %dma_start3A_118 = tpu.memref_squeeze %dma_start3A_117 : memref<1x128xi32, #tpu.memory_space<vmem>> -> memref<128xi32, #tpu.memory_space<vmem>>
    %dma_start3A_119 = arith.constant 0 : i32
    %dma_start3A_120 = arith.constant 0 : i32
    %dma_start3A_121 = tpu.memref_slice %arg20[%dma_start3A_119, %dma_start3A_120] : memref<10240x16xf32, #tpu.memory_space<vmem_shared>> -> memref<10240x16xf32, #tpu.memory_space<vmem_shared>>
    tpu.enqueue_indirect_dma source(%dma_start3A_121 : memref<10240x16xf32, #tpu.memory_space<vmem_shared>>) target(%arg23 : memref<128x16xf32, #tpu.memory_space<vmem>>) offsets(%dma_start3A_118 : memref<128xi32, #tpu.memory_space<vmem>>) semaphore(%arg31 : memref<!tpu.dma_semaphore, #tpu.memory_space<semaphore_mem>>)
    %dma_start3A_122 = arith.constant 3 : i32
    %dma_start3A_123 = arith.constant 0 : i32
    %dma_start3A_124 = tpu.memref_slice %arg10[%dma_start3A_122, %dma_start3A_123] : memref<80x128xi32, #tpu.memory_space<vmem>> -> memref<1x128xi32, #tpu.memory_space<vmem>>
    %dma_start3A_125 = tpu.memref_squeeze %dma_start3A_124 : memref<1x128xi32, #tpu.memory_space<vmem>> -> memref<128xi32, #tpu.memory_space<vmem>>
    %dma_start3A_126 = arith.constant 0 : i32
    %dma_start3A_127 = arith.constant 0 : i32
    %dma_start3A_128 = tpu.memref_slice %arg20[%dma_start3A_126, %dma_start3A_127] : memref<10240x16xf32, #tpu.memory_space<vmem_shared>> -> memref<10240x16xf32, #tpu.memory_space<vmem_shared>>
    tpu.enqueue_indirect_dma source(%dma_start3A_128 : memref<10240x16xf32, #tpu.memory_space<vmem_shared>>) target(%arg24 : memref<128x16xf32, #tpu.memory_space<vmem>>) offsets(%dma_start3A_125 : memref<128xi32, #tpu.memory_space<vmem>>) semaphore(%arg32 : memref<!tpu.dma_semaphore, #tpu.memory_space<semaphore_mem>>)
    %dma_wait3A_129 = arith.constant 0 : i32
    %dma_wait3A_130 = arith.constant 0 : i32
    %dma_wait3A_131 = tpu.memref_slice %arg10[%dma_wait3A_129, %dma_wait3A_130] : memref<80x128xi32, #tpu.memory_space<vmem>> -> memref<1x128xi32, #tpu.memory_space<vmem>>
    %dma_wait3A_132 = tpu.memref_squeeze %dma_wait3A_131 : memref<1x128xi32, #tpu.memory_space<vmem>> -> memref<128xi32, #tpu.memory_space<vmem>>
    %dma_wait3A_133 = arith.constant 0 : i32
    %dma_wait3A_134 = arith.constant 0 : i32
    %dma_wait3A_135 = tpu.memref_slice %arg20[%dma_wait3A_133, %dma_wait3A_134] : memref<10240x16xf32, #tpu.memory_space<vmem_shared>> -> memref<10240x16xf32, #tpu.memory_space<vmem_shared>>
    tpu.wait_indirect_dma semaphore(%arg29 : memref<!tpu.dma_semaphore, #tpu.memory_space<semaphore_mem>>) src(%dma_wait3A_135 : memref<10240x16xf32, #tpu.memory_space<vmem_shared>>) dst(%arg21 : memref<128x16xf32, #tpu.memory_space<vmem>>)
    %dma_start3A_136 = arith.constant 0 : i32
    %dma_start3A_137 = arith.constant 0 : i32
    %dma_start3A_138 = tpu.memref_slice %arg11[%dma_start3A_136, %dma_start3A_137] : memref<80x128xi32, #tpu.memory_space<vmem>> -> memref<1x128xi32, #tpu.memory_space<vmem>>
    %dma_start3A_139 = tpu.memref_squeeze %dma_start3A_138 : memref<1x128xi32, #tpu.memory_space<vmem>> -> memref<128xi32, #tpu.memory_space<vmem>>
    %dma_start3A_140 = arith.constant 0 : i32
    %dma_start3A_141 = arith.constant 0 : i32
    %dma_start3A_142 = tpu.memref_slice %arg19[%dma_start3A_140, %dma_start3A_141] : memref<10240x16xf32, #tpu.memory_space<vmem_shared>> -> memref<10240x16xf32, #tpu.memory_space<vmem_shared>>
    tpu.enqueue_indirect_dma source(%arg21 : memref<128x16xf32, #tpu.memory_space<vmem>>) target(%dma_start3A_142 : memref<10240x16xf32, #tpu.memory_space<vmem_shared>>) offsets(%dma_start3A_139 : memref<128xi32, #tpu.memory_space<vmem>>) semaphore(%arg37 : memref<!tpu.dma_semaphore, #tpu.memory_space<semaphore_mem>>) {add = true}
    %dma_start3A_143 = arith.constant 4 : i32
    %dma_start3A_144 = arith.constant 0 : i32
    %dma_start3A_145 = tpu.memref_slice %arg10[%dma_start3A_143, %dma_start3A_144] : memref<80x128xi32, #tpu.memory_space<vmem>> -> memref<1x128xi32, #tpu.memory_space<vmem>>
    %dma_start3A_146 = tpu.memref_squeeze %dma_start3A_145 : memref<1x128xi32, #tpu.memory_space<vmem>> -> memref<128xi32, #tpu.memory_space<vmem>>
    %dma_start3A_147 = arith.constant 0 : i32
    %dma_start3A_148 = arith.constant 0 : i32
    %dma_start3A_149 = tpu.memref_slice %arg20[%dma_start3A_147, %dma_start3A_148] : memref<10240x16xf32, #tpu.memory_space<vmem_shared>> -> memref<10240x16xf32, #tpu.memory_space<vmem_shared>>
    tpu.enqueue_indirect_dma source(%dma_start3A_149 : memref<10240x16xf32, #tpu.memory_space<vmem_shared>>) target(%arg25 : memref<128x16xf32, #tpu.memory_space<vmem>>) offsets(%dma_start3A_146 : memref<128xi32, #tpu.memory_space<vmem>>) semaphore(%arg33 : memref<!tpu.dma_semaphore, #tpu.memory_space<semaphore_mem>>)
    %dma_wait3A_150 = arith.constant 1 : i32
    %dma_wait3A_151 = arith.constant 0 : i32
    %dma_wait3A_152 = tpu.memref_slice %arg10[%dma_wait3A_150, %dma_wait3A_151] : memref<80x128xi32, #tpu.memory_space<vmem>> -> memref<1x128xi32, #tpu.memory_space<vmem>>
    %dma_wait3A_153 = tpu.memref_squeeze %dma_wait3A_152 : memref<1x128xi32, #tpu.memory_space<vmem>> -> memref<128xi32, #tpu.memory_space<vmem>>
    %dma_wait3A_154 = arith.constant 0 : i32
    %dma_wait3A_155 = arith.constant 0 : i32
    %dma_wait3A_156 = tpu.memref_slice %arg20[%dma_wait3A_154, %dma_wait3A_155] : memref<10240x16xf32, #tpu.memory_space<vmem_shared>> -> memref<10240x16xf32, #tpu.memory_space<vmem_shared>>
    tpu.wait_indirect_dma semaphore(%arg30 : memref<!tpu.dma_semaphore, #tpu.memory_space<semaphore_mem>>) src(%dma_wait3A_156 : memref<10240x16xf32, #tpu.memory_space<vmem_shared>>) dst(%arg22 : memref<128x16xf32, #tpu.memory_space<vmem>>)
    %dma_start3A_157 = arith.constant 1 : i32
    %dma_start3A_158 = arith.constant 0 : i32
    %dma_start3A_159 = tpu.memref_slice %arg11[%dma_start3A_157, %dma_start3A_158] : memref<80x128xi32, #tpu.memory_space<vmem>> -> memref<1x128xi32, #tpu.memory_space<vmem>>
    %dma_start3A_160 = tpu.memref_squeeze %dma_start3A_159 : memref<1x128xi32, #tpu.memory_space<vmem>> -> memref<128xi32, #tpu.memory_space<vmem>>
    %dma_start3A_161 = arith.constant 0 : i32
    %dma_start3A_162 = arith.constant 0 : i32
    %dma_start3A_163 = tpu.memref_slice %arg19[%dma_start3A_161, %dma_start3A_162] : memref<10240x16xf32, #tpu.memory_space<vmem_shared>> -> memref<10240x16xf32, #tpu.memory_space<vmem_shared>>
    tpu.enqueue_indirect_dma source(%arg22 : memref<128x16xf32, #tpu.memory_space<vmem>>) target(%dma_start3A_163 : memref<10240x16xf32, #tpu.memory_space<vmem_shared>>) offsets(%dma_start3A_160 : memref<128xi32, #tpu.memory_space<vmem>>) semaphore(%arg38 : memref<!tpu.dma_semaphore, #tpu.memory_space<semaphore_mem>>) {add = true}
    %dma_start3A_164 = arith.constant 5 : i32
    %dma_start3A_165 = arith.constant 0 : i32
    %dma_start3A_166 = tpu.memref_slice %arg10[%dma_start3A_164, %dma_start3A_165] : memref<80x128xi32, #tpu.memory_space<vmem>> -> memref<1x128xi32, #tpu.memory_space<vmem>>
    %dma_start3A_167 = tpu.memref_squeeze %dma_start3A_166 : memref<1x128xi32, #tpu.memory_space<vmem>> -> memref<128xi32, #tpu.memory_space<vmem>>
    %dma_start3A_168 = arith.constant 0 : i32
    %dma_start3A_169 = arith.constant 0 : i32
    %dma_start3A_170 = tpu.memref_slice %arg20[%dma_start3A_168, %dma_start3A_169] : memref<10240x16xf32, #tpu.memory_space<vmem_shared>> -> memref<10240x16xf32, #tpu.memory_space<vmem_shared>>
    tpu.enqueue_indirect_dma source(%dma_start3A_170 : memref<10240x16xf32, #tpu.memory_space<vmem_shared>>) target(%arg26 : memref<128x16xf32, #tpu.memory_space<vmem>>) offsets(%dma_start3A_167 : memref<128xi32, #tpu.memory_space<vmem>>) semaphore(%arg34 : memref<!tpu.dma_semaphore, #tpu.memory_space<semaphore_mem>>)
    %dma_wait3A_171 = arith.constant 2 : i32
    %dma_wait3A_172 = arith.constant 0 : i32
    %dma_wait3A_173 = tpu.memref_slice %arg10[%dma_wait3A_171, %dma_wait3A_172] : memref<80x128xi32, #tpu.memory_space<vmem>> -> memref<1x128xi32, #tpu.memory_space<vmem>>
    %dma_wait3A_174 = tpu.memref_squeeze %dma_wait3A_173 : memref<1x128xi32, #tpu.memory_space<vmem>> -> memref<128xi32, #tpu.memory_space<vmem>>
    %dma_wait3A_175 = arith.constant 0 : i32
    %dma_wait3A_176 = arith.constant 0 : i32
    %dma_wait3A_177 = tpu.memref_slice %arg20[%dma_wait3A_175, %dma_wait3A_176] : memref<10240x16xf32, #tpu.memory_space<vmem_shared>> -> memref<10240x16xf32, #tpu.memory_space<vmem_shared>>
    tpu.wait_indirect_dma semaphore(%arg31 : memref<!tpu.dma_semaphore, #tpu.memory_space<semaphore_mem>>) src(%dma_wait3A_177 : memref<10240x16xf32, #tpu.memory_space<vmem_shared>>) dst(%arg23 : memref<128x16xf32, #tpu.memory_space<vmem>>)
    %dma_start3A_178 = arith.constant 2 : i32
    %dma_start3A_179 = arith.constant 0 : i32
    %dma_start3A_180 = tpu.memref_slice %arg11[%dma_start3A_178, %dma_start3A_179] : memref<80x128xi32, #tpu.memory_space<vmem>> -> memref<1x128xi32, #tpu.memory_space<vmem>>
    %dma_start3A_181 = tpu.memref_squeeze %dma_start3A_180 : memref<1x128xi32, #tpu.memory_space<vmem>> -> memref<128xi32, #tpu.memory_space<vmem>>
    %dma_start3A_182 = arith.constant 0 : i32
    %dma_start3A_183 = arith.constant 0 : i32
    %dma_start3A_184 = tpu.memref_slice %arg19[%dma_start3A_182, %dma_start3A_183] : memref<10240x16xf32, #tpu.memory_space<vmem_shared>> -> memref<10240x16xf32, #tpu.memory_space<vmem_shared>>
    tpu.enqueue_indirect_dma source(%arg23 : memref<128x16xf32, #tpu.memory_space<vmem>>) target(%dma_start3A_184 : memref<10240x16xf32, #tpu.memory_space<vmem_shared>>) offsets(%dma_start3A_181 : memref<128xi32, #tpu.memory_space<vmem>>) semaphore(%arg39 : memref<!tpu.dma_semaphore, #tpu.memory_space<semaphore_mem>>) {add = true}
    %dma_start3A_185 = arith.constant 6 : i32
    %dma_start3A_186 = arith.constant 0 : i32
    %dma_start3A_187 = tpu.memref_slice %arg10[%dma_start3A_185, %dma_start3A_186] : memref<80x128xi32, #tpu.memory_space<vmem>> -> memref<1x128xi32, #tpu.memory_space<vmem>>
    %dma_start3A_188 = tpu.memref_squeeze %dma_start3A_187 : memref<1x128xi32, #tpu.memory_space<vmem>> -> memref<128xi32, #tpu.memory_space<vmem>>
    %dma_start3A_189 = arith.constant 0 : i32
    %dma_start3A_190 = arith.constant 0 : i32
    %dma_start3A_191 = tpu.memref_slice %arg20[%dma_start3A_189, %dma_start3A_190] : memref<10240x16xf32, #tpu.memory_space<vmem_shared>> -> memref<10240x16xf32, #tpu.memory_space<vmem_shared>>
    tpu.enqueue_indirect_dma source(%dma_start3A_191 : memref<10240x16xf32, #tpu.memory_space<vmem_shared>>) target(%arg27 : memref<128x16xf32, #tpu.memory_space<vmem>>) offsets(%dma_start3A_188 : memref<128xi32, #tpu.memory_space<vmem>>) semaphore(%arg35 : memref<!tpu.dma_semaphore, #tpu.memory_space<semaphore_mem>>)
    %dma_wait3A_192 = arith.constant 3 : i32
    %dma_wait3A_193 = arith.constant 0 : i32
    %dma_wait3A_194 = tpu.memref_slice %arg10[%dma_wait3A_192, %dma_wait3A_193] : memref<80x128xi32, #tpu.memory_space<vmem>> -> memref<1x128xi32, #tpu.memory_space<vmem>>
    %dma_wait3A_195 = tpu.memref_squeeze %dma_wait3A_194 : memref<1x128xi32, #tpu.memory_space<vmem>> -> memref<128xi32, #tpu.memory_space<vmem>>
    %dma_wait3A_196 = arith.constant 0 : i32
    %dma_wait3A_197 = arith.constant 0 : i32
    %dma_wait3A_198 = tpu.memref_slice %arg20[%dma_wait3A_196, %dma_wait3A_197] : memref<10240x16xf32, #tpu.memory_space<vmem_shared>> -> memref<10240x16xf32, #tpu.memory_space<vmem_shared>>
    tpu.wait_indirect_dma semaphore(%arg32 : memref<!tpu.dma_semaphore, #tpu.memory_space<semaphore_mem>>) src(%dma_wait3A_198 : memref<10240x16xf32, #tpu.memory_space<vmem_shared>>) dst(%arg24 : memref<128x16xf32, #tpu.memory_space<vmem>>)
    %dma_start3A_199 = arith.constant 3 : i32
    %dma_start3A_200 = arith.constant 0 : i32
    %dma_start3A_201 = tpu.memref_slice %arg11[%dma_start3A_199, %dma_start3A_200] : memref<80x128xi32, #tpu.memory_space<vmem>> -> memref<1x128xi32, #tpu.memory_space<vmem>>
    %dma_start3A_202 = tpu.memref_squeeze %dma_start3A_201 : memref<1x128xi32, #tpu.memory_space<vmem>> -> memref<128xi32, #tpu.memory_space<vmem>>
    %dma_start3A_203 = arith.constant 0 : i32
    %dma_start3A_204 = arith.constant 0 : i32
    %dma_start3A_205 = tpu.memref_slice %arg19[%dma_start3A_203, %dma_start3A_204] : memref<10240x16xf32, #tpu.memory_space<vmem_shared>> -> memref<10240x16xf32, #tpu.memory_space<vmem_shared>>
    tpu.enqueue_indirect_dma source(%arg24 : memref<128x16xf32, #tpu.memory_space<vmem>>) target(%dma_start3A_205 : memref<10240x16xf32, #tpu.memory_space<vmem_shared>>) offsets(%dma_start3A_202 : memref<128xi32, #tpu.memory_space<vmem>>) semaphore(%arg40 : memref<!tpu.dma_semaphore, #tpu.memory_space<semaphore_mem>>) {add = true}
    %dma_start3A_206 = arith.constant 7 : i32
    %dma_start3A_207 = arith.constant 0 : i32
    %dma_start3A_208 = tpu.memref_slice %arg10[%dma_start3A_206, %dma_start3A_207] : memref<80x128xi32, #tpu.memory_space<vmem>> -> memref<1x128xi32, #tpu.memory_space<vmem>>
    %dma_start3A_209 = tpu.memref_squeeze %dma_start3A_208 : memref<1x128xi32, #tpu.memory_space<vmem>> -> memref<128xi32, #tpu.memory_space<vmem>>
    %dma_start3A_210 = arith.constant 0 : i32
    %dma_start3A_211 = arith.constant 0 : i32
    %dma_start3A_212 = tpu.memref_slice %arg20[%dma_start3A_210, %dma_start3A_211] : memref<10240x16xf32, #tpu.memory_space<vmem_shared>> -> memref<10240x16xf32, #tpu.memory_space<vmem_shared>>
    tpu.enqueue_indirect_dma source(%dma_start3A_212 : memref<10240x16xf32, #tpu.memory_space<vmem_shared>>) target(%arg28 : memref<128x16xf32, #tpu.memory_space<vmem>>) offsets(%dma_start3A_209 : memref<128xi32, #tpu.memory_space<vmem>>) semaphore(%arg36 : memref<!tpu.dma_semaphore, #tpu.memory_space<semaphore_mem>>)
    %scan3A_213 = arith.constant 0 : i32
    %scan3A_214 = arith.constant 9 : i32
    %scan3A_215 = arith.addi %scan3A_213, %scan3A_214 : i32
    %scan3A_216 = arith.constant 1 : i32
    scf.for %scan3A_331 = %scan3A_213 to %scan3A_215 step %scan3A_216  : i32 {
      %mul3A_332 = arith.constant 1 : i32
      %mul3A_333 = arith.muli %scan3A_331, %mul3A_332 : i32
      %add3A_334 = arith.constant 0 : i32
      %add3A_335 = arith.addi %add3A_334, %mul3A_333 : i32
      %mul3A_336 = arith.constant 8 : i32
      %mul3A_337 = arith.muli %add3A_335, %mul3A_336 : i32
      %add3A_338 = arith.constant 4 : i32
      %add3A_339 = arith.addi %add3A_338, %mul3A_337 : i32
      %add3A_340 = arith.constant 0 : i32
      %add3A_341 = arith.addi %add3A_339, %add3A_340 : i32
      %dma_wait3A_342 = arith.constant 0 : i32
      %dma_wait3A_343 = tpu.memref_slice %arg10[%add3A_341, %dma_wait3A_342] : memref<80x128xi32, #tpu.memory_space<vmem>> -> memref<1x128xi32, #tpu.memory_space<vmem>>
      %dma_wait3A_344 = tpu.memref_squeeze %dma_wait3A_343 : memref<1x128xi32, #tpu.memory_space<vmem>> -> memref<128xi32, #tpu.memory_space<vmem>>
      %dma_wait3A_345 = arith.constant 0 : i32
      %dma_wait3A_346 = arith.constant 0 : i32
      %dma_wait3A_347 = tpu.memref_slice %arg20[%dma_wait3A_345, %dma_wait3A_346] : memref<10240x16xf32, #tpu.memory_space<vmem_shared>> -> memref<10240x16xf32, #tpu.memory_space<vmem_shared>>
      tpu.wait_indirect_dma semaphore(%arg33 : memref<!tpu.dma_semaphore, #tpu.memory_space<semaphore_mem>>) src(%dma_wait3A_347 : memref<10240x16xf32, #tpu.memory_space<vmem_shared>>) dst(%arg25 : memref<128x16xf32, #tpu.memory_space<vmem>>)
      %dma_start3A_348 = arith.constant 0 : i32
      %dma_start3A_349 = tpu.memref_slice %arg11[%add3A_341, %dma_start3A_348] : memref<80x128xi32, #tpu.memory_space<vmem>> -> memref<1x128xi32, #tpu.memory_space<vmem>>
      %dma_start3A_350 = tpu.memref_squeeze %dma_start3A_349 : memref<1x128xi32, #tpu.memory_space<vmem>> -> memref<128xi32, #tpu.memory_space<vmem>>
      %dma_start3A_351 = arith.constant 0 : i32
      %dma_start3A_352 = arith.constant 0 : i32
      %dma_start3A_353 = tpu.memref_slice %arg19[%dma_start3A_351, %dma_start3A_352] : memref<10240x16xf32, #tpu.memory_space<vmem_shared>> -> memref<10240x16xf32, #tpu.memory_space<vmem_shared>>
      tpu.enqueue_indirect_dma source(%arg25 : memref<128x16xf32, #tpu.memory_space<vmem>>) target(%dma_start3A_353 : memref<10240x16xf32, #tpu.memory_space<vmem_shared>>) offsets(%dma_start3A_350 : memref<128xi32, #tpu.memory_space<vmem>>) semaphore(%arg41 : memref<!tpu.dma_semaphore, #tpu.memory_space<semaphore_mem>>) {add = true}
      %add3A_354 = arith.constant 4 : i32
      %add3A_355 = arith.addi %add3A_341, %add3A_354 : i32
      %sub3A = arith.constant 8 : i32
      %sub3A_356 = arith.subi %add3A_355, %sub3A : i32
      %dma_wait3A_357 = arith.constant 0 : i32
      %dma_wait3A_358 = tpu.memref_slice %arg11[%sub3A_356, %dma_wait3A_357] : memref<80x128xi32, #tpu.memory_space<vmem>> -> memref<1x128xi32, #tpu.memory_space<vmem>>
      %dma_wait3A_359 = tpu.memref_squeeze %dma_wait3A_358 : memref<1x128xi32, #tpu.memory_space<vmem>> -> memref<128xi32, #tpu.memory_space<vmem>>
      %dma_wait3A_360 = arith.constant 0 : i32
      %dma_wait3A_361 = arith.constant 0 : i32
      %dma_wait3A_362 = tpu.memref_slice %arg19[%dma_wait3A_360, %dma_wait3A_361] : memref<10240x16xf32, #tpu.memory_space<vmem_shared>> -> memref<10240x16xf32, #tpu.memory_space<vmem_shared>>
      tpu.wait_indirect_dma semaphore(%arg37 : memref<!tpu.dma_semaphore, #tpu.memory_space<semaphore_mem>>) src(%arg21 : memref<128x16xf32, #tpu.memory_space<vmem>>) dst(%dma_wait3A_362 : memref<10240x16xf32, #tpu.memory_space<vmem_shared>>)
      %add3A_363 = arith.constant 4 : i32
      %add3A_364 = arith.addi %add3A_341, %add3A_363 : i32
      %dma_start3A_365 = arith.constant 0 : i32
      %dma_start3A_366 = tpu.memref_slice %arg10[%add3A_364, %dma_start3A_365] : memref<80x128xi32, #tpu.memory_space<vmem>> -> memref<1x128xi32, #tpu.memory_space<vmem>>
      %dma_start3A_367 = tpu.memref_squeeze %dma_start3A_366 : memref<1x128xi32, #tpu.memory_space<vmem>> -> memref<128xi32, #tpu.memory_space<vmem>>
      %dma_start3A_368 = arith.constant 0 : i32
      %dma_start3A_369 = arith.constant 0 : i32
      %dma_start3A_370 = tpu.memref_slice %arg20[%dma_start3A_368, %dma_start3A_369] : memref<10240x16xf32, #tpu.memory_space<vmem_shared>> -> memref<10240x16xf32, #tpu.memory_space<vmem_shared>>
      tpu.enqueue_indirect_dma source(%dma_start3A_370 : memref<10240x16xf32, #tpu.memory_space<vmem_shared>>) target(%arg21 : memref<128x16xf32, #tpu.memory_space<vmem>>) offsets(%dma_start3A_367 : memref<128xi32, #tpu.memory_space<vmem>>) semaphore(%arg29 : memref<!tpu.dma_semaphore, #tpu.memory_space<semaphore_mem>>)
      %add3A_371 = arith.constant 1 : i32
      %add3A_372 = arith.addi %add3A_339, %add3A_371 : i32
      %dma_wait3A_373 = arith.constant 0 : i32
      %dma_wait3A_374 = tpu.memref_slice %arg10[%add3A_372, %dma_wait3A_373] : memref<80x128xi32, #tpu.memory_space<vmem>> -> memref<1x128xi32, #tpu.memory_space<vmem>>
      %dma_wait3A_375 = tpu.memref_squeeze %dma_wait3A_374 : memref<1x128xi32, #tpu.memory_space<vmem>> -> memref<128xi32, #tpu.memory_space<vmem>>
      %dma_wait3A_376 = arith.constant 0 : i32
      %dma_wait3A_377 = arith.constant 0 : i32
      %dma_wait3A_378 = tpu.memref_slice %arg20[%dma_wait3A_376, %dma_wait3A_377] : memref<10240x16xf32, #tpu.memory_space<vmem_shared>> -> memref<10240x16xf32, #tpu.memory_space<vmem_shared>>
      tpu.wait_indirect_dma semaphore(%arg34 : memref<!tpu.dma_semaphore, #tpu.memory_space<semaphore_mem>>) src(%dma_wait3A_378 : memref<10240x16xf32, #tpu.memory_space<vmem_shared>>) dst(%arg26 : memref<128x16xf32, #tpu.memory_space<vmem>>)
      %dma_start3A_379 = arith.constant 0 : i32
      %dma_start3A_380 = tpu.memref_slice %arg11[%add3A_372, %dma_start3A_379] : memref<80x128xi32, #tpu.memory_space<vmem>> -> memref<1x128xi32, #tpu.memory_space<vmem>>
      %dma_start3A_381 = tpu.memref_squeeze %dma_start3A_380 : memref<1x128xi32, #tpu.memory_space<vmem>> -> memref<128xi32, #tpu.memory_space<vmem>>
      %dma_start3A_382 = arith.constant 0 : i32
      %dma_start3A_383 = arith.constant 0 : i32
      %dma_start3A_384 = tpu.memref_slice %arg19[%dma_start3A_382, %dma_start3A_383] : memref<10240x16xf32, #tpu.memory_space<vmem_shared>> -> memref<10240x16xf32, #tpu.memory_space<vmem_shared>>
      tpu.enqueue_indirect_dma source(%arg26 : memref<128x16xf32, #tpu.memory_space<vmem>>) target(%dma_start3A_384 : memref<10240x16xf32, #tpu.memory_space<vmem_shared>>) offsets(%dma_start3A_381 : memref<128xi32, #tpu.memory_space<vmem>>) semaphore(%arg42 : memref<!tpu.dma_semaphore, #tpu.memory_space<semaphore_mem>>) {add = true}
      %add3A_385 = arith.constant 4 : i32
      %add3A_386 = arith.addi %add3A_372, %add3A_385 : i32
      %sub3A_387 = arith.constant 8 : i32
      %sub3A_388 = arith.subi %add3A_386, %sub3A_387 : i32
      %dma_wait3A_389 = arith.constant 0 : i32
      %dma_wait3A_390 = tpu.memref_slice %arg11[%sub3A_388, %dma_wait3A_389] : memref<80x128xi32, #tpu.memory_space<vmem>> -> memref<1x128xi32, #tpu.memory_space<vmem>>
      %dma_wait3A_391 = tpu.memref_squeeze %dma_wait3A_390 : memref<1x128xi32, #tpu.memory_space<vmem>> -> memref<128xi32, #tpu.memory_space<vmem>>
      %dma_wait3A_392 = arith.constant 0 : i32
      %dma_wait3A_393 = arith.constant 0 : i32
      %dma_wait3A_394 = tpu.memref_slice %arg19[%dma_wait3A_392, %dma_wait3A_393] : memref<10240x16xf32, #tpu.memory_space<vmem_shared>> -> memref<10240x16xf32, #tpu.memory_space<vmem_shared>>
      tpu.wait_indirect_dma semaphore(%arg38 : memref<!tpu.dma_semaphore, #tpu.memory_space<semaphore_mem>>) src(%arg22 : memref<128x16xf32, #tpu.memory_space<vmem>>) dst(%dma_wait3A_394 : memref<10240x16xf32, #tpu.memory_space<vmem_shared>>)
      %add3A_395 = arith.constant 4 : i32
      %add3A_396 = arith.addi %add3A_372, %add3A_395 : i32
      %dma_start3A_397 = arith.constant 0 : i32
      %dma_start3A_398 = tpu.memref_slice %arg10[%add3A_396, %dma_start3A_397] : memref<80x128xi32, #tpu.memory_space<vmem>> -> memref<1x128xi32, #tpu.memory_space<vmem>>
      %dma_start3A_399 = tpu.memref_squeeze %dma_start3A_398 : memref<1x128xi32, #tpu.memory_space<vmem>> -> memref<128xi32, #tpu.memory_space<vmem>>
      %dma_start3A_400 = arith.constant 0 : i32
      %dma_start3A_401 = arith.constant 0 : i32
      %dma_start3A_402 = tpu.memref_slice %arg20[%dma_start3A_400, %dma_start3A_401] : memref<10240x16xf32, #tpu.memory_space<vmem_shared>> -> memref<10240x16xf32, #tpu.memory_space<vmem_shared>>
      tpu.enqueue_indirect_dma source(%dma_start3A_402 : memref<10240x16xf32, #tpu.memory_space<vmem_shared>>) target(%arg22 : memref<128x16xf32, #tpu.memory_space<vmem>>) offsets(%dma_start3A_399 : memref<128xi32, #tpu.memory_space<vmem>>) semaphore(%arg30 : memref<!tpu.dma_semaphore, #tpu.memory_space<semaphore_mem>>)
      %add3A_403 = arith.constant 2 : i32
      %add3A_404 = arith.addi %add3A_339, %add3A_403 : i32
      %dma_wait3A_405 = arith.constant 0 : i32
      %dma_wait3A_406 = tpu.memref_slice %arg10[%add3A_404, %dma_wait3A_405] : memref<80x128xi32, #tpu.memory_space<vmem>> -> memref<1x128xi32, #tpu.memory_space<vmem>>
      %dma_wait3A_407 = tpu.memref_squeeze %dma_wait3A_406 : memref<1x128xi32, #tpu.memory_space<vmem>> -> memref<128xi32, #tpu.memory_space<vmem>>
      %dma_wait3A_408 = arith.constant 0 : i32
      %dma_wait3A_409 = arith.constant 0 : i32
      %dma_wait3A_410 = tpu.memref_slice %arg20[%dma_wait3A_408, %dma_wait3A_409] : memref<10240x16xf32, #tpu.memory_space<vmem_shared>> -> memref<10240x16xf32, #tpu.memory_space<vmem_shared>>
      tpu.wait_indirect_dma semaphore(%arg35 : memref<!tpu.dma_semaphore, #tpu.memory_space<semaphore_mem>>) src(%dma_wait3A_410 : memref<10240x16xf32, #tpu.memory_space<vmem_shared>>) dst(%arg27 : memref<128x16xf32, #tpu.memory_space<vmem>>)
      %dma_start3A_411 = arith.constant 0 : i32
      %dma_start3A_412 = tpu.memref_slice %arg11[%add3A_404, %dma_start3A_411] : memref<80x128xi32, #tpu.memory_space<vmem>> -> memref<1x128xi32, #tpu.memory_space<vmem>>
      %dma_start3A_413 = tpu.memref_squeeze %dma_start3A_412 : memref<1x128xi32, #tpu.memory_space<vmem>> -> memref<128xi32, #tpu.memory_space<vmem>>
      %dma_start3A_414 = arith.constant 0 : i32
      %dma_start3A_415 = arith.constant 0 : i32
      %dma_start3A_416 = tpu.memref_slice %arg19[%dma_start3A_414, %dma_start3A_415] : memref<10240x16xf32, #tpu.memory_space<vmem_shared>> -> memref<10240x16xf32, #tpu.memory_space<vmem_shared>>
      tpu.enqueue_indirect_dma source(%arg27 : memref<128x16xf32, #tpu.memory_space<vmem>>) target(%dma_start3A_416 : memref<10240x16xf32, #tpu.memory_space<vmem_shared>>) offsets(%dma_start3A_413 : memref<128xi32, #tpu.memory_space<vmem>>) semaphore(%arg43 : memref<!tpu.dma_semaphore, #tpu.memory_space<semaphore_mem>>) {add = true}
      %add3A_417 = arith.constant 4 : i32
      %add3A_418 = arith.addi %add3A_404, %add3A_417 : i32
      %sub3A_419 = arith.constant 8 : i32
      %sub3A_420 = arith.subi %add3A_418, %sub3A_419 : i32
      %dma_wait3A_421 = arith.constant 0 : i32
      %dma_wait3A_422 = tpu.memref_slice %arg11[%sub3A_420, %dma_wait3A_421] : memref<80x128xi32, #tpu.memory_space<vmem>> -> memref<1x128xi32, #tpu.memory_space<vmem>>
      %dma_wait3A_423 = tpu.memref_squeeze %dma_wait3A_422 : memref<1x128xi32, #tpu.memory_space<vmem>> -> memref<128xi32, #tpu.memory_space<vmem>>
      %dma_wait3A_424 = arith.constant 0 : i32
      %dma_wait3A_425 = arith.constant 0 : i32
      %dma_wait3A_426 = tpu.memref_slice %arg19[%dma_wait3A_424, %dma_wait3A_425] : memref<10240x16xf32, #tpu.memory_space<vmem_shared>> -> memref<10240x16xf32, #tpu.memory_space<vmem_shared>>
      tpu.wait_indirect_dma semaphore(%arg39 : memref<!tpu.dma_semaphore, #tpu.memory_space<semaphore_mem>>) src(%arg23 : memref<128x16xf32, #tpu.memory_space<vmem>>) dst(%dma_wait3A_426 : memref<10240x16xf32, #tpu.memory_space<vmem_shared>>)
      %add3A_427 = arith.constant 4 : i32
      %add3A_428 = arith.addi %add3A_404, %add3A_427 : i32
      %dma_start3A_429 = arith.constant 0 : i32
      %dma_start3A_430 = tpu.memref_slice %arg10[%add3A_428, %dma_start3A_429] : memref<80x128xi32, #tpu.memory_space<vmem>> -> memref<1x128xi32, #tpu.memory_space<vmem>>
      %dma_start3A_431 = tpu.memref_squeeze %dma_start3A_430 : memref<1x128xi32, #tpu.memory_space<vmem>> -> memref<128xi32, #tpu.memory_space<vmem>>
      %dma_start3A_432 = arith.constant 0 : i32
      %dma_start3A_433 = arith.constant 0 : i32
      %dma_start3A_434 = tpu.memref_slice %arg20[%dma_start3A_432, %dma_start3A_433] : memref<10240x16xf32, #tpu.memory_space<vmem_shared>> -> memref<10240x16xf32, #tpu.memory_space<vmem_shared>>
      tpu.enqueue_indirect_dma source(%dma_start3A_434 : memref<10240x16xf32, #tpu.memory_space<vmem_shared>>) target(%arg23 : memref<128x16xf32, #tpu.memory_space<vmem>>) offsets(%dma_start3A_431 : memref<128xi32, #tpu.memory_space<vmem>>) semaphore(%arg31 : memref<!tpu.dma_semaphore, #tpu.memory_space<semaphore_mem>>)
      %add3A_435 = arith.constant 3 : i32
      %add3A_436 = arith.addi %add3A_339, %add3A_435 : i32
      %dma_wait3A_437 = arith.constant 0 : i32
      %dma_wait3A_438 = tpu.memref_slice %arg10[%add3A_436, %dma_wait3A_437] : memref<80x128xi32, #tpu.memory_space<vmem>> -> memref<1x128xi32, #tpu.memory_space<vmem>>
      %dma_wait3A_439 = tpu.memref_squeeze %dma_wait3A_438 : memref<1x128xi32, #tpu.memory_space<vmem>> -> memref<128xi32, #tpu.memory_space<vmem>>
      %dma_wait3A_440 = arith.constant 0 : i32
      %dma_wait3A_441 = arith.constant 0 : i32
      %dma_wait3A_442 = tpu.memref_slice %arg20[%dma_wait3A_440, %dma_wait3A_441] : memref<10240x16xf32, #tpu.memory_space<vmem_shared>> -> memref<10240x16xf32, #tpu.memory_space<vmem_shared>>
      tpu.wait_indirect_dma semaphore(%arg36 : memref<!tpu.dma_semaphore, #tpu.memory_space<semaphore_mem>>) src(%dma_wait3A_442 : memref<10240x16xf32, #tpu.memory_space<vmem_shared>>) dst(%arg28 : memref<128x16xf32, #tpu.memory_space<vmem>>)
      %dma_start3A_443 = arith.constant 0 : i32
      %dma_start3A_444 = tpu.memref_slice %arg11[%add3A_436, %dma_start3A_443] : memref<80x128xi32, #tpu.memory_space<vmem>> -> memref<1x128xi32, #tpu.memory_space<vmem>>
      %dma_start3A_445 = tpu.memref_squeeze %dma_start3A_444 : memref<1x128xi32, #tpu.memory_space<vmem>> -> memref<128xi32, #tpu.memory_space<vmem>>
      %dma_start3A_446 = arith.constant 0 : i32
      %dma_start3A_447 = arith.constant 0 : i32
      %dma_start3A_448 = tpu.memref_slice %arg19[%dma_start3A_446, %dma_start3A_447] : memref<10240x16xf32, #tpu.memory_space<vmem_shared>> -> memref<10240x16xf32, #tpu.memory_space<vmem_shared>>
      tpu.enqueue_indirect_dma source(%arg28 : memref<128x16xf32, #tpu.memory_space<vmem>>) target(%dma_start3A_448 : memref<10240x16xf32, #tpu.memory_space<vmem_shared>>) offsets(%dma_start3A_445 : memref<128xi32, #tpu.memory_space<vmem>>) semaphore(%arg44 : memref<!tpu.dma_semaphore, #tpu.memory_space<semaphore_mem>>) {add = true}
      %add3A_449 = arith.constant 4 : i32
      %add3A_450 = arith.addi %add3A_436, %add3A_449 : i32
      %sub3A_451 = arith.constant 8 : i32
      %sub3A_452 = arith.subi %add3A_450, %sub3A_451 : i32
      %dma_wait3A_453 = arith.constant 0 : i32
      %dma_wait3A_454 = tpu.memref_slice %arg11[%sub3A_452, %dma_wait3A_453] : memref<80x128xi32, #tpu.memory_space<vmem>> -> memref<1x128xi32, #tpu.memory_space<vmem>>
      %dma_wait3A_455 = tpu.memref_squeeze %dma_wait3A_454 : memref<1x128xi32, #tpu.memory_space<vmem>> -> memref<128xi32, #tpu.memory_space<vmem>>
      %dma_wait3A_456 = arith.constant 0 : i32
      %dma_wait3A_457 = arith.constant 0 : i32
      %dma_wait3A_458 = tpu.memref_slice %arg19[%dma_wait3A_456, %dma_wait3A_457] : memref<10240x16xf32, #tpu.memory_space<vmem_shared>> -> memref<10240x16xf32, #tpu.memory_space<vmem_shared>>
      tpu.wait_indirect_dma semaphore(%arg40 : memref<!tpu.dma_semaphore, #tpu.memory_space<semaphore_mem>>) src(%arg24 : memref<128x16xf32, #tpu.memory_space<vmem>>) dst(%dma_wait3A_458 : memref<10240x16xf32, #tpu.memory_space<vmem_shared>>)
      %add3A_459 = arith.constant 4 : i32
      %add3A_460 = arith.addi %add3A_436, %add3A_459 : i32
      %dma_start3A_461 = arith.constant 0 : i32
      %dma_start3A_462 = tpu.memref_slice %arg10[%add3A_460, %dma_start3A_461] : memref<80x128xi32, #tpu.memory_space<vmem>> -> memref<1x128xi32, #tpu.memory_space<vmem>>
      %dma_start3A_463 = tpu.memref_squeeze %dma_start3A_462 : memref<1x128xi32, #tpu.memory_space<vmem>> -> memref<128xi32, #tpu.memory_space<vmem>>
      %dma_start3A_464 = arith.constant 0 : i32
      %dma_start3A_465 = arith.constant 0 : i32
      %dma_start3A_466 = tpu.memref_slice %arg20[%dma_start3A_464, %dma_start3A_465] : memref<10240x16xf32, #tpu.memory_space<vmem_shared>> -> memref<10240x16xf32, #tpu.memory_space<vmem_shared>>
      tpu.enqueue_indirect_dma source(%dma_start3A_466 : memref<10240x16xf32, #tpu.memory_space<vmem_shared>>) target(%arg24 : memref<128x16xf32, #tpu.memory_space<vmem>>) offsets(%dma_start3A_463 : memref<128xi32, #tpu.memory_space<vmem>>) semaphore(%arg32 : memref<!tpu.dma_semaphore, #tpu.memory_space<semaphore_mem>>)
      %add3A_467 = arith.constant 4 : i32
      %add3A_468 = arith.addi %add3A_339, %add3A_467 : i32
      %dma_wait3A_469 = arith.constant 0 : i32
      %dma_wait3A_470 = tpu.memref_slice %arg10[%add3A_468, %dma_wait3A_469] : memref<80x128xi32, #tpu.memory_space<vmem>> -> memref<1x128xi32, #tpu.memory_space<vmem>>
      %dma_wait3A_471 = tpu.memref_squeeze %dma_wait3A_470 : memref<1x128xi32, #tpu.memory_space<vmem>> -> memref<128xi32, #tpu.memory_space<vmem>>
      %dma_wait3A_472 = arith.constant 0 : i32
      %dma_wait3A_473 = arith.constant 0 : i32
      %dma_wait3A_474 = tpu.memref_slice %arg20[%dma_wait3A_472, %dma_wait3A_473] : memref<10240x16xf32, #tpu.memory_space<vmem_shared>> -> memref<10240x16xf32, #tpu.memory_space<vmem_shared>>
      tpu.wait_indirect_dma semaphore(%arg29 : memref<!tpu.dma_semaphore, #tpu.memory_space<semaphore_mem>>) src(%dma_wait3A_474 : memref<10240x16xf32, #tpu.memory_space<vmem_shared>>) dst(%arg21 : memref<128x16xf32, #tpu.memory_space<vmem>>)
      %dma_start3A_475 = arith.constant 0 : i32
      %dma_start3A_476 = tpu.memref_slice %arg11[%add3A_468, %dma_start3A_475] : memref<80x128xi32, #tpu.memory_space<vmem>> -> memref<1x128xi32, #tpu.memory_space<vmem>>
      %dma_start3A_477 = tpu.memref_squeeze %dma_start3A_476 : memref<1x128xi32, #tpu.memory_space<vmem>> -> memref<128xi32, #tpu.memory_space<vmem>>
      %dma_start3A_478 = arith.constant 0 : i32
      %dma_start3A_479 = arith.constant 0 : i32
      %dma_start3A_480 = tpu.memref_slice %arg19[%dma_start3A_478, %dma_start3A_479] : memref<10240x16xf32, #tpu.memory_space<vmem_shared>> -> memref<10240x16xf32, #tpu.memory_space<vmem_shared>>
      tpu.enqueue_indirect_dma source(%arg21 : memref<128x16xf32, #tpu.memory_space<vmem>>) target(%dma_start3A_480 : memref<10240x16xf32, #tpu.memory_space<vmem_shared>>) offsets(%dma_start3A_477 : memref<128xi32, #tpu.memory_space<vmem>>) semaphore(%arg37 : memref<!tpu.dma_semaphore, #tpu.memory_space<semaphore_mem>>) {add = true}
      %add3A_481 = arith.constant 4 : i32
      %add3A_482 = arith.addi %add3A_468, %add3A_481 : i32
      %sub3A_483 = arith.constant 8 : i32
      %sub3A_484 = arith.subi %add3A_482, %sub3A_483 : i32
      %dma_wait3A_485 = arith.constant 0 : i32
      %dma_wait3A_486 = tpu.memref_slice %arg11[%sub3A_484, %dma_wait3A_485] : memref<80x128xi32, #tpu.memory_space<vmem>> -> memref<1x128xi32, #tpu.memory_space<vmem>>
      %dma_wait3A_487 = tpu.memref_squeeze %dma_wait3A_486 : memref<1x128xi32, #tpu.memory_space<vmem>> -> memref<128xi32, #tpu.memory_space<vmem>>
      %dma_wait3A_488 = arith.constant 0 : i32
      %dma_wait3A_489 = arith.constant 0 : i32
      %dma_wait3A_490 = tpu.memref_slice %arg19[%dma_wait3A_488, %dma_wait3A_489] : memref<10240x16xf32, #tpu.memory_space<vmem_shared>> -> memref<10240x16xf32, #tpu.memory_space<vmem_shared>>
      tpu.wait_indirect_dma semaphore(%arg41 : memref<!tpu.dma_semaphore, #tpu.memory_space<semaphore_mem>>) src(%arg25 : memref<128x16xf32, #tpu.memory_space<vmem>>) dst(%dma_wait3A_490 : memref<10240x16xf32, #tpu.memory_space<vmem_shared>>)
      %add3A_491 = arith.constant 4 : i32
      %add3A_492 = arith.addi %add3A_468, %add3A_491 : i32
      %dma_start3A_493 = arith.constant 0 : i32
      %dma_start3A_494 = tpu.memref_slice %arg10[%add3A_492, %dma_start3A_493] : memref<80x128xi32, #tpu.memory_space<vmem>> -> memref<1x128xi32, #tpu.memory_space<vmem>>
      %dma_start3A_495 = tpu.memref_squeeze %dma_start3A_494 : memref<1x128xi32, #tpu.memory_space<vmem>> -> memref<128xi32, #tpu.memory_space<vmem>>
      %dma_start3A_496 = arith.constant 0 : i32
      %dma_start3A_497 = arith.constant 0 : i32
      %dma_start3A_498 = tpu.memref_slice %arg20[%dma_start3A_496, %dma_start3A_497] : memref<10240x16xf32, #tpu.memory_space<vmem_shared>> -> memref<10240x16xf32, #tpu.memory_space<vmem_shared>>
      tpu.enqueue_indirect_dma source(%dma_start3A_498 : memref<10240x16xf32, #tpu.memory_space<vmem_shared>>) target(%arg25 : memref<128x16xf32, #tpu.memory_space<vmem>>) offsets(%dma_start3A_495 : memref<128xi32, #tpu.memory_space<vmem>>) semaphore(%arg33 : memref<!tpu.dma_semaphore, #tpu.memory_space<semaphore_mem>>)
      %add3A_499 = arith.constant 5 : i32
      %add3A_500 = arith.addi %add3A_339, %add3A_499 : i32
      %dma_wait3A_501 = arith.constant 0 : i32
      %dma_wait3A_502 = tpu.memref_slice %arg10[%add3A_500, %dma_wait3A_501] : memref<80x128xi32, #tpu.memory_space<vmem>> -> memref<1x128xi32, #tpu.memory_space<vmem>>
      %dma_wait3A_503 = tpu.memref_squeeze %dma_wait3A_502 : memref<1x128xi32, #tpu.memory_space<vmem>> -> memref<128xi32, #tpu.memory_space<vmem>>
      %dma_wait3A_504 = arith.constant 0 : i32
      %dma_wait3A_505 = arith.constant 0 : i32
      %dma_wait3A_506 = tpu.memref_slice %arg20[%dma_wait3A_504, %dma_wait3A_505] : memref<10240x16xf32, #tpu.memory_space<vmem_shared>> -> memref<10240x16xf32, #tpu.memory_space<vmem_shared>>
      tpu.wait_indirect_dma semaphore(%arg30 : memref<!tpu.dma_semaphore, #tpu.memory_space<semaphore_mem>>) src(%dma_wait3A_506 : memref<10240x16xf32, #tpu.memory_space<vmem_shared>>) dst(%arg22 : memref<128x16xf32, #tpu.memory_space<vmem>>)
      %dma_start3A_507 = arith.constant 0 : i32
      %dma_start3A_508 = tpu.memref_slice %arg11[%add3A_500, %dma_start3A_507] : memref<80x128xi32, #tpu.memory_space<vmem>> -> memref<1x128xi32, #tpu.memory_space<vmem>>
      %dma_start3A_509 = tpu.memref_squeeze %dma_start3A_508 : memref<1x128xi32, #tpu.memory_space<vmem>> -> memref<128xi32, #tpu.memory_space<vmem>>
      %dma_start3A_510 = arith.constant 0 : i32
      %dma_start3A_511 = arith.constant 0 : i32
      %dma_start3A_512 = tpu.memref_slice %arg19[%dma_start3A_510, %dma_start3A_511] : memref<10240x16xf32, #tpu.memory_space<vmem_shared>> -> memref<10240x16xf32, #tpu.memory_space<vmem_shared>>
      tpu.enqueue_indirect_dma source(%arg22 : memref<128x16xf32, #tpu.memory_space<vmem>>) target(%dma_start3A_512 : memref<10240x16xf32, #tpu.memory_space<vmem_shared>>) offsets(%dma_start3A_509 : memref<128xi32, #tpu.memory_space<vmem>>) semaphore(%arg38 : memref<!tpu.dma_semaphore, #tpu.memory_space<semaphore_mem>>) {add = true}
      %add3A_513 = arith.constant 4 : i32
      %add3A_514 = arith.addi %add3A_500, %add3A_513 : i32
      %sub3A_515 = arith.constant 8 : i32
      %sub3A_516 = arith.subi %add3A_514, %sub3A_515 : i32
      %dma_wait3A_517 = arith.constant 0 : i32
      %dma_wait3A_518 = tpu.memref_slice %arg11[%sub3A_516, %dma_wait3A_517] : memref<80x128xi32, #tpu.memory_space<vmem>> -> memref<1x128xi32, #tpu.memory_space<vmem>>
      %dma_wait3A_519 = tpu.memref_squeeze %dma_wait3A_518 : memref<1x128xi32, #tpu.memory_space<vmem>> -> memref<128xi32, #tpu.memory_space<vmem>>
      %dma_wait3A_520 = arith.constant 0 : i32
      %dma_wait3A_521 = arith.constant 0 : i32
      %dma_wait3A_522 = tpu.memref_slice %arg19[%dma_wait3A_520, %dma_wait3A_521] : memref<10240x16xf32, #tpu.memory_space<vmem_shared>> -> memref<10240x16xf32, #tpu.memory_space<vmem_shared>>
      tpu.wait_indirect_dma semaphore(%arg42 : memref<!tpu.dma_semaphore, #tpu.memory_space<semaphore_mem>>) src(%arg26 : memref<128x16xf32, #tpu.memory_space<vmem>>) dst(%dma_wait3A_522 : memref<10240x16xf32, #tpu.memory_space<vmem_shared>>)
      %add3A_523 = arith.constant 4 : i32
      %add3A_524 = arith.addi %add3A_500, %add3A_523 : i32
      %dma_start3A_525 = arith.constant 0 : i32
      %dma_start3A_526 = tpu.memref_slice %arg10[%add3A_524, %dma_start3A_525] : memref<80x128xi32, #tpu.memory_space<vmem>> -> memref<1x128xi32, #tpu.memory_space<vmem>>
      %dma_start3A_527 = tpu.memref_squeeze %dma_start3A_526 : memref<1x128xi32, #tpu.memory_space<vmem>> -> memref<128xi32, #tpu.memory_space<vmem>>
      %dma_start3A_528 = arith.constant 0 : i32
      %dma_start3A_529 = arith.constant 0 : i32
      %dma_start3A_530 = tpu.memref_slice %arg20[%dma_start3A_528, %dma_start3A_529] : memref<10240x16xf32, #tpu.memory_space<vmem_shared>> -> memref<10240x16xf32, #tpu.memory_space<vmem_shared>>
      tpu.enqueue_indirect_dma source(%dma_start3A_530 : memref<10240x16xf32, #tpu.memory_space<vmem_shared>>) target(%arg26 : memref<128x16xf32, #tpu.memory_space<vmem>>) offsets(%dma_start3A_527 : memref<128xi32, #tpu.memory_space<vmem>>) semaphore(%arg34 : memref<!tpu.dma_semaphore, #tpu.memory_space<semaphore_mem>>)
      %add3A_531 = arith.constant 6 : i32
      %add3A_532 = arith.addi %add3A_339, %add3A_531 : i32
      %dma_wait3A_533 = arith.constant 0 : i32
      %dma_wait3A_534 = tpu.memref_slice %arg10[%add3A_532, %dma_wait3A_533] : memref<80x128xi32, #tpu.memory_space<vmem>> -> memref<1x128xi32, #tpu.memory_space<vmem>>
      %dma_wait3A_535 = tpu.memref_squeeze %dma_wait3A_534 : memref<1x128xi32, #tpu.memory_space<vmem>> -> memref<128xi32, #tpu.memory_space<vmem>>
      %dma_wait3A_536 = arith.constant 0 : i32
      %dma_wait3A_537 = arith.constant 0 : i32
      %dma_wait3A_538 = tpu.memref_slice %arg20[%dma_wait3A_536, %dma_wait3A_537] : memref<10240x16xf32, #tpu.memory_space<vmem_shared>> -> memref<10240x16xf32, #tpu.memory_space<vmem_shared>>
      tpu.wait_indirect_dma semaphore(%arg31 : memref<!tpu.dma_semaphore, #tpu.memory_space<semaphore_mem>>) src(%dma_wait3A_538 : memref<10240x16xf32, #tpu.memory_space<vmem_shared>>) dst(%arg23 : memref<128x16xf32, #tpu.memory_space<vmem>>)
      %dma_start3A_539 = arith.constant 0 : i32
      %dma_start3A_540 = tpu.memref_slice %arg11[%add3A_532, %dma_start3A_539] : memref<80x128xi32, #tpu.memory_space<vmem>> -> memref<1x128xi32, #tpu.memory_space<vmem>>
      %dma_start3A_541 = tpu.memref_squeeze %dma_start3A_540 : memref<1x128xi32, #tpu.memory_space<vmem>> -> memref<128xi32, #tpu.memory_space<vmem>>
      %dma_start3A_542 = arith.constant 0 : i32
      %dma_start3A_543 = arith.constant 0 : i32
      %dma_start3A_544 = tpu.memref_slice %arg19[%dma_start3A_542, %dma_start3A_543] : memref<10240x16xf32, #tpu.memory_space<vmem_shared>> -> memref<10240x16xf32, #tpu.memory_space<vmem_shared>>
      tpu.enqueue_indirect_dma source(%arg23 : memref<128x16xf32, #tpu.memory_space<vmem>>) target(%dma_start3A_544 : memref<10240x16xf32, #tpu.memory_space<vmem_shared>>) offsets(%dma_start3A_541 : memref<128xi32, #tpu.memory_space<vmem>>) semaphore(%arg39 : memref<!tpu.dma_semaphore, #tpu.memory_space<semaphore_mem>>) {add = true}
      %add3A_545 = arith.constant 4 : i32
      %add3A_546 = arith.addi %add3A_532, %add3A_545 : i32
      %sub3A_547 = arith.constant 8 : i32
      %sub3A_548 = arith.subi %add3A_546, %sub3A_547 : i32
      %dma_wait3A_549 = arith.constant 0 : i32
      %dma_wait3A_550 = tpu.memref_slice %arg11[%sub3A_548, %dma_wait3A_549] : memref<80x128xi32, #tpu.memory_space<vmem>> -> memref<1x128xi32, #tpu.memory_space<vmem>>
      %dma_wait3A_551 = tpu.memref_squeeze %dma_wait3A_550 : memref<1x128xi32, #tpu.memory_space<vmem>> -> memref<128xi32, #tpu.memory_space<vmem>>
      %dma_wait3A_552 = arith.constant 0 : i32
      %dma_wait3A_553 = arith.constant 0 : i32
      %dma_wait3A_554 = tpu.memref_slice %arg19[%dma_wait3A_552, %dma_wait3A_553] : memref<10240x16xf32, #tpu.memory_space<vmem_shared>> -> memref<10240x16xf32, #tpu.memory_space<vmem_shared>>
      tpu.wait_indirect_dma semaphore(%arg43 : memref<!tpu.dma_semaphore, #tpu.memory_space<semaphore_mem>>) src(%arg27 : memref<128x16xf32, #tpu.memory_space<vmem>>) dst(%dma_wait3A_554 : memref<10240x16xf32, #tpu.memory_space<vmem_shared>>)
      %add3A_555 = arith.constant 4 : i32
      %add3A_556 = arith.addi %add3A_532, %add3A_555 : i32
      %dma_start3A_557 = arith.constant 0 : i32
      %dma_start3A_558 = tpu.memref_slice %arg10[%add3A_556, %dma_start3A_557] : memref<80x128xi32, #tpu.memory_space<vmem>> -> memref<1x128xi32, #tpu.memory_space<vmem>>
      %dma_start3A_559 = tpu.memref_squeeze %dma_start3A_558 : memref<1x128xi32, #tpu.memory_space<vmem>> -> memref<128xi32, #tpu.memory_space<vmem>>
      %dma_start3A_560 = arith.constant 0 : i32
      %dma_start3A_561 = arith.constant 0 : i32
      %dma_start3A_562 = tpu.memref_slice %arg20[%dma_start3A_560, %dma_start3A_561] : memref<10240x16xf32, #tpu.memory_space<vmem_shared>> -> memref<10240x16xf32, #tpu.memory_space<vmem_shared>>
      tpu.enqueue_indirect_dma source(%dma_start3A_562 : memref<10240x16xf32, #tpu.memory_space<vmem_shared>>) target(%arg27 : memref<128x16xf32, #tpu.memory_space<vmem>>) offsets(%dma_start3A_559 : memref<128xi32, #tpu.memory_space<vmem>>) semaphore(%arg35 : memref<!tpu.dma_semaphore, #tpu.memory_space<semaphore_mem>>)
      %add3A_563 = arith.constant 7 : i32
      %add3A_564 = arith.addi %add3A_339, %add3A_563 : i32
      %dma_wait3A_565 = arith.constant 0 : i32
      %dma_wait3A_566 = tpu.memref_slice %arg10[%add3A_564, %dma_wait3A_565] : memref<80x128xi32, #tpu.memory_space<vmem>> -> memref<1x128xi32, #tpu.memory_space<vmem>>
      %dma_wait3A_567 = tpu.memref_squeeze %dma_wait3A_566 : memref<1x128xi32, #tpu.memory_space<vmem>> -> memref<128xi32, #tpu.memory_space<vmem>>
      %dma_wait3A_568 = arith.constant 0 : i32
      %dma_wait3A_569 = arith.constant 0 : i32
      %dma_wait3A_570 = tpu.memref_slice %arg20[%dma_wait3A_568, %dma_wait3A_569] : memref<10240x16xf32, #tpu.memory_space<vmem_shared>> -> memref<10240x16xf32, #tpu.memory_space<vmem_shared>>
      tpu.wait_indirect_dma semaphore(%arg32 : memref<!tpu.dma_semaphore, #tpu.memory_space<semaphore_mem>>) src(%dma_wait3A_570 : memref<10240x16xf32, #tpu.memory_space<vmem_shared>>) dst(%arg24 : memref<128x16xf32, #tpu.memory_space<vmem>>)
      %dma_start3A_571 = arith.constant 0 : i32
      %dma_start3A_572 = tpu.memref_slice %arg11[%add3A_564, %dma_start3A_571] : memref<80x128xi32, #tpu.memory_space<vmem>> -> memref<1x128xi32, #tpu.memory_space<vmem>>
      %dma_start3A_573 = tpu.memref_squeeze %dma_start3A_572 : memref<1x128xi32, #tpu.memory_space<vmem>> -> memref<128xi32, #tpu.memory_space<vmem>>
      %dma_start3A_574 = arith.constant 0 : i32
      %dma_start3A_575 = arith.constant 0 : i32
      %dma_start3A_576 = tpu.memref_slice %arg19[%dma_start3A_574, %dma_start3A_575] : memref<10240x16xf32, #tpu.memory_space<vmem_shared>> -> memref<10240x16xf32, #tpu.memory_space<vmem_shared>>
      tpu.enqueue_indirect_dma source(%arg24 : memref<128x16xf32, #tpu.memory_space<vmem>>) target(%dma_start3A_576 : memref<10240x16xf32, #tpu.memory_space<vmem_shared>>) offsets(%dma_start3A_573 : memref<128xi32, #tpu.memory_space<vmem>>) semaphore(%arg40 : memref<!tpu.dma_semaphore, #tpu.memory_space<semaphore_mem>>) {add = true}
      %add3A_577 = arith.constant 4 : i32
      %add3A_578 = arith.addi %add3A_564, %add3A_577 : i32
      %sub3A_579 = arith.constant 8 : i32
      %sub3A_580 = arith.subi %add3A_578, %sub3A_579 : i32
      %dma_wait3A_581 = arith.constant 0 : i32
      %dma_wait3A_582 = tpu.memref_slice %arg11[%sub3A_580, %dma_wait3A_581] : memref<80x128xi32, #tpu.memory_space<vmem>> -> memref<1x128xi32, #tpu.memory_space<vmem>>
      %dma_wait3A_583 = tpu.memref_squeeze %dma_wait3A_582 : memref<1x128xi32, #tpu.memory_space<vmem>> -> memref<128xi32, #tpu.memory_space<vmem>>
      %dma_wait3A_584 = arith.constant 0 : i32
      %dma_wait3A_585 = arith.constant 0 : i32
      %dma_wait3A_586 = tpu.memref_slice %arg19[%dma_wait3A_584, %dma_wait3A_585] : memref<10240x16xf32, #tpu.memory_space<vmem_shared>> -> memref<10240x16xf32, #tpu.memory_space<vmem_shared>>
      tpu.wait_indirect_dma semaphore(%arg44 : memref<!tpu.dma_semaphore, #tpu.memory_space<semaphore_mem>>) src(%arg28 : memref<128x16xf32, #tpu.memory_space<vmem>>) dst(%dma_wait3A_586 : memref<10240x16xf32, #tpu.memory_space<vmem_shared>>)
      %add3A_587 = arith.constant 4 : i32
      %add3A_588 = arith.addi %add3A_564, %add3A_587 : i32
      %dma_start3A_589 = arith.constant 0 : i32
      %dma_start3A_590 = tpu.memref_slice %arg10[%add3A_588, %dma_start3A_589] : memref<80x128xi32, #tpu.memory_space<vmem>> -> memref<1x128xi32, #tpu.memory_space<vmem>>
      %dma_start3A_591 = tpu.memref_squeeze %dma_start3A_590 : memref<1x128xi32, #tpu.memory_space<vmem>> -> memref<128xi32, #tpu.memory_space<vmem>>
      %dma_start3A_592 = arith.constant 0 : i32
      %dma_start3A_593 = arith.constant 0 : i32
      %dma_start3A_594 = tpu.memref_slice %arg20[%dma_start3A_592, %dma_start3A_593] : memref<10240x16xf32, #tpu.memory_space<vmem_shared>> -> memref<10240x16xf32, #tpu.memory_space<vmem_shared>>
      tpu.enqueue_indirect_dma source(%dma_start3A_594 : memref<10240x16xf32, #tpu.memory_space<vmem_shared>>) target(%arg28 : memref<128x16xf32, #tpu.memory_space<vmem>>) offsets(%dma_start3A_591 : memref<128xi32, #tpu.memory_space<vmem>>) semaphore(%arg36 : memref<!tpu.dma_semaphore, #tpu.memory_space<semaphore_mem>>)
    }
    %scan3A_217 = arith.constant 9 : i32
    %dma_wait3A_218 = arith.constant 76 : i32
    %dma_wait3A_219 = arith.constant 0 : i32
    %dma_wait3A_220 = tpu.memref_slice %arg10[%dma_wait3A_218, %dma_wait3A_219] : memref<80x128xi32, #tpu.memory_space<vmem>> -> memref<1x128xi32, #tpu.memory_space<vmem>>
    %dma_wait3A_221 = tpu.memref_squeeze %dma_wait3A_220 : memref<1x128xi32, #tpu.memory_space<vmem>> -> memref<128xi32, #tpu.memory_space<vmem>>
    %dma_wait3A_222 = arith.constant 0 : i32
    %dma_wait3A_223 = arith.constant 0 : i32
    %dma_wait3A_224 = tpu.memref_slice %arg20[%dma_wait3A_222, %dma_wait3A_223] : memref<10240x16xf32, #tpu.memory_space<vmem_shared>> -> memref<10240x16xf32, #tpu.memory_space<vmem_shared>>
    tpu.wait_indirect_dma semaphore(%arg33 : memref<!tpu.dma_semaphore, #tpu.memory_space<semaphore_mem>>) src(%dma_wait3A_224 : memref<10240x16xf32, #tpu.memory_space<vmem_shared>>) dst(%arg25 : memref<128x16xf32, #tpu.memory_space<vmem>>)
    %dma_start3A_225 = arith.constant 76 : i32
    %dma_start3A_226 = arith.constant 0 : i32
    %dma_start3A_227 = tpu.memref_slice %arg11[%dma_start3A_225, %dma_start3A_226] : memref<80x128xi32, #tpu.memory_space<vmem>> -> memref<1x128xi32, #tpu.memory_space<vmem>>
    %dma_start3A_228 = tpu.memref_squeeze %dma_start3A_227 : memref<1x128xi32, #tpu.memory_space<vmem>> -> memref<128xi32, #tpu.memory_space<vmem>>
    %dma_start3A_229 = arith.constant 0 : i32
    %dma_start3A_230 = arith.constant 0 : i32
    %dma_start3A_231 = tpu.memref_slice %arg19[%dma_start3A_229, %dma_start3A_230] : memref<10240x16xf32, #tpu.memory_space<vmem_shared>> -> memref<10240x16xf32, #tpu.memory_space<vmem_shared>>
    tpu.enqueue_indirect_dma source(%arg25 : memref<128x16xf32, #tpu.memory_space<vmem>>) target(%dma_start3A_231 : memref<10240x16xf32, #tpu.memory_space<vmem_shared>>) offsets(%dma_start3A_228 : memref<128xi32, #tpu.memory_space<vmem>>) semaphore(%arg41 : memref<!tpu.dma_semaphore, #tpu.memory_space<semaphore_mem>>) {add = true}
    %dma_wait3A_232 = arith.constant 77 : i32
    %dma_wait3A_233 = arith.constant 0 : i32
    %dma_wait3A_234 = tpu.memref_slice %arg10[%dma_wait3A_232, %dma_wait3A_233] : memref<80x128xi32, #tpu.memory_space<vmem>> -> memref<1x128xi32, #tpu.memory_space<vmem>>
    %dma_wait3A_235 = tpu.memref_squeeze %dma_wait3A_234 : memref<1x128xi32, #tpu.memory_space<vmem>> -> memref<128xi32, #tpu.memory_space<vmem>>
    %dma_wait3A_236 = arith.constant 0 : i32
    %dma_wait3A_237 = arith.constant 0 : i32
    %dma_wait3A_238 = tpu.memref_slice %arg20[%dma_wait3A_236, %dma_wait3A_237] : memref<10240x16xf32, #tpu.memory_space<vmem_shared>> -> memref<10240x16xf32, #tpu.memory_space<vmem_shared>>
    tpu.wait_indirect_dma semaphore(%arg34 : memref<!tpu.dma_semaphore, #tpu.memory_space<semaphore_mem>>) src(%dma_wait3A_238 : memref<10240x16xf32, #tpu.memory_space<vmem_shared>>) dst(%arg26 : memref<128x16xf32, #tpu.memory_space<vmem>>)
    %dma_start3A_239 = arith.constant 77 : i32
    %dma_start3A_240 = arith.constant 0 : i32
    %dma_start3A_241 = tpu.memref_slice %arg11[%dma_start3A_239, %dma_start3A_240] : memref<80x128xi32, #tpu.memory_space<vmem>> -> memref<1x128xi32, #tpu.memory_space<vmem>>
    %dma_start3A_242 = tpu.memref_squeeze %dma_start3A_241 : memref<1x128xi32, #tpu.memory_space<vmem>> -> memref<128xi32, #tpu.memory_space<vmem>>
    %dma_start3A_243 = arith.constant 0 : i32
    %dma_start3A_244 = arith.constant 0 : i32
    %dma_start3A_245 = tpu.memref_slice %arg19[%dma_start3A_243, %dma_start3A_244] : memref<10240x16xf32, #tpu.memory_space<vmem_shared>> -> memref<10240x16xf32, #tpu.memory_space<vmem_shared>>
    tpu.enqueue_indirect_dma source(%arg26 : memref<128x16xf32, #tpu.memory_space<vmem>>) target(%dma_start3A_245 : memref<10240x16xf32, #tpu.memory_space<vmem_shared>>) offsets(%dma_start3A_242 : memref<128xi32, #tpu.memory_space<vmem>>) semaphore(%arg42 : memref<!tpu.dma_semaphore, #tpu.memory_space<semaphore_mem>>) {add = true}
    %dma_wait3A_246 = arith.constant 78 : i32
    %dma_wait3A_247 = arith.constant 0 : i32
    %dma_wait3A_248 = tpu.memref_slice %arg10[%dma_wait3A_246, %dma_wait3A_247] : memref<80x128xi32, #tpu.memory_space<vmem>> -> memref<1x128xi32, #tpu.memory_space<vmem>>
    %dma_wait3A_249 = tpu.memref_squeeze %dma_wait3A_248 : memref<1x128xi32, #tpu.memory_space<vmem>> -> memref<128xi32, #tpu.memory_space<vmem>>
    %dma_wait3A_250 = arith.constant 0 : i32
    %dma_wait3A_251 = arith.constant 0 : i32
    %dma_wait3A_252 = tpu.memref_slice %arg20[%dma_wait3A_250, %dma_wait3A_251] : memref<10240x16xf32, #tpu.memory_space<vmem_shared>> -> memref<10240x16xf32, #tpu.memory_space<vmem_shared>>
    tpu.wait_indirect_dma semaphore(%arg35 : memref<!tpu.dma_semaphore, #tpu.memory_space<semaphore_mem>>) src(%dma_wait3A_252 : memref<10240x16xf32, #tpu.memory_space<vmem_shared>>) dst(%arg27 : memref<128x16xf32, #tpu.memory_space<vmem>>)
    %dma_start3A_253 = arith.constant 78 : i32
    %dma_start3A_254 = arith.constant 0 : i32
    %dma_start3A_255 = tpu.memref_slice %arg11[%dma_start3A_253, %dma_start3A_254] : memref<80x128xi32, #tpu.memory_space<vmem>> -> memref<1x128xi32, #tpu.memory_space<vmem>>
    %dma_start3A_256 = tpu.memref_squeeze %dma_start3A_255 : memref<1x128xi32, #tpu.memory_space<vmem>> -> memref<128xi32, #tpu.memory_space<vmem>>
    %dma_start3A_257 = arith.constant 0 : i32
    %dma_start3A_258 = arith.constant 0 : i32
    %dma_start3A_259 = tpu.memref_slice %arg19[%dma_start3A_257, %dma_start3A_258] : memref<10240x16xf32, #tpu.memory_space<vmem_shared>> -> memref<10240x16xf32, #tpu.memory_space<vmem_shared>>
    tpu.enqueue_indirect_dma source(%arg27 : memref<128x16xf32, #tpu.memory_space<vmem>>) target(%dma_start3A_259 : memref<10240x16xf32, #tpu.memory_space<vmem_shared>>) offsets(%dma_start3A_256 : memref<128xi32, #tpu.memory_space<vmem>>) semaphore(%arg43 : memref<!tpu.dma_semaphore, #tpu.memory_space<semaphore_mem>>) {add = true}
    %dma_wait3A_260 = arith.constant 79 : i32
    %dma_wait3A_261 = arith.constant 0 : i32
    %dma_wait3A_262 = tpu.memref_slice %arg10[%dma_wait3A_260, %dma_wait3A_261] : memref<80x128xi32, #tpu.memory_space<vmem>> -> memref<1x128xi32, #tpu.memory_space<vmem>>
    %dma_wait3A_263 = tpu.memref_squeeze %dma_wait3A_262 : memref<1x128xi32, #tpu.memory_space<vmem>> -> memref<128xi32, #tpu.memory_space<vmem>>
    %dma_wait3A_264 = arith.constant 0 : i32
    %dma_wait3A_265 = arith.constant 0 : i32
    %dma_wait3A_266 = tpu.memref_slice %arg20[%dma_wait3A_264, %dma_wait3A_265] : memref<10240x16xf32, #tpu.memory_space<vmem_shared>> -> memref<10240x16xf32, #tpu.memory_space<vmem_shared>>
    tpu.wait_indirect_dma semaphore(%arg36 : memref<!tpu.dma_semaphore, #tpu.memory_space<semaphore_mem>>) src(%dma_wait3A_266 : memref<10240x16xf32, #tpu.memory_space<vmem_shared>>) dst(%arg28 : memref<128x16xf32, #tpu.memory_space<vmem>>)
    %dma_start3A_267 = arith.constant 79 : i32
    %dma_start3A_268 = arith.constant 0 : i32
    %dma_start3A_269 = tpu.memref_slice %arg11[%dma_start3A_267, %dma_start3A_268] : memref<80x128xi32, #tpu.memory_space<vmem>> -> memref<1x128xi32, #tpu.memory_space<vmem>>
    %dma_start3A_270 = tpu.memref_squeeze %dma_start3A_269 : memref<1x128xi32, #tpu.memory_space<vmem>> -> memref<128xi32, #tpu.memory_space<vmem>>
    %dma_start3A_271 = arith.constant 0 : i32
    %dma_start3A_272 = arith.constant 0 : i32
    %dma_start3A_273 = tpu.memref_slice %arg19[%dma_start3A_271, %dma_start3A_272] : memref<10240x16xf32, #tpu.memory_space<vmem_shared>> -> memref<10240x16xf32, #tpu.memory_space<vmem_shared>>
    tpu.enqueue_indirect_dma source(%arg28 : memref<128x16xf32, #tpu.memory_space<vmem>>) target(%dma_start3A_273 : memref<10240x16xf32, #tpu.memory_space<vmem_shared>>) offsets(%dma_start3A_270 : memref<128xi32, #tpu.memory_space<vmem>>) semaphore(%arg44 : memref<!tpu.dma_semaphore, #tpu.memory_space<semaphore_mem>>) {add = true}
    %dma_wait3A_274 = arith.constant 72 : i32
    %dma_wait3A_275 = arith.constant 0 : i32
    %dma_wait3A_276 = tpu.memref_slice %arg11[%dma_wait3A_274, %dma_wait3A_275] : memref<80x128xi32, #tpu.memory_space<vmem>> -> memref<1x128xi32, #tpu.memory_space<vmem>>
    %dma_wait3A_277 = tpu.memref_squeeze %dma_wait3A_276 : memref<1x128xi32, #tpu.memory_space<vmem>> -> memref<128xi32, #tpu.memory_space<vmem>>
    %dma_wait3A_278 = arith.constant 0 : i32
    %dma_wait3A_279 = arith.constant 0 : i32
    %dma_wait3A_280 = tpu.memref_slice %arg19[%dma_wait3A_278, %dma_wait3A_279] : memref<10240x16xf32, #tpu.memory_space<vmem_shared>> -> memref<10240x16xf32, #tpu.memory_space<vmem_shared>>
    tpu.wait_indirect_dma semaphore(%arg37 : memref<!tpu.dma_semaphore, #tpu.memory_space<semaphore_mem>>) src(%arg21 : memref<128x16xf32, #tpu.memory_space<vmem>>) dst(%dma_wait3A_280 : memref<10240x16xf32, #tpu.memory_space<vmem_shared>>)
    %dma_wait3A_281 = arith.constant 73 : i32
    %dma_wait3A_282 = arith.constant 0 : i32
    %dma_wait3A_283 = tpu.memref_slice %arg11[%dma_wait3A_281, %dma_wait3A_282] : memref<80x128xi32, #tpu.memory_space<vmem>> -> memref<1x128xi32, #tpu.memory_space<vmem>>
    %dma_wait3A_284 = tpu.memref_squeeze %dma_wait3A_283 : memref<1x128xi32, #tpu.memory_space<vmem>> -> memref<128xi32, #tpu.memory_space<vmem>>
    %dma_wait3A_285 = arith.constant 0 : i32
    %dma_wait3A_286 = arith.constant 0 : i32
    %dma_wait3A_287 = tpu.memref_slice %arg19[%dma_wait3A_285, %dma_wait3A_286] : memref<10240x16xf32, #tpu.memory_space<vmem_shared>> -> memref<10240x16xf32, #tpu.memory_space<vmem_shared>>
    tpu.wait_indirect_dma semaphore(%arg38 : memref<!tpu.dma_semaphore, #tpu.memory_space<semaphore_mem>>) src(%arg22 : memref<128x16xf32, #tpu.memory_space<vmem>>) dst(%dma_wait3A_287 : memref<10240x16xf32, #tpu.memory_space<vmem_shared>>)
    %dma_wait3A_288 = arith.constant 74 : i32
    %dma_wait3A_289 = arith.constant 0 : i32
    %dma_wait3A_290 = tpu.memref_slice %arg11[%dma_wait3A_288, %dma_wait3A_289] : memref<80x128xi32, #tpu.memory_space<vmem>> -> memref<1x128xi32, #tpu.memory_space<vmem>>
    %dma_wait3A_291 = tpu.memref_squeeze %dma_wait3A_290 : memref<1x128xi32, #tpu.memory_space<vmem>> -> memref<128xi32, #tpu.memory_space<vmem>>
    %dma_wait3A_292 = arith.constant 0 : i32
    %dma_wait3A_293 = arith.constant 0 : i32
    %dma_wait3A_294 = tpu.memref_slice %arg19[%dma_wait3A_292, %dma_wait3A_293] : memref<10240x16xf32, #tpu.memory_space<vmem_shared>> -> memref<10240x16xf32, #tpu.memory_space<vmem_shared>>
    tpu.wait_indirect_dma semaphore(%arg39 : memref<!tpu.dma_semaphore, #tpu.memory_space<semaphore_mem>>) src(%arg23 : memref<128x16xf32, #tpu.memory_space<vmem>>) dst(%dma_wait3A_294 : memref<10240x16xf32, #tpu.memory_space<vmem_shared>>)
    %dma_wait3A_295 = arith.constant 75 : i32
    %dma_wait3A_296 = arith.constant 0 : i32
    %dma_wait3A_297 = tpu.memref_slice %arg11[%dma_wait3A_295, %dma_wait3A_296] : memref<80x128xi32, #tpu.memory_space<vmem>> -> memref<1x128xi32, #tpu.memory_space<vmem>>
    %dma_wait3A_298 = tpu.memref_squeeze %dma_wait3A_297 : memref<1x128xi32, #tpu.memory_space<vmem>> -> memref<128xi32, #tpu.memory_space<vmem>>
    %dma_wait3A_299 = arith.constant 0 : i32
    %dma_wait3A_300 = arith.constant 0 : i32
    %dma_wait3A_301 = tpu.memref_slice %arg19[%dma_wait3A_299, %dma_wait3A_300] : memref<10240x16xf32, #tpu.memory_space<vmem_shared>> -> memref<10240x16xf32, #tpu.memory_space<vmem_shared>>
    tpu.wait_indirect_dma semaphore(%arg40 : memref<!tpu.dma_semaphore, #tpu.memory_space<semaphore_mem>>) src(%arg24 : memref<128x16xf32, #tpu.memory_space<vmem>>) dst(%dma_wait3A_301 : memref<10240x16xf32, #tpu.memory_space<vmem_shared>>)
    %dma_wait3A_302 = arith.constant 76 : i32
    %dma_wait3A_303 = arith.constant 0 : i32
    %dma_wait3A_304 = tpu.memref_slice %arg11[%dma_wait3A_302, %dma_wait3A_303] : memref<80x128xi32, #tpu.memory_space<vmem>> -> memref<1x128xi32, #tpu.memory_space<vmem>>
    %dma_wait3A_305 = tpu.memref_squeeze %dma_wait3A_304 : memref<1x128xi32, #tpu.memory_space<vmem>> -> memref<128xi32, #tpu.memory_space<vmem>>
    %dma_wait3A_306 = arith.constant 0 : i32
    %dma_wait3A_307 = arith.constant 0 : i32
    %dma_wait3A_308 = tpu.memref_slice %arg19[%dma_wait3A_306, %dma_wait3A_307] : memref<10240x16xf32, #tpu.memory_space<vmem_shared>> -> memref<10240x16xf32, #tpu.memory_space<vmem_shared>>
    tpu.wait_indirect_dma semaphore(%arg41 : memref<!tpu.dma_semaphore, #tpu.memory_space<semaphore_mem>>) src(%arg25 : memref<128x16xf32, #tpu.memory_space<vmem>>) dst(%dma_wait3A_308 : memref<10240x16xf32, #tpu.memory_space<vmem_shared>>)
    %dma_wait3A_309 = arith.constant 77 : i32
    %dma_wait3A_310 = arith.constant 0 : i32
    %dma_wait3A_311 = tpu.memref_slice %arg11[%dma_wait3A_309, %dma_wait3A_310] : memref<80x128xi32, #tpu.memory_space<vmem>> -> memref<1x128xi32, #tpu.memory_space<vmem>>
    %dma_wait3A_312 = tpu.memref_squeeze %dma_wait3A_311 : memref<1x128xi32, #tpu.memory_space<vmem>> -> memref<128xi32, #tpu.memory_space<vmem>>
    %dma_wait3A_313 = arith.constant 0 : i32
    %dma_wait3A_314 = arith.constant 0 : i32
    %dma_wait3A_315 = tpu.memref_slice %arg19[%dma_wait3A_313, %dma_wait3A_314] : memref<10240x16xf32, #tpu.memory_space<vmem_shared>> -> memref<10240x16xf32, #tpu.memory_space<vmem_shared>>
    tpu.wait_indirect_dma semaphore(%arg42 : memref<!tpu.dma_semaphore, #tpu.memory_space<semaphore_mem>>) src(%arg26 : memref<128x16xf32, #tpu.memory_space<vmem>>) dst(%dma_wait3A_315 : memref<10240x16xf32, #tpu.memory_space<vmem_shared>>)
    %dma_wait3A_316 = arith.constant 78 : i32
    %dma_wait3A_317 = arith.constant 0 : i32
    %dma_wait3A_318 = tpu.memref_slice %arg11[%dma_wait3A_316, %dma_wait3A_317] : memref<80x128xi32, #tpu.memory_space<vmem>> -> memref<1x128xi32, #tpu.memory_space<vmem>>
    %dma_wait3A_319 = tpu.memref_squeeze %dma_wait3A_318 : memref<1x128xi32, #tpu.memory_space<vmem>> -> memref<128xi32, #tpu.memory_space<vmem>>
    %dma_wait3A_320 = arith.constant 0 : i32
    %dma_wait3A_321 = arith.constant 0 : i32
    %dma_wait3A_322 = tpu.memref_slice %arg19[%dma_wait3A_320, %dma_wait3A_321] : memref<10240x16xf32, #tpu.memory_space<vmem_shared>> -> memref<10240x16xf32, #tpu.memory_space<vmem_shared>>
    tpu.wait_indirect_dma semaphore(%arg43 : memref<!tpu.dma_semaphore, #tpu.memory_space<semaphore_mem>>) src(%arg27 : memref<128x16xf32, #tpu.memory_space<vmem>>) dst(%dma_wait3A_322 : memref<10240x16xf32, #tpu.memory_space<vmem_shared>>)
    %dma_wait3A_323 = arith.constant 79 : i32
    %dma_wait3A_324 = arith.constant 0 : i32
    %dma_wait3A_325 = tpu.memref_slice %arg11[%dma_wait3A_323, %dma_wait3A_324] : memref<80x128xi32, #tpu.memory_space<vmem>> -> memref<1x128xi32, #tpu.memory_space<vmem>>
    %dma_wait3A_326 = tpu.memref_squeeze %dma_wait3A_325 : memref<1x128xi32, #tpu.memory_space<vmem>> -> memref<128xi32, #tpu.memory_space<vmem>>
    %dma_wait3A_327 = arith.constant 0 : i32
    %dma_wait3A_328 = arith.constant 0 : i32
    %dma_wait3A_329 = tpu.memref_slice %arg19[%dma_wait3A_327, %dma_wait3A_328] : memref<10240x16xf32, #tpu.memory_space<vmem_shared>> -> memref<10240x16xf32, #tpu.memory_space<vmem_shared>>
    tpu.wait_indirect_dma semaphore(%arg44 : memref<!tpu.dma_semaphore, #tpu.memory_space<semaphore_mem>>) src(%arg28 : memref<128x16xf32, #tpu.memory_space<vmem>>) dst(%dma_wait3A_329 : memref<10240x16xf32, #tpu.memory_space<vmem_shared>>)
    %barrier3A_330 = arith.constant 0 : index
    tpu.barrier barrier_id(%barrier3A_330)
    "tpu.region"() ({
      %run_scoped3A = tpu.sem_alloc : memref<!tpu.dma_semaphore, #tpu.memory_space<semaphore_mem>>
      %dma_start3A_331 = arith.constant 0 : i32
      %dma_start3A_332 = tpu.memref_slice %arg8[%arg0, %mul3A_2, %dma_start3A_331] : memref<2x10240x16xf32, #tpu.memory_space<hbm>> -> memref<1x640x16xf32, #tpu.memory_space<hbm>>
      %dma_start3A_333 = tpu.memref_squeeze %dma_start3A_332 : memref<1x640x16xf32, #tpu.memory_space<hbm>> -> memref<640x16xf32, #tpu.memory_space<hbm>>
      %dma_start3A_334 = arith.constant 0 : i32
      %dma_start3A_335 = tpu.memref_slice %arg19[%mul3A_2, %dma_start3A_334] : memref<10240x16xf32, #tpu.memory_space<vmem_shared>> -> memref<640x16xf32, #tpu.memory_space<vmem_shared>>
      tpu.enqueue_dma source(%dma_start3A_335 : memref<640x16xf32, #tpu.memory_space<vmem_shared>>) target(%dma_start3A_333 : memref<640x16xf32, #tpu.memory_space<hbm>>) target_semaphore(%run_scoped3A : memref<!tpu.dma_semaphore, #tpu.memory_space<semaphore_mem>>)
      %dma_wait3A_336 = arith.constant 0 : i32
      %dma_wait3A_337 = tpu.memref_slice %arg8[%arg0, %mul3A_2, %dma_wait3A_336] : memref<2x10240x16xf32, #tpu.memory_space<hbm>> -> memref<1x640x16xf32, #tpu.memory_space<hbm>>
      %dma_wait3A_338 = tpu.memref_squeeze %dma_wait3A_337 : memref<1x640x16xf32, #tpu.memory_space<hbm>> -> memref<640x16xf32, #tpu.memory_space<hbm>>
      %dma_wait3A_339 = arith.constant 0 : i32
      %dma_wait3A_340 = tpu.memref_slice %arg19[%mul3A_2, %dma_wait3A_339] : memref<10240x16xf32, #tpu.memory_space<vmem_shared>> -> memref<640x16xf32, #tpu.memory_space<vmem_shared>>
      tpu.wait_dma2 semaphore(%run_scoped3A : memref<!tpu.dma_semaphore, #tpu.memory_space<semaphore_mem>>) src(%dma_wait3A_340 : memref<640x16xf32, #tpu.memory_space<vmem_shared>>) dst(%dma_wait3A_338 : memref<640x16xf32, #tpu.memory_space<hbm>>)
      tpu.yield
    }) : () -> ()
    return
  }
}

#map = affine_map<(d0, d1) -> (0, 0, 0)>
#map1 = affine_map<(d0, d1) -> (0, 0)>
module attributes {stable_mosaic.version = 14 : i64} {
  func.func @_agg1_kernel(%arg0: i32, %arg1: i32, %arg2: memref<32x80x128xi32, #tpu.memory_space<hbm>>, %arg3: memref<32x80x128xi32, #tpu.memory_space<hbm>>, %arg4: memref<10240x16xf32, #tpu.memory_space<hbm>>, %arg5: memref<2x10240xf32, #tpu.memory_space<hbm>>, %arg6: memref<2x10240x16xf32, #tpu.memory_space<hbm>>, %arg7: memref<80x128xi32, #tpu.memory_space<vmem>>, %arg8: memref<80x128xi32, #tpu.memory_space<vmem>>, %arg9: memref<640x16xf32, #tpu.memory_space<vmem>>, %arg10: memref<640x16xf32, #tpu.memory_space<vmem>>, %arg11: memref<640xf32, #tpu.memory_space<vmem>>, %arg12: memref<640xf32, #tpu.memory_space<vmem>>, %arg13: memref<10240x16xf32, #tpu.memory_space<vmem_shared>>, %arg14: memref<10240x16xf32, #tpu.memory_space<vmem_shared>>, %arg15: memref<128x16xf32, #tpu.memory_space<vmem>>, %arg16: memref<128x16xf32, #tpu.memory_space<vmem>>, %arg17: memref<128x16xf32, #tpu.memory_space<vmem>>, %arg18: memref<128x16xf32, #tpu.memory_space<vmem>>, %arg19: memref<128x16xf32, #tpu.memory_space<vmem>>, %arg20: memref<128x16xf32, #tpu.memory_space<vmem>>, %arg21: memref<128x16xf32, #tpu.memory_space<vmem>>, %arg22: memref<128x16xf32, #tpu.memory_space<vmem>>, %arg23: memref<!tpu.dma_semaphore, #tpu.memory_space<semaphore_mem>>, %arg24: memref<!tpu.dma_semaphore, #tpu.memory_space<semaphore_mem>>, %arg25: memref<!tpu.dma_semaphore, #tpu.memory_space<semaphore_mem>>, %arg26: memref<!tpu.dma_semaphore, #tpu.memory_space<semaphore_mem>>, %arg27: memref<!tpu.dma_semaphore, #tpu.memory_space<semaphore_mem>>, %arg28: memref<!tpu.dma_semaphore, #tpu.memory_space<semaphore_mem>>, %arg29: memref<!tpu.dma_semaphore, #tpu.memory_space<semaphore_mem>>, %arg30: memref<!tpu.dma_semaphore, #tpu.memory_space<semaphore_mem>>, %arg31: memref<!tpu.dma_semaphore, #tpu.memory_space<semaphore_mem>>, %arg32: memref<!tpu.dma_semaphore, #tpu.memory_space<semaphore_mem>>, %arg33: memref<!tpu.dma_semaphore, #tpu.memory_space<semaphore_mem>>, %arg34: memref<!tpu.dma_semaphore, #tpu.memory_space<semaphore_mem>>, %arg35: memref<!tpu.dma_semaphore, #tpu.memory_space<semaphore_mem>>, %arg36: memref<!tpu.dma_semaphore, #tpu.memory_space<semaphore_mem>>, %arg37: memref<!tpu.dma_semaphore, #tpu.memory_space<semaphore_mem>>, %arg38: memref<!tpu.dma_semaphore, #tpu.memory_space<semaphore_mem>>) attributes {dimension_semantics = [#tpu.dimension_semantics<core_parallel>, #tpu.dimension_semantics<subcore_parallel>], iteration_bounds = array<i64: 2, 16>, scalar_prefetch = 0 : i64, scratch_operands = 32 : i64, tpu.core_type = #tpu.core_type<sc_vector_subcore>, window_params = [{transform_indices = #map}, {transform_indices = #map}, {transform_indices = #map1}, {transform_indices = #map1}, {transform_indices = #map}]} {
    %mul3A = arith.constant 2 : i32
    %mul3A_0 = arith.muli %arg1, %mul3A : i32
    %add3A = arith.addi %mul3A_0, %arg0 : i32
    %mul3A_1 = arith.constant 640 : i32
    %mul3A_2 = arith.muli %arg1, %mul3A_1 : i32
    %dma_start3A = arith.constant 0 : i32
    %dma_start3A_3 = tpu.memref_slice %arg4[%mul3A_2, %dma_start3A] : memref<10240x16xf32, #tpu.memory_space<hbm>> -> memref<640x16xf32, #tpu.memory_space<hbm>>
    %dma_start3A_4 = arith.constant 0 : i32
    %dma_start3A_5 = tpu.memref_slice %arg4[%mul3A_2, %dma_start3A_4] : memref<10240x16xf32, #tpu.memory_space<hbm>> -> memref<640x16xf32, #tpu.memory_space<hbm>>
    tpu.enqueue_dma source(%dma_start3A_5 : memref<640x16xf32, #tpu.memory_space<hbm>>) target(%arg9 : memref<640x16xf32, #tpu.memory_space<vmem>>) target_semaphore(%arg23 : memref<!tpu.dma_semaphore, #tpu.memory_space<semaphore_mem>>)
    %dma_start3A_6 = arith.constant 0 : i32
    %dma_start3A_7 = tpu.memref_slice %arg5[%dma_start3A_6, %mul3A_2] : memref<2x10240xf32, #tpu.memory_space<hbm>> -> memref<1x640xf32, #tpu.memory_space<hbm>>
    %dma_start3A_8 = tpu.memref_squeeze %dma_start3A_7 : memref<1x640xf32, #tpu.memory_space<hbm>> -> memref<640xf32, #tpu.memory_space<hbm>>
    %dma_start3A_9 = tpu.memref_slice %arg5[%dma_start3A_6, %mul3A_2] : memref<2x10240xf32, #tpu.memory_space<hbm>> -> memref<1x640xf32, #tpu.memory_space<hbm>>
    %dma_start3A_10 = tpu.memref_squeeze %dma_start3A_9 : memref<1x640xf32, #tpu.memory_space<hbm>> -> memref<640xf32, #tpu.memory_space<hbm>>
    tpu.enqueue_dma source(%dma_start3A_10 : memref<640xf32, #tpu.memory_space<hbm>>) target(%arg11 : memref<640xf32, #tpu.memory_space<vmem>>) target_semaphore(%arg24 : memref<!tpu.dma_semaphore, #tpu.memory_space<semaphore_mem>>)
    %dma_start3A_11 = arith.constant 1 : i32
    %dma_start3A_12 = tpu.memref_slice %arg5[%dma_start3A_11, %mul3A_2] : memref<2x10240xf32, #tpu.memory_space<hbm>> -> memref<1x640xf32, #tpu.memory_space<hbm>>
    %dma_start3A_13 = tpu.memref_squeeze %dma_start3A_12 : memref<1x640xf32, #tpu.memory_space<hbm>> -> memref<640xf32, #tpu.memory_space<hbm>>
    %dma_start3A_14 = tpu.memref_slice %arg5[%dma_start3A_11, %mul3A_2] : memref<2x10240xf32, #tpu.memory_space<hbm>> -> memref<1x640xf32, #tpu.memory_space<hbm>>
    %dma_start3A_15 = tpu.memref_squeeze %dma_start3A_14 : memref<1x640xf32, #tpu.memory_space<hbm>> -> memref<640xf32, #tpu.memory_space<hbm>>
    tpu.enqueue_dma source(%dma_start3A_15 : memref<640xf32, #tpu.memory_space<hbm>>) target(%arg12 : memref<640xf32, #tpu.memory_space<vmem>>) target_semaphore(%arg25 : memref<!tpu.dma_semaphore, #tpu.memory_space<semaphore_mem>>)
    %dma_start3A_16 = arith.constant 0 : i32
    %dma_start3A_17 = arith.constant 0 : i32
    %dma_start3A_18 = tpu.memref_slice %arg2[%add3A, %dma_start3A_16, %dma_start3A_17] : memref<32x80x128xi32, #tpu.memory_space<hbm>> -> memref<1x80x128xi32, #tpu.memory_space<hbm>>
    %dma_start3A_19 = tpu.memref_squeeze %dma_start3A_18 : memref<1x80x128xi32, #tpu.memory_space<hbm>> -> memref<80x128xi32, #tpu.memory_space<hbm>>
    %dma_start3A_20 = arith.constant 0 : i32
    %dma_start3A_21 = arith.constant 0 : i32
    %dma_start3A_22 = tpu.memref_slice %arg2[%add3A, %dma_start3A_20, %dma_start3A_21] : memref<32x80x128xi32, #tpu.memory_space<hbm>> -> memref<1x80x128xi32, #tpu.memory_space<hbm>>
    %dma_start3A_23 = tpu.memref_squeeze %dma_start3A_22 : memref<1x80x128xi32, #tpu.memory_space<hbm>> -> memref<80x128xi32, #tpu.memory_space<hbm>>
    tpu.enqueue_dma source(%dma_start3A_23 : memref<80x128xi32, #tpu.memory_space<hbm>>) target(%arg7 : memref<80x128xi32, #tpu.memory_space<vmem>>) target_semaphore(%arg26 : memref<!tpu.dma_semaphore, #tpu.memory_space<semaphore_mem>>)
    %dma_start3A_24 = arith.constant 0 : i32
    %dma_start3A_25 = arith.constant 0 : i32
    %dma_start3A_26 = tpu.memref_slice %arg3[%add3A, %dma_start3A_24, %dma_start3A_25] : memref<32x80x128xi32, #tpu.memory_space<hbm>> -> memref<1x80x128xi32, #tpu.memory_space<hbm>>
    %dma_start3A_27 = tpu.memref_squeeze %dma_start3A_26 : memref<1x80x128xi32, #tpu.memory_space<hbm>> -> memref<80x128xi32, #tpu.memory_space<hbm>>
    %dma_start3A_28 = arith.constant 0 : i32
    %dma_start3A_29 = arith.constant 0 : i32
    %dma_start3A_30 = tpu.memref_slice %arg3[%add3A, %dma_start3A_28, %dma_start3A_29] : memref<32x80x128xi32, #tpu.memory_space<hbm>> -> memref<1x80x128xi32, #tpu.memory_space<hbm>>
    %dma_start3A_31 = tpu.memref_squeeze %dma_start3A_30 : memref<1x80x128xi32, #tpu.memory_space<hbm>> -> memref<80x128xi32, #tpu.memory_space<hbm>>
    tpu.enqueue_dma source(%dma_start3A_31 : memref<80x128xi32, #tpu.memory_space<hbm>>) target(%arg8 : memref<80x128xi32, #tpu.memory_space<vmem>>) target_semaphore(%arg27 : memref<!tpu.dma_semaphore, #tpu.memory_space<semaphore_mem>>)
    %dma_wait3A = arith.constant 0 : i32
    %dma_wait3A_32 = tpu.memref_slice %arg4[%mul3A_2, %dma_wait3A] : memref<10240x16xf32, #tpu.memory_space<hbm>> -> memref<640x16xf32, #tpu.memory_space<hbm>>
    %dma_wait3A_33 = arith.constant 0 : i32
    %dma_wait3A_34 = tpu.memref_slice %arg4[%mul3A_2, %dma_wait3A_33] : memref<10240x16xf32, #tpu.memory_space<hbm>> -> memref<640x16xf32, #tpu.memory_space<hbm>>
    tpu.wait_dma2 semaphore(%arg23 : memref<!tpu.dma_semaphore, #tpu.memory_space<semaphore_mem>>) src(%dma_wait3A_34 : memref<640x16xf32, #tpu.memory_space<hbm>>) dst(%arg9 : memref<640x16xf32, #tpu.memory_space<vmem>>)
    %dma_wait3A_35 = arith.constant 0 : i32
    %dma_wait3A_36 = tpu.memref_slice %arg5[%dma_wait3A_35, %mul3A_2] : memref<2x10240xf32, #tpu.memory_space<hbm>> -> memref<1x640xf32, #tpu.memory_space<hbm>>
    %dma_wait3A_37 = tpu.memref_squeeze %dma_wait3A_36 : memref<1x640xf32, #tpu.memory_space<hbm>> -> memref<640xf32, #tpu.memory_space<hbm>>
    %dma_wait3A_38 = tpu.memref_slice %arg5[%dma_wait3A_35, %mul3A_2] : memref<2x10240xf32, #tpu.memory_space<hbm>> -> memref<1x640xf32, #tpu.memory_space<hbm>>
    %dma_wait3A_39 = tpu.memref_squeeze %dma_wait3A_38 : memref<1x640xf32, #tpu.memory_space<hbm>> -> memref<640xf32, #tpu.memory_space<hbm>>
    tpu.wait_dma2 semaphore(%arg24 : memref<!tpu.dma_semaphore, #tpu.memory_space<semaphore_mem>>) src(%dma_wait3A_39 : memref<640xf32, #tpu.memory_space<hbm>>) dst(%arg11 : memref<640xf32, #tpu.memory_space<vmem>>)
    %dma_wait3A_40 = arith.constant 1 : i32
    %dma_wait3A_41 = tpu.memref_slice %arg5[%dma_wait3A_40, %mul3A_2] : memref<2x10240xf32, #tpu.memory_space<hbm>> -> memref<1x640xf32, #tpu.memory_space<hbm>>
    %dma_wait3A_42 = tpu.memref_squeeze %dma_wait3A_41 : memref<1x640xf32, #tpu.memory_space<hbm>> -> memref<640xf32, #tpu.memory_space<hbm>>
    %dma_wait3A_43 = tpu.memref_slice %arg5[%dma_wait3A_40, %mul3A_2] : memref<2x10240xf32, #tpu.memory_space<hbm>> -> memref<1x640xf32, #tpu.memory_space<hbm>>
    %dma_wait3A_44 = tpu.memref_squeeze %dma_wait3A_43 : memref<1x640xf32, #tpu.memory_space<hbm>> -> memref<640xf32, #tpu.memory_space<hbm>>
    tpu.wait_dma2 semaphore(%arg25 : memref<!tpu.dma_semaphore, #tpu.memory_space<semaphore_mem>>) src(%dma_wait3A_44 : memref<640xf32, #tpu.memory_space<hbm>>) dst(%arg12 : memref<640xf32, #tpu.memory_space<vmem>>)
    %scan3A = arith.constant 0 : i32
    %scan3A_45 = arith.constant 40 : i32
    %scan3A_46 = arith.addi %scan3A, %scan3A_45 : i32
    %scan3A_47 = arith.constant 1 : i32
    scf.for %scan3A_300 = %scan3A to %scan3A_46 step %scan3A_47  : i32 {
      %mul3A_301 = arith.constant 1 : i32
      %mul3A_302 = arith.muli %scan3A_300, %mul3A_301 : i32
      %add3A_303 = arith.constant 0 : i32
      %add3A_304 = arith.addi %add3A_303, %mul3A_302 : i32
      %mul3A_305 = arith.constant 16 : i32
      %mul3A_306 = arith.muli %add3A_304, %mul3A_305 : i32
      %multiple_of3A = tpu.assume_multiple %mul3A_306, 16 : i32
      %get3A = arith.index_cast %multiple_of3A : i32 to index
      %get3A_307 = tpu.vector_load %arg11[%get3A] {strides = array<i32>} : memref<640xf32, #tpu.memory_space<vmem>>, vector<16xf32>,
      %get3A_308 = arith.index_cast %multiple_of3A : i32 to index
      %get3A_309 = tpu.vector_load %arg12[%get3A_308] {strides = array<i32>} : memref<640xf32, #tpu.memory_space<vmem>>, vector<16xf32>,
      %add3A_310 = arith.addf %get3A_307, %get3A_309 : vector<16xf32>
      %add3A_311 = arith.constant 1.000000e+00 : f32
      %add3A_312 = vector.broadcast %add3A_311 : f32 to vector<16xf32>
      %add3A_313 = arith.addf %add3A_310, %add3A_312 : vector<16xf32>
      %mul3A_314 = arith.constant 5.000000e-01 : f32
      %mul3A_315 = vector.broadcast %mul3A_314 : f32 to vector<16xf32>
      %mul3A_316 = arith.mulf %add3A_313, %mul3A_315 : vector<16xf32>
      %bitcast3A = vector.bitcast %add3A_313 : vector<16xf32> to vector<16xi32>
      %shift_right_arithmetic3A = arith.constant 1 : i32
      %shift_right_arithmetic3A_317 = vector.broadcast %shift_right_arithmetic3A : i32 to vector<16xi32>
      %shift_right_arithmetic3A_318 = arith.shrsi %bitcast3A, %shift_right_arithmetic3A_317 : vector<16xi32>
      %sub3A = arith.constant 1597463007 : i32
      %sub3A_319 = vector.broadcast %sub3A : i32 to vector<16xi32>
      %sub3A_320 = arith.subi %sub3A_319, %shift_right_arithmetic3A_318 : vector<16xi32>
      %bitcast3A_321 = vector.bitcast %sub3A_320 : vector<16xi32> to vector<16xf32>
      %mul3A_322 = arith.mulf %mul3A_316, %bitcast3A_321 : vector<16xf32>
      %mul3A_323 = arith.mulf %mul3A_322, %bitcast3A_321 : vector<16xf32>
      %sub3A_324 = arith.constant 1.500000e+00 : f32
      %sub3A_325 = vector.broadcast %sub3A_324 : f32 to vector<16xf32>
      %sub3A_326 = arith.subf %sub3A_325, %mul3A_323 : vector<16xf32>
      %mul3A_327 = arith.mulf %bitcast3A_321, %sub3A_326 : vector<16xf32>
      %mul3A_328 = arith.mulf %mul3A_316, %mul3A_327 : vector<16xf32>
      %mul3A_329 = arith.mulf %mul3A_328, %mul3A_327 : vector<16xf32>
      %sub3A_330 = arith.constant 1.500000e+00 : f32
      %sub3A_331 = vector.broadcast %sub3A_330 : f32 to vector<16xf32>
      %sub3A_332 = arith.subf %sub3A_331, %mul3A_329 : vector<16xf32>
      %mul3A_333 = arith.mulf %mul3A_327, %sub3A_332 : vector<16xf32>
      %mul3A_334 = arith.mulf %mul3A_316, %mul3A_333 : vector<16xf32>
      %mul3A_335 = arith.mulf %mul3A_334, %mul3A_333 : vector<16xf32>
      %sub3A_336 = arith.constant 1.500000e+00 : f32
      %sub3A_337 = vector.broadcast %sub3A_336 : f32 to vector<16xf32>
      %sub3A_338 = arith.subf %sub3A_337, %mul3A_335 : vector<16xf32>
      %mul3A_339 = arith.mulf %mul3A_333, %sub3A_338 : vector<16xf32>
      %mul3A_340 = arith.constant 16 : i32
      %mul3A_341 = arith.muli %add3A_304, %mul3A_340 : i32
      %multiple_of3A_342 = tpu.assume_multiple %mul3A_341, 16 : i32
      %add3A_343 = arith.constant 0 : i32
      %add3A_344 = arith.addi %multiple_of3A_342, %add3A_343 : i32
      %get3A_345 = arith.index_cast %add3A_344 : i32 to index
      %get3A_346 = arith.constant 0 : index
      %get3A_347 = tpu.vector_load %arg9[%get3A_345, %get3A_346] {strides = array<i32>} : memref<640x16xf32, #tpu.memory_space<vmem>>, vector<16xf32>,
      %broadcast_in_dim3A = arith.constant 0 : i32
      %broadcast_in_dim3A_348 = vector.broadcast %broadcast_in_dim3A : i32 to vector<16xi32>
      %lt3A = arith.constant 0 : i32
      %lt3A_349 = vector.broadcast %lt3A : i32 to vector<16xi32>
      %lt3A_350 = arith.cmpi slt, %broadcast_in_dim3A_348, %lt3A_349 : vector<16xi32>
      %add3A_351 = arith.constant 16 : i32
      %add3A_352 = vector.broadcast %add3A_351 : i32 to vector<16xi32>
      %add3A_353 = arith.addi %broadcast_in_dim3A_348, %add3A_352 : vector<16xi32>
      %select_n3A = arith.select %lt3A_350, %add3A_353, %broadcast_in_dim3A_348 : vector<16xi1>, vector<16xi32>
      %reshape3A = vector.shape_cast %select_n3A : vector<16xi32> to vector<16x1xi32>
      %gather3A = vector.shape_cast %reshape3A : vector<16x1xi32> to vector<16xi32>
      %gather3A_354 = tpu.dynamic_gather %mul3A_339[%gather3A] in [0] : vector<16xf32>, vector<16xi32> -> vector<16xf32>
      %mul3A_355 = arith.mulf %get3A_347, %gather3A_354 : vector<16xf32>
      %add3A_356 = arith.constant 0 : i32
      %add3A_357 = arith.addi %multiple_of3A_342, %add3A_356 : i32
      %swap3A = arith.index_cast %add3A_357 : i32 to index
      %swap3A_358 = arith.constant 0 : index
      %swap3A_359 = tpu.vector_load %arg9[%swap3A, %swap3A_358] {strides = array<i32>} : memref<640x16xf32, #tpu.memory_space<vmem>>, vector<16xf32>,
      tpu.vector_store %arg9[%swap3A, %swap3A_358], %mul3A_355 {strides = array<i32>} : memref<640x16xf32, #tpu.memory_space<vmem>>, vector<16xf32>,
      %add3A_360 = arith.constant 1 : i32
      %add3A_361 = arith.addi %multiple_of3A_342, %add3A_360 : i32
      %get3A_362 = arith.index_cast %add3A_361 : i32 to index
      %get3A_363 = arith.constant 0 : index
      %get3A_364 = tpu.vector_load %arg9[%get3A_362, %get3A_363] {strides = array<i32>} : memref<640x16xf32, #tpu.memory_space<vmem>>, vector<16xf32>,
      %broadcast_in_dim3A_365 = arith.constant 1 : i32
      %broadcast_in_dim3A_366 = vector.broadcast %broadcast_in_dim3A_365 : i32 to vector<16xi32>
      %lt3A_367 = arith.constant 0 : i32
      %lt3A_368 = vector.broadcast %lt3A_367 : i32 to vector<16xi32>
      %lt3A_369 = arith.cmpi slt, %broadcast_in_dim3A_366, %lt3A_368 : vector<16xi32>
      %add3A_370 = arith.constant 16 : i32
      %add3A_371 = vector.broadcast %add3A_370 : i32 to vector<16xi32>
      %add3A_372 = arith.addi %broadcast_in_dim3A_366, %add3A_371 : vector<16xi32>
      %select_n3A_373 = arith.select %lt3A_369, %add3A_372, %broadcast_in_dim3A_366 : vector<16xi1>, vector<16xi32>
      %reshape3A_374 = vector.shape_cast %select_n3A_373 : vector<16xi32> to vector<16x1xi32>
      %gather3A_375 = vector.shape_cast %reshape3A_374 : vector<16x1xi32> to vector<16xi32>
      %gather3A_376 = tpu.dynamic_gather %mul3A_339[%gather3A_375] in [0] : vector<16xf32>, vector<16xi32> -> vector<16xf32>
      %mul3A_377 = arith.mulf %get3A_364, %gather3A_376 : vector<16xf32>
      %add3A_378 = arith.constant 1 : i32
      %add3A_379 = arith.addi %multiple_of3A_342, %add3A_378 : i32
      %swap3A_380 = arith.index_cast %add3A_379 : i32 to index
      %swap3A_381 = arith.constant 0 : index
      %swap3A_382 = tpu.vector_load %arg9[%swap3A_380, %swap3A_381] {strides = array<i32>} : memref<640x16xf32, #tpu.memory_space<vmem>>, vector<16xf32>,
      tpu.vector_store %arg9[%swap3A_380, %swap3A_381], %mul3A_377 {strides = array<i32>} : memref<640x16xf32, #tpu.memory_space<vmem>>, vector<16xf32>,
      %add3A_383 = arith.constant 2 : i32
      %add3A_384 = arith.addi %multiple_of3A_342, %add3A_383 : i32
      %get3A_385 = arith.index_cast %add3A_384 : i32 to index
      %get3A_386 = arith.constant 0 : index
      %get3A_387 = tpu.vector_load %arg9[%get3A_385, %get3A_386] {strides = array<i32>} : memref<640x16xf32, #tpu.memory_space<vmem>>, vector<16xf32>,
      %broadcast_in_dim3A_388 = arith.constant 2 : i32
      %broadcast_in_dim3A_389 = vector.broadcast %broadcast_in_dim3A_388 : i32 to vector<16xi32>
      %lt3A_390 = arith.constant 0 : i32
      %lt3A_391 = vector.broadcast %lt3A_390 : i32 to vector<16xi32>
      %lt3A_392 = arith.cmpi slt, %broadcast_in_dim3A_389, %lt3A_391 : vector<16xi32>
      %add3A_393 = arith.constant 16 : i32
      %add3A_394 = vector.broadcast %add3A_393 : i32 to vector<16xi32>
      %add3A_395 = arith.addi %broadcast_in_dim3A_389, %add3A_394 : vector<16xi32>
      %select_n3A_396 = arith.select %lt3A_392, %add3A_395, %broadcast_in_dim3A_389 : vector<16xi1>, vector<16xi32>
      %reshape3A_397 = vector.shape_cast %select_n3A_396 : vector<16xi32> to vector<16x1xi32>
      %gather3A_398 = vector.shape_cast %reshape3A_397 : vector<16x1xi32> to vector<16xi32>
      %gather3A_399 = tpu.dynamic_gather %mul3A_339[%gather3A_398] in [0] : vector<16xf32>, vector<16xi32> -> vector<16xf32>
      %mul3A_400 = arith.mulf %get3A_387, %gather3A_399 : vector<16xf32>
      %add3A_401 = arith.constant 2 : i32
      %add3A_402 = arith.addi %multiple_of3A_342, %add3A_401 : i32
      %swap3A_403 = arith.index_cast %add3A_402 : i32 to index
      %swap3A_404 = arith.constant 0 : index
      %swap3A_405 = tpu.vector_load %arg9[%swap3A_403, %swap3A_404] {strides = array<i32>} : memref<640x16xf32, #tpu.memory_space<vmem>>, vector<16xf32>,
      tpu.vector_store %arg9[%swap3A_403, %swap3A_404], %mul3A_400 {strides = array<i32>} : memref<640x16xf32, #tpu.memory_space<vmem>>, vector<16xf32>,
      %add3A_406 = arith.constant 3 : i32
      %add3A_407 = arith.addi %multiple_of3A_342, %add3A_406 : i32
      %get3A_408 = arith.index_cast %add3A_407 : i32 to index
      %get3A_409 = arith.constant 0 : index
      %get3A_410 = tpu.vector_load %arg9[%get3A_408, %get3A_409] {strides = array<i32>} : memref<640x16xf32, #tpu.memory_space<vmem>>, vector<16xf32>,
      %broadcast_in_dim3A_411 = arith.constant 3 : i32
      %broadcast_in_dim3A_412 = vector.broadcast %broadcast_in_dim3A_411 : i32 to vector<16xi32>
      %lt3A_413 = arith.constant 0 : i32
      %lt3A_414 = vector.broadcast %lt3A_413 : i32 to vector<16xi32>
      %lt3A_415 = arith.cmpi slt, %broadcast_in_dim3A_412, %lt3A_414 : vector<16xi32>
      %add3A_416 = arith.constant 16 : i32
      %add3A_417 = vector.broadcast %add3A_416 : i32 to vector<16xi32>
      %add3A_418 = arith.addi %broadcast_in_dim3A_412, %add3A_417 : vector<16xi32>
      %select_n3A_419 = arith.select %lt3A_415, %add3A_418, %broadcast_in_dim3A_412 : vector<16xi1>, vector<16xi32>
      %reshape3A_420 = vector.shape_cast %select_n3A_419 : vector<16xi32> to vector<16x1xi32>
      %gather3A_421 = vector.shape_cast %reshape3A_420 : vector<16x1xi32> to vector<16xi32>
      %gather3A_422 = tpu.dynamic_gather %mul3A_339[%gather3A_421] in [0] : vector<16xf32>, vector<16xi32> -> vector<16xf32>
      %mul3A_423 = arith.mulf %get3A_410, %gather3A_422 : vector<16xf32>
      %add3A_424 = arith.constant 3 : i32
      %add3A_425 = arith.addi %multiple_of3A_342, %add3A_424 : i32
      %swap3A_426 = arith.index_cast %add3A_425 : i32 to index
      %swap3A_427 = arith.constant 0 : index
      %swap3A_428 = tpu.vector_load %arg9[%swap3A_426, %swap3A_427] {strides = array<i32>} : memref<640x16xf32, #tpu.memory_space<vmem>>, vector<16xf32>,
      tpu.vector_store %arg9[%swap3A_426, %swap3A_427], %mul3A_423 {strides = array<i32>} : memref<640x16xf32, #tpu.memory_space<vmem>>, vector<16xf32>,
      %add3A_429 = arith.constant 4 : i32
      %add3A_430 = arith.addi %multiple_of3A_342, %add3A_429 : i32
      %get3A_431 = arith.index_cast %add3A_430 : i32 to index
      %get3A_432 = arith.constant 0 : index
      %get3A_433 = tpu.vector_load %arg9[%get3A_431, %get3A_432] {strides = array<i32>} : memref<640x16xf32, #tpu.memory_space<vmem>>, vector<16xf32>,
      %broadcast_in_dim3A_434 = arith.constant 4 : i32
      %broadcast_in_dim3A_435 = vector.broadcast %broadcast_in_dim3A_434 : i32 to vector<16xi32>
      %lt3A_436 = arith.constant 0 : i32
      %lt3A_437 = vector.broadcast %lt3A_436 : i32 to vector<16xi32>
      %lt3A_438 = arith.cmpi slt, %broadcast_in_dim3A_435, %lt3A_437 : vector<16xi32>
      %add3A_439 = arith.constant 16 : i32
      %add3A_440 = vector.broadcast %add3A_439 : i32 to vector<16xi32>
      %add3A_441 = arith.addi %broadcast_in_dim3A_435, %add3A_440 : vector<16xi32>
      %select_n3A_442 = arith.select %lt3A_438, %add3A_441, %broadcast_in_dim3A_435 : vector<16xi1>, vector<16xi32>
      %reshape3A_443 = vector.shape_cast %select_n3A_442 : vector<16xi32> to vector<16x1xi32>
      %gather3A_444 = vector.shape_cast %reshape3A_443 : vector<16x1xi32> to vector<16xi32>
      %gather3A_445 = tpu.dynamic_gather %mul3A_339[%gather3A_444] in [0] : vector<16xf32>, vector<16xi32> -> vector<16xf32>
      %mul3A_446 = arith.mulf %get3A_433, %gather3A_445 : vector<16xf32>
      %add3A_447 = arith.constant 4 : i32
      %add3A_448 = arith.addi %multiple_of3A_342, %add3A_447 : i32
      %swap3A_449 = arith.index_cast %add3A_448 : i32 to index
      %swap3A_450 = arith.constant 0 : index
      %swap3A_451 = tpu.vector_load %arg9[%swap3A_449, %swap3A_450] {strides = array<i32>} : memref<640x16xf32, #tpu.memory_space<vmem>>, vector<16xf32>,
      tpu.vector_store %arg9[%swap3A_449, %swap3A_450], %mul3A_446 {strides = array<i32>} : memref<640x16xf32, #tpu.memory_space<vmem>>, vector<16xf32>,
      %add3A_452 = arith.constant 5 : i32
      %add3A_453 = arith.addi %multiple_of3A_342, %add3A_452 : i32
      %get3A_454 = arith.index_cast %add3A_453 : i32 to index
      %get3A_455 = arith.constant 0 : index
      %get3A_456 = tpu.vector_load %arg9[%get3A_454, %get3A_455] {strides = array<i32>} : memref<640x16xf32, #tpu.memory_space<vmem>>, vector<16xf32>,
      %broadcast_in_dim3A_457 = arith.constant 5 : i32
      %broadcast_in_dim3A_458 = vector.broadcast %broadcast_in_dim3A_457 : i32 to vector<16xi32>
      %lt3A_459 = arith.constant 0 : i32
      %lt3A_460 = vector.broadcast %lt3A_459 : i32 to vector<16xi32>
      %lt3A_461 = arith.cmpi slt, %broadcast_in_dim3A_458, %lt3A_460 : vector<16xi32>
      %add3A_462 = arith.constant 16 : i32
      %add3A_463 = vector.broadcast %add3A_462 : i32 to vector<16xi32>
      %add3A_464 = arith.addi %broadcast_in_dim3A_458, %add3A_463 : vector<16xi32>
      %select_n3A_465 = arith.select %lt3A_461, %add3A_464, %broadcast_in_dim3A_458 : vector<16xi1>, vector<16xi32>
      %reshape3A_466 = vector.shape_cast %select_n3A_465 : vector<16xi32> to vector<16x1xi32>
      %gather3A_467 = vector.shape_cast %reshape3A_466 : vector<16x1xi32> to vector<16xi32>
      %gather3A_468 = tpu.dynamic_gather %mul3A_339[%gather3A_467] in [0] : vector<16xf32>, vector<16xi32> -> vector<16xf32>
      %mul3A_469 = arith.mulf %get3A_456, %gather3A_468 : vector<16xf32>
      %add3A_470 = arith.constant 5 : i32
      %add3A_471 = arith.addi %multiple_of3A_342, %add3A_470 : i32
      %swap3A_472 = arith.index_cast %add3A_471 : i32 to index
      %swap3A_473 = arith.constant 0 : index
      %swap3A_474 = tpu.vector_load %arg9[%swap3A_472, %swap3A_473] {strides = array<i32>} : memref<640x16xf32, #tpu.memory_space<vmem>>, vector<16xf32>,
      tpu.vector_store %arg9[%swap3A_472, %swap3A_473], %mul3A_469 {strides = array<i32>} : memref<640x16xf32, #tpu.memory_space<vmem>>, vector<16xf32>,
      %add3A_475 = arith.constant 6 : i32
      %add3A_476 = arith.addi %multiple_of3A_342, %add3A_475 : i32
      %get3A_477 = arith.index_cast %add3A_476 : i32 to index
      %get3A_478 = arith.constant 0 : index
      %get3A_479 = tpu.vector_load %arg9[%get3A_477, %get3A_478] {strides = array<i32>} : memref<640x16xf32, #tpu.memory_space<vmem>>, vector<16xf32>,
      %broadcast_in_dim3A_480 = arith.constant 6 : i32
      %broadcast_in_dim3A_481 = vector.broadcast %broadcast_in_dim3A_480 : i32 to vector<16xi32>
      %lt3A_482 = arith.constant 0 : i32
      %lt3A_483 = vector.broadcast %lt3A_482 : i32 to vector<16xi32>
      %lt3A_484 = arith.cmpi slt, %broadcast_in_dim3A_481, %lt3A_483 : vector<16xi32>
      %add3A_485 = arith.constant 16 : i32
      %add3A_486 = vector.broadcast %add3A_485 : i32 to vector<16xi32>
      %add3A_487 = arith.addi %broadcast_in_dim3A_481, %add3A_486 : vector<16xi32>
      %select_n3A_488 = arith.select %lt3A_484, %add3A_487, %broadcast_in_dim3A_481 : vector<16xi1>, vector<16xi32>
      %reshape3A_489 = vector.shape_cast %select_n3A_488 : vector<16xi32> to vector<16x1xi32>
      %gather3A_490 = vector.shape_cast %reshape3A_489 : vector<16x1xi32> to vector<16xi32>
      %gather3A_491 = tpu.dynamic_gather %mul3A_339[%gather3A_490] in [0] : vector<16xf32>, vector<16xi32> -> vector<16xf32>
      %mul3A_492 = arith.mulf %get3A_479, %gather3A_491 : vector<16xf32>
      %add3A_493 = arith.constant 6 : i32
      %add3A_494 = arith.addi %multiple_of3A_342, %add3A_493 : i32
      %swap3A_495 = arith.index_cast %add3A_494 : i32 to index
      %swap3A_496 = arith.constant 0 : index
      %swap3A_497 = tpu.vector_load %arg9[%swap3A_495, %swap3A_496] {strides = array<i32>} : memref<640x16xf32, #tpu.memory_space<vmem>>, vector<16xf32>,
      tpu.vector_store %arg9[%swap3A_495, %swap3A_496], %mul3A_492 {strides = array<i32>} : memref<640x16xf32, #tpu.memory_space<vmem>>, vector<16xf32>,
      %add3A_498 = arith.constant 7 : i32
      %add3A_499 = arith.addi %multiple_of3A_342, %add3A_498 : i32
      %get3A_500 = arith.index_cast %add3A_499 : i32 to index
      %get3A_501 = arith.constant 0 : index
      %get3A_502 = tpu.vector_load %arg9[%get3A_500, %get3A_501] {strides = array<i32>} : memref<640x16xf32, #tpu.memory_space<vmem>>, vector<16xf32>,
      %broadcast_in_dim3A_503 = arith.constant 7 : i32
      %broadcast_in_dim3A_504 = vector.broadcast %broadcast_in_dim3A_503 : i32 to vector<16xi32>
      %lt3A_505 = arith.constant 0 : i32
      %lt3A_506 = vector.broadcast %lt3A_505 : i32 to vector<16xi32>
      %lt3A_507 = arith.cmpi slt, %broadcast_in_dim3A_504, %lt3A_506 : vector<16xi32>
      %add3A_508 = arith.constant 16 : i32
      %add3A_509 = vector.broadcast %add3A_508 : i32 to vector<16xi32>
      %add3A_510 = arith.addi %broadcast_in_dim3A_504, %add3A_509 : vector<16xi32>
      %select_n3A_511 = arith.select %lt3A_507, %add3A_510, %broadcast_in_dim3A_504 : vector<16xi1>, vector<16xi32>
      %reshape3A_512 = vector.shape_cast %select_n3A_511 : vector<16xi32> to vector<16x1xi32>
      %gather3A_513 = vector.shape_cast %reshape3A_512 : vector<16x1xi32> to vector<16xi32>
      %gather3A_514 = tpu.dynamic_gather %mul3A_339[%gather3A_513] in [0] : vector<16xf32>, vector<16xi32> -> vector<16xf32>
      %mul3A_515 = arith.mulf %get3A_502, %gather3A_514 : vector<16xf32>
      %add3A_516 = arith.constant 7 : i32
      %add3A_517 = arith.addi %multiple_of3A_342, %add3A_516 : i32
      %swap3A_518 = arith.index_cast %add3A_517 : i32 to index
      %swap3A_519 = arith.constant 0 : index
      %swap3A_520 = tpu.vector_load %arg9[%swap3A_518, %swap3A_519] {strides = array<i32>} : memref<640x16xf32, #tpu.memory_space<vmem>>, vector<16xf32>,
      tpu.vector_store %arg9[%swap3A_518, %swap3A_519], %mul3A_515 {strides = array<i32>} : memref<640x16xf32, #tpu.memory_space<vmem>>, vector<16xf32>,
      %add3A_521 = arith.constant 8 : i32
      %add3A_522 = arith.addi %multiple_of3A_342, %add3A_521 : i32
      %get3A_523 = arith.index_cast %add3A_522 : i32 to index
      %get3A_524 = arith.constant 0 : index
      %get3A_525 = tpu.vector_load %arg9[%get3A_523, %get3A_524] {strides = array<i32>} : memref<640x16xf32, #tpu.memory_space<vmem>>, vector<16xf32>,
      %broadcast_in_dim3A_526 = arith.constant 8 : i32
      %broadcast_in_dim3A_527 = vector.broadcast %broadcast_in_dim3A_526 : i32 to vector<16xi32>
      %lt3A_528 = arith.constant 0 : i32
      %lt3A_529 = vector.broadcast %lt3A_528 : i32 to vector<16xi32>
      %lt3A_530 = arith.cmpi slt, %broadcast_in_dim3A_527, %lt3A_529 : vector<16xi32>
      %add3A_531 = arith.constant 16 : i32
      %add3A_532 = vector.broadcast %add3A_531 : i32 to vector<16xi32>
      %add3A_533 = arith.addi %broadcast_in_dim3A_527, %add3A_532 : vector<16xi32>
      %select_n3A_534 = arith.select %lt3A_530, %add3A_533, %broadcast_in_dim3A_527 : vector<16xi1>, vector<16xi32>
      %reshape3A_535 = vector.shape_cast %select_n3A_534 : vector<16xi32> to vector<16x1xi32>
      %gather3A_536 = vector.shape_cast %reshape3A_535 : vector<16x1xi32> to vector<16xi32>
      %gather3A_537 = tpu.dynamic_gather %mul3A_339[%gather3A_536] in [0] : vector<16xf32>, vector<16xi32> -> vector<16xf32>
      %mul3A_538 = arith.mulf %get3A_525, %gather3A_537 : vector<16xf32>
      %add3A_539 = arith.constant 8 : i32
      %add3A_540 = arith.addi %multiple_of3A_342, %add3A_539 : i32
      %swap3A_541 = arith.index_cast %add3A_540 : i32 to index
      %swap3A_542 = arith.constant 0 : index
      %swap3A_543 = tpu.vector_load %arg9[%swap3A_541, %swap3A_542] {strides = array<i32>} : memref<640x16xf32, #tpu.memory_space<vmem>>, vector<16xf32>,
      tpu.vector_store %arg9[%swap3A_541, %swap3A_542], %mul3A_538 {strides = array<i32>} : memref<640x16xf32, #tpu.memory_space<vmem>>, vector<16xf32>,
      %add3A_544 = arith.constant 9 : i32
      %add3A_545 = arith.addi %multiple_of3A_342, %add3A_544 : i32
      %get3A_546 = arith.index_cast %add3A_545 : i32 to index
      %get3A_547 = arith.constant 0 : index
      %get3A_548 = tpu.vector_load %arg9[%get3A_546, %get3A_547] {strides = array<i32>} : memref<640x16xf32, #tpu.memory_space<vmem>>, vector<16xf32>,
      %broadcast_in_dim3A_549 = arith.constant 9 : i32
      %broadcast_in_dim3A_550 = vector.broadcast %broadcast_in_dim3A_549 : i32 to vector<16xi32>
      %lt3A_551 = arith.constant 0 : i32
      %lt3A_552 = vector.broadcast %lt3A_551 : i32 to vector<16xi32>
      %lt3A_553 = arith.cmpi slt, %broadcast_in_dim3A_550, %lt3A_552 : vector<16xi32>
      %add3A_554 = arith.constant 16 : i32
      %add3A_555 = vector.broadcast %add3A_554 : i32 to vector<16xi32>
      %add3A_556 = arith.addi %broadcast_in_dim3A_550, %add3A_555 : vector<16xi32>
      %select_n3A_557 = arith.select %lt3A_553, %add3A_556, %broadcast_in_dim3A_550 : vector<16xi1>, vector<16xi32>
      %reshape3A_558 = vector.shape_cast %select_n3A_557 : vector<16xi32> to vector<16x1xi32>
      %gather3A_559 = vector.shape_cast %reshape3A_558 : vector<16x1xi32> to vector<16xi32>
      %gather3A_560 = tpu.dynamic_gather %mul3A_339[%gather3A_559] in [0] : vector<16xf32>, vector<16xi32> -> vector<16xf32>
      %mul3A_561 = arith.mulf %get3A_548, %gather3A_560 : vector<16xf32>
      %add3A_562 = arith.constant 9 : i32
      %add3A_563 = arith.addi %multiple_of3A_342, %add3A_562 : i32
      %swap3A_564 = arith.index_cast %add3A_563 : i32 to index
      %swap3A_565 = arith.constant 0 : index
      %swap3A_566 = tpu.vector_load %arg9[%swap3A_564, %swap3A_565] {strides = array<i32>} : memref<640x16xf32, #tpu.memory_space<vmem>>, vector<16xf32>,
      tpu.vector_store %arg9[%swap3A_564, %swap3A_565], %mul3A_561 {strides = array<i32>} : memref<640x16xf32, #tpu.memory_space<vmem>>, vector<16xf32>,
      %add3A_567 = arith.constant 10 : i32
      %add3A_568 = arith.addi %multiple_of3A_342, %add3A_567 : i32
      %get3A_569 = arith.index_cast %add3A_568 : i32 to index
      %get3A_570 = arith.constant 0 : index
      %get3A_571 = tpu.vector_load %arg9[%get3A_569, %get3A_570] {strides = array<i32>} : memref<640x16xf32, #tpu.memory_space<vmem>>, vector<16xf32>,
      %broadcast_in_dim3A_572 = arith.constant 10 : i32
      %broadcast_in_dim3A_573 = vector.broadcast %broadcast_in_dim3A_572 : i32 to vector<16xi32>
      %lt3A_574 = arith.constant 0 : i32
      %lt3A_575 = vector.broadcast %lt3A_574 : i32 to vector<16xi32>
      %lt3A_576 = arith.cmpi slt, %broadcast_in_dim3A_573, %lt3A_575 : vector<16xi32>
      %add3A_577 = arith.constant 16 : i32
      %add3A_578 = vector.broadcast %add3A_577 : i32 to vector<16xi32>
      %add3A_579 = arith.addi %broadcast_in_dim3A_573, %add3A_578 : vector<16xi32>
      %select_n3A_580 = arith.select %lt3A_576, %add3A_579, %broadcast_in_dim3A_573 : vector<16xi1>, vector<16xi32>
      %reshape3A_581 = vector.shape_cast %select_n3A_580 : vector<16xi32> to vector<16x1xi32>
      %gather3A_582 = vector.shape_cast %reshape3A_581 : vector<16x1xi32> to vector<16xi32>
      %gather3A_583 = tpu.dynamic_gather %mul3A_339[%gather3A_582] in [0] : vector<16xf32>, vector<16xi32> -> vector<16xf32>
      %mul3A_584 = arith.mulf %get3A_571, %gather3A_583 : vector<16xf32>
      %add3A_585 = arith.constant 10 : i32
      %add3A_586 = arith.addi %multiple_of3A_342, %add3A_585 : i32
      %swap3A_587 = arith.index_cast %add3A_586 : i32 to index
      %swap3A_588 = arith.constant 0 : index
      %swap3A_589 = tpu.vector_load %arg9[%swap3A_587, %swap3A_588] {strides = array<i32>} : memref<640x16xf32, #tpu.memory_space<vmem>>, vector<16xf32>,
      tpu.vector_store %arg9[%swap3A_587, %swap3A_588], %mul3A_584 {strides = array<i32>} : memref<640x16xf32, #tpu.memory_space<vmem>>, vector<16xf32>,
      %add3A_590 = arith.constant 11 : i32
      %add3A_591 = arith.addi %multiple_of3A_342, %add3A_590 : i32
      %get3A_592 = arith.index_cast %add3A_591 : i32 to index
      %get3A_593 = arith.constant 0 : index
      %get3A_594 = tpu.vector_load %arg9[%get3A_592, %get3A_593] {strides = array<i32>} : memref<640x16xf32, #tpu.memory_space<vmem>>, vector<16xf32>,
      %broadcast_in_dim3A_595 = arith.constant 11 : i32
      %broadcast_in_dim3A_596 = vector.broadcast %broadcast_in_dim3A_595 : i32 to vector<16xi32>
      %lt3A_597 = arith.constant 0 : i32
      %lt3A_598 = vector.broadcast %lt3A_597 : i32 to vector<16xi32>
      %lt3A_599 = arith.cmpi slt, %broadcast_in_dim3A_596, %lt3A_598 : vector<16xi32>
      %add3A_600 = arith.constant 16 : i32
      %add3A_601 = vector.broadcast %add3A_600 : i32 to vector<16xi32>
      %add3A_602 = arith.addi %broadcast_in_dim3A_596, %add3A_601 : vector<16xi32>
      %select_n3A_603 = arith.select %lt3A_599, %add3A_602, %broadcast_in_dim3A_596 : vector<16xi1>, vector<16xi32>
      %reshape3A_604 = vector.shape_cast %select_n3A_603 : vector<16xi32> to vector<16x1xi32>
      %gather3A_605 = vector.shape_cast %reshape3A_604 : vector<16x1xi32> to vector<16xi32>
      %gather3A_606 = tpu.dynamic_gather %mul3A_339[%gather3A_605] in [0] : vector<16xf32>, vector<16xi32> -> vector<16xf32>
      %mul3A_607 = arith.mulf %get3A_594, %gather3A_606 : vector<16xf32>
      %add3A_608 = arith.constant 11 : i32
      %add3A_609 = arith.addi %multiple_of3A_342, %add3A_608 : i32
      %swap3A_610 = arith.index_cast %add3A_609 : i32 to index
      %swap3A_611 = arith.constant 0 : index
      %swap3A_612 = tpu.vector_load %arg9[%swap3A_610, %swap3A_611] {strides = array<i32>} : memref<640x16xf32, #tpu.memory_space<vmem>>, vector<16xf32>,
      tpu.vector_store %arg9[%swap3A_610, %swap3A_611], %mul3A_607 {strides = array<i32>} : memref<640x16xf32, #tpu.memory_space<vmem>>, vector<16xf32>,
      %add3A_613 = arith.constant 12 : i32
      %add3A_614 = arith.addi %multiple_of3A_342, %add3A_613 : i32
      %get3A_615 = arith.index_cast %add3A_614 : i32 to index
      %get3A_616 = arith.constant 0 : index
      %get3A_617 = tpu.vector_load %arg9[%get3A_615, %get3A_616] {strides = array<i32>} : memref<640x16xf32, #tpu.memory_space<vmem>>, vector<16xf32>,
      %broadcast_in_dim3A_618 = arith.constant 12 : i32
      %broadcast_in_dim3A_619 = vector.broadcast %broadcast_in_dim3A_618 : i32 to vector<16xi32>
      %lt3A_620 = arith.constant 0 : i32
      %lt3A_621 = vector.broadcast %lt3A_620 : i32 to vector<16xi32>
      %lt3A_622 = arith.cmpi slt, %broadcast_in_dim3A_619, %lt3A_621 : vector<16xi32>
      %add3A_623 = arith.constant 16 : i32
      %add3A_624 = vector.broadcast %add3A_623 : i32 to vector<16xi32>
      %add3A_625 = arith.addi %broadcast_in_dim3A_619, %add3A_624 : vector<16xi32>
      %select_n3A_626 = arith.select %lt3A_622, %add3A_625, %broadcast_in_dim3A_619 : vector<16xi1>, vector<16xi32>
      %reshape3A_627 = vector.shape_cast %select_n3A_626 : vector<16xi32> to vector<16x1xi32>
      %gather3A_628 = vector.shape_cast %reshape3A_627 : vector<16x1xi32> to vector<16xi32>
      %gather3A_629 = tpu.dynamic_gather %mul3A_339[%gather3A_628] in [0] : vector<16xf32>, vector<16xi32> -> vector<16xf32>
      %mul3A_630 = arith.mulf %get3A_617, %gather3A_629 : vector<16xf32>
      %add3A_631 = arith.constant 12 : i32
      %add3A_632 = arith.addi %multiple_of3A_342, %add3A_631 : i32
      %swap3A_633 = arith.index_cast %add3A_632 : i32 to index
      %swap3A_634 = arith.constant 0 : index
      %swap3A_635 = tpu.vector_load %arg9[%swap3A_633, %swap3A_634] {strides = array<i32>} : memref<640x16xf32, #tpu.memory_space<vmem>>, vector<16xf32>,
      tpu.vector_store %arg9[%swap3A_633, %swap3A_634], %mul3A_630 {strides = array<i32>} : memref<640x16xf32, #tpu.memory_space<vmem>>, vector<16xf32>,
      %add3A_636 = arith.constant 13 : i32
      %add3A_637 = arith.addi %multiple_of3A_342, %add3A_636 : i32
      %get3A_638 = arith.index_cast %add3A_637 : i32 to index
      %get3A_639 = arith.constant 0 : index
      %get3A_640 = tpu.vector_load %arg9[%get3A_638, %get3A_639] {strides = array<i32>} : memref<640x16xf32, #tpu.memory_space<vmem>>, vector<16xf32>,
      %broadcast_in_dim3A_641 = arith.constant 13 : i32
      %broadcast_in_dim3A_642 = vector.broadcast %broadcast_in_dim3A_641 : i32 to vector<16xi32>
      %lt3A_643 = arith.constant 0 : i32
      %lt3A_644 = vector.broadcast %lt3A_643 : i32 to vector<16xi32>
      %lt3A_645 = arith.cmpi slt, %broadcast_in_dim3A_642, %lt3A_644 : vector<16xi32>
      %add3A_646 = arith.constant 16 : i32
      %add3A_647 = vector.broadcast %add3A_646 : i32 to vector<16xi32>
      %add3A_648 = arith.addi %broadcast_in_dim3A_642, %add3A_647 : vector<16xi32>
      %select_n3A_649 = arith.select %lt3A_645, %add3A_648, %broadcast_in_dim3A_642 : vector<16xi1>, vector<16xi32>
      %reshape3A_650 = vector.shape_cast %select_n3A_649 : vector<16xi32> to vector<16x1xi32>
      %gather3A_651 = vector.shape_cast %reshape3A_650 : vector<16x1xi32> to vector<16xi32>
      %gather3A_652 = tpu.dynamic_gather %mul3A_339[%gather3A_651] in [0] : vector<16xf32>, vector<16xi32> -> vector<16xf32>
      %mul3A_653 = arith.mulf %get3A_640, %gather3A_652 : vector<16xf32>
      %add3A_654 = arith.constant 13 : i32
      %add3A_655 = arith.addi %multiple_of3A_342, %add3A_654 : i32
      %swap3A_656 = arith.index_cast %add3A_655 : i32 to index
      %swap3A_657 = arith.constant 0 : index
      %swap3A_658 = tpu.vector_load %arg9[%swap3A_656, %swap3A_657] {strides = array<i32>} : memref<640x16xf32, #tpu.memory_space<vmem>>, vector<16xf32>,
      tpu.vector_store %arg9[%swap3A_656, %swap3A_657], %mul3A_653 {strides = array<i32>} : memref<640x16xf32, #tpu.memory_space<vmem>>, vector<16xf32>,
      %add3A_659 = arith.constant 14 : i32
      %add3A_660 = arith.addi %multiple_of3A_342, %add3A_659 : i32
      %get3A_661 = arith.index_cast %add3A_660 : i32 to index
      %get3A_662 = arith.constant 0 : index
      %get3A_663 = tpu.vector_load %arg9[%get3A_661, %get3A_662] {strides = array<i32>} : memref<640x16xf32, #tpu.memory_space<vmem>>, vector<16xf32>,
      %broadcast_in_dim3A_664 = arith.constant 14 : i32
      %broadcast_in_dim3A_665 = vector.broadcast %broadcast_in_dim3A_664 : i32 to vector<16xi32>
      %lt3A_666 = arith.constant 0 : i32
      %lt3A_667 = vector.broadcast %lt3A_666 : i32 to vector<16xi32>
      %lt3A_668 = arith.cmpi slt, %broadcast_in_dim3A_665, %lt3A_667 : vector<16xi32>
      %add3A_669 = arith.constant 16 : i32
      %add3A_670 = vector.broadcast %add3A_669 : i32 to vector<16xi32>
      %add3A_671 = arith.addi %broadcast_in_dim3A_665, %add3A_670 : vector<16xi32>
      %select_n3A_672 = arith.select %lt3A_668, %add3A_671, %broadcast_in_dim3A_665 : vector<16xi1>, vector<16xi32>
      %reshape3A_673 = vector.shape_cast %select_n3A_672 : vector<16xi32> to vector<16x1xi32>
      %gather3A_674 = vector.shape_cast %reshape3A_673 : vector<16x1xi32> to vector<16xi32>
      %gather3A_675 = tpu.dynamic_gather %mul3A_339[%gather3A_674] in [0] : vector<16xf32>, vector<16xi32> -> vector<16xf32>
      %mul3A_676 = arith.mulf %get3A_663, %gather3A_675 : vector<16xf32>
      %add3A_677 = arith.constant 14 : i32
      %add3A_678 = arith.addi %multiple_of3A_342, %add3A_677 : i32
      %swap3A_679 = arith.index_cast %add3A_678 : i32 to index
      %swap3A_680 = arith.constant 0 : index
      %swap3A_681 = tpu.vector_load %arg9[%swap3A_679, %swap3A_680] {strides = array<i32>} : memref<640x16xf32, #tpu.memory_space<vmem>>, vector<16xf32>,
      tpu.vector_store %arg9[%swap3A_679, %swap3A_680], %mul3A_676 {strides = array<i32>} : memref<640x16xf32, #tpu.memory_space<vmem>>, vector<16xf32>,
      %add3A_682 = arith.constant 15 : i32
      %add3A_683 = arith.addi %multiple_of3A_342, %add3A_682 : i32
      %get3A_684 = arith.index_cast %add3A_683 : i32 to index
      %get3A_685 = arith.constant 0 : index
      %get3A_686 = tpu.vector_load %arg9[%get3A_684, %get3A_685] {strides = array<i32>} : memref<640x16xf32, #tpu.memory_space<vmem>>, vector<16xf32>,
      %broadcast_in_dim3A_687 = arith.constant 15 : i32
      %broadcast_in_dim3A_688 = vector.broadcast %broadcast_in_dim3A_687 : i32 to vector<16xi32>
      %lt3A_689 = arith.constant 0 : i32
      %lt3A_690 = vector.broadcast %lt3A_689 : i32 to vector<16xi32>
      %lt3A_691 = arith.cmpi slt, %broadcast_in_dim3A_688, %lt3A_690 : vector<16xi32>
      %add3A_692 = arith.constant 16 : i32
      %add3A_693 = vector.broadcast %add3A_692 : i32 to vector<16xi32>
      %add3A_694 = arith.addi %broadcast_in_dim3A_688, %add3A_693 : vector<16xi32>
      %select_n3A_695 = arith.select %lt3A_691, %add3A_694, %broadcast_in_dim3A_688 : vector<16xi1>, vector<16xi32>
      %reshape3A_696 = vector.shape_cast %select_n3A_695 : vector<16xi32> to vector<16x1xi32>
      %gather3A_697 = vector.shape_cast %reshape3A_696 : vector<16x1xi32> to vector<16xi32>
      %gather3A_698 = tpu.dynamic_gather %mul3A_339[%gather3A_697] in [0] : vector<16xf32>, vector<16xi32> -> vector<16xf32>
      %mul3A_699 = arith.mulf %get3A_686, %gather3A_698 : vector<16xf32>
      %add3A_700 = arith.constant 15 : i32
      %add3A_701 = arith.addi %multiple_of3A_342, %add3A_700 : i32
      %swap3A_702 = arith.index_cast %add3A_701 : i32 to index
      %swap3A_703 = arith.constant 0 : index
      %swap3A_704 = tpu.vector_load %arg9[%swap3A_702, %swap3A_703] {strides = array<i32>} : memref<640x16xf32, #tpu.memory_space<vmem>>, vector<16xf32>,
      tpu.vector_store %arg9[%swap3A_702, %swap3A_703], %mul3A_699 {strides = array<i32>} : memref<640x16xf32, #tpu.memory_space<vmem>>, vector<16xf32>,
    }
    %scan3A_48 = arith.constant 40 : i32
    "tpu.region"() ({
      %run_scoped3A = tpu.sem_alloc : memref<!tpu.dma_semaphore, #tpu.memory_space<semaphore_mem>>
      %dma_start3A_300 = arith.constant 0 : i32
      %dma_start3A_301 = tpu.memref_slice %arg14[%mul3A_2, %dma_start3A_300] : memref<10240x16xf32, #tpu.memory_space<vmem_shared>> -> memref<640x16xf32, #tpu.memory_space<vmem_shared>>
      %dma_start3A_302 = arith.constant 0 : i32
      %dma_start3A_303 = tpu.memref_slice %arg14[%mul3A_2, %dma_start3A_302] : memref<10240x16xf32, #tpu.memory_space<vmem_shared>> -> memref<640x16xf32, #tpu.memory_space<vmem_shared>>
      tpu.enqueue_dma source(%arg9 : memref<640x16xf32, #tpu.memory_space<vmem>>) target(%dma_start3A_303 : memref<640x16xf32, #tpu.memory_space<vmem_shared>>) target_semaphore(%run_scoped3A : memref<!tpu.dma_semaphore, #tpu.memory_space<semaphore_mem>>)
      %dma_wait3A_304 = arith.constant 0 : i32
      %dma_wait3A_305 = tpu.memref_slice %arg14[%mul3A_2, %dma_wait3A_304] : memref<10240x16xf32, #tpu.memory_space<vmem_shared>> -> memref<640x16xf32, #tpu.memory_space<vmem_shared>>
      %dma_wait3A_306 = arith.constant 0 : i32
      %dma_wait3A_307 = tpu.memref_slice %arg14[%mul3A_2, %dma_wait3A_306] : memref<10240x16xf32, #tpu.memory_space<vmem_shared>> -> memref<640x16xf32, #tpu.memory_space<vmem_shared>>
      tpu.wait_dma2 semaphore(%run_scoped3A : memref<!tpu.dma_semaphore, #tpu.memory_space<semaphore_mem>>) src(%arg9 : memref<640x16xf32, #tpu.memory_space<vmem>>) dst(%dma_wait3A_307 : memref<640x16xf32, #tpu.memory_space<vmem_shared>>)
      tpu.yield
    }) : () -> ()
    %scan3A_49 = arith.constant 0 : i32
    %scan3A_50 = arith.constant 640 : i32
    %scan3A_51 = arith.addi %scan3A_49, %scan3A_50 : i32
    %scan3A_52 = arith.constant 8 : i32
    scf.for %scan3A_300 = %scan3A_49 to %scan3A_51 step %scan3A_52  : i32 {
      %mul3A_301 = arith.constant 1 : i32
      %mul3A_302 = arith.muli %scan3A_300, %mul3A_301 : i32
      %add3A_303 = arith.constant 0 : i32
      %add3A_304 = arith.addi %add3A_303, %mul3A_302 : i32
      %broadcast_in_dim3A = arith.constant 0.000000e+00 : f32
      %broadcast_in_dim3A_305 = vector.broadcast %broadcast_in_dim3A : f32 to vector<16xf32>
      %swap3A = arith.index_cast %add3A_304 : i32 to index
      %swap3A_306 = arith.constant 0 : index
      %swap3A_307 = tpu.vector_load %arg10[%swap3A, %swap3A_306] {strides = array<i32>} : memref<640x16xf32, #tpu.memory_space<vmem>>, vector<16xf32>,
      tpu.vector_store %arg10[%swap3A, %swap3A_306], %broadcast_in_dim3A_305 {strides = array<i32>} : memref<640x16xf32, #tpu.memory_space<vmem>>, vector<16xf32>,
      %scan3A_308 = arith.constant 1 : i32
      %scan3A_309 = arith.addi %scan3A_300, %scan3A_308 : i32
      %mul3A_310 = arith.constant 1 : i32
      %mul3A_311 = arith.muli %scan3A_309, %mul3A_310 : i32
      %add3A_312 = arith.constant 0 : i32
      %add3A_313 = arith.addi %add3A_312, %mul3A_311 : i32
      %broadcast_in_dim3A_314 = arith.constant 0.000000e+00 : f32
      %broadcast_in_dim3A_315 = vector.broadcast %broadcast_in_dim3A_314 : f32 to vector<16xf32>
      %swap3A_316 = arith.index_cast %add3A_313 : i32 to index
      %swap3A_317 = arith.constant 0 : index
      %swap3A_318 = tpu.vector_load %arg10[%swap3A_316, %swap3A_317] {strides = array<i32>} : memref<640x16xf32, #tpu.memory_space<vmem>>, vector<16xf32>,
      tpu.vector_store %arg10[%swap3A_316, %swap3A_317], %broadcast_in_dim3A_315 {strides = array<i32>} : memref<640x16xf32, #tpu.memory_space<vmem>>, vector<16xf32>,
      %scan3A_319 = arith.constant 2 : i32
      %scan3A_320 = arith.addi %scan3A_300, %scan3A_319 : i32
      %mul3A_321 = arith.constant 1 : i32
      %mul3A_322 = arith.muli %scan3A_320, %mul3A_321 : i32
      %add3A_323 = arith.constant 0 : i32
      %add3A_324 = arith.addi %add3A_323, %mul3A_322 : i32
      %broadcast_in_dim3A_325 = arith.constant 0.000000e+00 : f32
      %broadcast_in_dim3A_326 = vector.broadcast %broadcast_in_dim3A_325 : f32 to vector<16xf32>
      %swap3A_327 = arith.index_cast %add3A_324 : i32 to index
      %swap3A_328 = arith.constant 0 : index
      %swap3A_329 = tpu.vector_load %arg10[%swap3A_327, %swap3A_328] {strides = array<i32>} : memref<640x16xf32, #tpu.memory_space<vmem>>, vector<16xf32>,
      tpu.vector_store %arg10[%swap3A_327, %swap3A_328], %broadcast_in_dim3A_326 {strides = array<i32>} : memref<640x16xf32, #tpu.memory_space<vmem>>, vector<16xf32>,
      %scan3A_330 = arith.constant 3 : i32
      %scan3A_331 = arith.addi %scan3A_300, %scan3A_330 : i32
      %mul3A_332 = arith.constant 1 : i32
      %mul3A_333 = arith.muli %scan3A_331, %mul3A_332 : i32
      %add3A_334 = arith.constant 0 : i32
      %add3A_335 = arith.addi %add3A_334, %mul3A_333 : i32
      %broadcast_in_dim3A_336 = arith.constant 0.000000e+00 : f32
      %broadcast_in_dim3A_337 = vector.broadcast %broadcast_in_dim3A_336 : f32 to vector<16xf32>
      %swap3A_338 = arith.index_cast %add3A_335 : i32 to index
      %swap3A_339 = arith.constant 0 : index
      %swap3A_340 = tpu.vector_load %arg10[%swap3A_338, %swap3A_339] {strides = array<i32>} : memref<640x16xf32, #tpu.memory_space<vmem>>, vector<16xf32>,
      tpu.vector_store %arg10[%swap3A_338, %swap3A_339], %broadcast_in_dim3A_337 {strides = array<i32>} : memref<640x16xf32, #tpu.memory_space<vmem>>, vector<16xf32>,
      %scan3A_341 = arith.constant 4 : i32
      %scan3A_342 = arith.addi %scan3A_300, %scan3A_341 : i32
      %mul3A_343 = arith.constant 1 : i32
      %mul3A_344 = arith.muli %scan3A_342, %mul3A_343 : i32
      %add3A_345 = arith.constant 0 : i32
      %add3A_346 = arith.addi %add3A_345, %mul3A_344 : i32
      %broadcast_in_dim3A_347 = arith.constant 0.000000e+00 : f32
      %broadcast_in_dim3A_348 = vector.broadcast %broadcast_in_dim3A_347 : f32 to vector<16xf32>
      %swap3A_349 = arith.index_cast %add3A_346 : i32 to index
      %swap3A_350 = arith.constant 0 : index
      %swap3A_351 = tpu.vector_load %arg10[%swap3A_349, %swap3A_350] {strides = array<i32>} : memref<640x16xf32, #tpu.memory_space<vmem>>, vector<16xf32>,
      tpu.vector_store %arg10[%swap3A_349, %swap3A_350], %broadcast_in_dim3A_348 {strides = array<i32>} : memref<640x16xf32, #tpu.memory_space<vmem>>, vector<16xf32>,
      %scan3A_352 = arith.constant 5 : i32
      %scan3A_353 = arith.addi %scan3A_300, %scan3A_352 : i32
      %mul3A_354 = arith.constant 1 : i32
      %mul3A_355 = arith.muli %scan3A_353, %mul3A_354 : i32
      %add3A_356 = arith.constant 0 : i32
      %add3A_357 = arith.addi %add3A_356, %mul3A_355 : i32
      %broadcast_in_dim3A_358 = arith.constant 0.000000e+00 : f32
      %broadcast_in_dim3A_359 = vector.broadcast %broadcast_in_dim3A_358 : f32 to vector<16xf32>
      %swap3A_360 = arith.index_cast %add3A_357 : i32 to index
      %swap3A_361 = arith.constant 0 : index
      %swap3A_362 = tpu.vector_load %arg10[%swap3A_360, %swap3A_361] {strides = array<i32>} : memref<640x16xf32, #tpu.memory_space<vmem>>, vector<16xf32>,
      tpu.vector_store %arg10[%swap3A_360, %swap3A_361], %broadcast_in_dim3A_359 {strides = array<i32>} : memref<640x16xf32, #tpu.memory_space<vmem>>, vector<16xf32>,
      %scan3A_363 = arith.constant 6 : i32
      %scan3A_364 = arith.addi %scan3A_300, %scan3A_363 : i32
      %mul3A_365 = arith.constant 1 : i32
      %mul3A_366 = arith.muli %scan3A_364, %mul3A_365 : i32
      %add3A_367 = arith.constant 0 : i32
      %add3A_368 = arith.addi %add3A_367, %mul3A_366 : i32
      %broadcast_in_dim3A_369 = arith.constant 0.000000e+00 : f32
      %broadcast_in_dim3A_370 = vector.broadcast %broadcast_in_dim3A_369 : f32 to vector<16xf32>
      %swap3A_371 = arith.index_cast %add3A_368 : i32 to index
      %swap3A_372 = arith.constant 0 : index
      %swap3A_373 = tpu.vector_load %arg10[%swap3A_371, %swap3A_372] {strides = array<i32>} : memref<640x16xf32, #tpu.memory_space<vmem>>, vector<16xf32>,
      tpu.vector_store %arg10[%swap3A_371, %swap3A_372], %broadcast_in_dim3A_370 {strides = array<i32>} : memref<640x16xf32, #tpu.memory_space<vmem>>, vector<16xf32>,
      %scan3A_374 = arith.constant 7 : i32
      %scan3A_375 = arith.addi %scan3A_300, %scan3A_374 : i32
      %mul3A_376 = arith.constant 1 : i32
      %mul3A_377 = arith.muli %scan3A_375, %mul3A_376 : i32
      %add3A_378 = arith.constant 0 : i32
      %add3A_379 = arith.addi %add3A_378, %mul3A_377 : i32
      %broadcast_in_dim3A_380 = arith.constant 0.000000e+00 : f32
      %broadcast_in_dim3A_381 = vector.broadcast %broadcast_in_dim3A_380 : f32 to vector<16xf32>
      %swap3A_382 = arith.index_cast %add3A_379 : i32 to index
      %swap3A_383 = arith.constant 0 : index
      %swap3A_384 = tpu.vector_load %arg10[%swap3A_382, %swap3A_383] {strides = array<i32>} : memref<640x16xf32, #tpu.memory_space<vmem>>, vector<16xf32>,
      tpu.vector_store %arg10[%swap3A_382, %swap3A_383], %broadcast_in_dim3A_381 {strides = array<i32>} : memref<640x16xf32, #tpu.memory_space<vmem>>, vector<16xf32>,
    }
    %scan3A_53 = arith.constant 640 : i32
    "tpu.region"() ({
      %run_scoped3A = tpu.sem_alloc : memref<!tpu.dma_semaphore, #tpu.memory_space<semaphore_mem>>
      %dma_start3A_300 = arith.constant 0 : i32
      %dma_start3A_301 = tpu.memref_slice %arg13[%mul3A_2, %dma_start3A_300] : memref<10240x16xf32, #tpu.memory_space<vmem_shared>> -> memref<640x16xf32, #tpu.memory_space<vmem_shared>>
      %dma_start3A_302 = arith.constant 0 : i32
      %dma_start3A_303 = tpu.memref_slice %arg13[%mul3A_2, %dma_start3A_302] : memref<10240x16xf32, #tpu.memory_space<vmem_shared>> -> memref<640x16xf32, #tpu.memory_space<vmem_shared>>
      tpu.enqueue_dma source(%arg10 : memref<640x16xf32, #tpu.memory_space<vmem>>) target(%dma_start3A_303 : memref<640x16xf32, #tpu.memory_space<vmem_shared>>) target_semaphore(%run_scoped3A : memref<!tpu.dma_semaphore, #tpu.memory_space<semaphore_mem>>)
      %dma_wait3A_304 = arith.constant 0 : i32
      %dma_wait3A_305 = tpu.memref_slice %arg13[%mul3A_2, %dma_wait3A_304] : memref<10240x16xf32, #tpu.memory_space<vmem_shared>> -> memref<640x16xf32, #tpu.memory_space<vmem_shared>>
      %dma_wait3A_306 = arith.constant 0 : i32
      %dma_wait3A_307 = tpu.memref_slice %arg13[%mul3A_2, %dma_wait3A_306] : memref<10240x16xf32, #tpu.memory_space<vmem_shared>> -> memref<640x16xf32, #tpu.memory_space<vmem_shared>>
      tpu.wait_dma2 semaphore(%run_scoped3A : memref<!tpu.dma_semaphore, #tpu.memory_space<semaphore_mem>>) src(%arg10 : memref<640x16xf32, #tpu.memory_space<vmem>>) dst(%dma_wait3A_307 : memref<640x16xf32, #tpu.memory_space<vmem_shared>>)
      tpu.yield
    }) : () -> ()
    %dma_wait3A_54 = arith.constant 0 : i32
    %dma_wait3A_55 = arith.constant 0 : i32
    %dma_wait3A_56 = tpu.memref_slice %arg2[%add3A, %dma_wait3A_54, %dma_wait3A_55] : memref<32x80x128xi32, #tpu.memory_space<hbm>> -> memref<1x80x128xi32, #tpu.memory_space<hbm>>
    %dma_wait3A_57 = tpu.memref_squeeze %dma_wait3A_56 : memref<1x80x128xi32, #tpu.memory_space<hbm>> -> memref<80x128xi32, #tpu.memory_space<hbm>>
    %dma_wait3A_58 = arith.constant 0 : i32
    %dma_wait3A_59 = arith.constant 0 : i32
    %dma_wait3A_60 = tpu.memref_slice %arg2[%add3A, %dma_wait3A_58, %dma_wait3A_59] : memref<32x80x128xi32, #tpu.memory_space<hbm>> -> memref<1x80x128xi32, #tpu.memory_space<hbm>>
    %dma_wait3A_61 = tpu.memref_squeeze %dma_wait3A_60 : memref<1x80x128xi32, #tpu.memory_space<hbm>> -> memref<80x128xi32, #tpu.memory_space<hbm>>
    tpu.wait_dma2 semaphore(%arg26 : memref<!tpu.dma_semaphore, #tpu.memory_space<semaphore_mem>>) src(%dma_wait3A_61 : memref<80x128xi32, #tpu.memory_space<hbm>>) dst(%arg7 : memref<80x128xi32, #tpu.memory_space<vmem>>)
    %dma_wait3A_62 = arith.constant 0 : i32
    %dma_wait3A_63 = arith.constant 0 : i32
    %dma_wait3A_64 = tpu.memref_slice %arg3[%add3A, %dma_wait3A_62, %dma_wait3A_63] : memref<32x80x128xi32, #tpu.memory_space<hbm>> -> memref<1x80x128xi32, #tpu.memory_space<hbm>>
    %dma_wait3A_65 = tpu.memref_squeeze %dma_wait3A_64 : memref<1x80x128xi32, #tpu.memory_space<hbm>> -> memref<80x128xi32, #tpu.memory_space<hbm>>
    %dma_wait3A_66 = arith.constant 0 : i32
    %dma_wait3A_67 = arith.constant 0 : i32
    %dma_wait3A_68 = tpu.memref_slice %arg3[%add3A, %dma_wait3A_66, %dma_wait3A_67] : memref<32x80x128xi32, #tpu.memory_space<hbm>> -> memref<1x80x128xi32, #tpu.memory_space<hbm>>
    %dma_wait3A_69 = tpu.memref_squeeze %dma_wait3A_68 : memref<1x80x128xi32, #tpu.memory_space<hbm>> -> memref<80x128xi32, #tpu.memory_space<hbm>>
    tpu.wait_dma2 semaphore(%arg27 : memref<!tpu.dma_semaphore, #tpu.memory_space<semaphore_mem>>) src(%dma_wait3A_69 : memref<80x128xi32, #tpu.memory_space<hbm>>) dst(%arg8 : memref<80x128xi32, #tpu.memory_space<vmem>>)
    %barrier3A = arith.constant 0 : index
    tpu.barrier barrier_id(%barrier3A)
    %dma_start3A_70 = arith.constant 0 : i32
    %dma_start3A_71 = arith.constant 0 : i32
    %dma_start3A_72 = tpu.memref_slice %arg7[%dma_start3A_70, %dma_start3A_71] : memref<80x128xi32, #tpu.memory_space<vmem>> -> memref<1x128xi32, #tpu.memory_space<vmem>>
    %dma_start3A_73 = tpu.memref_squeeze %dma_start3A_72 : memref<1x128xi32, #tpu.memory_space<vmem>> -> memref<128xi32, #tpu.memory_space<vmem>>
    %dma_start3A_74 = arith.constant 0 : i32
    %dma_start3A_75 = arith.constant 0 : i32
    %dma_start3A_76 = tpu.memref_slice %arg14[%dma_start3A_74, %dma_start3A_75] : memref<10240x16xf32, #tpu.memory_space<vmem_shared>> -> memref<10240x16xf32, #tpu.memory_space<vmem_shared>>
    tpu.enqueue_indirect_dma source(%dma_start3A_76 : memref<10240x16xf32, #tpu.memory_space<vmem_shared>>) target(%arg15 : memref<128x16xf32, #tpu.memory_space<vmem>>) offsets(%dma_start3A_73 : memref<128xi32, #tpu.memory_space<vmem>>) semaphore(%arg23 : memref<!tpu.dma_semaphore, #tpu.memory_space<semaphore_mem>>)
    %dma_start3A_77 = arith.constant 1 : i32
    %dma_start3A_78 = arith.constant 0 : i32
    %dma_start3A_79 = tpu.memref_slice %arg7[%dma_start3A_77, %dma_start3A_78] : memref<80x128xi32, #tpu.memory_space<vmem>> -> memref<1x128xi32, #tpu.memory_space<vmem>>
    %dma_start3A_80 = tpu.memref_squeeze %dma_start3A_79 : memref<1x128xi32, #tpu.memory_space<vmem>> -> memref<128xi32, #tpu.memory_space<vmem>>
    %dma_start3A_81 = arith.constant 0 : i32
    %dma_start3A_82 = arith.constant 0 : i32
    %dma_start3A_83 = tpu.memref_slice %arg14[%dma_start3A_81, %dma_start3A_82] : memref<10240x16xf32, #tpu.memory_space<vmem_shared>> -> memref<10240x16xf32, #tpu.memory_space<vmem_shared>>
    tpu.enqueue_indirect_dma source(%dma_start3A_83 : memref<10240x16xf32, #tpu.memory_space<vmem_shared>>) target(%arg16 : memref<128x16xf32, #tpu.memory_space<vmem>>) offsets(%dma_start3A_80 : memref<128xi32, #tpu.memory_space<vmem>>) semaphore(%arg24 : memref<!tpu.dma_semaphore, #tpu.memory_space<semaphore_mem>>)
    %dma_start3A_84 = arith.constant 2 : i32
    %dma_start3A_85 = arith.constant 0 : i32
    %dma_start3A_86 = tpu.memref_slice %arg7[%dma_start3A_84, %dma_start3A_85] : memref<80x128xi32, #tpu.memory_space<vmem>> -> memref<1x128xi32, #tpu.memory_space<vmem>>
    %dma_start3A_87 = tpu.memref_squeeze %dma_start3A_86 : memref<1x128xi32, #tpu.memory_space<vmem>> -> memref<128xi32, #tpu.memory_space<vmem>>
    %dma_start3A_88 = arith.constant 0 : i32
    %dma_start3A_89 = arith.constant 0 : i32
    %dma_start3A_90 = tpu.memref_slice %arg14[%dma_start3A_88, %dma_start3A_89] : memref<10240x16xf32, #tpu.memory_space<vmem_shared>> -> memref<10240x16xf32, #tpu.memory_space<vmem_shared>>
    tpu.enqueue_indirect_dma source(%dma_start3A_90 : memref<10240x16xf32, #tpu.memory_space<vmem_shared>>) target(%arg17 : memref<128x16xf32, #tpu.memory_space<vmem>>) offsets(%dma_start3A_87 : memref<128xi32, #tpu.memory_space<vmem>>) semaphore(%arg25 : memref<!tpu.dma_semaphore, #tpu.memory_space<semaphore_mem>>)
    %dma_start3A_91 = arith.constant 3 : i32
    %dma_start3A_92 = arith.constant 0 : i32
    %dma_start3A_93 = tpu.memref_slice %arg7[%dma_start3A_91, %dma_start3A_92] : memref<80x128xi32, #tpu.memory_space<vmem>> -> memref<1x128xi32, #tpu.memory_space<vmem>>
    %dma_start3A_94 = tpu.memref_squeeze %dma_start3A_93 : memref<1x128xi32, #tpu.memory_space<vmem>> -> memref<128xi32, #tpu.memory_space<vmem>>
    %dma_start3A_95 = arith.constant 0 : i32
    %dma_start3A_96 = arith.constant 0 : i32
    %dma_start3A_97 = tpu.memref_slice %arg14[%dma_start3A_95, %dma_start3A_96] : memref<10240x16xf32, #tpu.memory_space<vmem_shared>> -> memref<10240x16xf32, #tpu.memory_space<vmem_shared>>
    tpu.enqueue_indirect_dma source(%dma_start3A_97 : memref<10240x16xf32, #tpu.memory_space<vmem_shared>>) target(%arg18 : memref<128x16xf32, #tpu.memory_space<vmem>>) offsets(%dma_start3A_94 : memref<128xi32, #tpu.memory_space<vmem>>) semaphore(%arg26 : memref<!tpu.dma_semaphore, #tpu.memory_space<semaphore_mem>>)
    %dma_wait3A_98 = arith.constant 0 : i32
    %dma_wait3A_99 = arith.constant 0 : i32
    %dma_wait3A_100 = tpu.memref_slice %arg7[%dma_wait3A_98, %dma_wait3A_99] : memref<80x128xi32, #tpu.memory_space<vmem>> -> memref<1x128xi32, #tpu.memory_space<vmem>>
    %dma_wait3A_101 = tpu.memref_squeeze %dma_wait3A_100 : memref<1x128xi32, #tpu.memory_space<vmem>> -> memref<128xi32, #tpu.memory_space<vmem>>
    %dma_wait3A_102 = arith.constant 0 : i32
    %dma_wait3A_103 = arith.constant 0 : i32
    %dma_wait3A_104 = tpu.memref_slice %arg14[%dma_wait3A_102, %dma_wait3A_103] : memref<10240x16xf32, #tpu.memory_space<vmem_shared>> -> memref<10240x16xf32, #tpu.memory_space<vmem_shared>>
    tpu.wait_indirect_dma semaphore(%arg23 : memref<!tpu.dma_semaphore, #tpu.memory_space<semaphore_mem>>) src(%dma_wait3A_104 : memref<10240x16xf32, #tpu.memory_space<vmem_shared>>) dst(%arg15 : memref<128x16xf32, #tpu.memory_space<vmem>>)
    %dma_start3A_105 = arith.constant 0 : i32
    %dma_start3A_106 = arith.constant 0 : i32
    %dma_start3A_107 = tpu.memref_slice %arg8[%dma_start3A_105, %dma_start3A_106] : memref<80x128xi32, #tpu.memory_space<vmem>> -> memref<1x128xi32, #tpu.memory_space<vmem>>
    %dma_start3A_108 = tpu.memref_squeeze %dma_start3A_107 : memref<1x128xi32, #tpu.memory_space<vmem>> -> memref<128xi32, #tpu.memory_space<vmem>>
    %dma_start3A_109 = arith.constant 0 : i32
    %dma_start3A_110 = arith.constant 0 : i32
    %dma_start3A_111 = tpu.memref_slice %arg13[%dma_start3A_109, %dma_start3A_110] : memref<10240x16xf32, #tpu.memory_space<vmem_shared>> -> memref<10240x16xf32, #tpu.memory_space<vmem_shared>>
    tpu.enqueue_indirect_dma source(%arg15 : memref<128x16xf32, #tpu.memory_space<vmem>>) target(%dma_start3A_111 : memref<10240x16xf32, #tpu.memory_space<vmem_shared>>) offsets(%dma_start3A_108 : memref<128xi32, #tpu.memory_space<vmem>>) semaphore(%arg31 : memref<!tpu.dma_semaphore, #tpu.memory_space<semaphore_mem>>) {add = true}
    %dma_start3A_112 = arith.constant 4 : i32
    %dma_start3A_113 = arith.constant 0 : i32
    %dma_start3A_114 = tpu.memref_slice %arg7[%dma_start3A_112, %dma_start3A_113] : memref<80x128xi32, #tpu.memory_space<vmem>> -> memref<1x128xi32, #tpu.memory_space<vmem>>
    %dma_start3A_115 = tpu.memref_squeeze %dma_start3A_114 : memref<1x128xi32, #tpu.memory_space<vmem>> -> memref<128xi32, #tpu.memory_space<vmem>>
    %dma_start3A_116 = arith.constant 0 : i32
    %dma_start3A_117 = arith.constant 0 : i32
    %dma_start3A_118 = tpu.memref_slice %arg14[%dma_start3A_116, %dma_start3A_117] : memref<10240x16xf32, #tpu.memory_space<vmem_shared>> -> memref<10240x16xf32, #tpu.memory_space<vmem_shared>>
    tpu.enqueue_indirect_dma source(%dma_start3A_118 : memref<10240x16xf32, #tpu.memory_space<vmem_shared>>) target(%arg19 : memref<128x16xf32, #tpu.memory_space<vmem>>) offsets(%dma_start3A_115 : memref<128xi32, #tpu.memory_space<vmem>>) semaphore(%arg27 : memref<!tpu.dma_semaphore, #tpu.memory_space<semaphore_mem>>)
    %dma_wait3A_119 = arith.constant 1 : i32
    %dma_wait3A_120 = arith.constant 0 : i32
    %dma_wait3A_121 = tpu.memref_slice %arg7[%dma_wait3A_119, %dma_wait3A_120] : memref<80x128xi32, #tpu.memory_space<vmem>> -> memref<1x128xi32, #tpu.memory_space<vmem>>
    %dma_wait3A_122 = tpu.memref_squeeze %dma_wait3A_121 : memref<1x128xi32, #tpu.memory_space<vmem>> -> memref<128xi32, #tpu.memory_space<vmem>>
    %dma_wait3A_123 = arith.constant 0 : i32
    %dma_wait3A_124 = arith.constant 0 : i32
    %dma_wait3A_125 = tpu.memref_slice %arg14[%dma_wait3A_123, %dma_wait3A_124] : memref<10240x16xf32, #tpu.memory_space<vmem_shared>> -> memref<10240x16xf32, #tpu.memory_space<vmem_shared>>
    tpu.wait_indirect_dma semaphore(%arg24 : memref<!tpu.dma_semaphore, #tpu.memory_space<semaphore_mem>>) src(%dma_wait3A_125 : memref<10240x16xf32, #tpu.memory_space<vmem_shared>>) dst(%arg16 : memref<128x16xf32, #tpu.memory_space<vmem>>)
    %dma_start3A_126 = arith.constant 1 : i32
    %dma_start3A_127 = arith.constant 0 : i32
    %dma_start3A_128 = tpu.memref_slice %arg8[%dma_start3A_126, %dma_start3A_127] : memref<80x128xi32, #tpu.memory_space<vmem>> -> memref<1x128xi32, #tpu.memory_space<vmem>>
    %dma_start3A_129 = tpu.memref_squeeze %dma_start3A_128 : memref<1x128xi32, #tpu.memory_space<vmem>> -> memref<128xi32, #tpu.memory_space<vmem>>
    %dma_start3A_130 = arith.constant 0 : i32
    %dma_start3A_131 = arith.constant 0 : i32
    %dma_start3A_132 = tpu.memref_slice %arg13[%dma_start3A_130, %dma_start3A_131] : memref<10240x16xf32, #tpu.memory_space<vmem_shared>> -> memref<10240x16xf32, #tpu.memory_space<vmem_shared>>
    tpu.enqueue_indirect_dma source(%arg16 : memref<128x16xf32, #tpu.memory_space<vmem>>) target(%dma_start3A_132 : memref<10240x16xf32, #tpu.memory_space<vmem_shared>>) offsets(%dma_start3A_129 : memref<128xi32, #tpu.memory_space<vmem>>) semaphore(%arg32 : memref<!tpu.dma_semaphore, #tpu.memory_space<semaphore_mem>>) {add = true}
    %dma_start3A_133 = arith.constant 5 : i32
    %dma_start3A_134 = arith.constant 0 : i32
    %dma_start3A_135 = tpu.memref_slice %arg7[%dma_start3A_133, %dma_start3A_134] : memref<80x128xi32, #tpu.memory_space<vmem>> -> memref<1x128xi32, #tpu.memory_space<vmem>>
    %dma_start3A_136 = tpu.memref_squeeze %dma_start3A_135 : memref<1x128xi32, #tpu.memory_space<vmem>> -> memref<128xi32, #tpu.memory_space<vmem>>
    %dma_start3A_137 = arith.constant 0 : i32
    %dma_start3A_138 = arith.constant 0 : i32
    %dma_start3A_139 = tpu.memref_slice %arg14[%dma_start3A_137, %dma_start3A_138] : memref<10240x16xf32, #tpu.memory_space<vmem_shared>> -> memref<10240x16xf32, #tpu.memory_space<vmem_shared>>
    tpu.enqueue_indirect_dma source(%dma_start3A_139 : memref<10240x16xf32, #tpu.memory_space<vmem_shared>>) target(%arg20 : memref<128x16xf32, #tpu.memory_space<vmem>>) offsets(%dma_start3A_136 : memref<128xi32, #tpu.memory_space<vmem>>) semaphore(%arg28 : memref<!tpu.dma_semaphore, #tpu.memory_space<semaphore_mem>>)
    %dma_wait3A_140 = arith.constant 2 : i32
    %dma_wait3A_141 = arith.constant 0 : i32
    %dma_wait3A_142 = tpu.memref_slice %arg7[%dma_wait3A_140, %dma_wait3A_141] : memref<80x128xi32, #tpu.memory_space<vmem>> -> memref<1x128xi32, #tpu.memory_space<vmem>>
    %dma_wait3A_143 = tpu.memref_squeeze %dma_wait3A_142 : memref<1x128xi32, #tpu.memory_space<vmem>> -> memref<128xi32, #tpu.memory_space<vmem>>
    %dma_wait3A_144 = arith.constant 0 : i32
    %dma_wait3A_145 = arith.constant 0 : i32
    %dma_wait3A_146 = tpu.memref_slice %arg14[%dma_wait3A_144, %dma_wait3A_145] : memref<10240x16xf32, #tpu.memory_space<vmem_shared>> -> memref<10240x16xf32, #tpu.memory_space<vmem_shared>>
    tpu.wait_indirect_dma semaphore(%arg25 : memref<!tpu.dma_semaphore, #tpu.memory_space<semaphore_mem>>) src(%dma_wait3A_146 : memref<10240x16xf32, #tpu.memory_space<vmem_shared>>) dst(%arg17 : memref<128x16xf32, #tpu.memory_space<vmem>>)
    %dma_start3A_147 = arith.constant 2 : i32
    %dma_start3A_148 = arith.constant 0 : i32
    %dma_start3A_149 = tpu.memref_slice %arg8[%dma_start3A_147, %dma_start3A_148] : memref<80x128xi32, #tpu.memory_space<vmem>> -> memref<1x128xi32, #tpu.memory_space<vmem>>
    %dma_start3A_150 = tpu.memref_squeeze %dma_start3A_149 : memref<1x128xi32, #tpu.memory_space<vmem>> -> memref<128xi32, #tpu.memory_space<vmem>>
    %dma_start3A_151 = arith.constant 0 : i32
    %dma_start3A_152 = arith.constant 0 : i32
    %dma_start3A_153 = tpu.memref_slice %arg13[%dma_start3A_151, %dma_start3A_152] : memref<10240x16xf32, #tpu.memory_space<vmem_shared>> -> memref<10240x16xf32, #tpu.memory_space<vmem_shared>>
    tpu.enqueue_indirect_dma source(%arg17 : memref<128x16xf32, #tpu.memory_space<vmem>>) target(%dma_start3A_153 : memref<10240x16xf32, #tpu.memory_space<vmem_shared>>) offsets(%dma_start3A_150 : memref<128xi32, #tpu.memory_space<vmem>>) semaphore(%arg33 : memref<!tpu.dma_semaphore, #tpu.memory_space<semaphore_mem>>) {add = true}
    %dma_start3A_154 = arith.constant 6 : i32
    %dma_start3A_155 = arith.constant 0 : i32
    %dma_start3A_156 = tpu.memref_slice %arg7[%dma_start3A_154, %dma_start3A_155] : memref<80x128xi32, #tpu.memory_space<vmem>> -> memref<1x128xi32, #tpu.memory_space<vmem>>
    %dma_start3A_157 = tpu.memref_squeeze %dma_start3A_156 : memref<1x128xi32, #tpu.memory_space<vmem>> -> memref<128xi32, #tpu.memory_space<vmem>>
    %dma_start3A_158 = arith.constant 0 : i32
    %dma_start3A_159 = arith.constant 0 : i32
    %dma_start3A_160 = tpu.memref_slice %arg14[%dma_start3A_158, %dma_start3A_159] : memref<10240x16xf32, #tpu.memory_space<vmem_shared>> -> memref<10240x16xf32, #tpu.memory_space<vmem_shared>>
    tpu.enqueue_indirect_dma source(%dma_start3A_160 : memref<10240x16xf32, #tpu.memory_space<vmem_shared>>) target(%arg21 : memref<128x16xf32, #tpu.memory_space<vmem>>) offsets(%dma_start3A_157 : memref<128xi32, #tpu.memory_space<vmem>>) semaphore(%arg29 : memref<!tpu.dma_semaphore, #tpu.memory_space<semaphore_mem>>)
    %dma_wait3A_161 = arith.constant 3 : i32
    %dma_wait3A_162 = arith.constant 0 : i32
    %dma_wait3A_163 = tpu.memref_slice %arg7[%dma_wait3A_161, %dma_wait3A_162] : memref<80x128xi32, #tpu.memory_space<vmem>> -> memref<1x128xi32, #tpu.memory_space<vmem>>
    %dma_wait3A_164 = tpu.memref_squeeze %dma_wait3A_163 : memref<1x128xi32, #tpu.memory_space<vmem>> -> memref<128xi32, #tpu.memory_space<vmem>>
    %dma_wait3A_165 = arith.constant 0 : i32
    %dma_wait3A_166 = arith.constant 0 : i32
    %dma_wait3A_167 = tpu.memref_slice %arg14[%dma_wait3A_165, %dma_wait3A_166] : memref<10240x16xf32, #tpu.memory_space<vmem_shared>> -> memref<10240x16xf32, #tpu.memory_space<vmem_shared>>
    tpu.wait_indirect_dma semaphore(%arg26 : memref<!tpu.dma_semaphore, #tpu.memory_space<semaphore_mem>>) src(%dma_wait3A_167 : memref<10240x16xf32, #tpu.memory_space<vmem_shared>>) dst(%arg18 : memref<128x16xf32, #tpu.memory_space<vmem>>)
    %dma_start3A_168 = arith.constant 3 : i32
    %dma_start3A_169 = arith.constant 0 : i32
    %dma_start3A_170 = tpu.memref_slice %arg8[%dma_start3A_168, %dma_start3A_169] : memref<80x128xi32, #tpu.memory_space<vmem>> -> memref<1x128xi32, #tpu.memory_space<vmem>>
    %dma_start3A_171 = tpu.memref_squeeze %dma_start3A_170 : memref<1x128xi32, #tpu.memory_space<vmem>> -> memref<128xi32, #tpu.memory_space<vmem>>
    %dma_start3A_172 = arith.constant 0 : i32
    %dma_start3A_173 = arith.constant 0 : i32
    %dma_start3A_174 = tpu.memref_slice %arg13[%dma_start3A_172, %dma_start3A_173] : memref<10240x16xf32, #tpu.memory_space<vmem_shared>> -> memref<10240x16xf32, #tpu.memory_space<vmem_shared>>
    tpu.enqueue_indirect_dma source(%arg18 : memref<128x16xf32, #tpu.memory_space<vmem>>) target(%dma_start3A_174 : memref<10240x16xf32, #tpu.memory_space<vmem_shared>>) offsets(%dma_start3A_171 : memref<128xi32, #tpu.memory_space<vmem>>) semaphore(%arg34 : memref<!tpu.dma_semaphore, #tpu.memory_space<semaphore_mem>>) {add = true}
    %dma_start3A_175 = arith.constant 7 : i32
    %dma_start3A_176 = arith.constant 0 : i32
    %dma_start3A_177 = tpu.memref_slice %arg7[%dma_start3A_175, %dma_start3A_176] : memref<80x128xi32, #tpu.memory_space<vmem>> -> memref<1x128xi32, #tpu.memory_space<vmem>>
    %dma_start3A_178 = tpu.memref_squeeze %dma_start3A_177 : memref<1x128xi32, #tpu.memory_space<vmem>> -> memref<128xi32, #tpu.memory_space<vmem>>
    %dma_start3A_179 = arith.constant 0 : i32
    %dma_start3A_180 = arith.constant 0 : i32
    %dma_start3A_181 = tpu.memref_slice %arg14[%dma_start3A_179, %dma_start3A_180] : memref<10240x16xf32, #tpu.memory_space<vmem_shared>> -> memref<10240x16xf32, #tpu.memory_space<vmem_shared>>
    tpu.enqueue_indirect_dma source(%dma_start3A_181 : memref<10240x16xf32, #tpu.memory_space<vmem_shared>>) target(%arg22 : memref<128x16xf32, #tpu.memory_space<vmem>>) offsets(%dma_start3A_178 : memref<128xi32, #tpu.memory_space<vmem>>) semaphore(%arg30 : memref<!tpu.dma_semaphore, #tpu.memory_space<semaphore_mem>>)
    %scan3A_182 = arith.constant 0 : i32
    %scan3A_183 = arith.constant 9 : i32
    %scan3A_184 = arith.addi %scan3A_182, %scan3A_183 : i32
    %scan3A_185 = arith.constant 1 : i32
    scf.for %scan3A_300 = %scan3A_182 to %scan3A_184 step %scan3A_185  : i32 {
      %mul3A_301 = arith.constant 1 : i32
      %mul3A_302 = arith.muli %scan3A_300, %mul3A_301 : i32
      %add3A_303 = arith.constant 0 : i32
      %add3A_304 = arith.addi %add3A_303, %mul3A_302 : i32
      %mul3A_305 = arith.constant 8 : i32
      %mul3A_306 = arith.muli %add3A_304, %mul3A_305 : i32
      %add3A_307 = arith.constant 4 : i32
      %add3A_308 = arith.addi %add3A_307, %mul3A_306 : i32
      %add3A_309 = arith.constant 0 : i32
      %add3A_310 = arith.addi %add3A_308, %add3A_309 : i32
      %dma_wait3A_311 = arith.constant 0 : i32
      %dma_wait3A_312 = tpu.memref_slice %arg7[%add3A_310, %dma_wait3A_311] : memref<80x128xi32, #tpu.memory_space<vmem>> -> memref<1x128xi32, #tpu.memory_space<vmem>>
      %dma_wait3A_313 = tpu.memref_squeeze %dma_wait3A_312 : memref<1x128xi32, #tpu.memory_space<vmem>> -> memref<128xi32, #tpu.memory_space<vmem>>
      %dma_wait3A_314 = arith.constant 0 : i32
      %dma_wait3A_315 = arith.constant 0 : i32
      %dma_wait3A_316 = tpu.memref_slice %arg14[%dma_wait3A_314, %dma_wait3A_315] : memref<10240x16xf32, #tpu.memory_space<vmem_shared>> -> memref<10240x16xf32, #tpu.memory_space<vmem_shared>>
      tpu.wait_indirect_dma semaphore(%arg27 : memref<!tpu.dma_semaphore, #tpu.memory_space<semaphore_mem>>) src(%dma_wait3A_316 : memref<10240x16xf32, #tpu.memory_space<vmem_shared>>) dst(%arg19 : memref<128x16xf32, #tpu.memory_space<vmem>>)
      %dma_start3A_317 = arith.constant 0 : i32
      %dma_start3A_318 = tpu.memref_slice %arg8[%add3A_310, %dma_start3A_317] : memref<80x128xi32, #tpu.memory_space<vmem>> -> memref<1x128xi32, #tpu.memory_space<vmem>>
      %dma_start3A_319 = tpu.memref_squeeze %dma_start3A_318 : memref<1x128xi32, #tpu.memory_space<vmem>> -> memref<128xi32, #tpu.memory_space<vmem>>
      %dma_start3A_320 = arith.constant 0 : i32
      %dma_start3A_321 = arith.constant 0 : i32
      %dma_start3A_322 = tpu.memref_slice %arg13[%dma_start3A_320, %dma_start3A_321] : memref<10240x16xf32, #tpu.memory_space<vmem_shared>> -> memref<10240x16xf32, #tpu.memory_space<vmem_shared>>
      tpu.enqueue_indirect_dma source(%arg19 : memref<128x16xf32, #tpu.memory_space<vmem>>) target(%dma_start3A_322 : memref<10240x16xf32, #tpu.memory_space<vmem_shared>>) offsets(%dma_start3A_319 : memref<128xi32, #tpu.memory_space<vmem>>) semaphore(%arg35 : memref<!tpu.dma_semaphore, #tpu.memory_space<semaphore_mem>>) {add = true}
      %add3A_323 = arith.constant 4 : i32
      %add3A_324 = arith.addi %add3A_310, %add3A_323 : i32
      %sub3A = arith.constant 8 : i32
      %sub3A_325 = arith.subi %add3A_324, %sub3A : i32
      %dma_wait3A_326 = arith.constant 0 : i32
      %dma_wait3A_327 = tpu.memref_slice %arg8[%sub3A_325, %dma_wait3A_326] : memref<80x128xi32, #tpu.memory_space<vmem>> -> memref<1x128xi32, #tpu.memory_space<vmem>>
      %dma_wait3A_328 = tpu.memref_squeeze %dma_wait3A_327 : memref<1x128xi32, #tpu.memory_space<vmem>> -> memref<128xi32, #tpu.memory_space<vmem>>
      %dma_wait3A_329 = arith.constant 0 : i32
      %dma_wait3A_330 = arith.constant 0 : i32
      %dma_wait3A_331 = tpu.memref_slice %arg13[%dma_wait3A_329, %dma_wait3A_330] : memref<10240x16xf32, #tpu.memory_space<vmem_shared>> -> memref<10240x16xf32, #tpu.memory_space<vmem_shared>>
      tpu.wait_indirect_dma semaphore(%arg31 : memref<!tpu.dma_semaphore, #tpu.memory_space<semaphore_mem>>) src(%arg15 : memref<128x16xf32, #tpu.memory_space<vmem>>) dst(%dma_wait3A_331 : memref<10240x16xf32, #tpu.memory_space<vmem_shared>>)
      %add3A_332 = arith.constant 4 : i32
      %add3A_333 = arith.addi %add3A_310, %add3A_332 : i32
      %dma_start3A_334 = arith.constant 0 : i32
      %dma_start3A_335 = tpu.memref_slice %arg7[%add3A_333, %dma_start3A_334] : memref<80x128xi32, #tpu.memory_space<vmem>> -> memref<1x128xi32, #tpu.memory_space<vmem>>
      %dma_start3A_336 = tpu.memref_squeeze %dma_start3A_335 : memref<1x128xi32, #tpu.memory_space<vmem>> -> memref<128xi32, #tpu.memory_space<vmem>>
      %dma_start3A_337 = arith.constant 0 : i32
      %dma_start3A_338 = arith.constant 0 : i32
      %dma_start3A_339 = tpu.memref_slice %arg14[%dma_start3A_337, %dma_start3A_338] : memref<10240x16xf32, #tpu.memory_space<vmem_shared>> -> memref<10240x16xf32, #tpu.memory_space<vmem_shared>>
      tpu.enqueue_indirect_dma source(%dma_start3A_339 : memref<10240x16xf32, #tpu.memory_space<vmem_shared>>) target(%arg15 : memref<128x16xf32, #tpu.memory_space<vmem>>) offsets(%dma_start3A_336 : memref<128xi32, #tpu.memory_space<vmem>>) semaphore(%arg23 : memref<!tpu.dma_semaphore, #tpu.memory_space<semaphore_mem>>)
      %add3A_340 = arith.constant 1 : i32
      %add3A_341 = arith.addi %add3A_308, %add3A_340 : i32
      %dma_wait3A_342 = arith.constant 0 : i32
      %dma_wait3A_343 = tpu.memref_slice %arg7[%add3A_341, %dma_wait3A_342] : memref<80x128xi32, #tpu.memory_space<vmem>> -> memref<1x128xi32, #tpu.memory_space<vmem>>
      %dma_wait3A_344 = tpu.memref_squeeze %dma_wait3A_343 : memref<1x128xi32, #tpu.memory_space<vmem>> -> memref<128xi32, #tpu.memory_space<vmem>>
      %dma_wait3A_345 = arith.constant 0 : i32
      %dma_wait3A_346 = arith.constant 0 : i32
      %dma_wait3A_347 = tpu.memref_slice %arg14[%dma_wait3A_345, %dma_wait3A_346] : memref<10240x16xf32, #tpu.memory_space<vmem_shared>> -> memref<10240x16xf32, #tpu.memory_space<vmem_shared>>
      tpu.wait_indirect_dma semaphore(%arg28 : memref<!tpu.dma_semaphore, #tpu.memory_space<semaphore_mem>>) src(%dma_wait3A_347 : memref<10240x16xf32, #tpu.memory_space<vmem_shared>>) dst(%arg20 : memref<128x16xf32, #tpu.memory_space<vmem>>)
      %dma_start3A_348 = arith.constant 0 : i32
      %dma_start3A_349 = tpu.memref_slice %arg8[%add3A_341, %dma_start3A_348] : memref<80x128xi32, #tpu.memory_space<vmem>> -> memref<1x128xi32, #tpu.memory_space<vmem>>
      %dma_start3A_350 = tpu.memref_squeeze %dma_start3A_349 : memref<1x128xi32, #tpu.memory_space<vmem>> -> memref<128xi32, #tpu.memory_space<vmem>>
      %dma_start3A_351 = arith.constant 0 : i32
      %dma_start3A_352 = arith.constant 0 : i32
      %dma_start3A_353 = tpu.memref_slice %arg13[%dma_start3A_351, %dma_start3A_352] : memref<10240x16xf32, #tpu.memory_space<vmem_shared>> -> memref<10240x16xf32, #tpu.memory_space<vmem_shared>>
      tpu.enqueue_indirect_dma source(%arg20 : memref<128x16xf32, #tpu.memory_space<vmem>>) target(%dma_start3A_353 : memref<10240x16xf32, #tpu.memory_space<vmem_shared>>) offsets(%dma_start3A_350 : memref<128xi32, #tpu.memory_space<vmem>>) semaphore(%arg36 : memref<!tpu.dma_semaphore, #tpu.memory_space<semaphore_mem>>) {add = true}
      %add3A_354 = arith.constant 4 : i32
      %add3A_355 = arith.addi %add3A_341, %add3A_354 : i32
      %sub3A_356 = arith.constant 8 : i32
      %sub3A_357 = arith.subi %add3A_355, %sub3A_356 : i32
      %dma_wait3A_358 = arith.constant 0 : i32
      %dma_wait3A_359 = tpu.memref_slice %arg8[%sub3A_357, %dma_wait3A_358] : memref<80x128xi32, #tpu.memory_space<vmem>> -> memref<1x128xi32, #tpu.memory_space<vmem>>
      %dma_wait3A_360 = tpu.memref_squeeze %dma_wait3A_359 : memref<1x128xi32, #tpu.memory_space<vmem>> -> memref<128xi32, #tpu.memory_space<vmem>>
      %dma_wait3A_361 = arith.constant 0 : i32
      %dma_wait3A_362 = arith.constant 0 : i32
      %dma_wait3A_363 = tpu.memref_slice %arg13[%dma_wait3A_361, %dma_wait3A_362] : memref<10240x16xf32, #tpu.memory_space<vmem_shared>> -> memref<10240x16xf32, #tpu.memory_space<vmem_shared>>
      tpu.wait_indirect_dma semaphore(%arg32 : memref<!tpu.dma_semaphore, #tpu.memory_space<semaphore_mem>>) src(%arg16 : memref<128x16xf32, #tpu.memory_space<vmem>>) dst(%dma_wait3A_363 : memref<10240x16xf32, #tpu.memory_space<vmem_shared>>)
      %add3A_364 = arith.constant 4 : i32
      %add3A_365 = arith.addi %add3A_341, %add3A_364 : i32
      %dma_start3A_366 = arith.constant 0 : i32
      %dma_start3A_367 = tpu.memref_slice %arg7[%add3A_365, %dma_start3A_366] : memref<80x128xi32, #tpu.memory_space<vmem>> -> memref<1x128xi32, #tpu.memory_space<vmem>>
      %dma_start3A_368 = tpu.memref_squeeze %dma_start3A_367 : memref<1x128xi32, #tpu.memory_space<vmem>> -> memref<128xi32, #tpu.memory_space<vmem>>
      %dma_start3A_369 = arith.constant 0 : i32
      %dma_start3A_370 = arith.constant 0 : i32
      %dma_start3A_371 = tpu.memref_slice %arg14[%dma_start3A_369, %dma_start3A_370] : memref<10240x16xf32, #tpu.memory_space<vmem_shared>> -> memref<10240x16xf32, #tpu.memory_space<vmem_shared>>
      tpu.enqueue_indirect_dma source(%dma_start3A_371 : memref<10240x16xf32, #tpu.memory_space<vmem_shared>>) target(%arg16 : memref<128x16xf32, #tpu.memory_space<vmem>>) offsets(%dma_start3A_368 : memref<128xi32, #tpu.memory_space<vmem>>) semaphore(%arg24 : memref<!tpu.dma_semaphore, #tpu.memory_space<semaphore_mem>>)
      %add3A_372 = arith.constant 2 : i32
      %add3A_373 = arith.addi %add3A_308, %add3A_372 : i32
      %dma_wait3A_374 = arith.constant 0 : i32
      %dma_wait3A_375 = tpu.memref_slice %arg7[%add3A_373, %dma_wait3A_374] : memref<80x128xi32, #tpu.memory_space<vmem>> -> memref<1x128xi32, #tpu.memory_space<vmem>>
      %dma_wait3A_376 = tpu.memref_squeeze %dma_wait3A_375 : memref<1x128xi32, #tpu.memory_space<vmem>> -> memref<128xi32, #tpu.memory_space<vmem>>
      %dma_wait3A_377 = arith.constant 0 : i32
      %dma_wait3A_378 = arith.constant 0 : i32
      %dma_wait3A_379 = tpu.memref_slice %arg14[%dma_wait3A_377, %dma_wait3A_378] : memref<10240x16xf32, #tpu.memory_space<vmem_shared>> -> memref<10240x16xf32, #tpu.memory_space<vmem_shared>>
      tpu.wait_indirect_dma semaphore(%arg29 : memref<!tpu.dma_semaphore, #tpu.memory_space<semaphore_mem>>) src(%dma_wait3A_379 : memref<10240x16xf32, #tpu.memory_space<vmem_shared>>) dst(%arg21 : memref<128x16xf32, #tpu.memory_space<vmem>>)
      %dma_start3A_380 = arith.constant 0 : i32
      %dma_start3A_381 = tpu.memref_slice %arg8[%add3A_373, %dma_start3A_380] : memref<80x128xi32, #tpu.memory_space<vmem>> -> memref<1x128xi32, #tpu.memory_space<vmem>>
      %dma_start3A_382 = tpu.memref_squeeze %dma_start3A_381 : memref<1x128xi32, #tpu.memory_space<vmem>> -> memref<128xi32, #tpu.memory_space<vmem>>
      %dma_start3A_383 = arith.constant 0 : i32
      %dma_start3A_384 = arith.constant 0 : i32
      %dma_start3A_385 = tpu.memref_slice %arg13[%dma_start3A_383, %dma_start3A_384] : memref<10240x16xf32, #tpu.memory_space<vmem_shared>> -> memref<10240x16xf32, #tpu.memory_space<vmem_shared>>
      tpu.enqueue_indirect_dma source(%arg21 : memref<128x16xf32, #tpu.memory_space<vmem>>) target(%dma_start3A_385 : memref<10240x16xf32, #tpu.memory_space<vmem_shared>>) offsets(%dma_start3A_382 : memref<128xi32, #tpu.memory_space<vmem>>) semaphore(%arg37 : memref<!tpu.dma_semaphore, #tpu.memory_space<semaphore_mem>>) {add = true}
      %add3A_386 = arith.constant 4 : i32
      %add3A_387 = arith.addi %add3A_373, %add3A_386 : i32
      %sub3A_388 = arith.constant 8 : i32
      %sub3A_389 = arith.subi %add3A_387, %sub3A_388 : i32
      %dma_wait3A_390 = arith.constant 0 : i32
      %dma_wait3A_391 = tpu.memref_slice %arg8[%sub3A_389, %dma_wait3A_390] : memref<80x128xi32, #tpu.memory_space<vmem>> -> memref<1x128xi32, #tpu.memory_space<vmem>>
      %dma_wait3A_392 = tpu.memref_squeeze %dma_wait3A_391 : memref<1x128xi32, #tpu.memory_space<vmem>> -> memref<128xi32, #tpu.memory_space<vmem>>
      %dma_wait3A_393 = arith.constant 0 : i32
      %dma_wait3A_394 = arith.constant 0 : i32
      %dma_wait3A_395 = tpu.memref_slice %arg13[%dma_wait3A_393, %dma_wait3A_394] : memref<10240x16xf32, #tpu.memory_space<vmem_shared>> -> memref<10240x16xf32, #tpu.memory_space<vmem_shared>>
      tpu.wait_indirect_dma semaphore(%arg33 : memref<!tpu.dma_semaphore, #tpu.memory_space<semaphore_mem>>) src(%arg17 : memref<128x16xf32, #tpu.memory_space<vmem>>) dst(%dma_wait3A_395 : memref<10240x16xf32, #tpu.memory_space<vmem_shared>>)
      %add3A_396 = arith.constant 4 : i32
      %add3A_397 = arith.addi %add3A_373, %add3A_396 : i32
      %dma_start3A_398 = arith.constant 0 : i32
      %dma_start3A_399 = tpu.memref_slice %arg7[%add3A_397, %dma_start3A_398] : memref<80x128xi32, #tpu.memory_space<vmem>> -> memref<1x128xi32, #tpu.memory_space<vmem>>
      %dma_start3A_400 = tpu.memref_squeeze %dma_start3A_399 : memref<1x128xi32, #tpu.memory_space<vmem>> -> memref<128xi32, #tpu.memory_space<vmem>>
      %dma_start3A_401 = arith.constant 0 : i32
      %dma_start3A_402 = arith.constant 0 : i32
      %dma_start3A_403 = tpu.memref_slice %arg14[%dma_start3A_401, %dma_start3A_402] : memref<10240x16xf32, #tpu.memory_space<vmem_shared>> -> memref<10240x16xf32, #tpu.memory_space<vmem_shared>>
      tpu.enqueue_indirect_dma source(%dma_start3A_403 : memref<10240x16xf32, #tpu.memory_space<vmem_shared>>) target(%arg17 : memref<128x16xf32, #tpu.memory_space<vmem>>) offsets(%dma_start3A_400 : memref<128xi32, #tpu.memory_space<vmem>>) semaphore(%arg25 : memref<!tpu.dma_semaphore, #tpu.memory_space<semaphore_mem>>)
      %add3A_404 = arith.constant 3 : i32
      %add3A_405 = arith.addi %add3A_308, %add3A_404 : i32
      %dma_wait3A_406 = arith.constant 0 : i32
      %dma_wait3A_407 = tpu.memref_slice %arg7[%add3A_405, %dma_wait3A_406] : memref<80x128xi32, #tpu.memory_space<vmem>> -> memref<1x128xi32, #tpu.memory_space<vmem>>
      %dma_wait3A_408 = tpu.memref_squeeze %dma_wait3A_407 : memref<1x128xi32, #tpu.memory_space<vmem>> -> memref<128xi32, #tpu.memory_space<vmem>>
      %dma_wait3A_409 = arith.constant 0 : i32
      %dma_wait3A_410 = arith.constant 0 : i32
      %dma_wait3A_411 = tpu.memref_slice %arg14[%dma_wait3A_409, %dma_wait3A_410] : memref<10240x16xf32, #tpu.memory_space<vmem_shared>> -> memref<10240x16xf32, #tpu.memory_space<vmem_shared>>
      tpu.wait_indirect_dma semaphore(%arg30 : memref<!tpu.dma_semaphore, #tpu.memory_space<semaphore_mem>>) src(%dma_wait3A_411 : memref<10240x16xf32, #tpu.memory_space<vmem_shared>>) dst(%arg22 : memref<128x16xf32, #tpu.memory_space<vmem>>)
      %dma_start3A_412 = arith.constant 0 : i32
      %dma_start3A_413 = tpu.memref_slice %arg8[%add3A_405, %dma_start3A_412] : memref<80x128xi32, #tpu.memory_space<vmem>> -> memref<1x128xi32, #tpu.memory_space<vmem>>
      %dma_start3A_414 = tpu.memref_squeeze %dma_start3A_413 : memref<1x128xi32, #tpu.memory_space<vmem>> -> memref<128xi32, #tpu.memory_space<vmem>>
      %dma_start3A_415 = arith.constant 0 : i32
      %dma_start3A_416 = arith.constant 0 : i32
      %dma_start3A_417 = tpu.memref_slice %arg13[%dma_start3A_415, %dma_start3A_416] : memref<10240x16xf32, #tpu.memory_space<vmem_shared>> -> memref<10240x16xf32, #tpu.memory_space<vmem_shared>>
      tpu.enqueue_indirect_dma source(%arg22 : memref<128x16xf32, #tpu.memory_space<vmem>>) target(%dma_start3A_417 : memref<10240x16xf32, #tpu.memory_space<vmem_shared>>) offsets(%dma_start3A_414 : memref<128xi32, #tpu.memory_space<vmem>>) semaphore(%arg38 : memref<!tpu.dma_semaphore, #tpu.memory_space<semaphore_mem>>) {add = true}
      %add3A_418 = arith.constant 4 : i32
      %add3A_419 = arith.addi %add3A_405, %add3A_418 : i32
      %sub3A_420 = arith.constant 8 : i32
      %sub3A_421 = arith.subi %add3A_419, %sub3A_420 : i32
      %dma_wait3A_422 = arith.constant 0 : i32
      %dma_wait3A_423 = tpu.memref_slice %arg8[%sub3A_421, %dma_wait3A_422] : memref<80x128xi32, #tpu.memory_space<vmem>> -> memref<1x128xi32, #tpu.memory_space<vmem>>
      %dma_wait3A_424 = tpu.memref_squeeze %dma_wait3A_423 : memref<1x128xi32, #tpu.memory_space<vmem>> -> memref<128xi32, #tpu.memory_space<vmem>>
      %dma_wait3A_425 = arith.constant 0 : i32
      %dma_wait3A_426 = arith.constant 0 : i32
      %dma_wait3A_427 = tpu.memref_slice %arg13[%dma_wait3A_425, %dma_wait3A_426] : memref<10240x16xf32, #tpu.memory_space<vmem_shared>> -> memref<10240x16xf32, #tpu.memory_space<vmem_shared>>
      tpu.wait_indirect_dma semaphore(%arg34 : memref<!tpu.dma_semaphore, #tpu.memory_space<semaphore_mem>>) src(%arg18 : memref<128x16xf32, #tpu.memory_space<vmem>>) dst(%dma_wait3A_427 : memref<10240x16xf32, #tpu.memory_space<vmem_shared>>)
      %add3A_428 = arith.constant 4 : i32
      %add3A_429 = arith.addi %add3A_405, %add3A_428 : i32
      %dma_start3A_430 = arith.constant 0 : i32
      %dma_start3A_431 = tpu.memref_slice %arg7[%add3A_429, %dma_start3A_430] : memref<80x128xi32, #tpu.memory_space<vmem>> -> memref<1x128xi32, #tpu.memory_space<vmem>>
      %dma_start3A_432 = tpu.memref_squeeze %dma_start3A_431 : memref<1x128xi32, #tpu.memory_space<vmem>> -> memref<128xi32, #tpu.memory_space<vmem>>
      %dma_start3A_433 = arith.constant 0 : i32
      %dma_start3A_434 = arith.constant 0 : i32
      %dma_start3A_435 = tpu.memref_slice %arg14[%dma_start3A_433, %dma_start3A_434] : memref<10240x16xf32, #tpu.memory_space<vmem_shared>> -> memref<10240x16xf32, #tpu.memory_space<vmem_shared>>
      tpu.enqueue_indirect_dma source(%dma_start3A_435 : memref<10240x16xf32, #tpu.memory_space<vmem_shared>>) target(%arg18 : memref<128x16xf32, #tpu.memory_space<vmem>>) offsets(%dma_start3A_432 : memref<128xi32, #tpu.memory_space<vmem>>) semaphore(%arg26 : memref<!tpu.dma_semaphore, #tpu.memory_space<semaphore_mem>>)
      %add3A_436 = arith.constant 4 : i32
      %add3A_437 = arith.addi %add3A_308, %add3A_436 : i32
      %dma_wait3A_438 = arith.constant 0 : i32
      %dma_wait3A_439 = tpu.memref_slice %arg7[%add3A_437, %dma_wait3A_438] : memref<80x128xi32, #tpu.memory_space<vmem>> -> memref<1x128xi32, #tpu.memory_space<vmem>>
      %dma_wait3A_440 = tpu.memref_squeeze %dma_wait3A_439 : memref<1x128xi32, #tpu.memory_space<vmem>> -> memref<128xi32, #tpu.memory_space<vmem>>
      %dma_wait3A_441 = arith.constant 0 : i32
      %dma_wait3A_442 = arith.constant 0 : i32
      %dma_wait3A_443 = tpu.memref_slice %arg14[%dma_wait3A_441, %dma_wait3A_442] : memref<10240x16xf32, #tpu.memory_space<vmem_shared>> -> memref<10240x16xf32, #tpu.memory_space<vmem_shared>>
      tpu.wait_indirect_dma semaphore(%arg23 : memref<!tpu.dma_semaphore, #tpu.memory_space<semaphore_mem>>) src(%dma_wait3A_443 : memref<10240x16xf32, #tpu.memory_space<vmem_shared>>) dst(%arg15 : memref<128x16xf32, #tpu.memory_space<vmem>>)
      %dma_start3A_444 = arith.constant 0 : i32
      %dma_start3A_445 = tpu.memref_slice %arg8[%add3A_437, %dma_start3A_444] : memref<80x128xi32, #tpu.memory_space<vmem>> -> memref<1x128xi32, #tpu.memory_space<vmem>>
      %dma_start3A_446 = tpu.memref_squeeze %dma_start3A_445 : memref<1x128xi32, #tpu.memory_space<vmem>> -> memref<128xi32, #tpu.memory_space<vmem>>
      %dma_start3A_447 = arith.constant 0 : i32
      %dma_start3A_448 = arith.constant 0 : i32
      %dma_start3A_449 = tpu.memref_slice %arg13[%dma_start3A_447, %dma_start3A_448] : memref<10240x16xf32, #tpu.memory_space<vmem_shared>> -> memref<10240x16xf32, #tpu.memory_space<vmem_shared>>
      tpu.enqueue_indirect_dma source(%arg15 : memref<128x16xf32, #tpu.memory_space<vmem>>) target(%dma_start3A_449 : memref<10240x16xf32, #tpu.memory_space<vmem_shared>>) offsets(%dma_start3A_446 : memref<128xi32, #tpu.memory_space<vmem>>) semaphore(%arg31 : memref<!tpu.dma_semaphore, #tpu.memory_space<semaphore_mem>>) {add = true}
      %add3A_450 = arith.constant 4 : i32
      %add3A_451 = arith.addi %add3A_437, %add3A_450 : i32
      %sub3A_452 = arith.constant 8 : i32
      %sub3A_453 = arith.subi %add3A_451, %sub3A_452 : i32
      %dma_wait3A_454 = arith.constant 0 : i32
      %dma_wait3A_455 = tpu.memref_slice %arg8[%sub3A_453, %dma_wait3A_454] : memref<80x128xi32, #tpu.memory_space<vmem>> -> memref<1x128xi32, #tpu.memory_space<vmem>>
      %dma_wait3A_456 = tpu.memref_squeeze %dma_wait3A_455 : memref<1x128xi32, #tpu.memory_space<vmem>> -> memref<128xi32, #tpu.memory_space<vmem>>
      %dma_wait3A_457 = arith.constant 0 : i32
      %dma_wait3A_458 = arith.constant 0 : i32
      %dma_wait3A_459 = tpu.memref_slice %arg13[%dma_wait3A_457, %dma_wait3A_458] : memref<10240x16xf32, #tpu.memory_space<vmem_shared>> -> memref<10240x16xf32, #tpu.memory_space<vmem_shared>>
      tpu.wait_indirect_dma semaphore(%arg35 : memref<!tpu.dma_semaphore, #tpu.memory_space<semaphore_mem>>) src(%arg19 : memref<128x16xf32, #tpu.memory_space<vmem>>) dst(%dma_wait3A_459 : memref<10240x16xf32, #tpu.memory_space<vmem_shared>>)
      %add3A_460 = arith.constant 4 : i32
      %add3A_461 = arith.addi %add3A_437, %add3A_460 : i32
      %dma_start3A_462 = arith.constant 0 : i32
      %dma_start3A_463 = tpu.memref_slice %arg7[%add3A_461, %dma_start3A_462] : memref<80x128xi32, #tpu.memory_space<vmem>> -> memref<1x128xi32, #tpu.memory_space<vmem>>
      %dma_start3A_464 = tpu.memref_squeeze %dma_start3A_463 : memref<1x128xi32, #tpu.memory_space<vmem>> -> memref<128xi32, #tpu.memory_space<vmem>>
      %dma_start3A_465 = arith.constant 0 : i32
      %dma_start3A_466 = arith.constant 0 : i32
      %dma_start3A_467 = tpu.memref_slice %arg14[%dma_start3A_465, %dma_start3A_466] : memref<10240x16xf32, #tpu.memory_space<vmem_shared>> -> memref<10240x16xf32, #tpu.memory_space<vmem_shared>>
      tpu.enqueue_indirect_dma source(%dma_start3A_467 : memref<10240x16xf32, #tpu.memory_space<vmem_shared>>) target(%arg19 : memref<128x16xf32, #tpu.memory_space<vmem>>) offsets(%dma_start3A_464 : memref<128xi32, #tpu.memory_space<vmem>>) semaphore(%arg27 : memref<!tpu.dma_semaphore, #tpu.memory_space<semaphore_mem>>)
      %add3A_468 = arith.constant 5 : i32
      %add3A_469 = arith.addi %add3A_308, %add3A_468 : i32
      %dma_wait3A_470 = arith.constant 0 : i32
      %dma_wait3A_471 = tpu.memref_slice %arg7[%add3A_469, %dma_wait3A_470] : memref<80x128xi32, #tpu.memory_space<vmem>> -> memref<1x128xi32, #tpu.memory_space<vmem>>
      %dma_wait3A_472 = tpu.memref_squeeze %dma_wait3A_471 : memref<1x128xi32, #tpu.memory_space<vmem>> -> memref<128xi32, #tpu.memory_space<vmem>>
      %dma_wait3A_473 = arith.constant 0 : i32
      %dma_wait3A_474 = arith.constant 0 : i32
      %dma_wait3A_475 = tpu.memref_slice %arg14[%dma_wait3A_473, %dma_wait3A_474] : memref<10240x16xf32, #tpu.memory_space<vmem_shared>> -> memref<10240x16xf32, #tpu.memory_space<vmem_shared>>
      tpu.wait_indirect_dma semaphore(%arg24 : memref<!tpu.dma_semaphore, #tpu.memory_space<semaphore_mem>>) src(%dma_wait3A_475 : memref<10240x16xf32, #tpu.memory_space<vmem_shared>>) dst(%arg16 : memref<128x16xf32, #tpu.memory_space<vmem>>)
      %dma_start3A_476 = arith.constant 0 : i32
      %dma_start3A_477 = tpu.memref_slice %arg8[%add3A_469, %dma_start3A_476] : memref<80x128xi32, #tpu.memory_space<vmem>> -> memref<1x128xi32, #tpu.memory_space<vmem>>
      %dma_start3A_478 = tpu.memref_squeeze %dma_start3A_477 : memref<1x128xi32, #tpu.memory_space<vmem>> -> memref<128xi32, #tpu.memory_space<vmem>>
      %dma_start3A_479 = arith.constant 0 : i32
      %dma_start3A_480 = arith.constant 0 : i32
      %dma_start3A_481 = tpu.memref_slice %arg13[%dma_start3A_479, %dma_start3A_480] : memref<10240x16xf32, #tpu.memory_space<vmem_shared>> -> memref<10240x16xf32, #tpu.memory_space<vmem_shared>>
      tpu.enqueue_indirect_dma source(%arg16 : memref<128x16xf32, #tpu.memory_space<vmem>>) target(%dma_start3A_481 : memref<10240x16xf32, #tpu.memory_space<vmem_shared>>) offsets(%dma_start3A_478 : memref<128xi32, #tpu.memory_space<vmem>>) semaphore(%arg32 : memref<!tpu.dma_semaphore, #tpu.memory_space<semaphore_mem>>) {add = true}
      %add3A_482 = arith.constant 4 : i32
      %add3A_483 = arith.addi %add3A_469, %add3A_482 : i32
      %sub3A_484 = arith.constant 8 : i32
      %sub3A_485 = arith.subi %add3A_483, %sub3A_484 : i32
      %dma_wait3A_486 = arith.constant 0 : i32
      %dma_wait3A_487 = tpu.memref_slice %arg8[%sub3A_485, %dma_wait3A_486] : memref<80x128xi32, #tpu.memory_space<vmem>> -> memref<1x128xi32, #tpu.memory_space<vmem>>
      %dma_wait3A_488 = tpu.memref_squeeze %dma_wait3A_487 : memref<1x128xi32, #tpu.memory_space<vmem>> -> memref<128xi32, #tpu.memory_space<vmem>>
      %dma_wait3A_489 = arith.constant 0 : i32
      %dma_wait3A_490 = arith.constant 0 : i32
      %dma_wait3A_491 = tpu.memref_slice %arg13[%dma_wait3A_489, %dma_wait3A_490] : memref<10240x16xf32, #tpu.memory_space<vmem_shared>> -> memref<10240x16xf32, #tpu.memory_space<vmem_shared>>
      tpu.wait_indirect_dma semaphore(%arg36 : memref<!tpu.dma_semaphore, #tpu.memory_space<semaphore_mem>>) src(%arg20 : memref<128x16xf32, #tpu.memory_space<vmem>>) dst(%dma_wait3A_491 : memref<10240x16xf32, #tpu.memory_space<vmem_shared>>)
      %add3A_492 = arith.constant 4 : i32
      %add3A_493 = arith.addi %add3A_469, %add3A_492 : i32
      %dma_start3A_494 = arith.constant 0 : i32
      %dma_start3A_495 = tpu.memref_slice %arg7[%add3A_493, %dma_start3A_494] : memref<80x128xi32, #tpu.memory_space<vmem>> -> memref<1x128xi32, #tpu.memory_space<vmem>>
      %dma_start3A_496 = tpu.memref_squeeze %dma_start3A_495 : memref<1x128xi32, #tpu.memory_space<vmem>> -> memref<128xi32, #tpu.memory_space<vmem>>
      %dma_start3A_497 = arith.constant 0 : i32
      %dma_start3A_498 = arith.constant 0 : i32
      %dma_start3A_499 = tpu.memref_slice %arg14[%dma_start3A_497, %dma_start3A_498] : memref<10240x16xf32, #tpu.memory_space<vmem_shared>> -> memref<10240x16xf32, #tpu.memory_space<vmem_shared>>
      tpu.enqueue_indirect_dma source(%dma_start3A_499 : memref<10240x16xf32, #tpu.memory_space<vmem_shared>>) target(%arg20 : memref<128x16xf32, #tpu.memory_space<vmem>>) offsets(%dma_start3A_496 : memref<128xi32, #tpu.memory_space<vmem>>) semaphore(%arg28 : memref<!tpu.dma_semaphore, #tpu.memory_space<semaphore_mem>>)
      %add3A_500 = arith.constant 6 : i32
      %add3A_501 = arith.addi %add3A_308, %add3A_500 : i32
      %dma_wait3A_502 = arith.constant 0 : i32
      %dma_wait3A_503 = tpu.memref_slice %arg7[%add3A_501, %dma_wait3A_502] : memref<80x128xi32, #tpu.memory_space<vmem>> -> memref<1x128xi32, #tpu.memory_space<vmem>>
      %dma_wait3A_504 = tpu.memref_squeeze %dma_wait3A_503 : memref<1x128xi32, #tpu.memory_space<vmem>> -> memref<128xi32, #tpu.memory_space<vmem>>
      %dma_wait3A_505 = arith.constant 0 : i32
      %dma_wait3A_506 = arith.constant 0 : i32
      %dma_wait3A_507 = tpu.memref_slice %arg14[%dma_wait3A_505, %dma_wait3A_506] : memref<10240x16xf32, #tpu.memory_space<vmem_shared>> -> memref<10240x16xf32, #tpu.memory_space<vmem_shared>>
      tpu.wait_indirect_dma semaphore(%arg25 : memref<!tpu.dma_semaphore, #tpu.memory_space<semaphore_mem>>) src(%dma_wait3A_507 : memref<10240x16xf32, #tpu.memory_space<vmem_shared>>) dst(%arg17 : memref<128x16xf32, #tpu.memory_space<vmem>>)
      %dma_start3A_508 = arith.constant 0 : i32
      %dma_start3A_509 = tpu.memref_slice %arg8[%add3A_501, %dma_start3A_508] : memref<80x128xi32, #tpu.memory_space<vmem>> -> memref<1x128xi32, #tpu.memory_space<vmem>>
      %dma_start3A_510 = tpu.memref_squeeze %dma_start3A_509 : memref<1x128xi32, #tpu.memory_space<vmem>> -> memref<128xi32, #tpu.memory_space<vmem>>
      %dma_start3A_511 = arith.constant 0 : i32
      %dma_start3A_512 = arith.constant 0 : i32
      %dma_start3A_513 = tpu.memref_slice %arg13[%dma_start3A_511, %dma_start3A_512] : memref<10240x16xf32, #tpu.memory_space<vmem_shared>> -> memref<10240x16xf32, #tpu.memory_space<vmem_shared>>
      tpu.enqueue_indirect_dma source(%arg17 : memref<128x16xf32, #tpu.memory_space<vmem>>) target(%dma_start3A_513 : memref<10240x16xf32, #tpu.memory_space<vmem_shared>>) offsets(%dma_start3A_510 : memref<128xi32, #tpu.memory_space<vmem>>) semaphore(%arg33 : memref<!tpu.dma_semaphore, #tpu.memory_space<semaphore_mem>>) {add = true}
      %add3A_514 = arith.constant 4 : i32
      %add3A_515 = arith.addi %add3A_501, %add3A_514 : i32
      %sub3A_516 = arith.constant 8 : i32
      %sub3A_517 = arith.subi %add3A_515, %sub3A_516 : i32
      %dma_wait3A_518 = arith.constant 0 : i32
      %dma_wait3A_519 = tpu.memref_slice %arg8[%sub3A_517, %dma_wait3A_518] : memref<80x128xi32, #tpu.memory_space<vmem>> -> memref<1x128xi32, #tpu.memory_space<vmem>>
      %dma_wait3A_520 = tpu.memref_squeeze %dma_wait3A_519 : memref<1x128xi32, #tpu.memory_space<vmem>> -> memref<128xi32, #tpu.memory_space<vmem>>
      %dma_wait3A_521 = arith.constant 0 : i32
      %dma_wait3A_522 = arith.constant 0 : i32
      %dma_wait3A_523 = tpu.memref_slice %arg13[%dma_wait3A_521, %dma_wait3A_522] : memref<10240x16xf32, #tpu.memory_space<vmem_shared>> -> memref<10240x16xf32, #tpu.memory_space<vmem_shared>>
      tpu.wait_indirect_dma semaphore(%arg37 : memref<!tpu.dma_semaphore, #tpu.memory_space<semaphore_mem>>) src(%arg21 : memref<128x16xf32, #tpu.memory_space<vmem>>) dst(%dma_wait3A_523 : memref<10240x16xf32, #tpu.memory_space<vmem_shared>>)
      %add3A_524 = arith.constant 4 : i32
      %add3A_525 = arith.addi %add3A_501, %add3A_524 : i32
      %dma_start3A_526 = arith.constant 0 : i32
      %dma_start3A_527 = tpu.memref_slice %arg7[%add3A_525, %dma_start3A_526] : memref<80x128xi32, #tpu.memory_space<vmem>> -> memref<1x128xi32, #tpu.memory_space<vmem>>
      %dma_start3A_528 = tpu.memref_squeeze %dma_start3A_527 : memref<1x128xi32, #tpu.memory_space<vmem>> -> memref<128xi32, #tpu.memory_space<vmem>>
      %dma_start3A_529 = arith.constant 0 : i32
      %dma_start3A_530 = arith.constant 0 : i32
      %dma_start3A_531 = tpu.memref_slice %arg14[%dma_start3A_529, %dma_start3A_530] : memref<10240x16xf32, #tpu.memory_space<vmem_shared>> -> memref<10240x16xf32, #tpu.memory_space<vmem_shared>>
      tpu.enqueue_indirect_dma source(%dma_start3A_531 : memref<10240x16xf32, #tpu.memory_space<vmem_shared>>) target(%arg21 : memref<128x16xf32, #tpu.memory_space<vmem>>) offsets(%dma_start3A_528 : memref<128xi32, #tpu.memory_space<vmem>>) semaphore(%arg29 : memref<!tpu.dma_semaphore, #tpu.memory_space<semaphore_mem>>)
      %add3A_532 = arith.constant 7 : i32
      %add3A_533 = arith.addi %add3A_308, %add3A_532 : i32
      %dma_wait3A_534 = arith.constant 0 : i32
      %dma_wait3A_535 = tpu.memref_slice %arg7[%add3A_533, %dma_wait3A_534] : memref<80x128xi32, #tpu.memory_space<vmem>> -> memref<1x128xi32, #tpu.memory_space<vmem>>
      %dma_wait3A_536 = tpu.memref_squeeze %dma_wait3A_535 : memref<1x128xi32, #tpu.memory_space<vmem>> -> memref<128xi32, #tpu.memory_space<vmem>>
      %dma_wait3A_537 = arith.constant 0 : i32
      %dma_wait3A_538 = arith.constant 0 : i32
      %dma_wait3A_539 = tpu.memref_slice %arg14[%dma_wait3A_537, %dma_wait3A_538] : memref<10240x16xf32, #tpu.memory_space<vmem_shared>> -> memref<10240x16xf32, #tpu.memory_space<vmem_shared>>
      tpu.wait_indirect_dma semaphore(%arg26 : memref<!tpu.dma_semaphore, #tpu.memory_space<semaphore_mem>>) src(%dma_wait3A_539 : memref<10240x16xf32, #tpu.memory_space<vmem_shared>>) dst(%arg18 : memref<128x16xf32, #tpu.memory_space<vmem>>)
      %dma_start3A_540 = arith.constant 0 : i32
      %dma_start3A_541 = tpu.memref_slice %arg8[%add3A_533, %dma_start3A_540] : memref<80x128xi32, #tpu.memory_space<vmem>> -> memref<1x128xi32, #tpu.memory_space<vmem>>
      %dma_start3A_542 = tpu.memref_squeeze %dma_start3A_541 : memref<1x128xi32, #tpu.memory_space<vmem>> -> memref<128xi32, #tpu.memory_space<vmem>>
      %dma_start3A_543 = arith.constant 0 : i32
      %dma_start3A_544 = arith.constant 0 : i32
      %dma_start3A_545 = tpu.memref_slice %arg13[%dma_start3A_543, %dma_start3A_544] : memref<10240x16xf32, #tpu.memory_space<vmem_shared>> -> memref<10240x16xf32, #tpu.memory_space<vmem_shared>>
      tpu.enqueue_indirect_dma source(%arg18 : memref<128x16xf32, #tpu.memory_space<vmem>>) target(%dma_start3A_545 : memref<10240x16xf32, #tpu.memory_space<vmem_shared>>) offsets(%dma_start3A_542 : memref<128xi32, #tpu.memory_space<vmem>>) semaphore(%arg34 : memref<!tpu.dma_semaphore, #tpu.memory_space<semaphore_mem>>) {add = true}
      %add3A_546 = arith.constant 4 : i32
      %add3A_547 = arith.addi %add3A_533, %add3A_546 : i32
      %sub3A_548 = arith.constant 8 : i32
      %sub3A_549 = arith.subi %add3A_547, %sub3A_548 : i32
      %dma_wait3A_550 = arith.constant 0 : i32
      %dma_wait3A_551 = tpu.memref_slice %arg8[%sub3A_549, %dma_wait3A_550] : memref<80x128xi32, #tpu.memory_space<vmem>> -> memref<1x128xi32, #tpu.memory_space<vmem>>
      %dma_wait3A_552 = tpu.memref_squeeze %dma_wait3A_551 : memref<1x128xi32, #tpu.memory_space<vmem>> -> memref<128xi32, #tpu.memory_space<vmem>>
      %dma_wait3A_553 = arith.constant 0 : i32
      %dma_wait3A_554 = arith.constant 0 : i32
      %dma_wait3A_555 = tpu.memref_slice %arg13[%dma_wait3A_553, %dma_wait3A_554] : memref<10240x16xf32, #tpu.memory_space<vmem_shared>> -> memref<10240x16xf32, #tpu.memory_space<vmem_shared>>
      tpu.wait_indirect_dma semaphore(%arg38 : memref<!tpu.dma_semaphore, #tpu.memory_space<semaphore_mem>>) src(%arg22 : memref<128x16xf32, #tpu.memory_space<vmem>>) dst(%dma_wait3A_555 : memref<10240x16xf32, #tpu.memory_space<vmem_shared>>)
      %add3A_556 = arith.constant 4 : i32
      %add3A_557 = arith.addi %add3A_533, %add3A_556 : i32
      %dma_start3A_558 = arith.constant 0 : i32
      %dma_start3A_559 = tpu.memref_slice %arg7[%add3A_557, %dma_start3A_558] : memref<80x128xi32, #tpu.memory_space<vmem>> -> memref<1x128xi32, #tpu.memory_space<vmem>>
      %dma_start3A_560 = tpu.memref_squeeze %dma_start3A_559 : memref<1x128xi32, #tpu.memory_space<vmem>> -> memref<128xi32, #tpu.memory_space<vmem>>
      %dma_start3A_561 = arith.constant 0 : i32
      %dma_start3A_562 = arith.constant 0 : i32
      %dma_start3A_563 = tpu.memref_slice %arg14[%dma_start3A_561, %dma_start3A_562] : memref<10240x16xf32, #tpu.memory_space<vmem_shared>> -> memref<10240x16xf32, #tpu.memory_space<vmem_shared>>
      tpu.enqueue_indirect_dma source(%dma_start3A_563 : memref<10240x16xf32, #tpu.memory_space<vmem_shared>>) target(%arg22 : memref<128x16xf32, #tpu.memory_space<vmem>>) offsets(%dma_start3A_560 : memref<128xi32, #tpu.memory_space<vmem>>) semaphore(%arg30 : memref<!tpu.dma_semaphore, #tpu.memory_space<semaphore_mem>>)
    }
    %scan3A_186 = arith.constant 9 : i32
    %dma_wait3A_187 = arith.constant 76 : i32
    %dma_wait3A_188 = arith.constant 0 : i32
    %dma_wait3A_189 = tpu.memref_slice %arg7[%dma_wait3A_187, %dma_wait3A_188] : memref<80x128xi32, #tpu.memory_space<vmem>> -> memref<1x128xi32, #tpu.memory_space<vmem>>
    %dma_wait3A_190 = tpu.memref_squeeze %dma_wait3A_189 : memref<1x128xi32, #tpu.memory_space<vmem>> -> memref<128xi32, #tpu.memory_space<vmem>>
    %dma_wait3A_191 = arith.constant 0 : i32
    %dma_wait3A_192 = arith.constant 0 : i32
    %dma_wait3A_193 = tpu.memref_slice %arg14[%dma_wait3A_191, %dma_wait3A_192] : memref<10240x16xf32, #tpu.memory_space<vmem_shared>> -> memref<10240x16xf32, #tpu.memory_space<vmem_shared>>
    tpu.wait_indirect_dma semaphore(%arg27 : memref<!tpu.dma_semaphore, #tpu.memory_space<semaphore_mem>>) src(%dma_wait3A_193 : memref<10240x16xf32, #tpu.memory_space<vmem_shared>>) dst(%arg19 : memref<128x16xf32, #tpu.memory_space<vmem>>)
    %dma_start3A_194 = arith.constant 76 : i32
    %dma_start3A_195 = arith.constant 0 : i32
    %dma_start3A_196 = tpu.memref_slice %arg8[%dma_start3A_194, %dma_start3A_195] : memref<80x128xi32, #tpu.memory_space<vmem>> -> memref<1x128xi32, #tpu.memory_space<vmem>>
    %dma_start3A_197 = tpu.memref_squeeze %dma_start3A_196 : memref<1x128xi32, #tpu.memory_space<vmem>> -> memref<128xi32, #tpu.memory_space<vmem>>
    %dma_start3A_198 = arith.constant 0 : i32
    %dma_start3A_199 = arith.constant 0 : i32
    %dma_start3A_200 = tpu.memref_slice %arg13[%dma_start3A_198, %dma_start3A_199] : memref<10240x16xf32, #tpu.memory_space<vmem_shared>> -> memref<10240x16xf32, #tpu.memory_space<vmem_shared>>
    tpu.enqueue_indirect_dma source(%arg19 : memref<128x16xf32, #tpu.memory_space<vmem>>) target(%dma_start3A_200 : memref<10240x16xf32, #tpu.memory_space<vmem_shared>>) offsets(%dma_start3A_197 : memref<128xi32, #tpu.memory_space<vmem>>) semaphore(%arg35 : memref<!tpu.dma_semaphore, #tpu.memory_space<semaphore_mem>>) {add = true}
    %dma_wait3A_201 = arith.constant 77 : i32
    %dma_wait3A_202 = arith.constant 0 : i32
    %dma_wait3A_203 = tpu.memref_slice %arg7[%dma_wait3A_201, %dma_wait3A_202] : memref<80x128xi32, #tpu.memory_space<vmem>> -> memref<1x128xi32, #tpu.memory_space<vmem>>
    %dma_wait3A_204 = tpu.memref_squeeze %dma_wait3A_203 : memref<1x128xi32, #tpu.memory_space<vmem>> -> memref<128xi32, #tpu.memory_space<vmem>>
    %dma_wait3A_205 = arith.constant 0 : i32
    %dma_wait3A_206 = arith.constant 0 : i32
    %dma_wait3A_207 = tpu.memref_slice %arg14[%dma_wait3A_205, %dma_wait3A_206] : memref<10240x16xf32, #tpu.memory_space<vmem_shared>> -> memref<10240x16xf32, #tpu.memory_space<vmem_shared>>
    tpu.wait_indirect_dma semaphore(%arg28 : memref<!tpu.dma_semaphore, #tpu.memory_space<semaphore_mem>>) src(%dma_wait3A_207 : memref<10240x16xf32, #tpu.memory_space<vmem_shared>>) dst(%arg20 : memref<128x16xf32, #tpu.memory_space<vmem>>)
    %dma_start3A_208 = arith.constant 77 : i32
    %dma_start3A_209 = arith.constant 0 : i32
    %dma_start3A_210 = tpu.memref_slice %arg8[%dma_start3A_208, %dma_start3A_209] : memref<80x128xi32, #tpu.memory_space<vmem>> -> memref<1x128xi32, #tpu.memory_space<vmem>>
    %dma_start3A_211 = tpu.memref_squeeze %dma_start3A_210 : memref<1x128xi32, #tpu.memory_space<vmem>> -> memref<128xi32, #tpu.memory_space<vmem>>
    %dma_start3A_212 = arith.constant 0 : i32
    %dma_start3A_213 = arith.constant 0 : i32
    %dma_start3A_214 = tpu.memref_slice %arg13[%dma_start3A_212, %dma_start3A_213] : memref<10240x16xf32, #tpu.memory_space<vmem_shared>> -> memref<10240x16xf32, #tpu.memory_space<vmem_shared>>
    tpu.enqueue_indirect_dma source(%arg20 : memref<128x16xf32, #tpu.memory_space<vmem>>) target(%dma_start3A_214 : memref<10240x16xf32, #tpu.memory_space<vmem_shared>>) offsets(%dma_start3A_211 : memref<128xi32, #tpu.memory_space<vmem>>) semaphore(%arg36 : memref<!tpu.dma_semaphore, #tpu.memory_space<semaphore_mem>>) {add = true}
    %dma_wait3A_215 = arith.constant 78 : i32
    %dma_wait3A_216 = arith.constant 0 : i32
    %dma_wait3A_217 = tpu.memref_slice %arg7[%dma_wait3A_215, %dma_wait3A_216] : memref<80x128xi32, #tpu.memory_space<vmem>> -> memref<1x128xi32, #tpu.memory_space<vmem>>
    %dma_wait3A_218 = tpu.memref_squeeze %dma_wait3A_217 : memref<1x128xi32, #tpu.memory_space<vmem>> -> memref<128xi32, #tpu.memory_space<vmem>>
    %dma_wait3A_219 = arith.constant 0 : i32
    %dma_wait3A_220 = arith.constant 0 : i32
    %dma_wait3A_221 = tpu.memref_slice %arg14[%dma_wait3A_219, %dma_wait3A_220] : memref<10240x16xf32, #tpu.memory_space<vmem_shared>> -> memref<10240x16xf32, #tpu.memory_space<vmem_shared>>
    tpu.wait_indirect_dma semaphore(%arg29 : memref<!tpu.dma_semaphore, #tpu.memory_space<semaphore_mem>>) src(%dma_wait3A_221 : memref<10240x16xf32, #tpu.memory_space<vmem_shared>>) dst(%arg21 : memref<128x16xf32, #tpu.memory_space<vmem>>)
    %dma_start3A_222 = arith.constant 78 : i32
    %dma_start3A_223 = arith.constant 0 : i32
    %dma_start3A_224 = tpu.memref_slice %arg8[%dma_start3A_222, %dma_start3A_223] : memref<80x128xi32, #tpu.memory_space<vmem>> -> memref<1x128xi32, #tpu.memory_space<vmem>>
    %dma_start3A_225 = tpu.memref_squeeze %dma_start3A_224 : memref<1x128xi32, #tpu.memory_space<vmem>> -> memref<128xi32, #tpu.memory_space<vmem>>
    %dma_start3A_226 = arith.constant 0 : i32
    %dma_start3A_227 = arith.constant 0 : i32
    %dma_start3A_228 = tpu.memref_slice %arg13[%dma_start3A_226, %dma_start3A_227] : memref<10240x16xf32, #tpu.memory_space<vmem_shared>> -> memref<10240x16xf32, #tpu.memory_space<vmem_shared>>
    tpu.enqueue_indirect_dma source(%arg21 : memref<128x16xf32, #tpu.memory_space<vmem>>) target(%dma_start3A_228 : memref<10240x16xf32, #tpu.memory_space<vmem_shared>>) offsets(%dma_start3A_225 : memref<128xi32, #tpu.memory_space<vmem>>) semaphore(%arg37 : memref<!tpu.dma_semaphore, #tpu.memory_space<semaphore_mem>>) {add = true}
    %dma_wait3A_229 = arith.constant 79 : i32
    %dma_wait3A_230 = arith.constant 0 : i32
    %dma_wait3A_231 = tpu.memref_slice %arg7[%dma_wait3A_229, %dma_wait3A_230] : memref<80x128xi32, #tpu.memory_space<vmem>> -> memref<1x128xi32, #tpu.memory_space<vmem>>
    %dma_wait3A_232 = tpu.memref_squeeze %dma_wait3A_231 : memref<1x128xi32, #tpu.memory_space<vmem>> -> memref<128xi32, #tpu.memory_space<vmem>>
    %dma_wait3A_233 = arith.constant 0 : i32
    %dma_wait3A_234 = arith.constant 0 : i32
    %dma_wait3A_235 = tpu.memref_slice %arg14[%dma_wait3A_233, %dma_wait3A_234] : memref<10240x16xf32, #tpu.memory_space<vmem_shared>> -> memref<10240x16xf32, #tpu.memory_space<vmem_shared>>
    tpu.wait_indirect_dma semaphore(%arg30 : memref<!tpu.dma_semaphore, #tpu.memory_space<semaphore_mem>>) src(%dma_wait3A_235 : memref<10240x16xf32, #tpu.memory_space<vmem_shared>>) dst(%arg22 : memref<128x16xf32, #tpu.memory_space<vmem>>)
    %dma_start3A_236 = arith.constant 79 : i32
    %dma_start3A_237 = arith.constant 0 : i32
    %dma_start3A_238 = tpu.memref_slice %arg8[%dma_start3A_236, %dma_start3A_237] : memref<80x128xi32, #tpu.memory_space<vmem>> -> memref<1x128xi32, #tpu.memory_space<vmem>>
    %dma_start3A_239 = tpu.memref_squeeze %dma_start3A_238 : memref<1x128xi32, #tpu.memory_space<vmem>> -> memref<128xi32, #tpu.memory_space<vmem>>
    %dma_start3A_240 = arith.constant 0 : i32
    %dma_start3A_241 = arith.constant 0 : i32
    %dma_start3A_242 = tpu.memref_slice %arg13[%dma_start3A_240, %dma_start3A_241] : memref<10240x16xf32, #tpu.memory_space<vmem_shared>> -> memref<10240x16xf32, #tpu.memory_space<vmem_shared>>
    tpu.enqueue_indirect_dma source(%arg22 : memref<128x16xf32, #tpu.memory_space<vmem>>) target(%dma_start3A_242 : memref<10240x16xf32, #tpu.memory_space<vmem_shared>>) offsets(%dma_start3A_239 : memref<128xi32, #tpu.memory_space<vmem>>) semaphore(%arg38 : memref<!tpu.dma_semaphore, #tpu.memory_space<semaphore_mem>>) {add = true}
    %dma_wait3A_243 = arith.constant 72 : i32
    %dma_wait3A_244 = arith.constant 0 : i32
    %dma_wait3A_245 = tpu.memref_slice %arg8[%dma_wait3A_243, %dma_wait3A_244] : memref<80x128xi32, #tpu.memory_space<vmem>> -> memref<1x128xi32, #tpu.memory_space<vmem>>
    %dma_wait3A_246 = tpu.memref_squeeze %dma_wait3A_245 : memref<1x128xi32, #tpu.memory_space<vmem>> -> memref<128xi32, #tpu.memory_space<vmem>>
    %dma_wait3A_247 = arith.constant 0 : i32
    %dma_wait3A_248 = arith.constant 0 : i32
    %dma_wait3A_249 = tpu.memref_slice %arg13[%dma_wait3A_247, %dma_wait3A_248] : memref<10240x16xf32, #tpu.memory_space<vmem_shared>> -> memref<10240x16xf32, #tpu.memory_space<vmem_shared>>
    tpu.wait_indirect_dma semaphore(%arg31 : memref<!tpu.dma_semaphore, #tpu.memory_space<semaphore_mem>>) src(%arg15 : memref<128x16xf32, #tpu.memory_space<vmem>>) dst(%dma_wait3A_249 : memref<10240x16xf32, #tpu.memory_space<vmem_shared>>)
    %dma_wait3A_250 = arith.constant 73 : i32
    %dma_wait3A_251 = arith.constant 0 : i32
    %dma_wait3A_252 = tpu.memref_slice %arg8[%dma_wait3A_250, %dma_wait3A_251] : memref<80x128xi32, #tpu.memory_space<vmem>> -> memref<1x128xi32, #tpu.memory_space<vmem>>
    %dma_wait3A_253 = tpu.memref_squeeze %dma_wait3A_252 : memref<1x128xi32, #tpu.memory_space<vmem>> -> memref<128xi32, #tpu.memory_space<vmem>>
    %dma_wait3A_254 = arith.constant 0 : i32
    %dma_wait3A_255 = arith.constant 0 : i32
    %dma_wait3A_256 = tpu.memref_slice %arg13[%dma_wait3A_254, %dma_wait3A_255] : memref<10240x16xf32, #tpu.memory_space<vmem_shared>> -> memref<10240x16xf32, #tpu.memory_space<vmem_shared>>
    tpu.wait_indirect_dma semaphore(%arg32 : memref<!tpu.dma_semaphore, #tpu.memory_space<semaphore_mem>>) src(%arg16 : memref<128x16xf32, #tpu.memory_space<vmem>>) dst(%dma_wait3A_256 : memref<10240x16xf32, #tpu.memory_space<vmem_shared>>)
    %dma_wait3A_257 = arith.constant 74 : i32
    %dma_wait3A_258 = arith.constant 0 : i32
    %dma_wait3A_259 = tpu.memref_slice %arg8[%dma_wait3A_257, %dma_wait3A_258] : memref<80x128xi32, #tpu.memory_space<vmem>> -> memref<1x128xi32, #tpu.memory_space<vmem>>
    %dma_wait3A_260 = tpu.memref_squeeze %dma_wait3A_259 : memref<1x128xi32, #tpu.memory_space<vmem>> -> memref<128xi32, #tpu.memory_space<vmem>>
    %dma_wait3A_261 = arith.constant 0 : i32
    %dma_wait3A_262 = arith.constant 0 : i32
    %dma_wait3A_263 = tpu.memref_slice %arg13[%dma_wait3A_261, %dma_wait3A_262] : memref<10240x16xf32, #tpu.memory_space<vmem_shared>> -> memref<10240x16xf32, #tpu.memory_space<vmem_shared>>
    tpu.wait_indirect_dma semaphore(%arg33 : memref<!tpu.dma_semaphore, #tpu.memory_space<semaphore_mem>>) src(%arg17 : memref<128x16xf32, #tpu.memory_space<vmem>>) dst(%dma_wait3A_263 : memref<10240x16xf32, #tpu.memory_space<vmem_shared>>)
    %dma_wait3A_264 = arith.constant 75 : i32
    %dma_wait3A_265 = arith.constant 0 : i32
    %dma_wait3A_266 = tpu.memref_slice %arg8[%dma_wait3A_264, %dma_wait3A_265] : memref<80x128xi32, #tpu.memory_space<vmem>> -> memref<1x128xi32, #tpu.memory_space<vmem>>
    %dma_wait3A_267 = tpu.memref_squeeze %dma_wait3A_266 : memref<1x128xi32, #tpu.memory_space<vmem>> -> memref<128xi32, #tpu.memory_space<vmem>>
    %dma_wait3A_268 = arith.constant 0 : i32
    %dma_wait3A_269 = arith.constant 0 : i32
    %dma_wait3A_270 = tpu.memref_slice %arg13[%dma_wait3A_268, %dma_wait3A_269] : memref<10240x16xf32, #tpu.memory_space<vmem_shared>> -> memref<10240x16xf32, #tpu.memory_space<vmem_shared>>
    tpu.wait_indirect_dma semaphore(%arg34 : memref<!tpu.dma_semaphore, #tpu.memory_space<semaphore_mem>>) src(%arg18 : memref<128x16xf32, #tpu.memory_space<vmem>>) dst(%dma_wait3A_270 : memref<10240x16xf32, #tpu.memory_space<vmem_shared>>)
    %dma_wait3A_271 = arith.constant 76 : i32
    %dma_wait3A_272 = arith.constant 0 : i32
    %dma_wait3A_273 = tpu.memref_slice %arg8[%dma_wait3A_271, %dma_wait3A_272] : memref<80x128xi32, #tpu.memory_space<vmem>> -> memref<1x128xi32, #tpu.memory_space<vmem>>
    %dma_wait3A_274 = tpu.memref_squeeze %dma_wait3A_273 : memref<1x128xi32, #tpu.memory_space<vmem>> -> memref<128xi32, #tpu.memory_space<vmem>>
    %dma_wait3A_275 = arith.constant 0 : i32
    %dma_wait3A_276 = arith.constant 0 : i32
    %dma_wait3A_277 = tpu.memref_slice %arg13[%dma_wait3A_275, %dma_wait3A_276] : memref<10240x16xf32, #tpu.memory_space<vmem_shared>> -> memref<10240x16xf32, #tpu.memory_space<vmem_shared>>
    tpu.wait_indirect_dma semaphore(%arg35 : memref<!tpu.dma_semaphore, #tpu.memory_space<semaphore_mem>>) src(%arg19 : memref<128x16xf32, #tpu.memory_space<vmem>>) dst(%dma_wait3A_277 : memref<10240x16xf32, #tpu.memory_space<vmem_shared>>)
    %dma_wait3A_278 = arith.constant 77 : i32
    %dma_wait3A_279 = arith.constant 0 : i32
    %dma_wait3A_280 = tpu.memref_slice %arg8[%dma_wait3A_278, %dma_wait3A_279] : memref<80x128xi32, #tpu.memory_space<vmem>> -> memref<1x128xi32, #tpu.memory_space<vmem>>
    %dma_wait3A_281 = tpu.memref_squeeze %dma_wait3A_280 : memref<1x128xi32, #tpu.memory_space<vmem>> -> memref<128xi32, #tpu.memory_space<vmem>>
    %dma_wait3A_282 = arith.constant 0 : i32
    %dma_wait3A_283 = arith.constant 0 : i32
    %dma_wait3A_284 = tpu.memref_slice %arg13[%dma_wait3A_282, %dma_wait3A_283] : memref<10240x16xf32, #tpu.memory_space<vmem_shared>> -> memref<10240x16xf32, #tpu.memory_space<vmem_shared>>
    tpu.wait_indirect_dma semaphore(%arg36 : memref<!tpu.dma_semaphore, #tpu.memory_space<semaphore_mem>>) src(%arg20 : memref<128x16xf32, #tpu.memory_space<vmem>>) dst(%dma_wait3A_284 : memref<10240x16xf32, #tpu.memory_space<vmem_shared>>)
    %dma_wait3A_285 = arith.constant 78 : i32
    %dma_wait3A_286 = arith.constant 0 : i32
    %dma_wait3A_287 = tpu.memref_slice %arg8[%dma_wait3A_285, %dma_wait3A_286] : memref<80x128xi32, #tpu.memory_space<vmem>> -> memref<1x128xi32, #tpu.memory_space<vmem>>
    %dma_wait3A_288 = tpu.memref_squeeze %dma_wait3A_287 : memref<1x128xi32, #tpu.memory_space<vmem>> -> memref<128xi32, #tpu.memory_space<vmem>>
    %dma_wait3A_289 = arith.constant 0 : i32
    %dma_wait3A_290 = arith.constant 0 : i32
    %dma_wait3A_291 = tpu.memref_slice %arg13[%dma_wait3A_289, %dma_wait3A_290] : memref<10240x16xf32, #tpu.memory_space<vmem_shared>> -> memref<10240x16xf32, #tpu.memory_space<vmem_shared>>
    tpu.wait_indirect_dma semaphore(%arg37 : memref<!tpu.dma_semaphore, #tpu.memory_space<semaphore_mem>>) src(%arg21 : memref<128x16xf32, #tpu.memory_space<vmem>>) dst(%dma_wait3A_291 : memref<10240x16xf32, #tpu.memory_space<vmem_shared>>)
    %dma_wait3A_292 = arith.constant 79 : i32
    %dma_wait3A_293 = arith.constant 0 : i32
    %dma_wait3A_294 = tpu.memref_slice %arg8[%dma_wait3A_292, %dma_wait3A_293] : memref<80x128xi32, #tpu.memory_space<vmem>> -> memref<1x128xi32, #tpu.memory_space<vmem>>
    %dma_wait3A_295 = tpu.memref_squeeze %dma_wait3A_294 : memref<1x128xi32, #tpu.memory_space<vmem>> -> memref<128xi32, #tpu.memory_space<vmem>>
    %dma_wait3A_296 = arith.constant 0 : i32
    %dma_wait3A_297 = arith.constant 0 : i32
    %dma_wait3A_298 = tpu.memref_slice %arg13[%dma_wait3A_296, %dma_wait3A_297] : memref<10240x16xf32, #tpu.memory_space<vmem_shared>> -> memref<10240x16xf32, #tpu.memory_space<vmem_shared>>
    tpu.wait_indirect_dma semaphore(%arg38 : memref<!tpu.dma_semaphore, #tpu.memory_space<semaphore_mem>>) src(%arg22 : memref<128x16xf32, #tpu.memory_space<vmem>>) dst(%dma_wait3A_298 : memref<10240x16xf32, #tpu.memory_space<vmem_shared>>)
    %barrier3A_299 = arith.constant 0 : index
    tpu.barrier barrier_id(%barrier3A_299)
    "tpu.region"() ({
      %run_scoped3A = tpu.sem_alloc : memref<!tpu.dma_semaphore, #tpu.memory_space<semaphore_mem>>
      %dma_start3A_300 = arith.constant 0 : i32
      %dma_start3A_301 = tpu.memref_slice %arg6[%arg0, %mul3A_2, %dma_start3A_300] : memref<2x10240x16xf32, #tpu.memory_space<hbm>> -> memref<1x640x16xf32, #tpu.memory_space<hbm>>
      %dma_start3A_302 = tpu.memref_squeeze %dma_start3A_301 : memref<1x640x16xf32, #tpu.memory_space<hbm>> -> memref<640x16xf32, #tpu.memory_space<hbm>>
      %dma_start3A_303 = arith.constant 0 : i32
      %dma_start3A_304 = tpu.memref_slice %arg13[%mul3A_2, %dma_start3A_303] : memref<10240x16xf32, #tpu.memory_space<vmem_shared>> -> memref<640x16xf32, #tpu.memory_space<vmem_shared>>
      tpu.enqueue_dma source(%dma_start3A_304 : memref<640x16xf32, #tpu.memory_space<vmem_shared>>) target(%dma_start3A_302 : memref<640x16xf32, #tpu.memory_space<hbm>>) target_semaphore(%run_scoped3A : memref<!tpu.dma_semaphore, #tpu.memory_space<semaphore_mem>>)
      %dma_wait3A_305 = arith.constant 0 : i32
      %dma_wait3A_306 = tpu.memref_slice %arg6[%arg0, %mul3A_2, %dma_wait3A_305] : memref<2x10240x16xf32, #tpu.memory_space<hbm>> -> memref<1x640x16xf32, #tpu.memory_space<hbm>>
      %dma_wait3A_307 = tpu.memref_squeeze %dma_wait3A_306 : memref<1x640x16xf32, #tpu.memory_space<hbm>> -> memref<640x16xf32, #tpu.memory_space<hbm>>
      %dma_wait3A_308 = arith.constant 0 : i32
      %dma_wait3A_309 = tpu.memref_slice %arg13[%mul3A_2, %dma_wait3A_308] : memref<10240x16xf32, #tpu.memory_space<vmem_shared>> -> memref<640x16xf32, #tpu.memory_space<vmem_shared>>
      tpu.wait_dma2 semaphore(%run_scoped3A : memref<!tpu.dma_semaphore, #tpu.memory_space<semaphore_mem>>) src(%dma_wait3A_309 : memref<640x16xf32, #tpu.memory_space<vmem_shared>>) dst(%dma_wait3A_307 : memref<640x16xf32, #tpu.memory_space<hbm>>)
      tpu.yield
    }) : () -> ()
    return
  }
}

module attributes {stable_mosaic.version = 14 : i64} {
  func.func @_tc_mm_body(%arg0: memref<10240x128xf32, #tpu.memory_space<vmem>>, %arg1: memref<128x16xf32, #tpu.memory_space<vmem>>, %arg2: memref<10240x16xf32, #tpu.memory_space<vmem>>) attributes {dimension_semantics = [], scalar_prefetch = 0 : i64, scratch_operands = 0 : i64, tpu.core_type = #tpu.core_type<tc>} {
    %get3A = arith.constant 0 : index
    %get3A_0 = arith.constant 0 : index
    %get3A_1 = vector.load %arg0[%get3A, %get3A_0] : memref<10240x128xf32, #tpu.memory_space<vmem>>, vector<10240x128xf32>
    %get3A_2 = arith.constant 0 : index
    %get3A_3 = arith.constant 0 : index
    %get3A_4 = vector.load %arg1[%get3A_2, %get3A_3] : memref<128x16xf32, #tpu.memory_space<vmem>>, vector<128x16xf32>
    %dot_general3A = arith.constant dense<0.000000e+00> : vector<10240x16xf32>
    %dot_general3A_5 = tpu.matmul %get3A_1, %get3A_4, %dot_general3A {dimension_numbers = #tpu.dot_dimension_numbers<[1], [0], [0], [1], [0, 0, 1, 1], [], []>, transpose_lhs_hint = false} : vector<10240x128xf32>, vector<128x16xf32>, vector<10240x16xf32> -> vector<10240x16xf32>
    %swap3A = arith.constant 0 : index
    %swap3A_6 = arith.constant 0 : index
    %swap3A_7 = vector.load %arg2[%swap3A, %swap3A_6] : memref<10240x16xf32, #tpu.memory_space<vmem>>, vector<10240x16xf32>
    tpu.vector_store %arg2[%swap3A, %swap3A_6], %dot_general3A_5 {strides = array<i32>} : memref<10240x16xf32, #tpu.memory_space<vmem>>, vector<10240x16xf32>,
    return
  }
}

module attributes {stable_mosaic.version = 14 : i64} {
  func.func @_tc_fin_body(%arg0: memref<2x10240x16xf32, #tpu.memory_space<vmem>>, %arg1: memref<10240x16xf32, #tpu.memory_space<vmem>>, %arg2: memref<2x10240xf32, #tpu.memory_space<vmem>>, %arg3: memref<16x40xf32, #tpu.memory_space<vmem>>, %arg4: memref<40xf32, #tpu.memory_space<vmem>>, %arg5: memref<10240x40xf32, #tpu.memory_space<vmem>>) attributes {dimension_semantics = [], scalar_prefetch = 0 : i64, scratch_operands = 0 : i64, tpu.core_type = #tpu.core_type<tc>} {
    %get3A = arith.constant 0 : index
    %get3A_0 = arith.constant 0 : index
    %get3A_1 = vector.load %arg2[%get3A, %get3A_0] : memref<2x10240xf32, #tpu.memory_space<vmem>>, vector<1x10240xf32>
    %get3A_2 = vector.shape_cast %get3A_1 : vector<1x10240xf32> to vector<10240xf32>
    %get3A_3 = arith.constant 1 : index
    %get3A_4 = arith.constant 0 : index
    %get3A_5 = vector.load %arg2[%get3A_3, %get3A_4] : memref<2x10240xf32, #tpu.memory_space<vmem>>, vector<1x10240xf32>
    %get3A_6 = vector.shape_cast %get3A_5 : vector<1x10240xf32> to vector<10240xf32>
    %add3A = arith.addf %get3A_2, %get3A_6 : vector<10240xf32>
    %add3A_7 = arith.constant 1.000000e+00 : f32
    %add3A_8 = vector.broadcast %add3A_7 : f32 to vector<10240xf32>
    %add3A_9 = arith.addf %add3A, %add3A_8 : vector<10240xf32>
    %rsqrt3A = math.rsqrt %add3A_9 : vector<10240xf32>
    %broadcast_in_dim3A = vector.shape_cast %rsqrt3A : vector<10240xf32> to vector<10240x1xf32>
    %get3A_10 = arith.constant 0 : index
    %get3A_11 = arith.constant 0 : index
    %get3A_12 = arith.constant 0 : index
    %get3A_13 = vector.load %arg0[%get3A_10, %get3A_11, %get3A_12] : memref<2x10240x16xf32, #tpu.memory_space<vmem>>, vector<1x10240x16xf32>
    %get3A_14 = vector.shape_cast %get3A_13 : vector<1x10240x16xf32> to vector<10240x16xf32>
    %get3A_15 = arith.constant 1 : index
    %get3A_16 = arith.constant 0 : index
    %get3A_17 = arith.constant 0 : index
    %get3A_18 = vector.load %arg0[%get3A_15, %get3A_16, %get3A_17] : memref<2x10240x16xf32, #tpu.memory_space<vmem>>, vector<1x10240x16xf32>
    %get3A_19 = vector.shape_cast %get3A_18 : vector<1x10240x16xf32> to vector<10240x16xf32>
    %add3A_20 = arith.addf %get3A_14, %get3A_19 : vector<10240x16xf32>
    %mul3A = vector.broadcast %broadcast_in_dim3A : vector<10240x1xf32> to vector<10240x16xf32>
    %mul3A_21 = arith.mulf %mul3A, %add3A_20 : vector<10240x16xf32>
    %mul3A_22 = arith.mulf %broadcast_in_dim3A, %broadcast_in_dim3A : vector<10240x1xf32>
    %get3A_23 = arith.constant 0 : index
    %get3A_24 = arith.constant 0 : index
    %get3A_25 = vector.load %arg1[%get3A_23, %get3A_24] : memref<10240x16xf32, #tpu.memory_space<vmem>>, vector<10240x16xf32>
    %mul3A_26 = vector.broadcast %mul3A_22 : vector<10240x1xf32> to vector<10240x16xf32>
    %mul3A_27 = arith.mulf %mul3A_26, %get3A_25 : vector<10240x16xf32>
    %add3A_28 = arith.addf %mul3A_21, %mul3A_27 : vector<10240x16xf32>
    %get3A_29 = arith.constant 0 : index
    %get3A_30 = arith.constant 0 : index
    %get3A_31 = vector.load %arg3[%get3A_29, %get3A_30] : memref<16x40xf32, #tpu.memory_space<vmem>>, vector<16x40xf32>
    %dot_general3A = arith.constant dense<0.000000e+00> : vector<10240x40xf32>
    %dot_general3A_32 = tpu.matmul %add3A_28, %get3A_31, %dot_general3A {dimension_numbers = #tpu.dot_dimension_numbers<[1], [0], [0], [1], [0, 0, 1, 1], [], []>, transpose_lhs_hint = false} : vector<10240x16xf32>, vector<16x40xf32>, vector<10240x40xf32> -> vector<10240x40xf32>
    %get3A_33 = arith.constant 0 : index
    %get3A_34 = vector.load %arg4[%get3A_33] : memref<40xf32, #tpu.memory_space<vmem>>, vector<40xf32>
    %broadcast_in_dim3A_35 = vector.shape_cast %get3A_34 : vector<40xf32> to vector<1x40xf32>
    %add3A_36 = vector.broadcast %broadcast_in_dim3A_35 : vector<1x40xf32> to vector<10240x40xf32>
    %add3A_37 = arith.addf %dot_general3A_32, %add3A_36 : vector<10240x40xf32>
    %reduce_max3A = arith.constant dense<0xFF800000> : vector<10240xf32>
    %reduce_max3A_38 = vector.multi_reduction <maximumf>, %add3A_37, %reduce_max3A [1] : vector<10240x40xf32> to vector<10240xf32>
    %broadcast_in_dim3A_39 = vector.shape_cast %reduce_max3A_38 : vector<10240xf32> to vector<10240x1xf32>
    %sub3A = vector.broadcast %broadcast_in_dim3A_39 : vector<10240x1xf32> to vector<10240x40xf32>
    %sub3A_40 = arith.subf %add3A_37, %sub3A : vector<10240x40xf32>
    %exp3A = math.exp %sub3A_40 : vector<10240x40xf32>
    %reduce_sum3A = arith.constant dense<0.000000e+00> : vector<10240xf32>
    %reduce_sum3A_41 = vector.multi_reduction <add>, %exp3A, %reduce_sum3A [1] : vector<10240x40xf32> to vector<10240xf32>
    %broadcast_in_dim3A_42 = vector.shape_cast %reduce_sum3A_41 : vector<10240xf32> to vector<10240x1xf32>
    %log3A = math.log %broadcast_in_dim3A_42 : vector<10240x1xf32>
    %add3A_43 = arith.addf %log3A, %broadcast_in_dim3A_39 : vector<10240x1xf32>
    %sub3A_44 = vector.broadcast %add3A_43 : vector<10240x1xf32> to vector<10240x40xf32>
    %sub3A_45 = arith.subf %add3A_37, %sub3A_44 : vector<10240x40xf32>
    %swap3A = arith.constant 0 : index
    %swap3A_46 = arith.constant 0 : index
    %swap3A_47 = vector.load %arg5[%swap3A, %swap3A_46] : memref<10240x40xf32, #tpu.memory_space<vmem>>, vector<10240x40xf32>
    tpu.vector_store %arg5[%swap3A, %swap3A_46], %sub3A_45 {strides = array<i32>} : memref<10240x40xf32, #tpu.memory_space<vmem>>, vector<10240x40xf32>,
    return
  }
}

</mosaic_0001>

<sc_bundles>
// kernel: kernel.10.cloned.1.call-start
scs
__scs_entry_jumppad:
0x0: {  	(pc) =	sbr.rel $0x88, $3  }
0x1: {  	(tag) =	ssettag $0x0;
	lr =	simm.s32 $0x1  }
0x2: {  	[smem:$0x3F9B] =	sst lr;
	_ =	strace $0xD0000000  }
0x3: {  	_ = 	snop  }
0x4: {  	_ = 	snop  }
0x5: {  	_ = 	snop  }
0x6: {  	_ = 	snop  }
0x7: {  	_ = 	snop  }
__scs_overlays_trampoline_lowered:
0x8: {  	[smem:$0x3FAA] =	sst s0  }
0x9: {  	[smem:$0x3FAB] =	sst s1  }
0xa: {  	[smem:$0x3FAC] =	sst s2  }
0xb: {  	[smem:$0x3FAD] =	sst s3  }
0xc: {  	[smem:$0x3FAE] =	sst s4  }
0xd: {  	[smem:$0x3FAF] =	sst s5  }
0xe: {  	[smem:$0x3FB0] =	sst s6  }
0xf: {  	[smem:$0x3FB1] =	sst s7  }
0x10: {  	[smem:$0x3FB2] =	sst s8  }
0x11: {  	[smem:$0x3FB3] =	sst s9;
	s0 =	simm.s32 @!p0 $0x0  }
0x12: {  	s1 =	sld [smem:$0x3F99];
	s0 =	simm.s32 @p0 $0x1  }
0x13: {  	[smem:$0x3FB4] =	sst s0;
	s0 =	simm.s32 @!p1 $0x0  }
0x14: {  	s2 =	sld [smem:$0x3F98];
	s0 =	simm.s32 @p1 $0x1  }
0x15: {  	[smem:$0x3FB5] =	sst s0;
	s0 =	simm.s32 @!p2 $0x0  }
0x16: {  	s3 =	sld [smem:$0x3FDB];
	s0 =	simm.s32 @p2 $0x1  }
0x17: {  	s4 =	simm.s32 $0x1BF5;
	[smem:$0x3FB7] =	sst s0  }
0x18: {  	s0 =	sld [smem:$0x3F9A];
	_ =	swait.ge [sflag:s4], $0x0  }
0x19: {  	s7 =	sld [smem:$0x3F9B]  }
0x1a: {  	s8 =	sadd.s32 $0xFFFFE003, lr  }
0x1b: {  	s9 =	sadd.s32 $0xFFFFFEF7, lr;
	s5 =	simm.s32 $0xFFFFFFFF;
	p2 =	slt.u32 s8, $0xFFFFF086  }
0x1c: {  	p1 =	slt.u32 s9, $0xF7A;
	s5 =	simm.s32 @!p2 $0x0  }
0x1d: {  	s5 =	simm.s32 @p1 $0x1;
	p0 =	seq.s32 s7, s2  }
0x1e: {  	s7 =	smul.u32 @!p0 $0xF7A, s2;
	p2 =	seq.s32 @!p0 s5, $0x0  }
0x1f: {  	s9 =	smul.u32 $0xF7A, s1;
	s8 =	simm.s32 @!p0 $0x1BF5;
	p2 =	por !p2, p0  }
0x20: {  	[sflag:s8] =	ssyncset.s32 @!p0 $0xFFFFF086;
	s6 =	sadd.s32 @!p0 s3, s7;
	s7 =	simm.s32 @!p0 $0x108  }
0x21: {  	s3 =	sadd.s32 s3, s9;
	s6 =	sadd.s32 @!p0 $0x88, s6;
	s7 =	simm.s32 @p2 $0x1082  }
0x22: {  	[simem:s7], [sflag:s8] =	dma.local @!p0 [hbm:s6], $0xF7A  }
0x23: {  	s9 =	sor.u32 $0xD0000000, s2;
	s6 =	simm.s32 $0x108;
	_ =	swait.ge @!p0 [sflag:s8], $0x0  }
0x24: {  	s3 =	sadd.s32 $0x88, s3;
	s6 =	simm.s32 @!p1 $0x1082;
	[sflag:s4] =	ssyncset.s32 $0xFFFFF086  }
0x25: {  	[simem:s6], [sflag:s4] =	dma.local [hbm:s3], $0xF7A  }
0x26: {  	[smem:$0x3F9B] =	sst s1;
	(tag) =	ssettag s2;
	_ =	strace s9  }
0x27: {  	s1 =	sld [smem:$0x3FAB]  }
0x28: {  	s2 =	sld [smem:$0x3FAC]  }
0x29: {  	s4 =	sld [smem:$0x3FAE]  }
0x2a: {  	p0 =	seq.s32 s5, $0x0;
	s5 =	sld [smem:$0x3FAF]  }
0x2b: {  	s6 =	sld [smem:$0x3FB0]  }
0x2c: {  	s7 =	sld [smem:$0x3FB1]  }
0x2d: {  	s3 =	simm.s32 $0x108;
	s8 =	sld [smem:$0x3FB2]  }
0x2e: {  	s3 =	simm.s32 @!p0 $0x1082;
	s9 =	sld [smem:$0x3FB3]  }
0x2f: {  	lr =	sadd.s32 s0, s3;
	s0 =	sld [smem:$0x3FAA]  }
0x30: {  	s3 =	sld [smem:$0x3FAD]  }
0x31: {  	[smem:$0x3FB6] =	sst s10  }
0x32: {  	s10 =	sld [smem:$0x3FB4];
	_ =	sdelay $0x3  }
0x33: {  	p0 =	seq.s32 s10, $0x1;
	s10 =	sld [smem:$0x3FB6];
	_ =	sdelay $0x3  }
0x34: {  	[smem:$0x3FB6] =	sst s10  }
0x35: {  	s10 =	sld [smem:$0x3FB5];
	_ =	sdelay $0x3  }
0x36: {  	p1 =	seq.s32 s10, $0x1;
	s10 =	sld [smem:$0x3FB6];
	_ =	sdelay $0x3  }
0x37: {  	[smem:$0x3FB6] =	sst s10  }
0x38: {  	s10 =	sld [smem:$0x3FB7]  }
0x39: {  	_ = 	snop;
	(pc) =	sbr.ind lr, $3  }
0x3a: {  	_ = 	snop  }
0x3b: {  	_ = 	snop  }
0x3c: {  	p2 =	seq.s32 s10, $0x1;
	s10 =	sld [smem:$0x3FB6]  }
0x3d: {  	_ =	shalt  }
0x3e: {  	_ =	shalt  }
0x3f: {  	_ =	shalt  }
0x40: {  	_ =	shalt  }
0x41: {  	_ =	shalt  }
0x42: {  	_ =	shalt  }
0x43: {  	_ =	shalt  }
0x44: {  	_ =	shalt  }
0x45: {  	_ =	shalt  }
0x46: {  	_ =	shalt  }
0x47: {  	_ =	shalt  }
0x48: {  	_ =	shalt  }
0x49: {  	_ =	shalt  }
0x4a: {  	_ =	shalt  }
0x4b: {  	_ =	shalt  }
0x4c: {  	_ =	shalt  }
0x4d: {  	_ =	shalt  }
0x4e: {  	_ =	shalt  }
0x4f: {  	_ =	shalt  }
0x50: {  	_ =	shalt  }
0x51: {  	_ =	shalt  }
0x52: {  	_ =	shalt  }
0x53: {  	_ =	shalt  }
0x54: {  	_ =	shalt  }
0x55: {  	_ =	shalt  }
0x56: {  	_ =	shalt  }
0x57: {  	_ =	shalt  }
0x58: {  	_ =	shalt  }
0x59: {  	_ =	shalt  }
0x5a: {  	_ =	shalt  }
0x5b: {  	_ =	shalt  }
0x5c: {  	_ =	shalt  }
0x5d: {  	_ =	shalt  }
0x5e: {  	_ =	shalt  }
0x5f: {  	_ =	shalt  }
0x60: {  	_ =	shalt  }
0x61: {  	_ =	shalt  }
0x62: {  	_ =	shalt  }
0x63: {  	_ =	shalt  }
0x64: {  	_ =	shalt  }
0x65: {  	_ =	shalt  }
0x66: {  	_ =	shalt  }
0x67: {  	_ =	shalt  }
0x68: {  	_ =	shalt  }
0x69: {  	_ =	shalt  }
0x6a: {  	_ =	shalt  }
0x6b: {  	_ =	shalt  }
0x6c: {  	_ =	shalt  }
0x6d: {  	_ =	shalt  }
0x6e: {  	_ =	shalt  }
0x6f: {  	_ =	shalt  }
0x70: {  	_ =	shalt  }
0x71: {  	_ =	shalt  }
0x72: {  	_ =	shalt  }
0x73: {  	_ =	shalt  }
0x74: {  	_ =	shalt  }
0x75: {  	_ =	shalt  }
0x76: {  	_ =	shalt  }
0x77: {  	_ =	shalt  }
0x78: {  	_ =	shalt  }
0x79: {  	_ =	shalt  }
0x7a: {  	_ =	shalt  }
0x7b: {  	_ =	shalt  }
0x7c: {  	_ =	shalt  }
0x7d: {  	_ =	shalt  }
0x7e: {  	_ =	shalt  }
0x7f: {  	_ =	shalt  }
0x80: {  	_ =	shalt  }
0x81: {  	_ =	shalt  }
0x82: {  	_ =	shalt  }
0x83: {  	_ =	shalt  }
0x84: {  	_ =	shalt  }
0x85: {  	_ =	shalt  }
0x86: {  	_ =	shalt  }
0x87: {  	_ =	shalt  }
.Lfunc_end0:
.L_simem_size_0:
called_computation.1_lowered:
.L_overlay_start_0:
0x88: {  	s2 =	sld [smem:$0x3FD9]  }
0x89: {  	s3 =	sld [smem:$0x3FFE];
	_ =	sdelay $0x1  }
0x8a: {  	s1 =	srdreg.scid  }
0x8b: {  	s0 =	sand.u32 $0x1, s1  }
0x8c: {  	s17 =	sshll.u32 s0, $0xA;
	s2 =	sadd.s32 s3, s2  }
0x8d: {  	s2 =	sadd.s32 s2, s17  }
0x8e: {  	[smem:$0x3FC2] =	sst s2  }
0x8f: {  	_ = 	snop  }
0x90: {  	s2 =	sld [smem:$0x3FD0];
	(tm) =	ssettm $0x1  }
0x91: {  	s18 =	sld [smem:$0x3FFB];
	_ =	sdelay $0x3  }
0x92: {  	_ =	strace s18  }
0x93: {  	s3 =	sld [smem:$0x3FFC];
	_ =	sdelay $0x3  }
0x94: {  	_ =	strace s3  }
0x95: {  	s3 =	sld [smem:$0x3FFD];
	_ =	sdelay $0x3  }
0x96: {  	_ =	strace s3  }
0x97: {  	_ =	strace $0x8FFFFFFF  }
0x98: {  	s19 =	sld [smem:$0x3FDB];
	_ =	sdelay $0x1  }
0x99: {  	s4 =	simm.s32 $_scs_section_size  }
0x9a: {  	s5 =	simm.s32 $_size__tile_overlayer_lowered;
	s6 =	simm.s32 $_tile_overlayer_lowered  }
0x9b: {  	s22 =	simm.s32 $0x1BFF;
	s21 =	sshll.u32 s6, $0x1;
	s3 =	sadd.s32 s4, s19  }
0x9c: {  	s7 =	simm.s32 $0x0;
	s20 =	sshll.u32 s5, $0x1;
	s5 =	sadd.s32 s21, s3  }
0x9d: {  	[timem:s7], [sflag:s22] =	dma.local [hbm:s5], s20  }
0x9e: {  	_ =	swait.ge [sflag:s22], s20  }
0x9f: {  	s4 =	ssub.s32 $0x0, s20;
	[sflag:s22] =	ssyncset.done $0x0  }
0xa0: {  	[sflag:s22] =	ssyncadd.s32 s4;
	_ =	sdelay $0x1  }
0xa1: {  	s23 =	simm.s32 $0x1B8B  }
0xa2: {  	_ =	swait.ge [sflag:s23], $0x1  }
0xa3: {  	[sflag:s23] =	ssyncset.done $0x0  }
0xa4: {  	s25 =	simm.s32 $0x1B8E;
	s24 =	sld [smem:$0x3FFE];
	[sflag:s23] =	ssyncadd.s32 $0xFFFFFFFF  }
0xa5: {  	s26 =	simm.s32 $execute0_lowered;
	[smem:$0x3FD2] =	sst s25  }
0xa6: {  	s5 =	sshll.u32 s26, $0x1;
	_ =	strace $0x80000049;
	[dreg:$0x1] =	wrdreg $0xFFFFFFFF  }
0xa7: {  	s28 =	simm.s32 $_size_execute0_lowered;
	s3 =	sadd.s32 s3, s5;
	[dreg:$0x0] =	wrdreg $0x0  }
0xa8: {  	s5 =	sshll.u32 s28, $0x1;
	[dreg:$0x2] =	wrdreg s3  }
0xa9: {  	[dreg:$0x3] =	wrdreg s5  }
0xaa: {  	[dreg:$0x4] =	wrdreg $0xC0  }
0xab: {  	_ =	task [dreg:s7], $0x5FFFF  }
0xac: {  	[dreg:$0x1] =	wrdreg $0xFFFFFFFF  }
0xad: {  	[dreg:$0x0] =	wrdreg $0x60  }
0xae: {  	[dreg:$0x2] =	wrdreg s2  }
0xaf: {  	[dreg:$0x3] =	wrdreg s24  }
0xb0: {  	[dreg:$0x4] =	wrdreg $0xCD000  }
0xb1: {  	[dreg:$0x5] =	wrdreg $0xA5000  }
0xb2: {  	[dreg:$0x6] =	wrdreg $0x9  }
0xb3: {  	_ =	task.clear_ibuf [dreg:s7], $0x7FFFF;
	_ =	strace $0x90000049  }
0xb4: {  	s29 =	simm.s32 $0x9;
	_ =	strace $0x8000004B  }
0xb5: {  	_ =	swait.ge [sflag:s29], $0x1  }
0xb6: {  	[sflag:s29] =	ssyncadd.s32 $0xFFFFFFFF  }
0xb7: {  	_ =	strace $0x9000004B  }
0xb8: {  	_ =	sfence  }
0xb9: {  	s30 =	sld [smem:$0x0];
	_ =	sdelay $0x2  }
0xba: {  	s31 =	sshll.u32 s1, $0xD;
	s1 =	sshrl.u32 s1, $0x2  }
0xbb: {  	s3 =	sand.u32 $0x4000, s31;
	s1 =	sadd.s32 s1, s30  }
0xbc: {  	s0 =	sor.u32 s3, s0;
	s1 =	sshll.u32 s1, $0x11  }
0xbd: {  	s0 =	sor.u32 s1, s0  }
0xbe: {  	s0 =	sadd.s32 $0x8F2B, s0  }
0xbf: {  	[sflag:s0] =	ssyncadd.remote.s32 $0x1  }
0xc0: {  	_ =	sfence.sel $0xFFFF  }
0xc1: {  	[dreg:$0x0] =	wrdreg $0xFFFFFFFF;
	(pc) =	sbr.abs _section_cstart, $3  }
0xc2: {  	[dreg:$0x1] =	wrdreg $0xFFFFFFFF  }
0xc3: {  	_ =	task.clear_ibuf [dreg:s7], $0x2FFFF;
	_ =	strace $0x9FFFFFFF  }
0xc4: {  	(tm) =	ssettm $0x7FFFFFFF  }
0xc5: {  	_ =	shalt  }
tec
execute0_lowered:
.L_overlay_start_1:
0x0: {  	(tag) =	ssettag $0x1  }
0x1: {  	s0 =	rddreg [dreg:$0x0]  }
0x2: {  	s1 =	rddreg [dreg:$0x1];
	s3 =	srdreg.scid  }
0x3: {  	s10 =	stileid.u32;
	s2 =	rddreg [dreg:$0x2]  }
0x4: {  	s6 =	simm.s32 $0x0;
	s28 =	simm.s32 $0xFD00;
	s30 =	simm.s32 $0x10500  }
0x5: {  	s16 =	simm.s32 $0x11500;
	s31 =	simm.s32 $0x11D00;
	s29 =	simm.s32 $0x12500  }
0x6: {  	s15 =	simm.s32 $0x12D00;
	s14 =	simm.s32 $0xA;
	s17 =	simm.s32 $0xB  }
0x7: {  	s12 =	simm.s32 $0x10;
	s13 =	simm.s32 $0x0;
	s4 =	sand.u32 $0x1, s3  }
0x8: {  	s5 =	sshll.u32 s10, $0x1;
	s3 =	rddreg [dreg:$0x3];
	s18 =	smul.u32 $0x2800, s10  }
0x9: {  	[smem:$0x7FF] =	sst s6;
	s10 =	smul.u32 $0x280, s10;
	s6 =	simm.s32 $0x8  }
0xa: {  	s5 =	sor.u32 s4, s5;
	_ =	strace $0x8000004A;
	s7 =	smul.u32 $0x28000, s4  }
0xb: {  	s4 =	ssub.s32 $0x2, s4;
	s5 =	smul.u32 $0x500, s5;
	s9 =	sshrl.u32 s18, $0x3  }
0xc: {  	s10 =	sshrl.u32 s10, $0x3;
	s11 =	sshrl.u32 s4, $0x1;
	s23 =	sadd.s32 s18, s2  }
0xd: {  	s24 =	sadd.s32 s18, s3;
	s9 =	sadd.s32 s9, s1;
	s7 =	sadd.s32 s18, s7  }
0xe: {  	s10 =	sadd.s32 s10, s1;
	s4 =	ssub.s32 s4, s11;
	[dreg:$0xa] =	wrdreg s23  }
0xf: {  	[dreg:$0xb] =	wrdreg s24;
	s18 =	simm.s32 $0x1;
	s23 =	simm.s32 $0x4  }
0x10: {  	s24 =	simm.s32 $0x5;
	s8 =	sadd.s32 s5, s1;
	s19 =	sadd.s32 $0xC400, s9  }
0x11: {  	s7 =	sshrl.u32 s7, $0x3;
	s20 =	sadd.s32 $0xBA00, s10;
	[dreg:$0x5] =	wrdreg s19  }
0x12: {  	s21 =	sadd.s32 $0xBF00, s10;
	s0 =	sadd.s32 s0, s5;
	[dreg:$0x6] =	wrdreg s20  }
0x13: {  	s26 =	smax.u32 s4, $0x1;
	s5 =	simm.s32 $0x7;
	[dreg:$0x7] =	wrdreg s21  }
0x14: {  	v0 =	vimm.s32 $0x1;
	v1 =	vimm.s32 $0x0;
	s9 =	simm.s32 $0xE;
	s10 =	simm.s32 $0xF;
	[dreg:$0x8] =	wrdreg s0  }
0x15: {  	v2 =	vimm.s32 $0x2;
	v3 =	vimm.s32 $0x3;
	v4 =	vimm.s32 $0x4;
	s1 =	sadd.s32 s7, s1;
	s22 =	sadd.s32 $0x1A00, s8;
	[dreg:$0xd] =	wrdreg s26  }
0x16: {  	v5 =	vimm.s32 $0x5;
	v6 =	vimm.s32 $0x6;
	v7 =	vimm.s32 $0x7;
	s19 =	simm.s32 $0x2;
	s20 =	simm.s32 $0x3;
	s26 =	simm.s32 $0xF500  }
0x17: {  	v8 =	vimm.s32 $0x8;
	v9 =	vimm.s32 $0x9;
	v10 =	vimm.s32 $0xA;
	s0 =	simm.s32 $0x6;
	s7 =	simm.s32 $0xC;
	s8 =	simm.s32 $0xD  }
0x18: {  	v11 =	vimm.s32 $0xB;
	v12 =	vimm.s32 $0xC;
	v13 =	vimm.s32 $0xD;
	[dreg:$0x9] =	wrdreg s22;
	s25 =	sadd.s32 $0x11400, s1;
	s1 =	simm.s32 $0x10D00  }
0x19: {  	v14 =	vimm.s32 $0xE;
	v15 =	vimm.s32 $0xF;
	v16 =	vimm.f32 $0.0e+00;
	s22 =	simm.s32 $0x9;
	[dreg:$0xc] =	wrdreg s25;
	s25 =	simm.s32 $0x80  }
.LBB2_1:
0x1a: {  	s4 =	simm.s32 $0x0;
	s11 =	rddreg [dreg:$0x5];
	s21 =	simm.s32 $0x5000  }
0x1b: {  	[tilespmem:s21], [sflag:$0x1] =	stream.linear.gather [hbm4b:s11+s4], $0x2800, $0x38;
	[tilespmem:$0x13500] =	vst v63  }
0x1c: {  	s11 =	rddreg [dreg:$0x6];
	s21 =	simm.s32 $0xA000  }
0x1d: {  	[tilespmem:s21], [sflag:$0x2] =	stream.linear.gather [hbm4b:s11+s4], $0x280, $0x38;
	[tilespmem:$0x13500] =	vst v63  }
0x1e: {  	s11 =	rddreg [dreg:$0x7];
	s21 =	simm.s32 $0xA280  }
0x1f: {  	[tilespmem:s21], [sflag:$0x3] =	stream.linear.gather [hbm4b:s11+s4], $0x280, $0x38;
	[tilespmem:$0x13500] =	vst v63  }
0x20: {  	s21 =	rddreg [dreg:$0x8]  }
0x21: {  	[tilespmem:s4], [sflag:$0x4] =	stream.linear.gather [hbm4b:s21+s4], $0x2800, $0x38;
	[tilespmem:$0x13500] =	vst v63  }
0x22: {  	s11 =	rddreg [dreg:$0x9];
	s21 =	simm.s32 $0x2800  }
0x23: {  	[tilespmem:s21], [sflag:$0x5] =	stream.linear.gather [hbm4b:s11+s4], $0x2800, $0x38;
	[tilespmem:$0x13500] =	vst v63  }
0x24: {  	_ =	swait.ge [sflag:s18], $0x2800  }
0x25: {  	[sflag:s18] =	ssyncset.done $0x0  }
0x26: {  	[sflag:s18] =	ssyncadd.s32 $0xFFFFD800  }
0x27: {  	_ =	swait.ge [sflag:s19], $0x280  }
0x28: {  	[sflag:s19] =	ssyncset.done $0x0  }
0x29: {  	[sflag:s19] =	ssyncadd.s32 $0xFFFFFD80  }
0x2a: {  	_ =	swait.ge [sflag:s20], $0x280  }
0x2b: {  	[sflag:s20] =	ssyncset.done $0x0  }
0x2c: {  	s21 =	simm.s32 $0x0;
	[sflag:s20] =	ssyncadd.s32 $0xFFFFFD80  }
0x2d: {  	v17 =	vld [tilespmem:s21+$0xA280]  }
0x2e: {  	v18 =	vld [tilespmem:s21+$0xA000];
	_ =	sdelay $0x4  }
0x2f: {  	v17 =	vadd.f32 v17, v18;
	_ =	sdelay $0x1  }
0x30: {  	v17 =	vadd.f32 $1.000000000e+00, v17;
	_ =	sdelay $0x1  }
0x31: {  	v18 =	vmul.f32 $5.000000000e-01, v17;
	v17 =	vshra.s32 v17, $0x1  }
0x32: {  	v17 =	vsub.s32 $0x5F3759DF, v17  }
0x33: {  	v19 =	vmul.f32 v17, v18;
	_ =	sdelay $0x1  }
0x34: {  	v19 =	vmul.f32 v17, v19;
	_ =	sdelay $0x1  }
0x35: {  	v19 =	vsub.f32 $1.500000000e+00, v19;
	_ =	sdelay $0x1  }
0x36: {  	v17 =	vmul.f32 v17, v19;
	_ =	sdelay $0x1  }
0x37: {  	v19 =	vmul.f32 v17, v18;
	_ =	sdelay $0x1  }
0x38: {  	v19 =	vmul.f32 v19, v17;
	_ =	sdelay $0x1  }
0x39: {  	v19 =	vsub.f32 $1.500000000e+00, v19;
	_ =	sdelay $0x1  }
0x3a: {  	v17 =	vmul.f32 v19, v17;
	_ =	sdelay $0x1  }
0x3b: {  	v18 =	vmul.f32 v17, v18;
	_ =	sdelay $0x1  }
0x3c: {  	v18 =	vmul.f32 v18, v17;
	_ =	sdelay $0x1  }
0x3d: {  	v18 =	vsub.f32 $1.500000000e+00, v18;
	_ =	sdelay $0x1  }
0x3e: {  	s11 =	simm.s32 $0x5080;
	v17 =	vmul.f32 v18, v17  }
0x3f: {  	v19 =	vld [tilespmem:s11+$0x70]  }
0x40: {  	v20 =	vld [tilespmem:s11+$0x60];
	v22 =	vperm.xlane v17, v15;
	v24 =	vperm.xlane v17, v14  }
0x41: {  	v21 =	vld [tilespmem:s11+$0x40];
	v26 =	vperm.xlane v17, v13;
	v27 =	vperm.xlane v17, v12  }
0x42: {  	v23 =	vld [tilespmem:s11+$0x30];
	v46 =	vperm.xlane v17, v11;
	v47 =	vperm.xlane v17, v10  }
0x43: {  	v25 =	vld [tilespmem:s11+$0x20];
	v28 =	vperm.xlane v17, v9;
	v49 =	vperm.xlane v17, v8  }
0x44: {  	v18 =	vld [tilespmem:s11+$0x50];
	v51 =	vperm.xlane v17, v7;
	v19 =	vmul.f32 v22, v19  }
0x45: {  	v44 =	vld [tilespmem:s11+$0x10];
	v54 =	vperm.xlane v17, v6;
	v20 =	vmul.f32 v24, v20  }
0x46: {  	v45 =	vld [tilespmem:s11+$0x0];
	v56 =	vperm.xlane v17, v5;
	v21 =	vmul.f32 v27, v21;
	[tilespmem:s11+$0x70] =	vst v19  }
0x47: {  	v53 =	vld [tilespmem:s11+$0xFFFFFFB0];
	v57 =	vperm.xlane v17, v4;
	v23 =	vmul.f32 v46, v23;
	[tilespmem:s11+$0x60] =	vst v20  }
0x48: {  	v59 =	vld [tilespmem:s11+$0xFFFFFF80];
	v60 =	vperm.xlane v17, v3;
	v25 =	vmul.f32 v47, v25;
	[tilespmem:s11+$0x40] =	vst v21  }
0x49: {  	v48 =	vld [tilespmem:s11+$0xFFFFFFE0];
	v61 =	vperm.xlane v17, v2;
	v18 =	vmul.f32 v26, v18;
	[tilespmem:s11+$0x30] =	vst v23  }
0x4a: {  	v62 =	vperm.xlane v17, v0;
	v22 =	vmul.f32 v28, v44;
	v19 =	vld [tilespmem:s11+$0xFFFFFFF0];
	[tilespmem:s11+$0x20] =	vst v25  }
0x4b: {  	v17 =	vperm.xlane v17, v1;
	v52 =	vmul.f32 v49, v45;
	[tilespmem:s11+$0x50] =	vst v18;
	v18 =	vld [tilespmem:s11+$0xFFFFFFD0]  }
0x4c: {  	v50 =	vld [tilespmem:s11+$0xFFFFFFC0];
	v63 =	vmul.f32 v60, v53;
	[tilespmem:s11+$0x10] =	vst v22  }
0x4d: {  	v55 =	vld [tilespmem:s11+$0xFFFFFFA0];
	v17 =	vmul.f32 v17, v59;
	[tilespmem:s11+$0x0] =	vst v52  }
0x4e: {  	v58 =	vld [tilespmem:s11+$0xFFFFFF90];
	v20 =	vmul.f32 v54, v48;
	[tilespmem:s11+$0xFFFFFFB0] =	vst v63  }
0x4f: {  	[tilespmem:s11+$0xFFFFFF80] =	vst v17;
	v19 =	vmul.f32 v51, v19  }
0x50: {  	[tilespmem:s11+$0xFFFFFFE0] =	vst v20;
	v18 =	vmul.f32 v56, v18  }
0x51: {  	[tilespmem:s11+$0xFFFFFFF0] =	vst v19;
	v19 =	vmul.f32 v57, v50  }
0x52: {  	[tilespmem:s11+$0xFFFFFFD0] =	vst v18;
	v18 =	vmul.f32 v61, v55  }
0x53: {  	[tilespmem:s11+$0xFFFFFFC0] =	vst v19;
	v19 =	vmul.f32 v62, v58  }
0x54: {  	[tilespmem:s11+$0xFFFFFFA0] =	vst v18  }
0x55: {  	s21 =	simm.s32 $0x10;
	[tilespmem:s11+$0xFFFFFF90] =	vst v19  }
0x56: {  	s4 =	simm.s32 $0x80;
	v17 =	vld [tilespmem:s21+$0xA280]  }
.LBB2_2:
0x57: {  	p0 =	sne.s32 s4, $0x9C0;
	v18 =	vld [tilespmem:s21+$0xA000];
	_ =	sdelay $0x4  }
0x58: {  	v17 =	vadd.f32 v17, v18;
	_ =	sdelay $0x1  }
0x59: {  	v17 =	vadd.f32 $1.000000000e+00, v17;
	_ =	sdelay $0x1  }
0x5a: {  	v18 =	vmul.f32 $5.000000000e-01, v17;
	v17 =	vshra.s32 v17, $0x1  }
0x5b: {  	v17 =	vsub.s32 $0x5F3759DF, v17  }
0x5c: {  	v19 =	vmul.f32 v17, v18;
	_ =	sdelay $0x1  }
0x5d: {  	v19 =	vmul.f32 v17, v19;
	_ =	sdelay $0x1  }
0x5e: {  	v19 =	vsub.f32 $1.500000000e+00, v19;
	_ =	sdelay $0x1  }
0x5f: {  	v17 =	vmul.f32 v17, v19;
	_ =	sdelay $0x1  }
0x60: {  	v19 =	vmul.f32 v17, v18;
	_ =	sdelay $0x1  }
0x61: {  	v19 =	vmul.f32 v19, v17;
	_ =	sdelay $0x1  }
0x62: {  	v19 =	vsub.f32 $1.500000000e+00, v19;
	_ =	sdelay $0x1  }
0x63: {  	v17 =	vmul.f32 v19, v17;
	_ =	sdelay $0x1  }
0x64: {  	v18 =	vmul.f32 v17, v18;
	_ =	sdelay $0x1  }
0x65: {  	s11 =	sadd.s32 $0x100, s11;
	v18 =	vmul.f32 v18, v17  }
0x66: {  	v19 =	vld [tilespmem:s11+$0x70]  }
0x67: {  	v18 =	vsub.f32 $1.500000000e+00, v18;
	v20 =	vld [tilespmem:s11+$0x60]  }
0x68: {  	v21 =	vld [tilespmem:s11+$0x50]  }
0x69: {  	v17 =	vmul.f32 v18, v17;
	v18 =	vld [tilespmem:s11+$0x40]  }
0x6a: {  	v22 =	vld [tilespmem:s11+$0x30]  }
0x6b: {  	v23 =	vld [tilespmem:s11+$0x20];
	v24 =	vperm.xlane v17, v14;
	v25 =	vperm.xlane v17, v15  }
0x6c: {  	v27 =	vperm.xlane v17, v12;
	v28 =	vperm.xlane v17, v13;
	v26 =	vld [tilespmem:s11+$0x10]  }
0x6d: {  	v29 =	vld [tilespmem:s11+$0x0];
	v20 =	vmul.f32 v24, v20;
	v19 =	vmul.f32 v25, v19  }
0x6e: {  	v21 =	vmul.f32 v28, v21;
	v24 =	vld [tilespmem:s11+$0xFFFFFFF0];
	v18 =	vmul.f32 v27, v18  }
0x6f: {  	v28 =	vperm.xlane v17, v11;
	v27 =	vperm.xlane v17, v10;
	v25 =	vld [tilespmem:s11+$0xFFFFFFE0];
	[tilespmem:s11+$0x70] =	vst v19  }
0x70: {  	v30 =	vperm.xlane v17, v8;
	v31 =	vperm.xlane v17, v9;
	v19 =	vld [tilespmem:s11+$0xFFFFFFD0];
	[tilespmem:s11+$0x60] =	vst v20  }
0x71: {  	v22 =	vmul.f32 v28, v22;
	v23 =	vmul.f32 v27, v23;
	v20 =	vld [tilespmem:s11+$0xFFFFFFC0];
	[tilespmem:s11+$0x50] =	vst v21  }
0x72: {  	v26 =	vmul.f32 v31, v26;
	v21 =	vld [tilespmem:s11+$0xFFFFFF80];
	v27 =	vmul.f32 v30, v29;
	[tilespmem:s11+$0x40] =	vst v18  }
0x73: {  	v28 =	vperm.xlane v17, v6;
	v29 =	vperm.xlane v17, v7;
	v18 =	vld [tilespmem:s11+$0xFFFFFFB0];
	[tilespmem:s11+$0x30] =	vst v22  }
0x74: {  	v31 =	vperm.xlane v17, v5;
	v30 =	vperm.xlane v17, v4;
	v22 =	vld [tilespmem:s11+$0xFFFFFFA0];
	[tilespmem:s11+$0x20] =	vst v23  }
0x75: {  	v25 =	vmul.f32 v28, v25;
	v24 =	vmul.f32 v29, v24;
	v23 =	vld [tilespmem:s11+$0xFFFFFF90];
	[tilespmem:s11+$0x10] =	vst v26  }
0x76: {  	v19 =	vmul.f32 v31, v19;
	v20 =	vmul.f32 v30, v20;
	[tilespmem:s11+$0x0] =	vst v27  }
0x77: {  	v26 =	vperm.xlane v17, v2;
	v27 =	vperm.xlane v17, v3;
	[tilespmem:s11+$0xFFFFFFF0] =	vst v24  }
0x78: {  	v24 =	vperm.xlane v17, v1;
	v17 =	vperm.xlane v17, v0;
	[tilespmem:s11+$0xFFFFFFE0] =	vst v25  }
0x79: {  	v18 =	vmul.f32 v27, v18;
	v22 =	vmul.f32 v26, v22;
	[tilespmem:s11+$0xFFFFFFD0] =	vst v19  }
0x7a: {  	v19 =	vmul.f32 v24, v21;
	v17 =	vmul.f32 v17, v23;
	[tilespmem:s11+$0xFFFFFFC0] =	vst v20  }
.Ltmp0:
0x7b: {  	[tilespmem:s11+$0xFFFFFFB0] =	vst v18;
	(pc) =	sbr.rel @p0 .LBB2_2-.Ltmp0, $4  }
0x7c: {  	[tilespmem:s11+$0xFFFFFFA0] =	vst v22  }
0x7d: {  	[tilespmem:s11+$0xFFFFFF90] =	vst v17  }
0x7e: {  	s21 =	sshra.s32 s4, $0x2;
	[tilespmem:s11+$0xFFFFFF80] =	vst v19  }
0x7f: {  	s4 =	sadd.s32 $0x40, s4;
	v17 =	vld [tilespmem:s21+$0xA280]  }
0x80: {  	v18 =	vld [tilespmem:s21+$0xA000];
	_ =	sdelay $0x4  }
0x81: {  	v17 =	vadd.f32 v17, v18;
	_ =	sdelay $0x1  }
0x82: {  	v17 =	vadd.f32 $1.000000000e+00, v17;
	_ =	sdelay $0x1  }
0x83: {  	v18 =	vmul.f32 $5.000000000e-01, v17;
	v17 =	vshra.s32 v17, $0x1  }
0x84: {  	v17 =	vsub.s32 $0x5F3759DF, v17  }
0x85: {  	v19 =	vmul.f32 v17, v18;
	_ =	sdelay $0x1  }
0x86: {  	v19 =	vmul.f32 v17, v19;
	_ =	sdelay $0x1  }
0x87: {  	v19 =	vsub.f32 $1.500000000e+00, v19;
	_ =	sdelay $0x1  }
0x88: {  	v17 =	vmul.f32 v17, v19;
	_ =	sdelay $0x1  }
0x89: {  	v19 =	vmul.f32 v17, v18;
	_ =	sdelay $0x1  }
0x8a: {  	v19 =	vmul.f32 v19, v17;
	_ =	sdelay $0x1  }
0x8b: {  	v19 =	vsub.f32 $1.500000000e+00, v19;
	_ =	sdelay $0x1  }
0x8c: {  	v17 =	vmul.f32 v19, v17;
	_ =	sdelay $0x1  }
0x8d: {  	v18 =	vmul.f32 v17, v18;
	_ =	sdelay $0x1  }
0x8e: {  	v18 =	vmul.f32 v18, v17;
	_ =	sdelay $0x1  }
0x8f: {  	v18 =	vsub.f32 $1.500000000e+00, v18;
	_ =	sdelay $0x1  }
0x90: {  	s4 =	sadd.s32 $0x100, s11;
	v17 =	vmul.f32 v18, v17  }
0x91: {  	v19 =	vld [tilespmem:s4+$0x70]  }
0x92: {  	v20 =	vld [tilespmem:s4+$0x60];
	v22 =	vperm.xlane v17, v15;
	v24 =	vperm.xlane v17, v14  }
0x93: {  	v21 =	vld [tilespmem:s4+$0x40];
	v26 =	vperm.xlane v17, v13;
	v27 =	vperm.xlane v17, v12  }
0x94: {  	v23 =	vld [tilespmem:s4+$0x30];
	v46 =	vperm.xlane v17, v11;
	v47 =	vperm.xlane v17, v10  }
0x95: {  	v25 =	vld [tilespmem:s4+$0x20];
	v28 =	vperm.xlane v17, v9;
	v49 =	vperm.xlane v17, v8  }
0x96: {  	v18 =	vld [tilespmem:s4+$0x50];
	v51 =	vperm.xlane v17, v7;
	v19 =	vmul.f32 v22, v19  }
0x97: {  	v44 =	vld [tilespmem:s4+$0x10];
	v54 =	vperm.xlane v17, v6;
	v20 =	vmul.f32 v24, v20  }
0x98: {  	v45 =	vld [tilespmem:s4+$0x0];
	v56 =	vperm.xlane v17, v5;
	v21 =	vmul.f32 v27, v21;
	[tilespmem:s4+$0x70] =	vst v19  }
0x99: {  	v53 =	vld [tilespmem:s4+$0xFFFFFFB0];
	v57 =	vperm.xlane v17, v4;
	v23 =	vmul.f32 v46, v23;
	[tilespmem:s4+$0x60] =	vst v20  }
0x9a: {  	v59 =	vld [tilespmem:s4+$0xFFFFFF80];
	v60 =	vperm.xlane v17, v3;
	v25 =	vmul.f32 v47, v25;
	[tilespmem:s4+$0x40] =	vst v21  }
0x9b: {  	v48 =	vld [tilespmem:s4+$0xFFFFFFE0];
	v61 =	vperm.xlane v17, v2;
	v18 =	vmul.f32 v26, v18;
	[tilespmem:s4+$0x30] =	vst v23  }
0x9c: {  	v62 =	vperm.xlane v17, v0;
	v22 =	vmul.f32 v28, v44;
	v19 =	vld [tilespmem:s4+$0xFFFFFFF0];
	[tilespmem:s4+$0x20] =	vst v25  }
0x9d: {  	v17 =	vperm.xlane v17, v1;
	v52 =	vmul.f32 v49, v45;
	[tilespmem:s4+$0x50] =	vst v18;
	v18 =	vld [tilespmem:s4+$0xFFFFFFD0]  }
0x9e: {  	v50 =	vld [tilespmem:s4+$0xFFFFFFC0];
	v63 =	vmul.f32 v60, v53;
	[tilespmem:s4+$0x10] =	vst v22  }
0x9f: {  	v55 =	vld [tilespmem:s4+$0xFFFFFFA0];
	v17 =	vmul.f32 v17, v59;
	[tilespmem:s4+$0x0] =	vst v52  }
0xa0: {  	v58 =	vld [tilespmem:s4+$0xFFFFFF90];
	v20 =	vmul.f32 v54, v48;
	[tilespmem:s4+$0xFFFFFFB0] =	vst v63  }
0xa1: {  	[tilespmem:s4+$0xFFFFFF80] =	vst v17;
	v19 =	vmul.f32 v51, v19  }
0xa2: {  	[tilespmem:s4+$0xFFFFFFE0] =	vst v20;
	v18 =	vmul.f32 v56, v18  }
0xa3: {  	[tilespmem:s4+$0xFFFFFFF0] =	vst v19;
	v19 =	vmul.f32 v57, v50  }
0xa4: {  	[tilespmem:s4+$0xFFFFFFD0] =	vst v18;
	v18 =	vmul.f32 v61, v55  }
0xa5: {  	[tilespmem:s4+$0xFFFFFFC0] =	vst v19;
	v19 =	vmul.f32 v62, v58  }
0xa6: {  	[tilespmem:s4+$0xFFFFFFA0] =	vst v18  }
0xa7: {  	s11 =	rddreg [dreg:$0xa];
	s21 =	simm.s32 $0x5000;
	[tilespmem:s4+$0xFFFFFF90] =	vst v19  }
0xa8: {  	[spmem:s11] =	stream.linear.scatter [tilespmem:s21], [sflag:$0x11], $0x2800, $0x38;
	[tilespmem:$0x13500] =	vst v63  }
0xa9: {  	s21 =	simm.s32 $0x11  }
0xaa: {  	_ =	swait.ge [sflag:s21], $0x2800  }
0xab: {  	[sflag:s21] =	ssyncset.done $0x0  }
0xac: {  	s4 =	simm.s32 $0x7840;
	[sflag:s21] =	ssyncadd.s32 $0xFFFFD800  }
0xad: {  	[tilespmem:s4+$0xFFFFFFC0] =	vst v16  }
0xae: {  	[tilespmem:s4+$0x30] =	vst v16  }
0xaf: {  	[tilespmem:s4+$0x20] =	vst v16  }
0xb0: {  	[tilespmem:s4+$0x10] =	vst v16  }
0xb1: {  	[tilespmem:s4+$0x0] =	vst v16  }
0xb2: {  	[tilespmem:s4+$0xFFFFFFF0] =	vst v16  }
0xb3: {  	s11 =	simm.s32 $0x0;
	[tilespmem:s4+$0xFFFFFFE0] =	vst v16  }
.LBB2_4:
0xb4: {  	s11 =	sadd.s32 $0x8, s11;
	[tilespmem:s4+$0xFFFFFFD0] =	vst v16;
	s4 =	sadd.s32 $0x80, s4  }
0xb5: {  	[tilespmem:s4+$0xFFFFFFC0] =	vst v16;
	p0 =	slt.u32 s11, $0x278  }
0xb6: {  	[tilespmem:s4+$0x30] =	vst v16  }
.Ltmp1:
0xb7: {  	[tilespmem:s4+$0x20] =	vst v16;
	(pc) =	sbr.rel @p0 .LBB2_4-.Ltmp1, $4  }
0xb8: {  	[tilespmem:s4+$0x10] =	vst v16  }
0xb9: {  	[tilespmem:s4+$0x0] =	vst v16  }
0xba: {  	[tilespmem:s4+$0xFFFFFFF0] =	vst v16  }
0xbb: {  	[tilespmem:s4+$0xFFFFFFE0] =	vst v16  }
0xbc: {  	[tilespmem:s4+$0xFFFFFFD0] =	vst v16;
	s21 =	rddreg [dreg:$0xb];
	s11 =	simm.s32 $0x7800  }
0xbd: {  	[spmem:s21] =	stream.linear.scatter [tilespmem:s11], [sflag:$0x11], $0x2800, $0x38;
	[tilespmem:$0x13500] =	vst v63  }
0xbe: {  	s21 =	simm.s32 $0x11  }
0xbf: {  	_ =	swait.ge [sflag:s21], $0x2800  }
0xc0: {  	[sflag:s21] =	ssyncset.done $0x0  }
0xc1: {  	[sflag:s21] =	ssyncadd.s32 $0xFFFFD800  }
0xc2: {  	_ =	swait.ge [sflag:s23], $0x2800  }
0xc3: {  	[sflag:s23] =	ssyncset.done $0x0  }
0xc4: {  	[sflag:s23] =	ssyncadd.s32 $0xFFFFD800  }
0xc5: {  	_ =	swait.ge [sflag:s24], $0x2800  }
0xc6: {  	[sflag:s24] =	ssyncset.done $0x0  }
0xc7: {  	[sflag:s24] =	ssyncadd.s32 $0xFFFFD800  }
0xc8: {  	s11 =	simm.s32 $0x0;
	[bflag:$0x0] =	sbarrier.arrive $0xFFFF  }
0xc9: {  	[tilespmem:s26], [sflag:$0x1] =	stream.indirect.gather [spmem:s2], $0x10, s11, s25, $0xb8;
	[tilespmem:$0x13500] =	vst v63  }
0xca: {  	_ = 	snop  }
0xcb: {  	[tilespmem:s28], [sflag:$0x2] =	stream.indirect.gather [spmem:s2], $0x10, s25, s25, $0xb8;
	[tilespmem:$0x13500] =	vst v63  }
0xcc: {  	s21 =	simm.s32 $0x100  }
0xcd: {  	[tilespmem:s30], [sflag:$0x3] =	stream.indirect.gather [spmem:s2], $0x10, s21, s25, $0xb8;
	[tilespmem:$0x13500] =	vst v63  }
0xce: {  	s11 =	simm.s32 $0x180  }
0xcf: {  	[tilespmem:s1], [sflag:$0x4] =	stream.indirect.gather [spmem:s2], $0x10, s11, s25, $0xb8;
	[tilespmem:$0x13500] =	vst v63  }
0xd0: {  	_ =	swait.ge [sflag:s18], $0x800  }
0xd1: {  	[sflag:s18] =	ssyncset.done $0x0  }
0xd2: {  	s21 =	simm.s32 $0x2800;
	[sflag:s18] =	ssyncadd.s32 $0xFFFFF800  }
0xd3: {  	[spmem:s3] =	stream.indirect.scatter.add.f32 [tilespmem:s26], [sflag:$0x9], $0x10, s21, s25, $0xb8;
	[tilespmem:$0x13500] =	vst v63  }
0xd4: {  	s11 =	simm.s32 $0x200  }
0xd5: {  	[tilespmem:s16], [sflag:$0x5] =	stream.indirect.gather [spmem:s2], $0x10, s11, s25, $0xb8;
	[tilespmem:$0x13500] =	vst v63  }
0xd6: {  	_ =	swait.ge [sflag:s19], $0x800  }
0xd7: {  	[sflag:s19] =	ssyncset.done $0x0  }
0xd8: {  	s21 =	simm.s32 $0x2880;
	[sflag:s19] =	ssyncadd.s32 $0xFFFFF800  }
0xd9: {  	[spmem:s3] =	stream.indirect.scatter.add.f32 [tilespmem:s28], [sflag:$0xA], $0x10, s21, s25, $0xb8;
	[tilespmem:$0x13500] =	vst v63  }
0xda: {  	s11 =	simm.s32 $0x280  }
0xdb: {  	[tilespmem:s31], [sflag:$0x6] =	stream.indirect.gather [spmem:s2], $0x10, s11, s25, $0xb8;
	[tilespmem:$0x13500] =	vst v63  }
0xdc: {  	_ =	swait.ge [sflag:s20], $0x800  }
0xdd: {  	[sflag:s20] =	ssyncset.done $0x0  }
0xde: {  	s21 =	simm.s32 $0x2900;
	[sflag:s20] =	ssyncadd.s32 $0xFFFFF800  }
0xdf: {  	[spmem:s3] =	stream.indirect.scatter.add.f32 [tilespmem:s30], [sflag:$0xB], $0x10, s21, s25, $0xb8;
	[tilespmem:$0x13500] =	vst v63  }
0xe0: {  	s11 =	simm.s32 $0x300  }
0xe1: {  	[tilespmem:s29], [sflag:$0x7] =	stream.indirect.gather [spmem:s2], $0x10, s11, s25, $0xb8;
	[tilespmem:$0x13500] =	vst v63  }
0xe2: {  	_ =	swait.ge [sflag:s23], $0x800  }
0xe3: {  	[sflag:s23] =	ssyncset.done $0x0  }
0xe4: {  	s21 =	simm.s32 $0x2980;
	[sflag:s23] =	ssyncadd.s32 $0xFFFFF800  }
0xe5: {  	[spmem:s3] =	stream.indirect.scatter.add.f32 [tilespmem:s1], [sflag:$0xC], $0x10, s21, s25, $0xb8;
	[tilespmem:$0x13500] =	vst v63  }
0xe6: {  	s11 =	simm.s32 $0x380  }
0xe7: {  	[tilespmem:s15], [sflag:$0x8] =	stream.indirect.gather [spmem:s2], $0x10, s11, s25, $0xb8;
	[tilespmem:$0x13500] =	vst v63  }
0xe8: {  	_ =	swait.ge [sflag:s24], $0x800  }
0xe9: {  	[sflag:s24] =	ssyncset.done $0x0  }
0xea: {  	s21 =	simm.s32 $0x2A00;
	[sflag:s24] =	ssyncadd.s32 $0xFFFFF800  }
0xeb: {  	[spmem:s3] =	stream.indirect.scatter.add.f32 [tilespmem:s16], [sflag:$0xD], $0x10, s21, s25, $0xb8;
	[tilespmem:$0x13500] =	vst v63  }
0xec: {  	_ =	swait.ge [sflag:s22], $0x800  }
0xed: {  	[sflag:s22] =	ssyncset.done $0x0  }
0xee: {  	s11 =	simm.s32 $0x400;
	[sflag:s22] =	ssyncadd.s32 $0xFFFFF800  }
0xef: {  	[tilespmem:s26], [sflag:$0x1] =	stream.indirect.gather [spmem:s2], $0x10, s11, s25, $0xb8;
	[tilespmem:$0x13500] =	vst v63  }
0xf0: {  	_ =	swait.ge [sflag:s0], $0x800  }
0xf1: {  	[sflag:s0] =	ssyncset.done $0x0  }
0xf2: {  	s21 =	simm.s32 $0x2A80;
	[sflag:s0] =	ssyncadd.s32 $0xFFFFF800  }
0xf3: {  	[spmem:s3] =	stream.indirect.scatter.add.f32 [tilespmem:s31], [sflag:$0xE], $0x10, s21, s25, $0xb8;
	[tilespmem:$0x13500] =	vst v63  }
0xf4: {  	_ =	swait.ge [sflag:s14], $0x800  }
0xf5: {  	[sflag:s14] =	ssyncset.done $0x0  }
0xf6: {  	s11 =	simm.s32 $0x480;
	[sflag:s14] =	ssyncadd.s32 $0xFFFFF800  }
0xf7: {  	[tilespmem:s28], [sflag:$0x2] =	stream.indirect.gather [spmem:s2], $0x10, s11, s25, $0xb8;
	[tilespmem:$0x13500] =	vst v63  }
0xf8: {  	_ =	swait.ge [sflag:s5], $0x800  }
0xf9: {  	[sflag:s5] =	ssyncset.done $0x0  }
0xfa: {  	s21 =	simm.s32 $0x2B00;
	[sflag:s5] =	ssyncadd.s32 $0xFFFFF800  }
0xfb: {  	[spmem:s3] =	stream.indirect.scatter.add.f32 [tilespmem:s29], [sflag:$0xF], $0x10, s21, s25, $0xb8;
	[tilespmem:$0x13500] =	vst v63  }
0xfc: {  	_ =	swait.ge [sflag:s17], $0x800  }
0xfd: {  	[sflag:s17] =	ssyncset.done $0x0  }
0xfe: {  	s11 =	simm.s32 $0x500;
	[sflag:s17] =	ssyncadd.s32 $0xFFFFF800  }
0xff: {  	[tilespmem:s30], [sflag:$0x3] =	stream.indirect.gather [spmem:s2], $0x10, s11, s25, $0xb8;
	[tilespmem:$0x13500] =	vst v63  }
0x100: {  	_ =	swait.ge [sflag:s6], $0x800  }
0x101: {  	[sflag:s6] =	ssyncset.done $0x0  }
0x102: {  	s21 =	simm.s32 $0x2B80;
	[sflag:s6] =	ssyncadd.s32 $0xFFFFF800  }
0x103: {  	[spmem:s3] =	stream.indirect.scatter.add.f32 [tilespmem:s15], [sflag:$0x10], $0x10, s21, s25, $0xb8;
	[tilespmem:$0x13500] =	vst v63  }
0x104: {  	_ =	swait.ge [sflag:s7], $0x800  }
0x105: {  	[sflag:s7] =	ssyncset.done $0x0  }
0x106: {  	s11 =	simm.s32 $0x580;
	[sflag:s7] =	ssyncadd.s32 $0xFFFFF800  }
0x107: {  	[tilespmem:s1], [sflag:$0x4] =	stream.indirect.gather [spmem:s2], $0x10, s11, s25, $0xb8;
	[tilespmem:$0x13500] =	vst v63  }
0x108: {  	_ =	swait.ge [sflag:s18], $0x800  }
0x109: {  	[sflag:s18] =	ssyncset.done $0x0  }
0x10a: {  	s21 =	simm.s32 $0x2C00;
	[sflag:s18] =	ssyncadd.s32 $0xFFFFF800  }
0x10b: {  	[spmem:s3] =	stream.indirect.scatter.add.f32 [tilespmem:s26], [sflag:$0x9], $0x10, s21, s25, $0xb8;
	[tilespmem:$0x13500] =	vst v63  }
0x10c: {  	_ =	swait.ge [sflag:s8], $0x800  }
0x10d: {  	[sflag:s8] =	ssyncset.done $0x0  }
0x10e: {  	s11 =	simm.s32 $0x600;
	[sflag:s8] =	ssyncadd.s32 $0xFFFFF800  }
0x10f: {  	[tilespmem:s16], [sflag:$0x5] =	stream.indirect.gather [spmem:s2], $0x10, s11, s25, $0xb8;
	[tilespmem:$0x13500] =	vst v63  }
0x110: {  	_ =	swait.ge [sflag:s19], $0x800  }
0x111: {  	[sflag:s19] =	ssyncset.done $0x0  }
0x112: {  	s21 =	simm.s32 $0x2C80;
	[sflag:s19] =	ssyncadd.s32 $0xFFFFF800  }
0x113: {  	[spmem:s3] =	stream.indirect.scatter.add.f32 [tilespmem:s28], [sflag:$0xA], $0x10, s21, s25, $0xb8;
	[tilespmem:$0x13500] =	vst v63  }
0x114: {  	_ =	swait.ge [sflag:s9], $0x800  }
0x115: {  	[sflag:s9] =	ssyncset.done $0x0  }
0x116: {  	s11 =	simm.s32 $0x680;
	[sflag:s9] =	ssyncadd.s32 $0xFFFFF800  }
0x117: {  	[tilespmem:s31], [sflag:$0x6] =	stream.indirect.gather [spmem:s2], $0x10, s11, s25, $0xb8;
	[tilespmem:$0x13500] =	vst v63  }
0x118: {  	_ =	swait.ge [sflag:s20], $0x800  }
0x119: {  	[sflag:s20] =	ssyncset.done $0x0  }
0x11a: {  	s21 =	simm.s32 $0x2D00;
	[sflag:s20] =	ssyncadd.s32 $0xFFFFF800  }
0x11b: {  	[spmem:s3] =	stream.indirect.scatter.add.f32 [tilespmem:s30], [sflag:$0xB], $0x10, s21, s25, $0xb8;
	[tilespmem:$0x13500] =	vst v63  }
0x11c: {  	_ =	swait.ge [sflag:s10], $0x800  }
0x11d: {  	[sflag:s10] =	ssyncset.done $0x0  }
0x11e: {  	s11 =	simm.s32 $0x700;
	[sflag:s10] =	ssyncadd.s32 $0xFFFFF800  }
0x11f: {  	[tilespmem:s29], [sflag:$0x7] =	stream.indirect.gather [spmem:s2], $0x10, s11, s25, $0xb8;
	[tilespmem:$0x13500] =	vst v63  }
0x120: {  	_ =	swait.ge [sflag:s23], $0x800  }
0x121: {  	[sflag:s23] =	ssyncset.done $0x0  }
0x122: {  	s21 =	simm.s32 $0x2D80;
	[sflag:s23] =	ssyncadd.s32 $0xFFFFF800  }
0x123: {  	[spmem:s3] =	stream.indirect.scatter.add.f32 [tilespmem:s1], [sflag:$0xC], $0x10, s21, s25, $0xb8;
	[tilespmem:$0x13500] =	vst v63  }
0x124: {  	_ =	swait.ge [sflag:s12], $0x800  }
0x125: {  	[sflag:s12] =	ssyncset.done $0x0  }
0x126: {  	s4 =	simm.s32 $0x780;
	s11 =	simm.s32 $0x1000;
	[sflag:s12] =	ssyncadd.s32 $0xFFFFF800  }
.LBB2_6:
0x127: {  	[tilespmem:s15], [sflag:$0x8] =	stream.indirect.gather [spmem:s2], $0x10, s4, s25, $0xb8;
	[tilespmem:$0x13500] =	vst v63  }
0x128: {  	s4 =	smov.u32 s11  }
0x129: {  	p0 =	sne.s32 s11, $0x8000;
	s11 =	sadd.s32 $0x1000, s11;
	_ =	swait.ge [sflag:s24], $0x800  }
0x12a: {  	s4 =	sshra.s32 s4, $0x2;
	[sflag:s24] =	ssyncset.done $0x0  }
0x12b: {  	s21 =	sadd.s32 $0x2A00, s4;
	[sflag:s24] =	ssyncadd.s32 $0xFFFFF800  }
0x12c: {  	[spmem:s3] =	stream.indirect.scatter.add.f32 [tilespmem:s16], [sflag:$0xD], $0x10, s21, s25, $0xb8;
	[tilespmem:$0x13500] =	vst v63  }
0x12d: {  	_ =	swait.ge [sflag:s22], $0x800  }
0x12e: {  	[sflag:s22] =	ssyncset.done $0x0  }
0x12f: {  	s21 =	sadd.s32 $0x400, s4;
	[sflag:s22] =	ssyncadd.s32 $0xFFFFF800  }
0x130: {  	[tilespmem:s26], [sflag:$0x1] =	stream.indirect.gather [spmem:s2], $0x10, s21, s25, $0xb8;
	[tilespmem:$0x13500] =	vst v63  }
0x131: {  	_ =	swait.ge [sflag:s0], $0x800  }
0x132: {  	[sflag:s0] =	ssyncset.done $0x0  }
0x133: {  	s21 =	sadd.s32 $0x2A80, s4;
	[sflag:s0] =	ssyncadd.s32 $0xFFFFF800  }
0x134: {  	[spmem:s3] =	stream.indirect.scatter.add.f32 [tilespmem:s31], [sflag:$0xE], $0x10, s21, s25, $0xb8;
	[tilespmem:$0x13500] =	vst v63  }
0x135: {  	_ =	swait.ge [sflag:s14], $0x800  }
0x136: {  	[sflag:s14] =	ssyncset.done $0x0  }
0x137: {  	s21 =	sadd.s32 $0x480, s4;
	[sflag:s14] =	ssyncadd.s32 $0xFFFFF800  }
0x138: {  	[tilespmem:s28], [sflag:$0x2] =	stream.indirect.gather [spmem:s2], $0x10, s21, s25, $0xb8;
	[tilespmem:$0x13500] =	vst v63  }
0x139: {  	_ =	swait.ge [sflag:s5], $0x800  }
0x13a: {  	[sflag:s5] =	ssyncset.done $0x0  }
0x13b: {  	s21 =	sadd.s32 $0x2B00, s4;
	[sflag:s5] =	ssyncadd.s32 $0xFFFFF800  }
0x13c: {  	[spmem:s3] =	stream.indirect.scatter.add.f32 [tilespmem:s29], [sflag:$0xF], $0x10, s21, s25, $0xb8;
	[tilespmem:$0x13500] =	vst v63  }
0x13d: {  	_ =	swait.ge [sflag:s17], $0x800  }
0x13e: {  	[sflag:s17] =	ssyncset.done $0x0  }
0x13f: {  	s21 =	sadd.s32 $0x500, s4;
	[sflag:s17] =	ssyncadd.s32 $0xFFFFF800  }
0x140: {  	[tilespmem:s30], [sflag:$0x3] =	stream.indirect.gather [spmem:s2], $0x10, s21, s25, $0xb8;
	[tilespmem:$0x13500] =	vst v63  }
0x141: {  	_ =	swait.ge [sflag:s6], $0x800  }
0x142: {  	[sflag:s6] =	ssyncset.done $0x0  }
0x143: {  	s21 =	sadd.s32 $0x2B80, s4;
	[sflag:s6] =	ssyncadd.s32 $0xFFFFF800  }
0x144: {  	[spmem:s3] =	stream.indirect.scatter.add.f32 [tilespmem:s15], [sflag:$0x10], $0x10, s21, s25, $0xb8;
	[tilespmem:$0x13500] =	vst v63  }
0x145: {  	_ =	swait.ge [sflag:s7], $0x800  }
0x146: {  	[sflag:s7] =	ssyncset.done $0x0  }
0x147: {  	s21 =	sadd.s32 $0x580, s4;
	[sflag:s7] =	ssyncadd.s32 $0xFFFFF800  }
0x148: {  	[tilespmem:s1], [sflag:$0x4] =	stream.indirect.gather [spmem:s2], $0x10, s21, s25, $0xb8;
	[tilespmem:$0x13500] =	vst v63  }
0x149: {  	_ =	swait.ge [sflag:s18], $0x800  }
0x14a: {  	[sflag:s18] =	ssyncset.done $0x0  }
0x14b: {  	s21 =	sadd.s32 $0x2C00, s4;
	[sflag:s18] =	ssyncadd.s32 $0xFFFFF800  }
0x14c: {  	[spmem:s3] =	stream.indirect.scatter.add.f32 [tilespmem:s26], [sflag:$0x9], $0x10, s21, s25, $0xb8;
	[tilespmem:$0x13500] =	vst v63  }
0x14d: {  	_ =	swait.ge [sflag:s8], $0x800  }
0x14e: {  	[sflag:s8] =	ssyncset.done $0x0  }
0x14f: {  	s21 =	sadd.s32 $0x600, s4;
	[sflag:s8] =	ssyncadd.s32 $0xFFFFF800  }
0x150: {  	[tilespmem:s16], [sflag:$0x5] =	stream.indirect.gather [spmem:s2], $0x10, s21, s25, $0xb8;
	[tilespmem:$0x13500] =	vst v63  }
0x151: {  	_ =	swait.ge [sflag:s19], $0x800  }
0x152: {  	[sflag:s19] =	ssyncset.done $0x0  }
0x153: {  	s21 =	sadd.s32 $0x2C80, s4;
	[sflag:s19] =	ssyncadd.s32 $0xFFFFF800  }
0x154: {  	[spmem:s3] =	stream.indirect.scatter.add.f32 [tilespmem:s28], [sflag:$0xA], $0x10, s21, s25, $0xb8;
	[tilespmem:$0x13500] =	vst v63  }
0x155: {  	_ =	swait.ge [sflag:s9], $0x800  }
0x156: {  	[sflag:s9] =	ssyncset.done $0x0  }
0x157: {  	s21 =	sadd.s32 $0x680, s4;
	[sflag:s9] =	ssyncadd.s32 $0xFFFFF800  }
0x158: {  	[tilespmem:s31], [sflag:$0x6] =	stream.indirect.gather [spmem:s2], $0x10, s21, s25, $0xb8;
	[tilespmem:$0x13500] =	vst v63  }
0x159: {  	_ =	swait.ge [sflag:s20], $0x800  }
0x15a: {  	[sflag:s20] =	ssyncset.done $0x0  }
0x15b: {  	s21 =	sadd.s32 $0x2D00, s4;
	[sflag:s20] =	ssyncadd.s32 $0xFFFFF800  }
0x15c: {  	[spmem:s3] =	stream.indirect.scatter.add.f32 [tilespmem:s30], [sflag:$0xB], $0x10, s21, s25, $0xb8;
	[tilespmem:$0x13500] =	vst v63  }
0x15d: {  	_ =	swait.ge [sflag:s10], $0x800  }
0x15e: {  	[sflag:s10] =	ssyncset.done $0x0  }
0x15f: {  	s21 =	sadd.s32 $0x700, s4;
	[sflag:s10] =	ssyncadd.s32 $0xFFFFF800  }
0x160: {  	[tilespmem:s29], [sflag:$0x7] =	stream.indirect.gather [spmem:s2], $0x10, s21, s25, $0xb8;
	[tilespmem:$0x13500] =	vst v63  }
0x161: {  	_ =	swait.ge [sflag:s23], $0x800  }
0x162: {  	[sflag:s23] =	ssyncset.done $0x0  }
.Ltmp2:
0x163: {  	s21 =	sadd.s32 $0x2D80, s4;
	[sflag:s23] =	ssyncadd.s32 $0xFFFFF800;
	(pc) =	sbr.rel @p0 .LBB2_6-.Ltmp2, $4  }
0x164: {  	[spmem:s3] =	stream.indirect.scatter.add.f32 [tilespmem:s1], [sflag:$0xC], $0x10, s21, s25, $0xb8;
	[tilespmem:$0x13500] =	vst v63  }
0x165: {  	_ =	swait.ge [sflag:s12], $0x800  }
0x166: {  	[sflag:s12] =	ssyncset.done $0x0  }
0x167: {  	s4 =	sadd.s32 $0x780, s4;
	[sflag:s12] =	ssyncadd.s32 $0xFFFFF800  }
0x168: {  	[tilespmem:s15], [sflag:$0x8] =	stream.indirect.gather [spmem:s2], $0x10, s4, s25, $0xb8;
	[tilespmem:$0x13500] =	vst v63  }
0x169: {  	_ =	swait.ge [sflag:s24], $0x800  }
0x16a: {  	[sflag:s24] =	ssyncset.done $0x0  }
0x16b: {  	s11 =	simm.s32 $0x4E00;
	[sflag:s24] =	ssyncadd.s32 $0xFFFFF800  }
0x16c: {  	[spmem:s3] =	stream.indirect.scatter.add.f32 [tilespmem:s16], [sflag:$0xD], $0x10, s11, s25, $0xb8;
	[tilespmem:$0x13500] =	vst v63  }
0x16d: {  	_ =	swait.ge [sflag:s0], $0x800  }
0x16e: {  	[sflag:s0] =	ssyncset.done $0x0  }
0x16f: {  	s21 =	simm.s32 $0x4E80;
	[sflag:s0] =	ssyncadd.s32 $0xFFFFF800  }
0x170: {  	[spmem:s3] =	stream.indirect.scatter.add.f32 [tilespmem:s31], [sflag:$0xE], $0x10, s21, s25, $0xb8;
	[tilespmem:$0x13500] =	vst v63  }
0x171: {  	_ =	swait.ge [sflag:s5], $0x800  }
0x172: {  	[sflag:s5] =	ssyncset.done $0x0  }
0x173: {  	s11 =	simm.s32 $0x4F00;
	[sflag:s5] =	ssyncadd.s32 $0xFFFFF800  }
0x174: {  	[spmem:s3] =	stream.indirect.scatter.add.f32 [tilespmem:s29], [sflag:$0xF], $0x10, s11, s25, $0xb8;
	[tilespmem:$0x13500] =	vst v63  }
0x175: {  	_ =	swait.ge [sflag:s6], $0x800  }
0x176: {  	[sflag:s6] =	ssyncset.done $0x0  }
0x177: {  	s21 =	simm.s32 $0x4F80;
	[sflag:s6] =	ssyncadd.s32 $0xFFFFF800  }
0x178: {  	[spmem:s3] =	stream.indirect.scatter.add.f32 [tilespmem:s15], [sflag:$0x10], $0x10, s21, s25, $0xb8;
	[tilespmem:$0x13500] =	vst v63  }
0x179: {  	_ =	swait.ge [sflag:s22], $0x800  }
0x17a: {  	[sflag:s22] =	ssyncset.done $0x0  }
0x17b: {  	[sflag:s22] =	ssyncadd.s32 $0xFFFFF800  }
0x17c: {  	_ =	swait.ge [sflag:s14], $0x800  }
0x17d: {  	[sflag:s14] =	ssyncset.done $0x0  }
0x17e: {  	[sflag:s14] =	ssyncadd.s32 $0xFFFFF800  }
0x17f: {  	_ =	swait.ge [sflag:s17], $0x800  }
0x180: {  	[sflag:s17] =	ssyncset.done $0x0  }
0x181: {  	[sflag:s17] =	ssyncadd.s32 $0xFFFFF800  }
0x182: {  	_ =	swait.ge [sflag:s7], $0x800  }
0x183: {  	[sflag:s7] =	ssyncset.done $0x0  }
0x184: {  	[sflag:s7] =	ssyncadd.s32 $0xFFFFF800  }
0x185: {  	_ =	swait.ge [sflag:s8], $0x800  }
0x186: {  	[sflag:s8] =	ssyncset.done $0x0  }
0x187: {  	[sflag:s8] =	ssyncadd.s32 $0xFFFFF800  }
0x188: {  	_ =	swait.ge [sflag:s9], $0x800  }
0x189: {  	[sflag:s9] =	ssyncset.done $0x0  }
0x18a: {  	[sflag:s9] =	ssyncadd.s32 $0xFFFFF800  }
0x18b: {  	_ =	swait.ge [sflag:s10], $0x800  }
0x18c: {  	[sflag:s10] =	ssyncset.done $0x0  }
0x18d: {  	[sflag:s10] =	ssyncadd.s32 $0xFFFFF800  }
0x18e: {  	_ =	swait.ge [sflag:s12], $0x800  }
0x18f: {  	[sflag:s12] =	ssyncset.done $0x0  }
0x190: {  	[sflag:s12] =	ssyncadd.s32 $0xFFFFF800  }
0x191: {  	s11 =	stileid.u32;
	[bflag:$0x0] =	sbarrier.arrive $0xFFFF  }
0x192: {  	s4 =	sshll.u32 s11, $0x6;
	s11 =	rddreg [dreg:$0xb]  }
0x193: {  	s4 =	sor.u32 $0x1C11, s4;
	s21 =	rddreg [dreg:$0xc];
	s11 =	sshrl.u32 s11, $0x3  }
0x194: {  	[hbm:s21], [sflag:s4] =	dma.local [spmem:s11], $0x500  }
0x195: {  	s11 =	simm.s32 $0x11  }
0x196: {  	_ =	swait.ge [sflag:s11], $0x500  }
0x197: {  	s13 =	sadd.s32 $0x1, s13;
	s21 =	rddreg [dreg:$0xd]  }
0x198: {  	p0 =	sne.s32 s13, s21  }
.Ltmp3:
0x199: {  	_ = 	snop;
	(pc) =	sbr.rel @p0 .LBB2_1-.Ltmp3, $3  }
0x19a: {  	_ =	sdelay $0x1  }
0x19b: {  	[sflag:s11] =	ssyncset.done $0x0  }
0x19c: {  	[sflag:s11] =	ssyncadd.s32 $0xFFFFFB00  }
0x19d: {  	_ =	sfence.sel $0x180000  }
0x19e: {  	[bflag:$0x0] =	sbarrier.arrive $0xFFFF  }
0x19f: {  	_ =	strace $0x9000004A  }
0x1a0: {  	s0 =	stileid.u32;
	[bflag:$0x2] =	sbarrier.arrive $0xFFFF  }
0x1a1: {  	p0 =	sne.s32 s0, $0x0;
	s0 =	rddreg [dreg:$0x4]  }
0x1a2: {  	s0 =	sadd.s32 @!p0 $0x100000, s0  }
0x1a3: {  	[sflag:s0] =	ssyncadd.tile.s32 @!p0 $0x1;
	_ =	shalt  }
.Lfunc_end2:
_tile_overlayer_lowered:
.L_overlay_start_2:
0x1a4: {  	(tag) =	ssettag $0x2  }
0x1a5: {  	s0 =	rddreg [dreg:$0x0];
	s2 =	stileid.u32  }
0x1a6: {  	s1 =	rddreg [dreg:$0x1];
	p0 =	sne.s32 s2, $0x0  }
0x1a7: {  	s3 =	rddreg [dreg:$0x2];
	[bflag:$0x3] =	sbarrier.arrive $0xFFFF;
	s2 =	simm.s32 @!p0 $0x1C11  }
0x1a8: {  	[timem:s3], [sflag:s2] =	dma.local @!p0 [hbm:s0], s1  }
0x1a9: {  	s0 =	simm.s32 @!p0 $0x11  }
0x1aa: {  	_ =	swait.ge @!p0 [sflag:s0], s1  }
0x1ab: {  	s1 =	ssub.s32 @!p0 $0x0, s1;
	[sflag:s0] =	ssyncset.done @!p0 $0x0  }
0x1ac: {  	[sflag:s0] =	ssyncadd.s32 @!p0 s1  }
0x1ad: {  	[bflag:$0x3] =	sbarrier.arrive $0xFFFF  }
0x1ae: {  	_ =	shalt  }

// kernel: kernel.13.cloned.1.call-start
scs
__scs_entry_jumppad:
0x0: {  	(pc) =	sbr.rel $0x88, $3  }
0x1: {  	(tag) =	ssettag $0x0;
	lr =	simm.s32 $0x1  }
0x2: {  	[smem:$0x3F9B] =	sst lr;
	_ =	strace $0xD0000000  }
0x3: {  	_ = 	snop  }
0x4: {  	_ = 	snop  }
0x5: {  	_ = 	snop  }
0x6: {  	_ = 	snop  }
0x7: {  	_ = 	snop  }
__scs_overlays_trampoline_lowered:
0x8: {  	[smem:$0x3FAA] =	sst s0  }
0x9: {  	[smem:$0x3FAB] =	sst s1  }
0xa: {  	[smem:$0x3FAC] =	sst s2  }
0xb: {  	[smem:$0x3FAD] =	sst s3  }
0xc: {  	[smem:$0x3FAE] =	sst s4  }
0xd: {  	[smem:$0x3FAF] =	sst s5  }
0xe: {  	[smem:$0x3FB0] =	sst s6  }
0xf: {  	[smem:$0x3FB1] =	sst s7  }
0x10: {  	[smem:$0x3FB2] =	sst s8  }
0x11: {  	[smem:$0x3FB3] =	sst s9;
	s0 =	simm.s32 @!p0 $0x0  }
0x12: {  	s1 =	sld [smem:$0x3F99];
	s0 =	simm.s32 @p0 $0x1  }
0x13: {  	[smem:$0x3FB4] =	sst s0;
	s0 =	simm.s32 @!p1 $0x0  }
0x14: {  	s2 =	sld [smem:$0x3F98];
	s0 =	simm.s32 @p1 $0x1  }
0x15: {  	[smem:$0x3FB5] =	sst s0;
	s0 =	simm.s32 @!p2 $0x0  }
0x16: {  	s3 =	sld [smem:$0x3FDB];
	s0 =	simm.s32 @p2 $0x1  }
0x17: {  	s4 =	simm.s32 $0x1BF5;
	[smem:$0x3FB7] =	sst s0  }
0x18: {  	s0 =	sld [smem:$0x3F9A];
	_ =	swait.ge [sflag:s4], $0x0  }
0x19: {  	s7 =	sld [smem:$0x3F9B]  }
0x1a: {  	s8 =	sadd.s32 $0xFFFFE003, lr  }
0x1b: {  	s9 =	sadd.s32 $0xFFFFFEF7, lr;
	s5 =	simm.s32 $0xFFFFFFFF;
	p2 =	slt.u32 s8, $0xFFFFF086  }
0x1c: {  	p1 =	slt.u32 s9, $0xF7A;
	s5 =	simm.s32 @!p2 $0x0  }
0x1d: {  	s5 =	simm.s32 @p1 $0x1;
	p0 =	seq.s32 s7, s2  }
0x1e: {  	s7 =	smul.u32 @!p0 $0xF7A, s2;
	p2 =	seq.s32 @!p0 s5, $0x0  }
0x1f: {  	s9 =	smul.u32 $0xF7A, s1;
	s8 =	simm.s32 @!p0 $0x1BF5;
	p2 =	por !p2, p0  }
0x20: {  	[sflag:s8] =	ssyncset.s32 @!p0 $0xFFFFF086;
	s6 =	sadd.s32 @!p0 s3, s7;
	s7 =	simm.s32 @!p0 $0x108  }
0x21: {  	s3 =	sadd.s32 s3, s9;
	s6 =	sadd.s32 @!p0 $0x88, s6;
	s7 =	simm.s32 @p2 $0x1082  }
0x22: {  	[simem:s7], [sflag:s8] =	dma.local @!p0 [hbm:s6], $0xF7A  }
0x23: {  	s9 =	sor.u32 $0xD0000000, s2;
	s6 =	simm.s32 $0x108;
	_ =	swait.ge @!p0 [sflag:s8], $0x0  }
0x24: {  	s3 =	sadd.s32 $0x88, s3;
	s6 =	simm.s32 @!p1 $0x1082;
	[sflag:s4] =	ssyncset.s32 $0xFFFFF086  }
0x25: {  	[simem:s6], [sflag:s4] =	dma.local [hbm:s3], $0xF7A  }
0x26: {  	[smem:$0x3F9B] =	sst s1;
	(tag) =	ssettag s2;
	_ =	strace s9  }
0x27: {  	s1 =	sld [smem:$0x3FAB]  }
0x28: {  	s2 =	sld [smem:$0x3FAC]  }
0x29: {  	s4 =	sld [smem:$0x3FAE]  }
0x2a: {  	p0 =	seq.s32 s5, $0x0;
	s5 =	sld [smem:$0x3FAF]  }
0x2b: {  	s6 =	sld [smem:$0x3FB0]  }
0x2c: {  	s7 =	sld [smem:$0x3FB1]  }
0x2d: {  	s3 =	simm.s32 $0x108;
	s8 =	sld [smem:$0x3FB2]  }
0x2e: {  	s3 =	simm.s32 @!p0 $0x1082;
	s9 =	sld [smem:$0x3FB3]  }
0x2f: {  	lr =	sadd.s32 s0, s3;
	s0 =	sld [smem:$0x3FAA]  }
0x30: {  	s3 =	sld [smem:$0x3FAD]  }
0x31: {  	[smem:$0x3FB6] =	sst s10  }
0x32: {  	s10 =	sld [smem:$0x3FB4];
	_ =	sdelay $0x3  }
0x33: {  	p0 =	seq.s32 s10, $0x1;
	s10 =	sld [smem:$0x3FB6];
	_ =	sdelay $0x3  }
0x34: {  	[smem:$0x3FB6] =	sst s10  }
0x35: {  	s10 =	sld [smem:$0x3FB5];
	_ =	sdelay $0x3  }
0x36: {  	p1 =	seq.s32 s10, $0x1;
	s10 =	sld [smem:$0x3FB6];
	_ =	sdelay $0x3  }
0x37: {  	[smem:$0x3FB6] =	sst s10  }
0x38: {  	s10 =	sld [smem:$0x3FB7]  }
0x39: {  	_ = 	snop;
	(pc) =	sbr.ind lr, $3  }
0x3a: {  	_ = 	snop  }
0x3b: {  	_ = 	snop  }
0x3c: {  	p2 =	seq.s32 s10, $0x1;
	s10 =	sld [smem:$0x3FB6]  }
0x3d: {  	_ =	shalt  }
0x3e: {  	_ =	shalt  }
0x3f: {  	_ =	shalt  }
0x40: {  	_ =	shalt  }
0x41: {  	_ =	shalt  }
0x42: {  	_ =	shalt  }
0x43: {  	_ =	shalt  }
0x44: {  	_ =	shalt  }
0x45: {  	_ =	shalt  }
0x46: {  	_ =	shalt  }
0x47: {  	_ =	shalt  }
0x48: {  	_ =	shalt  }
0x49: {  	_ =	shalt  }
0x4a: {  	_ =	shalt  }
0x4b: {  	_ =	shalt  }
0x4c: {  	_ =	shalt  }
0x4d: {  	_ =	shalt  }
0x4e: {  	_ =	shalt  }
0x4f: {  	_ =	shalt  }
0x50: {  	_ =	shalt  }
0x51: {  	_ =	shalt  }
0x52: {  	_ =	shalt  }
0x53: {  	_ =	shalt  }
0x54: {  	_ =	shalt  }
0x55: {  	_ =	shalt  }
0x56: {  	_ =	shalt  }
0x57: {  	_ =	shalt  }
0x58: {  	_ =	shalt  }
0x59: {  	_ =	shalt  }
0x5a: {  	_ =	shalt  }
0x5b: {  	_ =	shalt  }
0x5c: {  	_ =	shalt  }
0x5d: {  	_ =	shalt  }
0x5e: {  	_ =	shalt  }
0x5f: {  	_ =	shalt  }
0x60: {  	_ =	shalt  }
0x61: {  	_ =	shalt  }
0x62: {  	_ =	shalt  }
0x63: {  	_ =	shalt  }
0x64: {  	_ =	shalt  }
0x65: {  	_ =	shalt  }
0x66: {  	_ =	shalt  }
0x67: {  	_ =	shalt  }
0x68: {  	_ =	shalt  }
0x69: {  	_ =	shalt  }
0x6a: {  	_ =	shalt  }
0x6b: {  	_ =	shalt  }
0x6c: {  	_ =	shalt  }
0x6d: {  	_ =	shalt  }
0x6e: {  	_ =	shalt  }
0x6f: {  	_ =	shalt  }
0x70: {  	_ =	shalt  }
0x71: {  	_ =	shalt  }
0x72: {  	_ =	shalt  }
0x73: {  	_ =	shalt  }
0x74: {  	_ =	shalt  }
0x75: {  	_ =	shalt  }
0x76: {  	_ =	shalt  }
0x77: {  	_ =	shalt  }
0x78: {  	_ =	shalt  }
0x79: {  	_ =	shalt  }
0x7a: {  	_ =	shalt  }
0x7b: {  	_ =	shalt  }
0x7c: {  	_ =	shalt  }
0x7d: {  	_ =	shalt  }
0x7e: {  	_ =	shalt  }
0x7f: {  	_ =	shalt  }
0x80: {  	_ =	shalt  }
0x81: {  	_ =	shalt  }
0x82: {  	_ =	shalt  }
0x83: {  	_ =	shalt  }
0x84: {  	_ =	shalt  }
0x85: {  	_ =	shalt  }
0x86: {  	_ =	shalt  }
0x87: {  	_ =	shalt  }
.Lfunc_end0:
.L_simem_size_0:
called_computation.2_lowered:
.L_overlay_start_0:
0x88: {  	s2 =	sld [smem:$0x3FD9]  }
0x89: {  	s3 =	sld [smem:$0x3FFE];
	_ =	sdelay $0x1  }
0x8a: {  	s1 =	srdreg.scid  }
0x8b: {  	s0 =	sand.u32 $0x1, s1  }
0x8c: {  	s17 =	sshll.u32 s0, $0xA;
	s2 =	sadd.s32 s3, s2  }
0x8d: {  	s2 =	sadd.s32 s2, s17  }
0x8e: {  	[smem:$0x3FC2] =	sst s2  }
0x8f: {  	_ = 	snop  }
0x90: {  	s2 =	sld [smem:$0x3FC6]  }
0x91: {  	s18 =	sld [smem:$0x3FD0];
	(tm) =	ssettm $0x1  }
0x92: {  	s4 =	sld [smem:$0x3FFB];
	_ =	sdelay $0x3  }
0x93: {  	_ =	strace s4  }
0x94: {  	s4 =	sld [smem:$0x3FFC];
	_ =	sdelay $0x3  }
0x95: {  	_ =	strace s4  }
0x96: {  	s4 =	sld [smem:$0x3FFD];
	_ =	sdelay $0x3  }
0x97: {  	_ =	strace s4  }
0x98: {  	_ =	strace $0x8FFFFFFF  }
0x99: {  	s19 =	sld [smem:$0x3FDB];
	_ =	sdelay $0x1  }
0x9a: {  	s5 =	simm.s32 $_scs_section_size  }
0x9b: {  	s6 =	simm.s32 $_size__tile_overlayer_lowered;
	s7 =	simm.s32 $_tile_overlayer_lowered  }
0x9c: {  	s22 =	simm.s32 $0x1BFF;
	s21 =	sshll.u32 s7, $0x1;
	s4 =	sadd.s32 s5, s19  }
0x9d: {  	s8 =	simm.s32 $0x0;
	s20 =	sshll.u32 s6, $0x1;
	s6 =	sadd.s32 s21, s4  }
0x9e: {  	[timem:s8], [sflag:s22] =	dma.local [hbm:s6], s20  }
0x9f: {  	_ =	swait.ge [sflag:s22], s20  }
0xa0: {  	s5 =	ssub.s32 $0x0, s20;
	[sflag:s22] =	ssyncset.done $0x0  }
0xa1: {  	[sflag:s22] =	ssyncadd.s32 s5;
	_ =	sdelay $0x1  }
0xa2: {  	s23 =	simm.s32 $0x1B8B  }
0xa3: {  	_ =	swait.ge [sflag:s23], $0x1  }
0xa4: {  	[sflag:s23] =	ssyncset.done $0x0  }
0xa5: {  	s25 =	simm.s32 $0x1B8E;
	s24 =	sld [smem:$0x3FFE];
	[sflag:s23] =	ssyncadd.s32 $0xFFFFFFFF  }
0xa6: {  	s26 =	simm.s32 $execute0_lowered;
	[smem:$0x3FD2] =	sst s25  }
0xa7: {  	s6 =	sshll.u32 s26, $0x1;
	_ =	strace $0x8000004C;
	[dreg:$0x1] =	wrdreg $0xFFFFFFFF  }
0xa8: {  	s28 =	simm.s32 $_size_execute0_lowered;
	s4 =	sadd.s32 s4, s6;
	[dreg:$0x0] =	wrdreg $0x0  }
0xa9: {  	s6 =	sshll.u32 s28, $0x1;
	[dreg:$0x2] =	wrdreg s4  }
0xaa: {  	[dreg:$0x3] =	wrdreg s6  }
0xab: {  	[dreg:$0x4] =	wrdreg $0xC0  }
0xac: {  	_ =	task [dreg:s8], $0x5FFFF  }
0xad: {  	[dreg:$0x1] =	wrdreg $0xFFFFFFFF  }
0xae: {  	[dreg:$0x0] =	wrdreg $0x60  }
0xaf: {  	[dreg:$0x2] =	wrdreg s18  }
0xb0: {  	[dreg:$0x3] =	wrdreg s24  }
0xb1: {  	[dreg:$0x4] =	wrdreg s2  }
0xb2: {  	[dreg:$0x5] =	wrdreg $0x11D100  }
0xb3: {  	[dreg:$0x6] =	wrdreg $0xF5100  }
0xb4: {  	[dreg:$0x7] =	wrdreg $0x9  }
0xb5: {  	_ =	task.clear_ibuf [dreg:s8], $0x8FFFF;
	_ =	strace $0x9000004C  }
0xb6: {  	s29 =	simm.s32 $0x9;
	_ =	strace $0x8000004E  }
0xb7: {  	_ =	swait.ge [sflag:s29], $0x1  }
0xb8: {  	[sflag:s29] =	ssyncadd.s32 $0xFFFFFFFF  }
0xb9: {  	_ =	strace $0x9000004E  }
0xba: {  	_ =	sfence  }
0xbb: {  	s30 =	sld [smem:$0x0];
	_ =	sdelay $0x2  }
0xbc: {  	s31 =	sshll.u32 s1, $0xD;
	s1 =	sshrl.u32 s1, $0x2  }
0xbd: {  	s3 =	sand.u32 $0x4000, s31;
	s1 =	sadd.s32 s1, s30  }
0xbe: {  	s0 =	sor.u32 s3, s0;
	s1 =	sshll.u32 s1, $0x11  }
0xbf: {  	s0 =	sor.u32 s1, s0  }
0xc0: {  	s0 =	sadd.s32 $0x8F2B, s0  }
0xc1: {  	[sflag:s0] =	ssyncadd.remote.s32 $0x1  }
0xc2: {  	_ =	sfence.sel $0xFFFF  }
0xc3: {  	[dreg:$0x0] =	wrdreg $0xFFFFFFFF;
	(pc) =	sbr.abs _section_cstart, $3  }
0xc4: {  	[dreg:$0x1] =	wrdreg $0xFFFFFFFF  }
0xc5: {  	_ =	task.clear_ibuf [dreg:s8], $0x2FFFF;
	_ =	strace $0x9FFFFFFF  }
0xc6: {  	(tm) =	ssettm $0x7FFFFFFF  }
0xc7: {  	_ =	shalt  }
tec
execute0_lowered:
.L_overlay_start_1:
0x0: {  	(tag) =	ssettag $0x1  }
0x1: {  	s0 =	rddreg [dreg:$0x0]  }
0x2: {  	s1 =	srdreg.scid;
	s7 =	stileid.u32  }
0x3: {  	s2 =	rddreg [dreg:$0x1];
	s8 =	simm.s32 $0x0;
	s28 =	simm.s32 $0x5  }
0x4: {  	s29 =	simm.s32 $0x6;
	s31 =	simm.s32 $0x15510;
	s12 =	simm.s32 $0xD  }
0x5: {  	s13 =	simm.s32 $0xE;
	s14 =	simm.s32 $0xF;
	s1 =	sand.u32 $0x1, s1  }
0x6: {  	s3 =	sshll.u32 s7, $0x1;
	s6 =	smul.u32 $0x280, s7;
	[smem:$0x7FF] =	sst s8  }
0x7: {  	s7 =	smul.u32 $0x2800, s7;
	s4 =	sor.u32 s1, s3;
	s3 =	rddreg [dreg:$0x3]  }
0x8: {  	s16 =	smul.u32 $0x28000, s1;
	s11 =	ssub.s32 $0x2, s1;
	p0 =	sne.s32 s1, $0x0  }
0x9: {  	s1 =	simm.s32 $0x7;
	s5 =	smul.u32 $0x500, s4;
	s4 =	rddreg [dreg:$0x4]  }
0xa: {  	_ =	strace $0x8000004D;
	s6 =	sshrl.u32 s6, $0x3;
	s10 =	sshrl.u32 s7, $0x3  }
0xb: {  	s17 =	sshrl.u32 s11, $0x1;
	s23 =	sadd.s32 s7, s3;
	s6 =	sadd.s32 s6, s2  }
0xc: {  	s8 =	sadd.s32 s7, s16;
	[dreg:$0xd] =	wrdreg s23;
	s30 =	sadd.s32 s7, s4  }
0xd: {  	s23 =	simm.s32 $0x1;
	s7 =	simm.s32 $0x17510;
	s16 =	simm.s32 $0x10  }
0xe: {  	s9 =	sadd.s32 s5, s2;
	s21 =	sadd.s32 $0xBA00, s6;
	[dreg:$0xf] =	wrdreg s30  }
0xf: {  	s8 =	sshrl.u32 s8, $0x3;
	s6 =	sadd.s32 $0xBF00, s6;
	[dreg:$0x9] =	wrdreg s21  }
0x10: {  	s0 =	sadd.s32 s0, s5;
	s8 =	sadd.s32 s8, s2;
	[dreg:$0xa] =	wrdreg s6  }
0x11: {  	s2 =	sadd.s32 s10, s2;
	s10 =	ssub.s32 s11, s17;
	[dreg:$0xb] =	wrdreg s0  }
0x12: {  	s22 =	sadd.s32 $0x1A00, s9;
	s21 =	simm.s32 $0x14D10;
	s0 =	simm.s32 $0x15D10  }
0x13: {  	s6 =	simm.s32 $0x16510;
	s18 =	sadd.s32 $0xC400, s2;
	[dreg:$0xc] =	wrdreg s22  }
0x14: {  	s9 =	simm.s32 $0x9;
	s19 =	sadd.s32 $0x11400, s2;
	[dreg:$0x6] =	wrdreg s18  }
0x15: {  	s11 =	simm.s32 $0xC;
	s20 =	sadd.s32 $0x16400, s2;
	[dreg:$0x7] =	wrdreg s19  }
0x16: {  	v0 =	vimm.s32 $0x1;
	v1 =	vimm.s32 $0x0;
	s17 =	simm.s32 $0x0;
	s24 =	sadd.s32 $0x1B400, s2;
	[dreg:$0x8] =	wrdreg s20  }
0x17: {  	v2 =	vimm.s32 $0x2;
	v3 =	vimm.s32 $0x3;
	v4 =	vimm.s32 $0x4;
	s25 =	sadd.s32 $0x20400, s8;
	s26 =	smax.u32 s10, $0x1;
	[dreg:$0xe] =	wrdreg s24  }
0x18: {  	v5 =	vimm.s32 $0x5;
	v6 =	vimm.s32 $0x6;
	v7 =	vimm.s32 $0x7;
	s2 =	simm.s32 $0x8;
	s8 =	simm.s32 $0x17D10;
	[dreg:$0x10] =	wrdreg s25  }
0x19: {  	v8 =	vimm.s32 $0x8;
	v9 =	vimm.s32 $0x9;
	v10 =	vimm.s32 $0xA;
	s10 =	simm.s32 $0xA;
	s22 =	simm.s32 $0xB;
	[dreg:$0x11] =	wrdreg s26  }
0x1a: {  	v11 =	vimm.s32 $0xB;
	v12 =	vimm.s32 $0xC;
	v13 =	vimm.s32 $0xD;
	s24 =	simm.s32 $0x2;
	s25 =	simm.s32 $0x3;
	s26 =	simm.s32 $0x4  }
0x1b: {  	v14 =	vimm.s32 $0xE;
	v15 =	vimm.s32 $0xF;
	v16 =	vimm.f32 $0.0e+00;
	s19 =	simm.s32 $0x80;
	s20 =	simm.s32 $0x14510;
	s18 =	simm.s32 $0x16D10  }
.LBB2_1:
0x1c: {  	[dreg:$0x12] =	wrdreg s17  }
0x1d: {  	s30 =	simm.s32 $0x0;
	s5 =	rddreg [dreg:$0x6];
	s15 =	simm.s32 $0x5000  }
0x1e: {  	[tilespmem:s15], [sflag:$0x1] =	stream.linear.gather [hbm4b:s5+s30], $0x2800, $0x38;
	[tilespmem:$0x18510] =	vst v63  }
0x1f: {  	s17 =	simm.s32 $0xA000;
	s15 =	rddreg [dreg:$0x7]  }
0x20: {  	[tilespmem:s17], [sflag:$0x2] =	stream.linear.gather [hbm4b:s15+s30], $0x2800, $0x38;
	[tilespmem:$0x18510] =	vst v63  }
0x21: {  	s15 =	rddreg [dreg:$0x8];
	s17 =	simm.s32 $0xC800  }
0x22: {  	[tilespmem:s17], [sflag:$0x3] =	stream.linear.gather [hbm4b:s15+s30], $0x2800, $0x38;
	[tilespmem:$0x18510] =	vst v63  }
0x23: {  	s5 =	simm.s32 $0xF000;
	s17 =	rddreg [dreg:$0x9]  }
0x24: {  	[tilespmem:s5], [sflag:$0x4] =	stream.linear.gather [hbm4b:s17+s30], $0x280, $0x38;
	[tilespmem:$0x18510] =	vst v63  }
0x25: {  	s15 =	rddreg [dreg:$0xa];
	s5 =	simm.s32 $0xF280  }
0x26: {  	[tilespmem:s5], [sflag:$0x5] =	stream.linear.gather [hbm4b:s15+s30], $0x280, $0x38;
	[tilespmem:$0x18510] =	vst v63  }
0x27: {  	s17 =	rddreg [dreg:$0x2];
	s30 =	simm.s32 $0xF500;
	s15 =	simm.s32 $0x0  }
0x28: {  	[tilespmem:s30], [sflag:$0x6] =	stream.linear.gather [hbm4b:s17+s15], $0x10, $0x38;
	[tilespmem:$0x18510] =	vst v63  }
0x29: {  	s17 =	rddreg [dreg:$0xb];
	s15 =	simm.s32 $0x0  }
0x2a: {  	[tilespmem:s15], [sflag:$0x7] =	stream.linear.gather [hbm4b:s17+s15], $0x2800, $0x38;
	[tilespmem:$0x18510] =	vst v63  }
0x2b: {  	s30 =	simm.s32 $0x2800;
	s17 =	rddreg [dreg:$0xc];
	s15 =	simm.s32 $0x0  }
0x2c: {  	[tilespmem:s30], [sflag:$0x8] =	stream.linear.gather [hbm4b:s17+s15], $0x2800, $0x38;
	[tilespmem:$0x18510] =	vst v63  }
0x2d: {  	_ =	swait.ge [sflag:s23], $0x2800  }
0x2e: {  	[sflag:s23] =	ssyncset.done $0x0  }
0x2f: {  	[sflag:s23] =	ssyncadd.s32 $0xFFFFD800  }
0x30: {  	_ =	swait.ge [sflag:s24], $0x2800  }
0x31: {  	[sflag:s24] =	ssyncset.done $0x0  }
0x32: {  	[sflag:s24] =	ssyncadd.s32 $0xFFFFD800  }
0x33: {  	_ =	swait.ge [sflag:s25], $0x2800  }
0x34: {  	[sflag:s25] =	ssyncset.done $0x0  }
0x35: {  	[sflag:s25] =	ssyncadd.s32 $0xFFFFD800  }
0x36: {  	_ =	swait.ge [sflag:s26], $0x280  }
0x37: {  	[sflag:s26] =	ssyncset.done $0x0  }
0x38: {  	[sflag:s26] =	ssyncadd.s32 $0xFFFFFD80  }
0x39: {  	_ =	swait.ge [sflag:s28], $0x280  }
0x3a: {  	[sflag:s28] =	ssyncset.done $0x0  }
0x3b: {  	[sflag:s28] =	ssyncadd.s32 $0xFFFFFD80  }
0x3c: {  	_ =	swait.ge [sflag:s29], $0x10  }
0x3d: {  	[sflag:s29] =	ssyncset.done $0x0  }
0x3e: {  	[sflag:s29] =	ssyncadd.s32 $0xFFFFFFF0  }
0x3f: {  	s15 =	simm.s32 $0xF000;
	s30 =	simm.s32 $0x0;
	v17 =	vld [tilespmem:$0xF500]  }
.LBB2_2:
0x40: {  	v18 =	vld [tilespmem:s15+$0x0]  }
0x41: {  	v19 =	vld [tilespmem:s5+$0x0];
	_ =	sdelay $0x4  }
0x42: {  	v18 =	vadd.f32 v19, v18;
	_ =	sdelay $0x1  }
0x43: {  	v18 =	vadd.f32 $1.000000000e+00, v18;
	_ =	sdelay $0x1  }
0x44: {  	v19 =	vmul.f32 $5.000000000e-01, v18;
	v18 =	vshra.s32 v18, $0x1  }
0x45: {  	v18 =	vsub.s32 $0x5F3759DF, v18  }
0x46: {  	v20 =	vmul.f32 v18, v19;
	_ =	sdelay $0x1  }
0x47: {  	v20 =	vmul.f32 v18, v20;
	_ =	sdelay $0x1  }
0x48: {  	v20 =	vsub.f32 $1.500000000e+00, v20;
	_ =	sdelay $0x1  }
0x49: {  	v18 =	vmul.f32 v18, v20;
	_ =	sdelay $0x1  }
0x4a: {  	v20 =	vmul.f32 v18, v19  }
0x4b: {  	s17 =	sshra.s32 s30, $0x2  }
0x4c: {  	v45 =	vld [tilespmem:s17+$0xA000];
	v20 =	vmul.f32 v20, v18  }
0x4d: {  	v21 =	vld [tilespmem:s17+$0xC800]  }
0x4e: {  	v22 =	vld [tilespmem:s17+$0x5000];
	v20 =	vsub.f32 $1.500000000e+00, v20  }
0x4f: {  	v23 =	vld [tilespmem:s17+$0xA010]  }
0x50: {  	v24 =	vld [tilespmem:s17+$0x5010];
	v18 =	vmul.f32 v20, v18  }
0x51: {  	v26 =	vld [tilespmem:s17+$0xA020]  }
0x52: {  	v27 =	vld [tilespmem:s17+$0xC820];
	v19 =	vmul.f32 v18, v19  }
0x53: {  	v28 =	vld [tilespmem:s17+$0xA030]  }
0x54: {  	v30 =	vld [tilespmem:s17+$0xC830];
	v19 =	vmul.f32 v19, v18  }
0x55: {  	v47 =	vld [tilespmem:s17+$0x5020]  }
0x56: {  	v32 =	vld [tilespmem:s17+$0x5030];
	v19 =	vsub.f32 $1.500000000e+00, v19  }
0x57: {  	v33 =	vld [tilespmem:s17+$0xA040]  }
0x58: {  	v52 =	vld [tilespmem:s17+$0xC840];
	v18 =	vmul.f32 v19, v18  }
0x59: {  	v34 =	vld [tilespmem:s17+$0x5040]  }
0x5a: {  	v55 =	vld [tilespmem:s17+$0xA050];
	v25 =	vperm.xlane v18, v1;
	v29 =	vperm.xlane v18, v0  }
0x5b: {  	v61 =	vld [tilespmem:s17+$0xA060];
	v31 =	vperm.xlane v18, v2;
	v49 =	vperm.xlane v18, v3  }
0x5c: {  	v37 =	vld [tilespmem:s17+$0xA070];
	v20 =	vadd.f32 v21, v45;
	v59 =	vperm.xlane v18, v4;
	v63 =	vperm.xlane v18, v5  }
0x5d: {  	v45 =	vld [tilespmem:s17+$0xC870];
	v38 =	vperm.xlane v18, v6;
	v41 =	vperm.xlane v18, v7  }
0x5e: {  	v50 =	vadd.f32 v27, v26;
	v19 =	vld [tilespmem:s17+$0xC810];
	v46 =	vmul.f32 v25, v25;
	v20 =	vmul.f32 v20, v25  }
0x5f: {  	v35 =	vld [tilespmem:s17+$0xC860];
	v28 =	vadd.f32 v30, v28;
	v48 =	vmul.f32 v29, v29;
	v51 =	vmul.f32 v31, v31  }
0x60: {  	v58 =	vld [tilespmem:s17+$0xC850];
	v27 =	vadd.f32 v52, v33;
	v53 =	vmul.f32 v49, v49;
	v54 =	vmul.f32 v50, v31  }
0x61: {  	v56 =	vmul.f32 v28, v49;
	v62 =	vmul.f32 v59, v59  }
0x62: {  	v30 =	vadd.f32 v45, v37;
	v27 =	vmul.f32 v27, v59;
	v21 =	vmul.f32 v22, v46  }
0x63: {  	v60 =	vld [tilespmem:s17+$0x5050];
	v19 =	vadd.f32 v19, v23;
	v23 =	vmul.f32 v24, v48;
	v22 =	vmul.f32 v47, v51  }
0x64: {  	v36 =	vld [tilespmem:s17+$0x5060];
	v28 =	vadd.f32 v35, v61;
	v57 =	vmul.f32 v32, v53;
	v33 =	vmul.f32 v34, v62  }
0x65: {  	v24 =	vadd.f32 v58, v55;
	v46 =	vmul.f32 v63, v63;
	v48 =	vmul.f32 v38, v38  }
0x66: {  	v39 =	vld [tilespmem:s17+$0xA080];
	v19 =	vmul.f32 v19, v29;
	v20 =	vadd.f32 v21, v20;
	v22 =	vadd.f32 v22, v54  }
0x67: {  	v47 =	vld [tilespmem:s17+$0xC880];
	v28 =	vmul.f32 v28, v38;
	v26 =	vadd.f32 v57, v56;
	v27 =	vadd.f32 v33, v27  }
0x68: {  	v24 =	vmul.f32 v24, v63;
	v32 =	vmul.f32 v60, v46;
	v19 =	vadd.f32 v23, v19  }
0x69: {  	v42 =	vld [tilespmem:s17+$0x5080];
	v33 =	vmul.f32 v36, v48;
	v20 =	vadd.f32 v20, v17;
	v22 =	vadd.f32 v22, v17  }
0x6a: {  	v43 =	vld [tilespmem:s17+$0xA090];
	v36 =	vperm.xlane v18, v8;
	v26 =	vadd.f32 v26, v17;
	v27 =	vadd.f32 v27, v17  }
0x6b: {  	v50 =	vld [tilespmem:s17+$0xC890];
	v30 =	vmul.f32 v30, v41;
	v24 =	vadd.f32 v32, v24;
	v28 =	vadd.f32 v33, v28  }
0x6c: {  	v55 =	vld [tilespmem:s17+$0xC8A0];
	v52 =	vmul.f32 v36, v36;
	v19 =	vadd.f32 v19, v17;
	v51 =	vadd.f32 v47, v39  }
0x6d: {  	v54 =	vld [tilespmem:s17+$0xA0A0];
	v39 =	vperm.xlane v18, v10;
	v20 =	vmax.f32 v20, $0.0e+00;
	v22 =	vmax.f32 v22, $0.0e+00  }
0x6e: {  	v40 =	vld [tilespmem:s17+$0x5070];
	v26 =	vmax.f32 v26, $0.0e+00;
	v27 =	vmax.f32 v27, $0.0e+00;
	v35 =	vmul.f32 v42, v52  }
0x6f: {  	v24 =	vadd.f32 v24, v17;
	v25 =	vmul.f32 v20, v25;
	v31 =	vmul.f32 v22, v31  }
0x70: {  	v61 =	vld [tilespmem:s17+$0xC8B0];
	v28 =	vadd.f32 v28, v17;
	v21 =	vmul.f32 v26, v49;
	v49 =	vmul.f32 v41, v41  }
0x71: {  	v53 =	vld [tilespmem:s17+$0x5090];
	v19 =	vmax.f32 v19, $0.0e+00;
	v33 =	vmul.f32 v51, v36;
	[tilespmem:s17+$0x7800] =	vst v20;
	v20 =	vmul.f32 v27, v59  }
0x72: {  	v47 =	vld [tilespmem:s17+$0xA0C0];
	v59 =	vadd.f32 v50, v43;
	[tilespmem:s17+$0x7830] =	vst v26;
	v50 =	vadd.f32 v55, v54;
	v26 =	vperm.xlane v18, v11  }
0x73: {  	v24 =	vmax.f32 v24, $0.0e+00;
	v32 =	vmul.f32 v40, v49;
	v58 =	vadd.f32 v35, v33;
	v33 =	vld [tilespmem:s17+$0xA0B0]  }
0x74: {  	v29 =	vmul.f32 v19, v29;
	[tilespmem:s17+$0x5000] =	vst v25;
	v25 =	vmax.f32 v28, $0.0e+00;
	v62 =	vmul.f32 v24, v63;
	v63 =	vld [tilespmem:s17+$0x50B0]  }
0x75: {  	[tilespmem:s17+$0x7820] =	vst v22;
	v49 =	vld [tilespmem:s17+$0xC8C0];
	v23 =	vmul.f32 v50, v39;
	v55 =	vmul.f32 v26, v26;
	v56 =	vadd.f32 v32, v30  }
0x76: {  	v57 =	vld [tilespmem:s17+$0x50A0];
	[tilespmem:s17+$0x7810] =	vst v19;
	v34 =	vmul.f32 v25, v38;
	v30 =	vperm.xlane v18, v9;
	v28 =	vadd.f32 v58, v17  }
0x77: {  	v54 =	vld [tilespmem:s17+$0xA0D0];
	v32 =	vperm.xlane v18, v12;
	[tilespmem:s17+$0x5050] =	vst v62;
	v62 =	vperm.xlane v18, v13;
	v19 =	vadd.f32 v56, v17  }
0x78: {  	[tilespmem:s17+$0x7840] =	vst v27;
	v58 =	vld [tilespmem:s17+$0x50D0];
	v60 =	vmul.f32 v30, v30;
	v45 =	vmul.f32 v59, v30;
	v28 =	vmax.f32 v28, $0.0e+00  }
0x79: {  	[tilespmem:s17+$0x5020] =	vst v31;
	v56 =	vld [tilespmem:s17+$0xC8D0];
	v40 =	vmul.f32 v62, v62;
	v52 =	vmul.f32 v28, v36;
	v59 =	vadd.f32 v61, v33  }
0x7a: {  	v51 =	vld [tilespmem:s17+$0x50C0];
	[tilespmem:s17+$0x5030] =	vst v21;
	v27 =	vmul.f32 v63, v55;
	v61 =	vmul.f32 v32, v32;
	v38 =	vadd.f32 v49, v47  }
0x7b: {  	[tilespmem:s17+$0x5040] =	vst v20;
	v63 =	vld [tilespmem:s17+$0xC8E0];
	v19 =	vmax.f32 v19, $0.0e+00;
	v46 =	vmul.f32 v53, v60;
	v53 =	vmul.f32 v39, v39  }
0x7c: {  	[tilespmem:s17+$0x7850] =	vst v24;
	v60 =	vld [tilespmem:s17+$0xA0E0];
	v48 =	vmul.f32 v19, v41;
	v24 =	vmul.f32 v59, v26  }
0x7d: {  	[tilespmem:s17+$0x5010] =	vst v29;
	v44 =	vmul.f32 v38, v32;
	v47 =	vmul.f32 v58, v40  }
0x7e: {  	[tilespmem:s17+$0x7860] =	vst v25;
	v22 =	vadd.f32 v46, v45;
	v57 =	vmul.f32 v57, v53;
	v45 =	vadd.f32 v56, v54  }
0x7f: {  	v49 =	vld [tilespmem:s17+$0xC8F0];
	[tilespmem:s17+$0x5070] =	vst v48;
	v24 =	vadd.f32 v27, v24;
	v48 =	vperm.xlane v18, v14;
	v18 =	vperm.xlane v18, v15  }
0x80: {  	[tilespmem:s17+$0x5060] =	vst v34;
	v41 =	vld [tilespmem:s17+$0x50E0];
	v22 =	vadd.f32 v22, v17;
	v20 =	vadd.f32 v57, v23;
	v23 =	vmul.f32 v51, v61  }
0x81: {  	[tilespmem:s17+$0x5080] =	vst v52;
	v46 =	vld [tilespmem:s17+$0xA0F0];
	v25 =	vmul.f32 v45, v62;
	v50 =	vadd.f32 v63, v60;
	v52 =	vmul.f32 v48, v48  }
0x82: {  	[tilespmem:s17+$0x7880] =	vst v28;
	v51 =	vld [tilespmem:s17+$0x50F0];
	v54 =	vadd.f32 v24, v17;
	v56 =	vmul.f32 v18, v18;
	v22 =	vmax.f32 v22, $0.0e+00  }
0x83: {  	[tilespmem:s17+$0x7870] =	vst v19;
	v19 =	vadd.f32 v20, v17;
	v20 =	vadd.f32 v23, v44;
	v30 =	vmul.f32 v22, v30  }
0x84: {  	[tilespmem:s17+$0x7890] =	vst v22;
	v55 =	vmul.f32 v50, v48;
	v25 =	vadd.f32 v47, v25;
	v23 =	vmax.f32 v54, $0.0e+00  }
0x85: {  	v21 =	vmul.f32 v41, v52;
	v19 =	vmax.f32 v19, $0.0e+00;
	v20 =	vadd.f32 v20, v17;
	[tilespmem:s17+$0x78B0] =	vst v23  }
0x86: {  	v58 =	vmul.f32 v23, v26;
	v53 =	vmul.f32 v19, v39;
	[tilespmem:s17+$0x78A0] =	vst v19;
	v19 =	vadd.f32 v49, v46  }
0x87: {  	[tilespmem:s17+$0x5090] =	vst v30;
	v21 =	vadd.f32 v21, v55;
	v57 =	vmul.f32 v51, v56  }
0x88: {  	v59 =	vadd.f32 v25, v17;
	v20 =	vmax.f32 v20, $0.0e+00;
	[tilespmem:s17+$0x50B0] =	vst v58;
	v19 =	vmul.f32 v19, v18  }
0x89: {  	[tilespmem:s17+$0x50A0] =	vst v53;
	v60 =	vmul.f32 v20, v32  }
0x8a: {  	[tilespmem:s17+$0x78C0] =	vst v20;
	v61 =	vmax.f32 v59, $0.0e+00;
	v21 =	vadd.f32 v21, v17;
	v19 =	vadd.f32 v57, v19  }
0x8b: {  	v62 =	vmul.f32 v61, v62;
	[tilespmem:s17+$0x78D0] =	vst v61  }
0x8c: {  	p1 =	sne.s32 s30, $0x9C00;
	[tilespmem:s17+$0x50C0] =	vst v60;
	v63 =	vmax.f32 v21, $0.0e+00;
	v19 =	vadd.f32 v19, v17  }
.Ltmp0:
0x8d: {  	[tilespmem:s17+$0x50D0] =	vst v62;
	v21 =	vmul.f32 v63, v48;
	(pc) =	sbr.rel @p1 .LBB2_2-.Ltmp0, $4  }
0x8e: {  	[tilespmem:s17+$0x78E0] =	vst v63;
	v19 =	vmax.f32 v19, $0.0e+00  }
0x8f: {  	[tilespmem:s17+$0x50E0] =	vst v21;
	v18 =	vmul.f32 v19, v18  }
0x90: {  	[tilespmem:s17+$0x78F0] =	vst v19  }
0x91: {  	s5 =	sadd.s32 $0x10, s5;
	s15 =	sadd.s32 $0x10, s15;
	s30 =	sadd.s32 $0x400, s30;
	[tilespmem:s17+$0x50F0] =	vst v18  }
0x92: {  	s5 =	rddreg [dreg:$0xd];
	s15 =	simm.s32 $0x5000;
	s30 =	simm.s32 $0x11  }
0x93: {  	[spmem:s5] =	stream.linear.scatter [tilespmem:s15], [sflag:$0x11], $0x2800, $0x38;
	[tilespmem:$0x18510] =	vst v63  }
0x94: {  	_ =	swait.ge [sflag:s30], $0x2800  }
0x95: {  	s5 =	simm.s32 @!p0 $0x0;
	[sflag:s30] =	ssyncset.done $0x0  }
0x96: {  	s15 =	simm.s32 @!p0 $0x7800;
	s17 =	rddreg [dreg:$0xe];
	[sflag:s30] =	ssyncadd.s32 $0xFFFFD800  }
0x97: {  	[hbm4b:s17+s5] =	stream.linear.scatter @!p0 [tilespmem:s15], [sflag:$0x11], $0x2800, $0x38;
	[tilespmem:$0x18510] =	vst v63  }
0x98: {  	s5 =	simm.s32 @!p0 $0x11  }
0x99: {  	_ =	swait.ge @!p0 [sflag:s5], $0x2800  }
0x9a: {  	[sflag:s5] =	ssyncset.done @!p0 $0x0  }
0x9b: {  	[sflag:s5] =	ssyncadd.s32 @!p0 $0xFFFFD800;
	s5 =	simm.s32 $0x7840  }
0x9c: {  	[tilespmem:s5+$0xFFFFFFC0] =	vst v16  }
0x9d: {  	[tilespmem:s5+$0x30] =	vst v16  }
0x9e: {  	[tilespmem:s5+$0x20] =	vst v16  }
0x9f: {  	[tilespmem:s5+$0x10] =	vst v16  }
0xa0: {  	[tilespmem:s5+$0x0] =	vst v16  }
0xa1: {  	[tilespmem:s5+$0xFFFFFFF0] =	vst v16  }
0xa2: {  	s15 =	simm.s32 $0x0;
	[tilespmem:s5+$0xFFFFFFE0] =	vst v16  }
.LBB2_4:
0xa3: {  	s15 =	sadd.s32 $0x8, s15;
	[tilespmem:s5+$0xFFFFFFD0] =	vst v16;
	s5 =	sadd.s32 $0x80, s5  }
0xa4: {  	[tilespmem:s5+$0xFFFFFFC0] =	vst v16;
	p1 =	slt.u32 s15, $0x278  }
0xa5: {  	[tilespmem:s5+$0x30] =	vst v16  }
.Ltmp1:
0xa6: {  	[tilespmem:s5+$0x20] =	vst v16;
	(pc) =	sbr.rel @p1 .LBB2_4-.Ltmp1, $4  }
0xa7: {  	[tilespmem:s5+$0x10] =	vst v16  }
0xa8: {  	[tilespmem:s5+$0x0] =	vst v16  }
0xa9: {  	[tilespmem:s5+$0xFFFFFFF0] =	vst v16  }
0xaa: {  	[tilespmem:s5+$0xFFFFFFE0] =	vst v16  }
0xab: {  	[tilespmem:s5+$0xFFFFFFD0] =	vst v16;
	s30 =	rddreg [dreg:$0xf];
	s15 =	simm.s32 $0x7800;
	s17 =	simm.s32 $0x11  }
0xac: {  	[spmem:s30] =	stream.linear.scatter [tilespmem:s15], [sflag:$0x11], $0x2800, $0x38;
	[tilespmem:$0x18510] =	vst v63  }
0xad: {  	_ =	swait.ge [sflag:s17], $0x2800  }
0xae: {  	[sflag:s17] =	ssyncset.done $0x0  }
0xaf: {  	[sflag:s17] =	ssyncadd.s32 $0xFFFFD800  }
0xb0: {  	_ =	swait.ge [sflag:s1], $0x2800  }
0xb1: {  	[sflag:s1] =	ssyncset.done $0x0  }
0xb2: {  	[sflag:s1] =	ssyncadd.s32 $0xFFFFD800  }
0xb3: {  	_ =	swait.ge [sflag:s2], $0x2800  }
0xb4: {  	[sflag:s2] =	ssyncset.done $0x0  }
0xb5: {  	[sflag:s2] =	ssyncadd.s32 $0xFFFFD800  }
0xb6: {  	s15 =	simm.s32 $0x0;
	[bflag:$0x0] =	sbarrier.arrive $0xFFFF  }
0xb7: {  	[tilespmem:s20], [sflag:$0x1] =	stream.indirect.gather [spmem:s3], $0x10, s15, s19, $0xb8;
	[tilespmem:$0x18510] =	vst v63  }
0xb8: {  	_ = 	snop  }
0xb9: {  	[tilespmem:s21], [sflag:$0x2] =	stream.indirect.gather [spmem:s3], $0x10, s19, s19, $0xb8;
	[tilespmem:$0x18510] =	vst v63  }
0xba: {  	s17 =	simm.s32 $0x100  }
0xbb: {  	[tilespmem:s31], [sflag:$0x3] =	stream.indirect.gather [spmem:s3], $0x10, s17, s19, $0xb8;
	[tilespmem:$0x18510] =	vst v63  }
0xbc: {  	s15 =	simm.s32 $0x180  }
0xbd: {  	[tilespmem:s0], [sflag:$0x4] =	stream.indirect.gather [spmem:s3], $0x10, s15, s19, $0xb8;
	[tilespmem:$0x18510] =	vst v63  }
0xbe: {  	_ =	swait.ge [sflag:s23], $0x800  }
0xbf: {  	[sflag:s23] =	ssyncset.done $0x0  }
0xc0: {  	s17 =	simm.s32 $0x2800;
	[sflag:s23] =	ssyncadd.s32 $0xFFFFF800  }
0xc1: {  	[spmem:s4] =	stream.indirect.scatter.add.f32 [tilespmem:s20], [sflag:$0x9], $0x10, s17, s19, $0xb8;
	[tilespmem:$0x18510] =	vst v63  }
0xc2: {  	s15 =	simm.s32 $0x200  }
0xc3: {  	[tilespmem:s6], [sflag:$0x5] =	stream.indirect.gather [spmem:s3], $0x10, s15, s19, $0xb8;
	[tilespmem:$0x18510] =	vst v63  }
0xc4: {  	_ =	swait.ge [sflag:s24], $0x800  }
0xc5: {  	[sflag:s24] =	ssyncset.done $0x0  }
0xc6: {  	s17 =	simm.s32 $0x2880;
	[sflag:s24] =	ssyncadd.s32 $0xFFFFF800  }
0xc7: {  	[spmem:s4] =	stream.indirect.scatter.add.f32 [tilespmem:s21], [sflag:$0xA], $0x10, s17, s19, $0xb8;
	[tilespmem:$0x18510] =	vst v63  }
0xc8: {  	s15 =	simm.s32 $0x280  }
0xc9: {  	[tilespmem:s18], [sflag:$0x6] =	stream.indirect.gather [spmem:s3], $0x10, s15, s19, $0xb8;
	[tilespmem:$0x18510] =	vst v63  }
0xca: {  	_ =	swait.ge [sflag:s25], $0x800  }
0xcb: {  	[sflag:s25] =	ssyncset.done $0x0  }
0xcc: {  	s17 =	simm.s32 $0x2900;
	[sflag:s25] =	ssyncadd.s32 $0xFFFFF800  }
0xcd: {  	[spmem:s4] =	stream.indirect.scatter.add.f32 [tilespmem:s31], [sflag:$0xB], $0x10, s17, s19, $0xb8;
	[tilespmem:$0x18510] =	vst v63  }
0xce: {  	s15 =	simm.s32 $0x300  }
0xcf: {  	[tilespmem:s7], [sflag:$0x7] =	stream.indirect.gather [spmem:s3], $0x10, s15, s19, $0xb8;
	[tilespmem:$0x18510] =	vst v63  }
0xd0: {  	_ =	swait.ge [sflag:s26], $0x800  }
0xd1: {  	[sflag:s26] =	ssyncset.done $0x0  }
0xd2: {  	s17 =	simm.s32 $0x2980;
	[sflag:s26] =	ssyncadd.s32 $0xFFFFF800  }
0xd3: {  	[spmem:s4] =	stream.indirect.scatter.add.f32 [tilespmem:s0], [sflag:$0xC], $0x10, s17, s19, $0xb8;
	[tilespmem:$0x18510] =	vst v63  }
0xd4: {  	s15 =	simm.s32 $0x380  }
0xd5: {  	[tilespmem:s8], [sflag:$0x8] =	stream.indirect.gather [spmem:s3], $0x10, s15, s19, $0xb8;
	[tilespmem:$0x18510] =	vst v63  }
0xd6: {  	_ =	swait.ge [sflag:s28], $0x800  }
0xd7: {  	[sflag:s28] =	ssyncset.done $0x0  }
0xd8: {  	s17 =	simm.s32 $0x2A00;
	[sflag:s28] =	ssyncadd.s32 $0xFFFFF800  }
0xd9: {  	[spmem:s4] =	stream.indirect.scatter.add.f32 [tilespmem:s6], [sflag:$0xD], $0x10, s17, s19, $0xb8;
	[tilespmem:$0x18510] =	vst v63  }
0xda: {  	_ =	swait.ge [sflag:s9], $0x800  }
0xdb: {  	[sflag:s9] =	ssyncset.done $0x0  }
0xdc: {  	s15 =	simm.s32 $0x400;
	[sflag:s9] =	ssyncadd.s32 $0xFFFFF800  }
0xdd: {  	[tilespmem:s20], [sflag:$0x1] =	stream.indirect.gather [spmem:s3], $0x10, s15, s19, $0xb8;
	[tilespmem:$0x18510] =	vst v63  }
0xde: {  	_ =	swait.ge [sflag:s29], $0x800  }
0xdf: {  	[sflag:s29] =	ssyncset.done $0x0  }
0xe0: {  	s17 =	simm.s32 $0x2A80;
	[sflag:s29] =	ssyncadd.s32 $0xFFFFF800  }
0xe1: {  	[spmem:s4] =	stream.indirect.scatter.add.f32 [tilespmem:s18], [sflag:$0xE], $0x10, s17, s19, $0xb8;
	[tilespmem:$0x18510] =	vst v63  }
0xe2: {  	_ =	swait.ge [sflag:s10], $0x800  }
0xe3: {  	[sflag:s10] =	ssyncset.done $0x0  }
0xe4: {  	s15 =	simm.s32 $0x480;
	[sflag:s10] =	ssyncadd.s32 $0xFFFFF800  }
0xe5: {  	[tilespmem:s21], [sflag:$0x2] =	stream.indirect.gather [spmem:s3], $0x10, s15, s19, $0xb8;
	[tilespmem:$0x18510] =	vst v63  }
0xe6: {  	_ =	swait.ge [sflag:s1], $0x800  }
0xe7: {  	[sflag:s1] =	ssyncset.done $0x0  }
0xe8: {  	s17 =	simm.s32 $0x2B00;
	[sflag:s1] =	ssyncadd.s32 $0xFFFFF800  }
0xe9: {  	[spmem:s4] =	stream.indirect.scatter.add.f32 [tilespmem:s7], [sflag:$0xF], $0x10, s17, s19, $0xb8;
	[tilespmem:$0x18510] =	vst v63  }
0xea: {  	_ =	swait.ge [sflag:s22], $0x800  }
0xeb: {  	[sflag:s22] =	ssyncset.done $0x0  }
0xec: {  	s15 =	simm.s32 $0x500;
	[sflag:s22] =	ssyncadd.s32 $0xFFFFF800  }
0xed: {  	[tilespmem:s31], [sflag:$0x3] =	stream.indirect.gather [spmem:s3], $0x10, s15, s19, $0xb8;
	[tilespmem:$0x18510] =	vst v63  }
0xee: {  	_ =	swait.ge [sflag:s2], $0x800  }
0xef: {  	[sflag:s2] =	ssyncset.done $0x0  }
0xf0: {  	s17 =	simm.s32 $0x2B80;
	[sflag:s2] =	ssyncadd.s32 $0xFFFFF800  }
0xf1: {  	[spmem:s4] =	stream.indirect.scatter.add.f32 [tilespmem:s8], [sflag:$0x10], $0x10, s17, s19, $0xb8;
	[tilespmem:$0x18510] =	vst v63  }
0xf2: {  	_ =	swait.ge [sflag:s11], $0x800  }
0xf3: {  	[sflag:s11] =	ssyncset.done $0x0  }
0xf4: {  	s15 =	simm.s32 $0x580;
	[sflag:s11] =	ssyncadd.s32 $0xFFFFF800  }
0xf5: {  	[tilespmem:s0], [sflag:$0x4] =	stream.indirect.gather [spmem:s3], $0x10, s15, s19, $0xb8;
	[tilespmem:$0x18510] =	vst v63  }
0xf6: {  	_ =	swait.ge [sflag:s23], $0x800  }
0xf7: {  	[sflag:s23] =	ssyncset.done $0x0  }
0xf8: {  	s17 =	simm.s32 $0x2C00;
	[sflag:s23] =	ssyncadd.s32 $0xFFFFF800  }
0xf9: {  	[spmem:s4] =	stream.indirect.scatter.add.f32 [tilespmem:s20], [sflag:$0x9], $0x10, s17, s19, $0xb8;
	[tilespmem:$0x18510] =	vst v63  }
0xfa: {  	_ =	swait.ge [sflag:s12], $0x800  }
0xfb: {  	[sflag:s12] =	ssyncset.done $0x0  }
0xfc: {  	s15 =	simm.s32 $0x600;
	[sflag:s12] =	ssyncadd.s32 $0xFFFFF800  }
0xfd: {  	[tilespmem:s6], [sflag:$0x5] =	stream.indirect.gather [spmem:s3], $0x10, s15, s19, $0xb8;
	[tilespmem:$0x18510] =	vst v63  }
0xfe: {  	_ =	swait.ge [sflag:s24], $0x800  }
0xff: {  	[sflag:s24] =	ssyncset.done $0x0  }
0x100: {  	s17 =	simm.s32 $0x2C80;
	[sflag:s24] =	ssyncadd.s32 $0xFFFFF800  }
0x101: {  	[spmem:s4] =	stream.indirect.scatter.add.f32 [tilespmem:s21], [sflag:$0xA], $0x10, s17, s19, $0xb8;
	[tilespmem:$0x18510] =	vst v63  }
0x102: {  	_ =	swait.ge [sflag:s13], $0x800  }
0x103: {  	[sflag:s13] =	ssyncset.done $0x0  }
0x104: {  	s15 =	simm.s32 $0x680;
	[sflag:s13] =	ssyncadd.s32 $0xFFFFF800  }
0x105: {  	[tilespmem:s18], [sflag:$0x6] =	stream.indirect.gather [spmem:s3], $0x10, s15, s19, $0xb8;
	[tilespmem:$0x18510] =	vst v63  }
0x106: {  	_ =	swait.ge [sflag:s25], $0x800  }
0x107: {  	[sflag:s25] =	ssyncset.done $0x0  }
0x108: {  	s17 =	simm.s32 $0x2D00;
	[sflag:s25] =	ssyncadd.s32 $0xFFFFF800  }
0x109: {  	[spmem:s4] =	stream.indirect.scatter.add.f32 [tilespmem:s31], [sflag:$0xB], $0x10, s17, s19, $0xb8;
	[tilespmem:$0x18510] =	vst v63  }
0x10a: {  	_ =	swait.ge [sflag:s14], $0x800  }
0x10b: {  	[sflag:s14] =	ssyncset.done $0x0  }
0x10c: {  	s15 =	simm.s32 $0x700;
	[sflag:s14] =	ssyncadd.s32 $0xFFFFF800  }
0x10d: {  	[tilespmem:s7], [sflag:$0x7] =	stream.indirect.gather [spmem:s3], $0x10, s15, s19, $0xb8;
	[tilespmem:$0x18510] =	vst v63  }
0x10e: {  	_ =	swait.ge [sflag:s26], $0x800  }
0x10f: {  	[sflag:s26] =	ssyncset.done $0x0  }
0x110: {  	s17 =	simm.s32 $0x2D80;
	[sflag:s26] =	ssyncadd.s32 $0xFFFFF800  }
0x111: {  	[spmem:s4] =	stream.indirect.scatter.add.f32 [tilespmem:s0], [sflag:$0xC], $0x10, s17, s19, $0xb8;
	[tilespmem:$0x18510] =	vst v63  }
0x112: {  	_ =	swait.ge [sflag:s16], $0x800  }
0x113: {  	[sflag:s16] =	ssyncset.done $0x0  }
0x114: {  	s5 =	simm.s32 $0x1000;
	s15 =	simm.s32 $0x780;
	[sflag:s16] =	ssyncadd.s32 $0xFFFFF800  }
.LBB2_6:
0x115: {  	[tilespmem:s8], [sflag:$0x8] =	stream.indirect.gather [spmem:s3], $0x10, s15, s19, $0xb8;
	[tilespmem:$0x18510] =	vst v63  }
0x116: {  	s15 =	smov.u32 s5  }
0x117: {  	p1 =	sne.s32 s5, $0x8000;
	s5 =	sadd.s32 $0x1000, s5;
	_ =	swait.ge [sflag:s28], $0x800  }
0x118: {  	s15 =	sshra.s32 s15, $0x2;
	[sflag:s28] =	ssyncset.done $0x0  }
0x119: {  	s17 =	sadd.s32 $0x2A00, s15;
	[sflag:s28] =	ssyncadd.s32 $0xFFFFF800  }
0x11a: {  	[spmem:s4] =	stream.indirect.scatter.add.f32 [tilespmem:s6], [sflag:$0xD], $0x10, s17, s19, $0xb8;
	[tilespmem:$0x18510] =	vst v63  }
0x11b: {  	_ =	swait.ge [sflag:s9], $0x800  }
0x11c: {  	[sflag:s9] =	ssyncset.done $0x0  }
0x11d: {  	s17 =	sadd.s32 $0x400, s15;
	[sflag:s9] =	ssyncadd.s32 $0xFFFFF800  }
0x11e: {  	[tilespmem:s20], [sflag:$0x1] =	stream.indirect.gather [spmem:s3], $0x10, s17, s19, $0xb8;
	[tilespmem:$0x18510] =	vst v63  }
0x11f: {  	_ =	swait.ge [sflag:s29], $0x800  }
0x120: {  	[sflag:s29] =	ssyncset.done $0x0  }
0x121: {  	s17 =	sadd.s32 $0x2A80, s15;
	[sflag:s29] =	ssyncadd.s32 $0xFFFFF800  }
0x122: {  	[spmem:s4] =	stream.indirect.scatter.add.f32 [tilespmem:s18], [sflag:$0xE], $0x10, s17, s19, $0xb8;
	[tilespmem:$0x18510] =	vst v63  }
0x123: {  	_ =	swait.ge [sflag:s10], $0x800  }
0x124: {  	[sflag:s10] =	ssyncset.done $0x0  }
0x125: {  	s17 =	sadd.s32 $0x480, s15;
	[sflag:s10] =	ssyncadd.s32 $0xFFFFF800  }
0x126: {  	[tilespmem:s21], [sflag:$0x2] =	stream.indirect.gather [spmem:s3], $0x10, s17, s19, $0xb8;
	[tilespmem:$0x18510] =	vst v63  }
0x127: {  	_ =	swait.ge [sflag:s1], $0x800  }
0x128: {  	[sflag:s1] =	ssyncset.done $0x0  }
0x129: {  	s17 =	sadd.s32 $0x2B00, s15;
	[sflag:s1] =	ssyncadd.s32 $0xFFFFF800  }
0x12a: {  	[spmem:s4] =	stream.indirect.scatter.add.f32 [tilespmem:s7], [sflag:$0xF], $0x10, s17, s19, $0xb8;
	[tilespmem:$0x18510] =	vst v63  }
0x12b: {  	_ =	swait.ge [sflag:s22], $0x800  }
0x12c: {  	[sflag:s22] =	ssyncset.done $0x0  }
0x12d: {  	s17 =	sadd.s32 $0x500, s15;
	[sflag:s22] =	ssyncadd.s32 $0xFFFFF800  }
0x12e: {  	[tilespmem:s31], [sflag:$0x3] =	stream.indirect.gather [spmem:s3], $0x10, s17, s19, $0xb8;
	[tilespmem:$0x18510] =	vst v63  }
0x12f: {  	_ =	swait.ge [sflag:s2], $0x800  }
0x130: {  	[sflag:s2] =	ssyncset.done $0x0  }
0x131: {  	s17 =	sadd.s32 $0x2B80, s15;
	[sflag:s2] =	ssyncadd.s32 $0xFFFFF800  }
0x132: {  	[spmem:s4] =	stream.indirect.scatter.add.f32 [tilespmem:s8], [sflag:$0x10], $0x10, s17, s19, $0xb8;
	[tilespmem:$0x18510] =	vst v63  }
0x133: {  	_ =	swait.ge [sflag:s11], $0x800  }
0x134: {  	[sflag:s11] =	ssyncset.done $0x0  }
0x135: {  	s17 =	sadd.s32 $0x580, s15;
	[sflag:s11] =	ssyncadd.s32 $0xFFFFF800  }
0x136: {  	[tilespmem:s0], [sflag:$0x4] =	stream.indirect.gather [spmem:s3], $0x10, s17, s19, $0xb8;
	[tilespmem:$0x18510] =	vst v63  }
0x137: {  	_ =	swait.ge [sflag:s23], $0x800  }
0x138: {  	[sflag:s23] =	ssyncset.done $0x0  }
0x139: {  	s17 =	sadd.s32 $0x2C00, s15;
	[sflag:s23] =	ssyncadd.s32 $0xFFFFF800  }
0x13a: {  	[spmem:s4] =	stream.indirect.scatter.add.f32 [tilespmem:s20], [sflag:$0x9], $0x10, s17, s19, $0xb8;
	[tilespmem:$0x18510] =	vst v63  }
0x13b: {  	_ =	swait.ge [sflag:s12], $0x800  }
0x13c: {  	[sflag:s12] =	ssyncset.done $0x0  }
0x13d: {  	s17 =	sadd.s32 $0x600, s15;
	[sflag:s12] =	ssyncadd.s32 $0xFFFFF800  }
0x13e: {  	[tilespmem:s6], [sflag:$0x5] =	stream.indirect.gather [spmem:s3], $0x10, s17, s19, $0xb8;
	[tilespmem:$0x18510] =	vst v63  }
0x13f: {  	_ =	swait.ge [sflag:s24], $0x800  }
0x140: {  	[sflag:s24] =	ssyncset.done $0x0  }
0x141: {  	s17 =	sadd.s32 $0x2C80, s15;
	[sflag:s24] =	ssyncadd.s32 $0xFFFFF800  }
0x142: {  	[spmem:s4] =	stream.indirect.scatter.add.f32 [tilespmem:s21], [sflag:$0xA], $0x10, s17, s19, $0xb8;
	[tilespmem:$0x18510] =	vst v63  }
0x143: {  	_ =	swait.ge [sflag:s13], $0x800  }
0x144: {  	[sflag:s13] =	ssyncset.done $0x0  }
0x145: {  	s17 =	sadd.s32 $0x680, s15;
	[sflag:s13] =	ssyncadd.s32 $0xFFFFF800  }
0x146: {  	[tilespmem:s18], [sflag:$0x6] =	stream.indirect.gather [spmem:s3], $0x10, s17, s19, $0xb8;
	[tilespmem:$0x18510] =	vst v63  }
0x147: {  	_ =	swait.ge [sflag:s25], $0x800  }
0x148: {  	[sflag:s25] =	ssyncset.done $0x0  }
0x149: {  	s17 =	sadd.s32 $0x2D00, s15;
	[sflag:s25] =	ssyncadd.s32 $0xFFFFF800  }
0x14a: {  	[spmem:s4] =	stream.indirect.scatter.add.f32 [tilespmem:s31], [sflag:$0xB], $0x10, s17, s19, $0xb8;
	[tilespmem:$0x18510] =	vst v63  }
0x14b: {  	_ =	swait.ge [sflag:s14], $0x800  }
0x14c: {  	[sflag:s14] =	ssyncset.done $0x0  }
0x14d: {  	s17 =	sadd.s32 $0x700, s15;
	[sflag:s14] =	ssyncadd.s32 $0xFFFFF800  }
0x14e: {  	[tilespmem:s7], [sflag:$0x7] =	stream.indirect.gather [spmem:s3], $0x10, s17, s19, $0xb8;
	[tilespmem:$0x18510] =	vst v63  }
0x14f: {  	_ =	swait.ge [sflag:s26], $0x800  }
0x150: {  	[sflag:s26] =	ssyncset.done $0x0  }
.Ltmp2:
0x151: {  	s17 =	sadd.s32 $0x2D80, s15;
	[sflag:s26] =	ssyncadd.s32 $0xFFFFF800;
	(pc) =	sbr.rel @p1 .LBB2_6-.Ltmp2, $4  }
0x152: {  	[spmem:s4] =	stream.indirect.scatter.add.f32 [tilespmem:s0], [sflag:$0xC], $0x10, s17, s19, $0xb8;
	[tilespmem:$0x18510] =	vst v63  }
0x153: {  	_ =	swait.ge [sflag:s16], $0x800  }
0x154: {  	[sflag:s16] =	ssyncset.done $0x0  }
0x155: {  	s15 =	sadd.s32 $0x780, s15;
	[sflag:s16] =	ssyncadd.s32 $0xFFFFF800  }
0x156: {  	[tilespmem:s8], [sflag:$0x8] =	stream.indirect.gather [spmem:s3], $0x10, s15, s19, $0xb8;
	[tilespmem:$0x18510] =	vst v63  }
0x157: {  	_ =	swait.ge [sflag:s28], $0x800  }
0x158: {  	[sflag:s28] =	ssyncset.done $0x0  }
0x159: {  	s5 =	simm.s32 $0x4E00;
	[sflag:s28] =	ssyncadd.s32 $0xFFFFF800  }
0x15a: {  	[spmem:s4] =	stream.indirect.scatter.add.f32 [tilespmem:s6], [sflag:$0xD], $0x10, s5, s19, $0xb8;
	[tilespmem:$0x18510] =	vst v63  }
0x15b: {  	_ =	swait.ge [sflag:s29], $0x800  }
0x15c: {  	[sflag:s29] =	ssyncset.done $0x0  }
0x15d: {  	s15 =	simm.s32 $0x4E80;
	[sflag:s29] =	ssyncadd.s32 $0xFFFFF800  }
0x15e: {  	[spmem:s4] =	stream.indirect.scatter.add.f32 [tilespmem:s18], [sflag:$0xE], $0x10, s15, s19, $0xb8;
	[tilespmem:$0x18510] =	vst v63  }
0x15f: {  	_ =	swait.ge [sflag:s1], $0x800  }
0x160: {  	[sflag:s1] =	ssyncset.done $0x0  }
0x161: {  	s17 =	simm.s32 $0x4F00;
	[sflag:s1] =	ssyncadd.s32 $0xFFFFF800  }
0x162: {  	[spmem:s4] =	stream.indirect.scatter.add.f32 [tilespmem:s7], [sflag:$0xF], $0x10, s17, s19, $0xb8;
	[tilespmem:$0x18510] =	vst v63  }
0x163: {  	_ =	swait.ge [sflag:s2], $0x800  }
0x164: {  	[sflag:s2] =	ssyncset.done $0x0  }
0x165: {  	s15 =	simm.s32 $0x4F80;
	[sflag:s2] =	ssyncadd.s32 $0xFFFFF800  }
0x166: {  	[spmem:s4] =	stream.indirect.scatter.add.f32 [tilespmem:s8], [sflag:$0x10], $0x10, s15, s19, $0xb8;
	[tilespmem:$0x18510] =	vst v63  }
0x167: {  	_ =	swait.ge [sflag:s9], $0x800  }
0x168: {  	[sflag:s9] =	ssyncset.done $0x0  }
0x169: {  	[sflag:s9] =	ssyncadd.s32 $0xFFFFF800  }
0x16a: {  	_ =	swait.ge [sflag:s10], $0x800  }
0x16b: {  	[sflag:s10] =	ssyncset.done $0x0  }
0x16c: {  	[sflag:s10] =	ssyncadd.s32 $0xFFFFF800  }
0x16d: {  	_ =	swait.ge [sflag:s22], $0x800  }
0x16e: {  	[sflag:s22] =	ssyncset.done $0x0  }
0x16f: {  	[sflag:s22] =	ssyncadd.s32 $0xFFFFF800  }
0x170: {  	_ =	swait.ge [sflag:s11], $0x800  }
0x171: {  	[sflag:s11] =	ssyncset.done $0x0  }
0x172: {  	[sflag:s11] =	ssyncadd.s32 $0xFFFFF800  }
0x173: {  	_ =	swait.ge [sflag:s12], $0x800  }
0x174: {  	[sflag:s12] =	ssyncset.done $0x0  }
0x175: {  	[sflag:s12] =	ssyncadd.s32 $0xFFFFF800  }
0x176: {  	_ =	swait.ge [sflag:s13], $0x800  }
0x177: {  	[sflag:s13] =	ssyncset.done $0x0  }
0x178: {  	[sflag:s13] =	ssyncadd.s32 $0xFFFFF800  }
0x179: {  	_ =	swait.ge [sflag:s14], $0x800  }
0x17a: {  	[sflag:s14] =	ssyncset.done $0x0  }
0x17b: {  	[sflag:s14] =	ssyncadd.s32 $0xFFFFF800  }
0x17c: {  	_ =	swait.ge [sflag:s16], $0x800  }
0x17d: {  	[sflag:s16] =	ssyncset.done $0x0  }
0x17e: {  	s17 =	stileid.u32;
	[sflag:s16] =	ssyncadd.s32 $0xFFFFF800  }
0x17f: {  	s30 =	sshrl.u32 s30, $0x3;
	s5 =	sshll.u32 s17, $0x6;
	[bflag:$0x0] =	sbarrier.arrive $0xFFFF  }
0x180: {  	s5 =	sor.u32 $0x1C11, s5;
	s15 =	simm.s32 $0x11;
	s17 =	rddreg [dreg:$0x10]  }
0x181: {  	[hbm:s17], [sflag:s5] =	dma.local [spmem:s30], $0x500  }
0x182: {  	_ =	swait.ge [sflag:s15], $0x500  }
0x183: {  	s5 =	rddreg [dreg:$0x12]  }
0x184: {  	s30 =	rddreg [dreg:$0x11];
	s17 =	sadd.s32 $0x1, s5  }
0x185: {  	p1 =	sne.s32 s17, s30  }
.Ltmp3:
0x186: {  	_ = 	snop;
	(pc) =	sbr.rel @p1 .LBB2_1-.Ltmp3, $3  }
0x187: {  	_ =	sdelay $0x1  }
0x188: {  	[sflag:s15] =	ssyncset.done $0x0  }
0x189: {  	[sflag:s15] =	ssyncadd.s32 $0xFFFFFB00  }
0x18a: {  	_ =	sfence.sel $0x180000  }
0x18b: {  	[bflag:$0x0] =	sbarrier.arrive $0xFFFF  }
0x18c: {  	_ =	strace $0x9000004D  }
0x18d: {  	s0 =	stileid.u32;
	[bflag:$0x2] =	sbarrier.arrive $0xFFFF  }
0x18e: {  	p0 =	sne.s32 s0, $0x0;
	s0 =	rddreg [dreg:$0x5]  }
0x18f: {  	s0 =	sadd.s32 @!p0 $0x100000, s0  }
0x190: {  	[sflag:s0] =	ssyncadd.tile.s32 @!p0 $0x1;
	_ =	shalt  }
.Lfunc_end2:
_tile_overlayer_lowered:
.L_overlay_start_2:
0x191: {  	(tag) =	ssettag $0x2  }
0x192: {  	s0 =	rddreg [dreg:$0x0];
	s2 =	stileid.u32  }
0x193: {  	s1 =	rddreg [dreg:$0x1];
	p0 =	sne.s32 s2, $0x0  }
0x194: {  	s3 =	rddreg [dreg:$0x2];
	[bflag:$0x3] =	sbarrier.arrive $0xFFFF;
	s2 =	simm.s32 @!p0 $0x1C11  }
0x195: {  	[timem:s3], [sflag:s2] =	dma.local @!p0 [hbm:s0], s1  }
0x196: {  	s0 =	simm.s32 @!p0 $0x11  }
0x197: {  	_ =	swait.ge @!p0 [sflag:s0], s1  }
0x198: {  	s1 =	ssub.s32 @!p0 $0x0, s1;
	[sflag:s0] =	ssyncset.done @!p0 $0x0  }
0x199: {  	[sflag:s0] =	ssyncadd.s32 @!p0 s1  }
0x19a: {  	[bflag:$0x3] =	sbarrier.arrive $0xFFFF  }
0x19b: {  	_ =	shalt  }

// kernel: kernel.7.cloned.1.call-start
scs
__scs_entry_jumppad:
0x0: {  	(pc) =	sbr.rel $0x88, $3  }
0x1: {  	(tag) =	ssettag $0x0;
	lr =	simm.s32 $0x1  }
0x2: {  	[smem:$0x3F9B] =	sst lr;
	_ =	strace $0xD0000000  }
0x3: {  	_ = 	snop  }
0x4: {  	_ = 	snop  }
0x5: {  	_ = 	snop  }
0x6: {  	_ = 	snop  }
0x7: {  	_ = 	snop  }
__scs_overlays_trampoline_lowered:
0x8: {  	[smem:$0x3FAA] =	sst s0  }
0x9: {  	[smem:$0x3FAB] =	sst s1  }
0xa: {  	[smem:$0x3FAC] =	sst s2  }
0xb: {  	[smem:$0x3FAD] =	sst s3  }
0xc: {  	[smem:$0x3FAE] =	sst s4  }
0xd: {  	[smem:$0x3FAF] =	sst s5  }
0xe: {  	[smem:$0x3FB0] =	sst s6  }
0xf: {  	[smem:$0x3FB1] =	sst s7  }
0x10: {  	[smem:$0x3FB2] =	sst s8  }
0x11: {  	[smem:$0x3FB3] =	sst s9;
	s0 =	simm.s32 @!p0 $0x0  }
0x12: {  	s1 =	sld [smem:$0x3F99];
	s0 =	simm.s32 @p0 $0x1  }
0x13: {  	[smem:$0x3FB4] =	sst s0;
	s0 =	simm.s32 @!p1 $0x0  }
0x14: {  	s2 =	sld [smem:$0x3F98];
	s0 =	simm.s32 @p1 $0x1  }
0x15: {  	[smem:$0x3FB5] =	sst s0;
	s0 =	simm.s32 @!p2 $0x0  }
0x16: {  	s3 =	sld [smem:$0x3FDB];
	s0 =	simm.s32 @p2 $0x1  }
0x17: {  	s4 =	simm.s32 $0x1BF5;
	[smem:$0x3FB7] =	sst s0  }
0x18: {  	s0 =	sld [smem:$0x3F9A];
	_ =	swait.ge [sflag:s4], $0x0  }
0x19: {  	s7 =	sld [smem:$0x3F9B]  }
0x1a: {  	s8 =	sadd.s32 $0xFFFFE003, lr  }
0x1b: {  	s9 =	sadd.s32 $0xFFFFFEF7, lr;
	s5 =	simm.s32 $0xFFFFFFFF;
	p2 =	slt.u32 s8, $0xFFFFF086  }
0x1c: {  	p1 =	slt.u32 s9, $0xF7A;
	s5 =	simm.s32 @!p2 $0x0  }
0x1d: {  	s5 =	simm.s32 @p1 $0x1;
	p0 =	seq.s32 s7, s2  }
0x1e: {  	s7 =	smul.u32 @!p0 $0xF7A, s2;
	p2 =	seq.s32 @!p0 s5, $0x0  }
0x1f: {  	s9 =	smul.u32 $0xF7A, s1;
	s8 =	simm.s32 @!p0 $0x1BF5;
	p2 =	por !p2, p0  }
0x20: {  	[sflag:s8] =	ssyncset.s32 @!p0 $0xFFFFF086;
	s6 =	sadd.s32 @!p0 s3, s7;
	s7 =	simm.s32 @!p0 $0x108  }
0x21: {  	s3 =	sadd.s32 s3, s9;
	s6 =	sadd.s32 @!p0 $0x88, s6;
	s7 =	simm.s32 @p2 $0x1082  }
0x22: {  	[simem:s7], [sflag:s8] =	dma.local @!p0 [hbm:s6], $0xF7A  }
0x23: {  	s9 =	sor.u32 $0xD0000000, s2;
	s6 =	simm.s32 $0x108;
	_ =	swait.ge @!p0 [sflag:s8], $0x0  }
0x24: {  	s3 =	sadd.s32 $0x88, s3;
	s6 =	simm.s32 @!p1 $0x1082;
	[sflag:s4] =	ssyncset.s32 $0xFFFFF086  }
0x25: {  	[simem:s6], [sflag:s4] =	dma.local [hbm:s3], $0xF7A  }
0x26: {  	[smem:$0x3F9B] =	sst s1;
	(tag) =	ssettag s2;
	_ =	strace s9  }
0x27: {  	s1 =	sld [smem:$0x3FAB]  }
0x28: {  	s2 =	sld [smem:$0x3FAC]  }
0x29: {  	s4 =	sld [smem:$0x3FAE]  }
0x2a: {  	p0 =	seq.s32 s5, $0x0;
	s5 =	sld [smem:$0x3FAF]  }
0x2b: {  	s6 =	sld [smem:$0x3FB0]  }
0x2c: {  	s7 =	sld [smem:$0x3FB1]  }
0x2d: {  	s3 =	simm.s32 $0x108;
	s8 =	sld [smem:$0x3FB2]  }
0x2e: {  	s3 =	simm.s32 @!p0 $0x1082;
	s9 =	sld [smem:$0x3FB3]  }
0x2f: {  	lr =	sadd.s32 s0, s3;
	s0 =	sld [smem:$0x3FAA]  }
0x30: {  	s3 =	sld [smem:$0x3FAD]  }
0x31: {  	[smem:$0x3FB6] =	sst s10  }
0x32: {  	s10 =	sld [smem:$0x3FB4];
	_ =	sdelay $0x3  }
0x33: {  	p0 =	seq.s32 s10, $0x1;
	s10 =	sld [smem:$0x3FB6];
	_ =	sdelay $0x3  }
0x34: {  	[smem:$0x3FB6] =	sst s10  }
0x35: {  	s10 =	sld [smem:$0x3FB5];
	_ =	sdelay $0x3  }
0x36: {  	p1 =	seq.s32 s10, $0x1;
	s10 =	sld [smem:$0x3FB6];
	_ =	sdelay $0x3  }
0x37: {  	[smem:$0x3FB6] =	sst s10  }
0x38: {  	s10 =	sld [smem:$0x3FB7]  }
0x39: {  	_ = 	snop;
	(pc) =	sbr.ind lr, $3  }
0x3a: {  	_ = 	snop  }
0x3b: {  	_ = 	snop  }
0x3c: {  	p2 =	seq.s32 s10, $0x1;
	s10 =	sld [smem:$0x3FB6]  }
0x3d: {  	_ =	shalt  }
0x3e: {  	_ =	shalt  }
0x3f: {  	_ =	shalt  }
0x40: {  	_ =	shalt  }
0x41: {  	_ =	shalt  }
0x42: {  	_ =	shalt  }
0x43: {  	_ =	shalt  }
0x44: {  	_ =	shalt  }
0x45: {  	_ =	shalt  }
0x46: {  	_ =	shalt  }
0x47: {  	_ =	shalt  }
0x48: {  	_ =	shalt  }
0x49: {  	_ =	shalt  }
0x4a: {  	_ =	shalt  }
0x4b: {  	_ =	shalt  }
0x4c: {  	_ =	shalt  }
0x4d: {  	_ =	shalt  }
0x4e: {  	_ =	shalt  }
0x4f: {  	_ =	shalt  }
0x50: {  	_ =	shalt  }
0x51: {  	_ =	shalt  }
0x52: {  	_ =	shalt  }
0x53: {  	_ =	shalt  }
0x54: {  	_ =	shalt  }
0x55: {  	_ =	shalt  }
0x56: {  	_ =	shalt  }
0x57: {  	_ =	shalt  }
0x58: {  	_ =	shalt  }
0x59: {  	_ =	shalt  }
0x5a: {  	_ =	shalt  }
0x5b: {  	_ =	shalt  }
0x5c: {  	_ =	shalt  }
0x5d: {  	_ =	shalt  }
0x5e: {  	_ =	shalt  }
0x5f: {  	_ =	shalt  }
0x60: {  	_ =	shalt  }
0x61: {  	_ =	shalt  }
0x62: {  	_ =	shalt  }
0x63: {  	_ =	shalt  }
0x64: {  	_ =	shalt  }
0x65: {  	_ =	shalt  }
0x66: {  	_ =	shalt  }
0x67: {  	_ =	shalt  }
0x68: {  	_ =	shalt  }
0x69: {  	_ =	shalt  }
0x6a: {  	_ =	shalt  }
0x6b: {  	_ =	shalt  }
0x6c: {  	_ =	shalt  }
0x6d: {  	_ =	shalt  }
0x6e: {  	_ =	shalt  }
0x6f: {  	_ =	shalt  }
0x70: {  	_ =	shalt  }
0x71: {  	_ =	shalt  }
0x72: {  	_ =	shalt  }
0x73: {  	_ =	shalt  }
0x74: {  	_ =	shalt  }
0x75: {  	_ =	shalt  }
0x76: {  	_ =	shalt  }
0x77: {  	_ =	shalt  }
0x78: {  	_ =	shalt  }
0x79: {  	_ =	shalt  }
0x7a: {  	_ =	shalt  }
0x7b: {  	_ =	shalt  }
0x7c: {  	_ =	shalt  }
0x7d: {  	_ =	shalt  }
0x7e: {  	_ =	shalt  }
0x7f: {  	_ =	shalt  }
0x80: {  	_ =	shalt  }
0x81: {  	_ =	shalt  }
0x82: {  	_ =	shalt  }
0x83: {  	_ =	shalt  }
0x84: {  	_ =	shalt  }
0x85: {  	_ =	shalt  }
0x86: {  	_ =	shalt  }
0x87: {  	_ =	shalt  }
.Lfunc_end0:
.L_simem_size_0:
called_computation_lowered:
.L_overlay_start_0:
0x88: {  	s2 =	sld [smem:$0x3FD9]  }
0x89: {  	s3 =	sld [smem:$0x3FFE];
	_ =	sdelay $0x1  }
0x8a: {  	s1 =	srdreg.scid  }
0x8b: {  	s0 =	sand.u32 $0x1, s1  }
0x8c: {  	s16 =	sshll.u32 s0, $0xA;
	s2 =	sadd.s32 s3, s2  }
0x8d: {  	s2 =	sadd.s32 s2, s16  }
0x8e: {  	[smem:$0x3FC2] =	sst s2  }
0x8f: {  	_ = 	snop  }
0x90: {  	(tm) =	ssettm $0x1  }
0x91: {  	s17 =	sld [smem:$0x3FFB];
	_ =	sdelay $0x3  }
0x92: {  	_ =	strace s17  }
0x93: {  	s2 =	sld [smem:$0x3FFC];
	_ =	sdelay $0x3  }
0x94: {  	_ =	strace s2  }
0x95: {  	s2 =	sld [smem:$0x3FFD];
	_ =	sdelay $0x3  }
0x96: {  	_ =	strace s2  }
0x97: {  	_ =	strace $0x8FFFFFFF  }
0x98: {  	s18 =	sld [smem:$0x3FDB];
	_ =	sdelay $0x1  }
0x99: {  	s19 =	simm.s32 $_scs_section_size  }
0x9a: {  	s4 =	simm.s32 $_size__tile_overlayer_lowered;
	s5 =	simm.s32 $_tile_overlayer_lowered  }
0x9b: {  	s22 =	simm.s32 $0x1BFF;
	s21 =	sshll.u32 s5, $0x1;
	s2 =	sadd.s32 s19, s18  }
0x9c: {  	s6 =	simm.s32 $0x0;
	s20 =	sshll.u32 s4, $0x1;
	s4 =	sadd.s32 s21, s2  }
0x9d: {  	[timem:s6], [sflag:s22] =	dma.local [hbm:s4], s20  }
0x9e: {  	_ =	swait.ge [sflag:s22], s20  }
0x9f: {  	s3 =	ssub.s32 $0x0, s20;
	[sflag:s22] =	ssyncset.done $0x0  }
0xa0: {  	[sflag:s22] =	ssyncadd.s32 s3;
	_ =	sdelay $0x1  }
0xa1: {  	s23 =	simm.s32 $0x1B8B  }
0xa2: {  	_ =	swait.ge [sflag:s23], $0x1  }
0xa3: {  	[sflag:s23] =	ssyncset.done $0x0  }
0xa4: {  	s25 =	simm.s32 $0x1B8E;
	s24 =	sld [smem:$0x3FFE];
	[sflag:s23] =	ssyncadd.s32 $0xFFFFFFFF  }
0xa5: {  	s26 =	simm.s32 $execute0_lowered;
	[smem:$0x3FD2] =	sst s25  }
0xa6: {  	s4 =	sshll.u32 s26, $0x1;
	_ =	strace $0x80000046;
	[dreg:$0x1] =	wrdreg $0xFFFFFFFF  }
0xa7: {  	s28 =	simm.s32 $_size_execute0_lowered;
	s2 =	sadd.s32 s2, s4;
	[dreg:$0x0] =	wrdreg $0x0  }
0xa8: {  	s4 =	sshll.u32 s28, $0x1;
	[dreg:$0x2] =	wrdreg s2  }
0xa9: {  	[dreg:$0x3] =	wrdreg s4  }
0xaa: {  	[dreg:$0x4] =	wrdreg $0xC0  }
0xab: {  	_ =	task [dreg:s6], $0x5FFFF  }
0xac: {  	[dreg:$0x1] =	wrdreg $0xFFFFFFFF  }
0xad: {  	[dreg:$0x0] =	wrdreg $0x60  }
0xae: {  	[dreg:$0x2] =	wrdreg s24  }
0xaf: {  	[dreg:$0x3] =	wrdreg $0x2B000  }
0xb0: {  	[dreg:$0x4] =	wrdreg $0x9  }
0xb1: {  	_ =	task.clear_ibuf [dreg:s6], $0x5FFFF;
	_ =	strace $0x90000046  }
0xb2: {  	s29 =	simm.s32 $0x9;
	_ =	strace $0x80000048  }
0xb3: {  	_ =	swait.ge [sflag:s29], $0x1  }
0xb4: {  	[sflag:s29] =	ssyncadd.s32 $0xFFFFFFFF  }
0xb5: {  	_ =	strace $0x90000048  }
0xb6: {  	_ =	sfence  }
0xb7: {  	s30 =	sld [smem:$0x0];
	_ =	sdelay $0x2  }
0xb8: {  	s31 =	sshll.u32 s1, $0xD;
	s1 =	sshrl.u32 s1, $0x2  }
0xb9: {  	s3 =	sand.u32 $0x4000, s31;
	s1 =	sadd.s32 s1, s30  }
0xba: {  	s0 =	sor.u32 s3, s0;
	s1 =	sshll.u32 s1, $0x11  }
0xbb: {  	s0 =	sor.u32 s1, s0  }
0xbc: {  	s0 =	sadd.s32 $0x8F2B, s0  }
0xbd: {  	[sflag:s0] =	ssyncadd.remote.s32 $0x1  }
0xbe: {  	_ =	sfence.sel $0xFFFF  }
0xbf: {  	[dreg:$0x0] =	wrdreg $0xFFFFFFFF;
	(pc) =	sbr.abs _section_cstart, $3  }
0xc0: {  	[dreg:$0x1] =	wrdreg $0xFFFFFFFF  }
0xc1: {  	_ =	task.clear_ibuf [dreg:s6], $0x2FFFF;
	_ =	strace $0x9FFFFFFF  }
0xc2: {  	(tm) =	ssettm $0x7FFFFFFF  }
0xc3: {  	_ =	shalt  }
tec
execute0_lowered:
.L_overlay_start_1:
0x0: {  	(tag) =	ssettag $0x1  }
0x1: {  	s4 =	rddreg [dreg:$0x0]  }
0x2: {  	s2 =	rddreg [dreg:$0x1]  }
0x3: {  	s0 =	rddreg [dreg:$0x2];
	s3 =	srdreg.scid  }
0x4: {  	s1 =	stileid.u32;
	s10 =	simm.s32 $0x80;
	s11 =	simm.s32 $0x2800  }
0x5: {  	s12 =	simm.s32 $0x100;
	s13 =	simm.s32 $0x180;
	s14 =	simm.s32 $0x200  }
0x6: {  	s15 =	simm.s32 $0x280;
	s16 =	simm.s32 $0x300;
	s17 =	simm.s32 $0x380  }
0x7: {  	s18 =	simm.s32 $0x1;
	s19 =	simm.s32 $0x2;
	s20 =	simm.s32 $0x3  }
0x8: {  	s21 =	simm.s32 $0x4;
	s22 =	simm.s32 $0x5;
	s23 =	simm.s32 $0x6  }
0x9: {  	s24 =	simm.s32 $0x7;
	s26 =	simm.s32 $0x8;
	s28 =	simm.s32 $0x0  }
0xa: {  	s5 =	sand.u32 $0x1, s3;
	s6 =	sshll.u32 s1, $0x1;
	s7 =	smul.u32 $0x280, s1  }
0xb: {  	s3 =	simm.s32 $0x0;
	s25 =	sshll.u32 s1, $0x6;
	s8 =	smul.u32 $0x2800, s5  }
0xc: {  	s6 =	sor.u32 s5, s6;
	[smem:$0x7FF] =	sst s3;
	s5 =	ssub.s32 $0x2, s5  }
0xd: {  	s25 =	sor.u32 $0x1C09, s25;
	s6 =	smul.u32 $0x500, s6;
	s8 =	sadd.s32 s7, s8  }
0xe: {  	_ =	strace $0x80000047;
	s9 =	sshrl.u32 s5, $0x1;
	s8 =	sshrl.u32 s8, $0x3  }
0xf: {  	s9 =	ssub.s32 s5, s9;
	s6 =	sadd.s32 s6, s4;
	s8 =	sadd.s32 s8, s4  }
0x10: {  	s4 =	sadd.s32 s7, s2;
	s5 =	sadd.s32 $0x1A00, s6;
	s7 =	smax.u32 s9, $0x1  }
0x11: {  	v0 =	vimm.f32 $1.000000000e+00;
	v1 =	vimm.f32 $0.0e+00;
	s9 =	simm.s32 $0x9;
	s6 =	sadd.s32 $0xBA00, s8;
	s8 =	simm.s32 $0x2880  }
.LBB2_1:
0x12: {  	[tilespmem:$0x2800] =	vst v0  }
0x13: {  	[tilespmem:$0x2810] =	vst v0  }
0x14: {  	[tilespmem:$0x2820] =	vst v0  }
0x15: {  	[tilespmem:$0x2830] =	vst v0  }
0x16: {  	[tilespmem:$0x2840] =	vst v0  }
0x17: {  	[tilespmem:$0x2850] =	vst v0  }
0x18: {  	[tilespmem:$0x2860] =	vst v0  }
0x19: {  	[tilespmem:$0x2870] =	vst v0  }
0x1a: {  	[tilespmem:$0x2880] =	vst v1  }
0x1b: {  	[tilespmem:$0x2890] =	vst v1  }
0x1c: {  	[tilespmem:$0x28A0] =	vst v1  }
0x1d: {  	[tilespmem:$0x28B0] =	vst v1  }
0x1e: {  	[tilespmem:$0x28C0] =	vst v1  }
0x1f: {  	[tilespmem:$0x28D0] =	vst v1  }
0x20: {  	[tilespmem:$0x28E0] =	vst v1  }
0x21: {  	[tilespmem:$0x28F0] =	vst v1  }
0x22: {  	[tilespmem:$0x2900] =	vst v1  }
0x23: {  	[tilespmem:$0x2910] =	vst v1  }
0x24: {  	[tilespmem:$0x2920] =	vst v1  }
0x25: {  	[tilespmem:$0x2930] =	vst v1  }
0x26: {  	[tilespmem:$0x2940] =	vst v1  }
0x27: {  	[tilespmem:$0x2950] =	vst v1  }
0x28: {  	[tilespmem:$0x2960] =	vst v1  }
0x29: {  	[tilespmem:$0x2970] =	vst v1  }
0x2a: {  	[tilespmem:$0x2980] =	vst v1  }
0x2b: {  	[tilespmem:$0x2990] =	vst v1  }
0x2c: {  	[tilespmem:$0x29A0] =	vst v1  }
0x2d: {  	[tilespmem:$0x29B0] =	vst v1  }
0x2e: {  	[tilespmem:$0x29C0] =	vst v1  }
0x2f: {  	[tilespmem:$0x29D0] =	vst v1  }
0x30: {  	[tilespmem:$0x29E0] =	vst v1  }
0x31: {  	[tilespmem:$0x29F0] =	vst v1  }
0x32: {  	[tilespmem:$0x2A00] =	vst v1  }
0x33: {  	[tilespmem:$0x2A10] =	vst v1  }
0x34: {  	[tilespmem:$0x2A20] =	vst v1  }
0x35: {  	[tilespmem:$0x2A30] =	vst v1  }
0x36: {  	[tilespmem:$0x2A40] =	vst v1  }
0x37: {  	[tilespmem:$0x2A50] =	vst v1  }
0x38: {  	[tilespmem:$0x2A60] =	vst v1  }
0x39: {  	[tilespmem:$0x2A70] =	vst v1  }
0x3a: {  	[tilespmem:$0x2A80] =	vst v1  }
0x3b: {  	[tilespmem:$0x2A90] =	vst v1  }
0x3c: {  	[tilespmem:$0x2AA0] =	vst v1  }
0x3d: {  	[tilespmem:$0x2AB0] =	vst v1  }
0x3e: {  	[tilespmem:$0x2AC0] =	vst v1  }
0x3f: {  	[tilespmem:$0x2AD0] =	vst v1  }
0x40: {  	[tilespmem:$0x2AE0] =	vst v1  }
0x41: {  	[tilespmem:$0x2AF0] =	vst v1  }
0x42: {  	[spmem:s4] =	stream.linear.scatter [tilespmem:s8], [sflag:$0x9], $0x280, $0x38;
	[tilespmem:$0x2D80] =	vst v63  }
0x43: {  	_ =	swait.ge [sflag:s9], $0x280  }
0x44: {  	[sflag:s9] =	ssyncset.done $0x0  }
0x45: {  	[sflag:s9] =	ssyncadd.s32 $0xFFFFFD80  }
0x46: {  	[tilespmem:s3], [sflag:$0x9] =	stream.linear.gather [hbm4b:s5+s3], $0x2800, $0x38;
	[tilespmem:$0x2D80] =	vst v63  }
0x47: {  	_ =	swait.ge [sflag:s9], $0x2800  }
0x48: {  	[sflag:s9] =	ssyncset.done $0x0  }
0x49: {  	[sflag:s9] =	ssyncadd.s32 $0xFFFFD800  }
0x4a: {  	[bflag:$0x0] =	sbarrier.arrive $0xFFFF  }
0x4b: {  	[spmem:s2] =	stream.indirect.scatter.add.f32 [tilespmem:s11], [sflag:$0x1], $0x1, s3, s10, $0xb8;
	[tilespmem:$0x2D80] =	vst v63  }
0x4c: {  	_ = 	snop  }
0x4d: {  	[spmem:s2] =	stream.indirect.scatter.add.f32 [tilespmem:s11], [sflag:$0x2], $0x1, s10, s10, $0xb8;
	[tilespmem:$0x2D80] =	vst v63  }
0x4e: {  	_ = 	snop  }
0x4f: {  	[spmem:s2] =	stream.indirect.scatter.add.f32 [tilespmem:s11], [sflag:$0x3], $0x1, s12, s10, $0xb8;
	[tilespmem:$0x2D80] =	vst v63  }
0x50: {  	_ = 	snop  }
0x51: {  	[spmem:s2] =	stream.indirect.scatter.add.f32 [tilespmem:s11], [sflag:$0x4], $0x1, s13, s10, $0xb8;
	[tilespmem:$0x2D80] =	vst v63  }
0x52: {  	_ = 	snop  }
0x53: {  	[spmem:s2] =	stream.indirect.scatter.add.f32 [tilespmem:s11], [sflag:$0x5], $0x1, s14, s10, $0xb8;
	[tilespmem:$0x2D80] =	vst v63  }
0x54: {  	_ = 	snop  }
0x55: {  	[spmem:s2] =	stream.indirect.scatter.add.f32 [tilespmem:s11], [sflag:$0x6], $0x1, s15, s10, $0xb8;
	[tilespmem:$0x2D80] =	vst v63  }
0x56: {  	_ = 	snop  }
0x57: {  	[spmem:s2] =	stream.indirect.scatter.add.f32 [tilespmem:s11], [sflag:$0x7], $0x1, s16, s10, $0xb8;
	[tilespmem:$0x2D80] =	vst v63  }
0x58: {  	_ = 	snop  }
0x59: {  	[spmem:s2] =	stream.indirect.scatter.add.f32 [tilespmem:s11], [sflag:$0x8], $0x1, s17, s10, $0xb8;
	[tilespmem:$0x2D80] =	vst v63  }
0x5a: {  	_ =	swait.ge [sflag:s18], $0x80  }
0x5b: {  	[sflag:s18] =	ssyncset.done $0x0  }
0x5c: {  	s29 =	simm.s32 $0x400;
	[sflag:s18] =	ssyncadd.s32 $0xFFFFFF80  }
0x5d: {  	[spmem:s2] =	stream.indirect.scatter.add.f32 [tilespmem:s11], [sflag:$0x1], $0x1, s29, s10, $0xb8;
	[tilespmem:$0x2D80] =	vst v63  }
0x5e: {  	_ =	swait.ge [sflag:s19], $0x80  }
0x5f: {  	[sflag:s19] =	ssyncset.done $0x0  }
0x60: {  	s29 =	simm.s32 $0x480;
	[sflag:s19] =	ssyncadd.s32 $0xFFFFFF80  }
0x61: {  	[spmem:s2] =	stream.indirect.scatter.add.f32 [tilespmem:s11], [sflag:$0x2], $0x1, s29, s10, $0xb8;
	[tilespmem:$0x2D80] =	vst v63  }
0x62: {  	_ =	swait.ge [sflag:s20], $0x80  }
0x63: {  	[sflag:s20] =	ssyncset.done $0x0  }
0x64: {  	s29 =	simm.s32 $0x500;
	[sflag:s20] =	ssyncadd.s32 $0xFFFFFF80  }
0x65: {  	[spmem:s2] =	stream.indirect.scatter.add.f32 [tilespmem:s11], [sflag:$0x3], $0x1, s29, s10, $0xb8;
	[tilespmem:$0x2D80] =	vst v63  }
0x66: {  	_ =	swait.ge [sflag:s21], $0x80  }
0x67: {  	[sflag:s21] =	ssyncset.done $0x0  }
0x68: {  	s29 =	simm.s32 $0x580;
	[sflag:s21] =	ssyncadd.s32 $0xFFFFFF80  }
0x69: {  	[spmem:s2] =	stream.indirect.scatter.add.f32 [tilespmem:s11], [sflag:$0x4], $0x1, s29, s10, $0xb8;
	[tilespmem:$0x2D80] =	vst v63  }
0x6a: {  	_ =	swait.ge [sflag:s22], $0x80  }
0x6b: {  	[sflag:s22] =	ssyncset.done $0x0  }
0x6c: {  	s29 =	simm.s32 $0x600;
	[sflag:s22] =	ssyncadd.s32 $0xFFFFFF80  }
0x6d: {  	[spmem:s2] =	stream.indirect.scatter.add.f32 [tilespmem:s11], [sflag:$0x5], $0x1, s29, s10, $0xb8;
	[tilespmem:$0x2D80] =	vst v63  }
0x6e: {  	_ =	swait.ge [sflag:s23], $0x80  }
0x6f: {  	[sflag:s23] =	ssyncset.done $0x0  }
0x70: {  	s29 =	simm.s32 $0x680;
	[sflag:s23] =	ssyncadd.s32 $0xFFFFFF80  }
0x71: {  	[spmem:s2] =	stream.indirect.scatter.add.f32 [tilespmem:s11], [sflag:$0x6], $0x1, s29, s10, $0xb8;
	[tilespmem:$0x2D80] =	vst v63  }
0x72: {  	_ =	swait.ge [sflag:s24], $0x80  }
0x73: {  	[sflag:s24] =	ssyncset.done $0x0  }
0x74: {  	s29 =	simm.s32 $0x700;
	[sflag:s24] =	ssyncadd.s32 $0xFFFFFF80  }
0x75: {  	[spmem:s2] =	stream.indirect.scatter.add.f32 [tilespmem:s11], [sflag:$0x7], $0x1, s29, s10, $0xb8;
	[tilespmem:$0x2D80] =	vst v63  }
0x76: {  	_ =	swait.ge [sflag:s26], $0x80  }
0x77: {  	[sflag:s26] =	ssyncset.done $0x0  }
0x78: {  	s30 =	simm.s32 $0x780;
	s29 =	simm.s32 $0x1000;
	[sflag:s26] =	ssyncadd.s32 $0xFFFFFF80  }
.LBB2_2:
0x79: {  	[spmem:s2] =	stream.indirect.scatter.add.f32 [tilespmem:s11], [sflag:$0x8], $0x1, s30, s10, $0xb8;
	[tilespmem:$0x2D80] =	vst v63  }
0x7a: {  	s30 =	smov.u32 s29  }
0x7b: {  	p0 =	sne.s32 s29, $0x8000;
	s29 =	sadd.s32 $0x1000, s29;
	_ =	swait.ge [sflag:s18], $0x80  }
0x7c: {  	s30 =	sshra.s32 s30, $0x2;
	[sflag:s18] =	ssyncset.done $0x0  }
0x7d: {  	s31 =	sadd.s32 $0x400, s30;
	[sflag:s18] =	ssyncadd.s32 $0xFFFFFF80  }
0x7e: {  	[spmem:s2] =	stream.indirect.scatter.add.f32 [tilespmem:s11], [sflag:$0x1], $0x1, s31, s10, $0xb8;
	[tilespmem:$0x2D80] =	vst v63  }
0x7f: {  	_ =	swait.ge [sflag:s19], $0x80  }
0x80: {  	[sflag:s19] =	ssyncset.done $0x0  }
0x81: {  	s31 =	sadd.s32 $0x480, s30;
	[sflag:s19] =	ssyncadd.s32 $0xFFFFFF80  }
0x82: {  	[spmem:s2] =	stream.indirect.scatter.add.f32 [tilespmem:s11], [sflag:$0x2], $0x1, s31, s10, $0xb8;
	[tilespmem:$0x2D80] =	vst v63  }
0x83: {  	_ =	swait.ge [sflag:s20], $0x80  }
0x84: {  	[sflag:s20] =	ssyncset.done $0x0  }
0x85: {  	s31 =	sadd.s32 $0x500, s30;
	[sflag:s20] =	ssyncadd.s32 $0xFFFFFF80  }
0x86: {  	[spmem:s2] =	stream.indirect.scatter.add.f32 [tilespmem:s11], [sflag:$0x3], $0x1, s31, s10, $0xb8;
	[tilespmem:$0x2D80] =	vst v63  }
0x87: {  	_ =	swait.ge [sflag:s21], $0x80  }
0x88: {  	[sflag:s21] =	ssyncset.done $0x0  }
0x89: {  	s31 =	sadd.s32 $0x580, s30;
	[sflag:s21] =	ssyncadd.s32 $0xFFFFFF80  }
0x8a: {  	[spmem:s2] =	stream.indirect.scatter.add.f32 [tilespmem:s11], [sflag:$0x4], $0x1, s31, s10, $0xb8;
	[tilespmem:$0x2D80] =	vst v63  }
0x8b: {  	_ =	swait.ge [sflag:s22], $0x80  }
0x8c: {  	[sflag:s22] =	ssyncset.done $0x0  }
0x8d: {  	s31 =	sadd.s32 $0x600, s30;
	[sflag:s22] =	ssyncadd.s32 $0xFFFFFF80  }
0x8e: {  	[spmem:s2] =	stream.indirect.scatter.add.f32 [tilespmem:s11], [sflag:$0x5], $0x1, s31, s10, $0xb8;
	[tilespmem:$0x2D80] =	vst v63  }
0x8f: {  	_ =	swait.ge [sflag:s23], $0x80  }
0x90: {  	[sflag:s23] =	ssyncset.done $0x0  }
0x91: {  	s31 =	sadd.s32 $0x680, s30;
	[sflag:s23] =	ssyncadd.s32 $0xFFFFFF80  }
0x92: {  	[spmem:s2] =	stream.indirect.scatter.add.f32 [tilespmem:s11], [sflag:$0x6], $0x1, s31, s10, $0xb8;
	[tilespmem:$0x2D80] =	vst v63  }
0x93: {  	_ =	swait.ge [sflag:s24], $0x80  }
0x94: {  	[sflag:s24] =	ssyncset.done $0x0  }
.Ltmp0:
0x95: {  	s31 =	sadd.s32 $0x700, s30;
	[sflag:s24] =	ssyncadd.s32 $0xFFFFFF80;
	(pc) =	sbr.rel @p0 .LBB2_2-.Ltmp0, $4  }
0x96: {  	[spmem:s2] =	stream.indirect.scatter.add.f32 [tilespmem:s11], [sflag:$0x7], $0x1, s31, s10, $0xb8;
	[tilespmem:$0x2D80] =	vst v63  }
0x97: {  	_ =	swait.ge [sflag:s26], $0x80  }
0x98: {  	[sflag:s26] =	ssyncset.done $0x0  }
0x99: {  	s30 =	sadd.s32 $0x780, s30;
	[sflag:s26] =	ssyncadd.s32 $0xFFFFFF80  }
0x9a: {  	[spmem:s2] =	stream.indirect.scatter.add.f32 [tilespmem:s11], [sflag:$0x8], $0x1, s30, s10, $0xb8;
	[tilespmem:$0x2D80] =	vst v63  }
0x9b: {  	_ =	swait.ge [sflag:s18], $0x80  }
0x9c: {  	[sflag:s18] =	ssyncset.done $0x0  }
0x9d: {  	[sflag:s18] =	ssyncadd.s32 $0xFFFFFF80  }
0x9e: {  	_ =	swait.ge [sflag:s19], $0x80  }
0x9f: {  	[sflag:s19] =	ssyncset.done $0x0  }
0xa0: {  	[sflag:s19] =	ssyncadd.s32 $0xFFFFFF80  }
0xa1: {  	_ =	swait.ge [sflag:s20], $0x80  }
0xa2: {  	[sflag:s20] =	ssyncset.done $0x0  }
0xa3: {  	[sflag:s20] =	ssyncadd.s32 $0xFFFFFF80  }
0xa4: {  	_ =	swait.ge [sflag:s21], $0x80  }
0xa5: {  	[sflag:s21] =	ssyncset.done $0x0  }
0xa6: {  	[sflag:s21] =	ssyncadd.s32 $0xFFFFFF80  }
0xa7: {  	_ =	swait.ge [sflag:s22], $0x80  }
0xa8: {  	[sflag:s22] =	ssyncset.done $0x0  }
0xa9: {  	[sflag:s22] =	ssyncadd.s32 $0xFFFFFF80  }
0xaa: {  	_ =	swait.ge [sflag:s23], $0x80  }
0xab: {  	[sflag:s23] =	ssyncset.done $0x0  }
0xac: {  	[sflag:s23] =	ssyncadd.s32 $0xFFFFFF80  }
0xad: {  	_ =	swait.ge [sflag:s24], $0x80  }
0xae: {  	[sflag:s24] =	ssyncset.done $0x0  }
0xaf: {  	[sflag:s24] =	ssyncadd.s32 $0xFFFFFF80  }
0xb0: {  	_ =	swait.ge [sflag:s26], $0x80  }
0xb1: {  	s28 =	sadd.s32 $0x1, s28;
	[sflag:s26] =	ssyncset.done $0x0  }
0xb2: {  	p0 =	sne.s32 s28, s7;
	[sflag:s26] =	ssyncadd.s32 $0xFFFFFF80  }
.Ltmp1:
0xb3: {  	s29 =	sshrl.u32 s4, $0x3;
	[bflag:$0x0] =	sbarrier.arrive $0xFFFF;
	(pc) =	sbr.rel @p0 .LBB2_1-.Ltmp1, $4  }
0xb4: {  	[hbm:s6], [sflag:s25] =	dma.local [spmem:s29], $0x50  }
0xb5: {  	_ =	swait.ge [sflag:s9], $0x50  }
0xb6: {  	[sflag:s9] =	ssyncset.done $0x0  }
0xb7: {  	[sflag:s9] =	ssyncadd.s32 $0xFFFFFFB0  }
0xb8: {  	_ =	sfence.sel $0x180000  }
0xb9: {  	[bflag:$0x0] =	sbarrier.arrive $0xFFFF  }
0xba: {  	p0 =	sne.s32 s1, $0x0;
	_ =	strace $0x90000047  }
0xbb: {  	s0 =	sadd.s32 @!p0 $0x100000, s0;
	[bflag:$0x2] =	sbarrier.arrive $0xFFFF  }
0xbc: {  	[sflag:s0] =	ssyncadd.tile.s32 @!p0 $0x1;
	_ =	shalt  }
.Lfunc_end2:
_tile_overlayer_lowered:
.L_overlay_start_2:
0xbd: {  	(tag) =	ssettag $0x2  }
0xbe: {  	s0 =	rddreg [dreg:$0x0];
	s2 =	stileid.u32  }
0xbf: {  	s1 =	rddreg [dreg:$0x1];
	p0 =	sne.s32 s2, $0x0  }
0xc0: {  	s3 =	rddreg [dreg:$0x2];
	[bflag:$0x3] =	sbarrier.arrive $0xFFFF;
	s2 =	simm.s32 @!p0 $0x1C09  }
0xc1: {  	[timem:s3], [sflag:s2] =	dma.local @!p0 [hbm:s0], s1  }
0xc2: {  	s0 =	simm.s32 @!p0 $0x9  }
0xc3: {  	_ =	swait.ge @!p0 [sflag:s0], s1  }
0xc4: {  	s1 =	ssub.s32 @!p0 $0x0, s1;
	[sflag:s0] =	ssyncset.done @!p0 $0x0  }
0xc5: {  	[sflag:s0] =	ssyncadd.s32 @!p0 s1  }
0xc6: {  	[bflag:$0x3] =	sbarrier.arrive $0xFFFF  }
0xc7: {  	_ =	shalt  }

</sc_bundles>
